<compile_context>
chip_gen: v7x
topology: tpu7x:2x2x1
jax: 0.10.2.dev20260603
libtpu: 0.0.44.dev20260713+nightly
codegen_flags: <defaults>
</compile_context>

<pallas_src>
import jax
import jax.numpy as jnp
from jax import lax
from jax.experimental import pallas as pl
from jax.experimental.pallas import tpu as pltpu
from jax.experimental.pallas import tpu_sc as plsc

N_NODES = 10000
N_EDGES = 320000
D_IN = 128
D_HID = 256
D_OUT = 40
D_OUT_PAD = 48

NC = 2
NS = 16
NW = NC * NS

R = 10240
RPT = R // NS
EB = 128
EP = 327680
K = EP // (NW * EB)
EROWS = EP // EB

BN = 1024
NG = (N_NODES + BN - 1) // BN


def _sc_aggregate(tables, srcs, dsti, zrows, width, with_deg, nbuf,
                  zdeg=None, erow=None):
    npass = len(tables)
    assert len(srcs) == npass
    mesh = plsc.VectorSubcoreMesh(
        core_axis_name="c", subcore_axis_name="s", num_cores=NC, num_subcores=NS
    )
    out_type = [jax.ShapeDtypeStruct((NC * R, 128), jnp.float32)]
    scratch = [pltpu.VMEM((K, EB), jnp.int32) for _ in range(npass)]
    scratch += [
        pltpu.VMEM((K, EB), jnp.int32),
        pltpu.VMEM((nbuf, EB, width), jnp.float32),
        pltpu.VMEM_SHARED((R, width), jnp.float32),
    ]
    scratch += [pltpu.SemaphoreType.DMA] * (2 * nbuf)
    if with_deg:
        out_type.append(jax.ShapeDtypeStruct((NC * R, 16), jnp.float32))
        scratch += [
            pltpu.VMEM((EB, 16), jnp.float32),
            pltpu.VMEM_SHARED((R, 16), jnp.float32),
        ]

    def body(*refs):
        table_h = refs[:npass]
        src_h = refs[npass:2 * npass]
        if with_deg:
            (dst_h, z_h, zd_h, erow_h, agg_o, deg_o, *refs2) = refs[2 * npass:]
            src_v = refs2[:npass]
            (dst_v, rows_v, acc, *rest) = refs2[npass:]
            gsem = rest[:nbuf]
            ssem = rest[nbuf:2 * nbuf]
            erow_v, dacc = rest[2 * nbuf:]
        else:
            (dst_h, z_h, agg_o, *refs2) = refs[2 * npass:]
            src_v = refs2[:npass]
            (dst_v, rows_v, acc, *rest) = refs2[npass:]
            gsem = rest[:nbuf]
            ssem = rest[nbuf:2 * nbuf]
        c = lax.axis_index("c")
        s = lax.axis_index("s")
        w = s * NC + c
        r0 = s * RPT
        for p in range(npass):
            pltpu.sync_copy(src_h[p].at[pl.ds(w * K, K)], src_v[p])
        pltpu.sync_copy(dst_h.at[pl.ds(w * K, K)], dst_v)
        if with_deg:
            pltpu.sync_copy(zd_h, dacc.at[pl.ds(r0, RPT)])
            pltpu.sync_copy(erow_h, erow_v)

        for p in range(npass):
            deg_pass = with_deg and p == 0
            pltpu.sync_copy(z_h, acc.at[pl.ds(r0, RPT)])
            plsc.subcore_barrier()

            def gather(j, b, p=p):
                return pltpu.async_copy(table_h[p].at[src_v[p].at[j]],
                                        rows_v.at[b], gsem[b])

            for b in range(nbuf):
                gather(b, b)

            def step(t, carry, p=p, deg_pass=deg_pass, gather=gather):
                j0 = t * nbuf
                scat = []
                for b in range(nbuf):
                    j = j0 + b
                    pltpu.make_async_copy(table_h[p].at[src_v[p].at[j]],
                                          rows_v.at[b], gsem[b]).wait()
                    scat.append(pltpu.async_copy(
                        rows_v.at[b], acc.at[dst_v.at[j]], ssem[b], add=True))
                    if deg_pass:
                        scat.append(pltpu.async_copy(
                            erow_v, dacc.at[dst_v.at[j]], ssem[b], add=True))
                for b in range(nbuf):
                    j = j0 + nbuf + b

                    @pl.when(j < K)
                    def _():
                        nb = 2 if deg_pass else 1
                        for d in scat[b * nb:(b + 1) * nb]:
                            d.wait()
                        gather(j, b)

                return carry

            lax.fori_loop(0, K // nbuf, step, 0)
            for b in range(nbuf):
                j = K - nbuf + b
                pltpu.make_async_copy(rows_v.at[b], acc.at[dst_v.at[j]],
                                      ssem[b]).wait()
                if deg_pass:
                    pltpu.make_async_copy(erow_v, dacc.at[dst_v.at[j]],
                                          ssem[b]).wait()
            plsc.subcore_barrier()
            pltpu.sync_copy(
                acc.at[pl.ds(r0, RPT)],
                agg_o.at[pl.ds(c * R + r0, RPT), pl.ds(p * width, width)])
        if with_deg:
            pltpu.sync_copy(dacc.at[pl.ds(r0, RPT)],
                            deg_o.at[pl.ds(c * R + r0, RPT)])

    args = list(tables) + list(srcs) + [dsti, zrows]
    if with_deg:
        args += [zdeg, erow]
    run = pl.kernel(
        body,
        out_type=out_type,
        mesh=mesh,
        scratch_types=scratch,
        compiler_params=pltpu.CompilerParams(use_tc_tiling_on_sc=False),
    )
    return run(*args)


def _tc_edge_prep(edge_index):
    ER = N_EDGES // EB

    def body(e_r, s_o, d_o, sa_o, sb_o):
        e = e_r[...]
        e0 = e[0].reshape(ER, EB)
        e1 = e[1].reshape(ER, EB)
        r = (lax.broadcasted_iota(jnp.int32, (EROWS - ER, EB), 0) * EB
             + lax.broadcasted_iota(jnp.int32, (EROWS - ER, EB), 1))
        s = jnp.concatenate([e0, r % N_NODES], axis=0)
        s_o[...] = s
        d_o[...] = jnp.concatenate([e1, N_NODES + r % (R - N_NODES)], axis=0)
        sa_o[...] = 2 * s
        sb_o[...] = 2 * s + 1

    return pl.pallas_call(
        body,
        grid=(1,),
        in_specs=[pl.BlockSpec((2, N_EDGES), lambda g: (0, 0))],
        out_specs=[pl.BlockSpec((EROWS, EB), lambda g: (0, 0))] * 4,
        out_shape=[jax.ShapeDtypeStruct((EROWS, EB), jnp.int32)] * 4,
    )(edge_index)


def _apply_rdeg(a, d0, d1):
    d = (d0 + d1).reshape(BN // 8, 8, 16)
    rdeg = 1.0 / jnp.maximum(d[:, :, 0:1], 1.0)
    w = a.shape[-1]
    return (a.reshape(BN // 8, 8, w) * rdeg).reshape(BN, w)


def _tc_layer1(aggp, degp, x, w1l, w1r, b1, w2l, w2r, b2):

    def body(a0_r, a1_r, d0_r, d1_r, x_r, wl_r, wr_r, b1_r, w2l_r, w2r_r,
             b2_r, p2_o, hr_o):
        m = _apply_rdeg(a0_r[...] + a1_r[...], d0_r[...], d1_r[...])
        h = jnp.dot(m, wl_r[...], preferred_element_type=jnp.float32)
        h += jnp.dot(x_r[...], wr_r[...], preferred_element_type=jnp.float32)
        h = jnp.maximum(h + b1_r[...], 0.0)
        p2_o[...] = jnp.dot(h, w2l_r[...], preferred_element_type=jnp.float32)
        hr_o[...] = jnp.dot(h, w2r_r[...],
                            preferred_element_type=jnp.float32) + b2_r[...]

    GB = R // BN
    DB = BN // 8
    return pl.pallas_call(
        body,
        grid=(NG,),
        in_specs=[
            pl.BlockSpec((BN, D_IN), lambda g: (g, 0)),
            pl.BlockSpec((BN, D_IN), lambda g: (GB + g, 0)),
            pl.BlockSpec((DB, 128), lambda g: (g, 0)),
            pl.BlockSpec((DB, 128), lambda g: (GB + g, 0)),
            pl.BlockSpec((BN, D_IN), lambda g: (g, 0)),
            pl.BlockSpec((D_IN, D_HID), lambda g: (0, 0)),
            pl.BlockSpec((D_IN, D_HID), lambda g: (0, 0)),
            pl.BlockSpec((1, D_HID), lambda g: (0, 0)),
            pl.BlockSpec((D_HID, D_OUT_PAD), lambda g: (0, 0)),
            pl.BlockSpec((D_HID, D_OUT_PAD), lambda g: (0, 0)),
            pl.BlockSpec((1, D_OUT_PAD), lambda g: (0, 0)),
        ],
        out_specs=[
            pl.BlockSpec((BN, D_OUT_PAD), lambda g: (g, 0)),
            pl.BlockSpec((BN, D_OUT_PAD), lambda g: (g, 0)),
        ],
        out_shape=[
            jax.ShapeDtypeStruct((N_NODES, D_OUT_PAD), jnp.float32),
            jax.ShapeDtypeStruct((N_NODES, D_OUT_PAD), jnp.float32),
        ],
    )(aggp, aggp, degp, degp, x, w1l, w1r, b1, w2l, w2r, b2)


def _tc_layer2(agg2p, degp, hr):

    def body(a0_r, a1_r, d0_r, d1_r, hr_r, out_o):
        a = a0_r[...][:, 0:D_OUT_PAD] + a1_r[...][:, 0:D_OUT_PAD]
        z = _apply_rdeg(a, d0_r[...], d1_r[...]) + hr_r[...]
        col = lax.broadcasted_iota(jnp.int32, (BN, D_OUT_PAD), 1)
        z = jnp.where(col < D_OUT, z, -1e30)
        m = jnp.max(z, axis=-1, keepdims=True)
        e = jnp.exp(z - m)
        lse = jnp.log(jnp.sum(e, axis=-1, keepdims=True))
        out_o[...] = (z - m - lse)[:, 0:D_OUT].T

    GB = R // BN
    DB = BN // 8
    return pl.pallas_call(
        body,
        grid=(NG,),
        in_specs=[
            pl.BlockSpec((BN, 128), lambda g: (g, 0)),
            pl.BlockSpec((BN, 128), lambda g: (GB + g, 0)),
            pl.BlockSpec((DB, 128), lambda g: (g, 0)),
            pl.BlockSpec((DB, 128), lambda g: (GB + g, 0)),
            pl.BlockSpec((BN, D_OUT_PAD), lambda g: (g, 0)),
        ],
        out_specs=pl.BlockSpec((D_OUT, BN), lambda g: (0, g)),
        out_shape=jax.ShapeDtypeStruct((D_OUT, N_NODES), jnp.float32),
    )(agg2p, agg2p, degp, degp, hr)


def kernel(x, edge_index, W1_l, W1_r, b1, W2_l, W2_r, b2):
    s2, d2, s2a, s2b = _tc_edge_prep(edge_index.astype(jnp.int32))

    w2l = jnp.pad(W2_l, ((0, 0), (0, D_OUT_PAD - D_OUT)))
    w2r = jnp.pad(W2_r, ((0, 0), (0, D_OUT_PAD - D_OUT)))
    b1r = b1.reshape(1, D_HID)
    b2r = jnp.pad(b2, (0, D_OUT_PAD - D_OUT)).reshape(1, D_OUT_PAD)

    HW = D_IN // 2
    zx = jnp.zeros((RPT, HW), jnp.float32)
    zd = jnp.zeros((RPT, 16), jnp.float32)
    z2 = jnp.zeros((RPT, D_OUT_PAD), jnp.float32)
    erow = jnp.zeros((EB, 16), jnp.float32).at[:, 0].set(1.0)

    x2 = x.reshape(2 * N_NODES, HW)
    aggp, degflat = _sc_aggregate(
        [x2, x2], [s2a, s2b], d2, zx, HW, True, 5, zdeg=zd, erow=erow)
    degp = degflat.reshape(NC * R // 8, 128)

    p2, hr = _tc_layer1(aggp, degp, x, W1_l, W1_r, b1r, w2l, w2r, b2r)

    (agg2p,) = _sc_aggregate([p2], [s2], d2, z2, D_OUT_PAD, False, 10)

    return _tc_layer2(agg2p, degp, hr).T

# --- scband reference (transcript-rebuilt; emitter-appended) ---
"""Pipeline reference for scband-graph-sage-15015205667253 (READ-ONLY COPY).

The authoritative reference and input builder live on the scoring server;
editing this copy changes nothing except your own understanding.
"""

import jax, jax.numpy as jnp
import numpy as np

N_NODES = 10000
N_EDGES = 320000
D_IN = 128
D_HID = 256
D_OUT = 40

def setup_inputs(seed: int = 0) -> dict:
    key = jax.random.key(seed)
    ks = jax.random.split(key, 9)
    x = jax.random.normal(ks[0], (N_NODES, D_IN), dtype=jnp.float32)
    edge_index = jax.random.randint(ks[1], (2, N_EDGES), 0, N_NODES, dtype=jnp.int64)
    # SAGEConv params (PyG convention): lin_l applied to aggregated neighbors, lin_r to root
    s1 = 1.0 / np.sqrt(D_IN)
    W1_l = jax.random.uniform(ks[2], (D_IN, D_HID), dtype=jnp.float32, minval=-s1, maxval=s1)
    W1_r = jax.random.uniform(ks[3], (D_IN, D_HID), dtype=jnp.float32, minval=-s1, maxval=s1)
    b1 = jnp.zeros((D_HID,), dtype=jnp.float32)
    s2 = 1.0 / np.sqrt(D_HID)
    W2_l = jax.random.uniform(ks[4], (D_HID, D_OUT), dtype=jnp.float32, minval=-s2, maxval=s2)
    W2_r = jax.random.uniform(ks[5], (D_HID, D_OUT), dtype=jnp.float32, minval=-s2, maxval=s2)
    b2 = jnp.zeros((D_OUT,), dtype=jnp.float32)
    return {"x": x, "edge_index": edge_index, "W1_l": W1_l, "W1_r": W1_r, "b1": b1, "W2_l": W2_l, "W2_r": W2_r, "b2": b2}

def _sage_conv(x, edge_index, W_l, W_r, b):
    src = edge_index[0]
    dst = edge_index[1]
    msgs = jnp.take(x, src, axis=0)                       # gather   [E, d]
    agg = jax.ops.segment_sum(msgs, dst, num_segments=x.shape[0])  # scatter-add
    deg = jax.ops.segment_sum(jnp.ones((src.shape[0],), dtype=x.dtype), dst, num_segments=x.shape[0])
    mean = agg / jnp.clip(deg, 1.0)[:, None]              # mean aggregation
    return mean @ W_l + x @ W_r + b

def reference(x, edge_index, W1_l, W1_r, b1, W2_l, W2_r, b2):
    h = jax.nn.relu(_sage_conv(x, edge_index, W1_l, W1_r, b1))
    out = _sage_conv(h, edge_index, W2_l, W2_r, b2)
    return jax.nn.log_softmax(out, axis=-1)

if __name__ == "__main__":
    import jax
    _d = setup_inputs()
    print(jax.jit(kernel)(*tuple(_d.values())))

</pallas_src>

<mosaic_0001>
#map = affine_map<(d0, d1) -> (0, 0)>
module attributes {stable_mosaic.version = 14 : i64} {
  func.func @body(%arg0: i32, %arg1: i32, %arg2: memref<10000x48xf32, #tpu.memory_space<hbm>>, %arg3: memref<2560x128xi32, #tpu.memory_space<hbm>>, %arg4: memref<2560x128xi32, #tpu.memory_space<hbm>>, %arg5: memref<640x48xf32, #tpu.memory_space<hbm>>, %arg6: memref<20480x128xf32, #tpu.memory_space<hbm>>, %arg7: memref<80x128xi32, #tpu.memory_space<vmem>>, %arg8: memref<80x128xi32, #tpu.memory_space<vmem>>, %arg9: memref<10x128x48xf32, #tpu.memory_space<vmem>>, %arg10: memref<10240x48xf32, #tpu.memory_space<vmem_shared>>, %arg11: memref<!tpu.dma_semaphore, #tpu.memory_space<semaphore_mem>>, %arg12: memref<!tpu.dma_semaphore, #tpu.memory_space<semaphore_mem>>, %arg13: memref<!tpu.dma_semaphore, #tpu.memory_space<semaphore_mem>>, %arg14: memref<!tpu.dma_semaphore, #tpu.memory_space<semaphore_mem>>, %arg15: memref<!tpu.dma_semaphore, #tpu.memory_space<semaphore_mem>>, %arg16: memref<!tpu.dma_semaphore, #tpu.memory_space<semaphore_mem>>, %arg17: memref<!tpu.dma_semaphore, #tpu.memory_space<semaphore_mem>>, %arg18: memref<!tpu.dma_semaphore, #tpu.memory_space<semaphore_mem>>, %arg19: memref<!tpu.dma_semaphore, #tpu.memory_space<semaphore_mem>>, %arg20: memref<!tpu.dma_semaphore, #tpu.memory_space<semaphore_mem>>, %arg21: memref<!tpu.dma_semaphore, #tpu.memory_space<semaphore_mem>>, %arg22: memref<!tpu.dma_semaphore, #tpu.memory_space<semaphore_mem>>, %arg23: memref<!tpu.dma_semaphore, #tpu.memory_space<semaphore_mem>>, %arg24: memref<!tpu.dma_semaphore, #tpu.memory_space<semaphore_mem>>, %arg25: memref<!tpu.dma_semaphore, #tpu.memory_space<semaphore_mem>>, %arg26: memref<!tpu.dma_semaphore, #tpu.memory_space<semaphore_mem>>, %arg27: memref<!tpu.dma_semaphore, #tpu.memory_space<semaphore_mem>>, %arg28: memref<!tpu.dma_semaphore, #tpu.memory_space<semaphore_mem>>, %arg29: memref<!tpu.dma_semaphore, #tpu.memory_space<semaphore_mem>>, %arg30: memref<!tpu.dma_semaphore, #tpu.memory_space<semaphore_mem>>) attributes {dimension_semantics = [#tpu.dimension_semantics<core_parallel>, #tpu.dimension_semantics<subcore_parallel>], iteration_bounds = array<i64: 2, 16>, scalar_prefetch = 0 : i64, scratch_operands = 24 : i64, tpu.core_type = #tpu.core_type<sc_vector_subcore>, window_params = [{transform_indices = #map}, {transform_indices = #map}, {transform_indices = #map}, {transform_indices = #map}, {transform_indices = #map}]} {
    %mul3A = arith.constant 2 : i32
    %mul3A_0 = arith.muli %arg1, %mul3A : i32
    %add3A = arith.addi %mul3A_0, %arg0 : i32
    %mul3A_1 = arith.constant 640 : i32
    %mul3A_2 = arith.muli %arg1, %mul3A_1 : i32
    %mul3A_3 = arith.constant 80 : i32
    %mul3A_4 = arith.muli %add3A, %mul3A_3 : i32
    "tpu.region"() ({
      %run_scoped3A = tpu.sem_alloc : memref<!tpu.dma_semaphore, #tpu.memory_space<semaphore_mem>>
      %dma_start3A_254 = arith.constant 0 : i32
      %dma_start3A_255 = tpu.memref_slice %arg3[%mul3A_4, %dma_start3A_254] : memref<2560x128xi32, #tpu.memory_space<hbm>> -> memref<80x128xi32, #tpu.memory_space<hbm>>
      %dma_start3A_256 = arith.constant 0 : i32
      %dma_start3A_257 = tpu.memref_slice %arg3[%mul3A_4, %dma_start3A_256] : memref<2560x128xi32, #tpu.memory_space<hbm>> -> memref<80x128xi32, #tpu.memory_space<hbm>>
      tpu.enqueue_dma source(%dma_start3A_257 : memref<80x128xi32, #tpu.memory_space<hbm>>) target(%arg7 : memref<80x128xi32, #tpu.memory_space<vmem>>) target_semaphore(%run_scoped3A : memref<!tpu.dma_semaphore, #tpu.memory_space<semaphore_mem>>)
      %dma_wait3A_258 = arith.constant 0 : i32
      %dma_wait3A_259 = tpu.memref_slice %arg3[%mul3A_4, %dma_wait3A_258] : memref<2560x128xi32, #tpu.memory_space<hbm>> -> memref<80x128xi32, #tpu.memory_space<hbm>>
      %dma_wait3A_260 = arith.constant 0 : i32
      %dma_wait3A_261 = tpu.memref_slice %arg3[%mul3A_4, %dma_wait3A_260] : memref<2560x128xi32, #tpu.memory_space<hbm>> -> memref<80x128xi32, #tpu.memory_space<hbm>>
      tpu.wait_dma2 semaphore(%run_scoped3A : memref<!tpu.dma_semaphore, #tpu.memory_space<semaphore_mem>>) src(%dma_wait3A_261 : memref<80x128xi32, #tpu.memory_space<hbm>>) dst(%arg7 : memref<80x128xi32, #tpu.memory_space<vmem>>)
      tpu.yield
    }) : () -> ()
    %mul3A_5 = arith.constant 80 : i32
    %mul3A_6 = arith.muli %add3A, %mul3A_5 : i32
    "tpu.region"() ({
      %run_scoped3A = tpu.sem_alloc : memref<!tpu.dma_semaphore, #tpu.memory_space<semaphore_mem>>
      %dma_start3A_254 = arith.constant 0 : i32
      %dma_start3A_255 = tpu.memref_slice %arg4[%mul3A_6, %dma_start3A_254] : memref<2560x128xi32, #tpu.memory_space<hbm>> -> memref<80x128xi32, #tpu.memory_space<hbm>>
      %dma_start3A_256 = arith.constant 0 : i32
      %dma_start3A_257 = tpu.memref_slice %arg4[%mul3A_6, %dma_start3A_256] : memref<2560x128xi32, #tpu.memory_space<hbm>> -> memref<80x128xi32, #tpu.memory_space<hbm>>
      tpu.enqueue_dma source(%dma_start3A_257 : memref<80x128xi32, #tpu.memory_space<hbm>>) target(%arg8 : memref<80x128xi32, #tpu.memory_space<vmem>>) target_semaphore(%run_scoped3A : memref<!tpu.dma_semaphore, #tpu.memory_space<semaphore_mem>>)
      %dma_wait3A_258 = arith.constant 0 : i32
      %dma_wait3A_259 = tpu.memref_slice %arg4[%mul3A_6, %dma_wait3A_258] : memref<2560x128xi32, #tpu.memory_space<hbm>> -> memref<80x128xi32, #tpu.memory_space<hbm>>
      %dma_wait3A_260 = arith.constant 0 : i32
      %dma_wait3A_261 = tpu.memref_slice %arg4[%mul3A_6, %dma_wait3A_260] : memref<2560x128xi32, #tpu.memory_space<hbm>> -> memref<80x128xi32, #tpu.memory_space<hbm>>
      tpu.wait_dma2 semaphore(%run_scoped3A : memref<!tpu.dma_semaphore, #tpu.memory_space<semaphore_mem>>) src(%dma_wait3A_261 : memref<80x128xi32, #tpu.memory_space<hbm>>) dst(%arg8 : memref<80x128xi32, #tpu.memory_space<vmem>>)
      tpu.yield
    }) : () -> ()
    "tpu.region"() ({
      %run_scoped3A = tpu.sem_alloc : memref<!tpu.dma_semaphore, #tpu.memory_space<semaphore_mem>>
      %dma_start3A_254 = arith.constant 0 : i32
      %dma_start3A_255 = tpu.memref_slice %arg10[%mul3A_2, %dma_start3A_254] : memref<10240x48xf32, #tpu.memory_space<vmem_shared>> -> memref<640x48xf32, #tpu.memory_space<vmem_shared>>
      tpu.enqueue_dma source(%arg5 : memref<640x48xf32, #tpu.memory_space<hbm>>) target(%dma_start3A_255 : memref<640x48xf32, #tpu.memory_space<vmem_shared>>) target_semaphore(%run_scoped3A : memref<!tpu.dma_semaphore, #tpu.memory_space<semaphore_mem>>)
      %dma_wait3A_256 = arith.constant 0 : i32
      %dma_wait3A_257 = tpu.memref_slice %arg10[%mul3A_2, %dma_wait3A_256] : memref<10240x48xf32, #tpu.memory_space<vmem_shared>> -> memref<640x48xf32, #tpu.memory_space<vmem_shared>>
      tpu.wait_dma2 semaphore(%run_scoped3A : memref<!tpu.dma_semaphore, #tpu.memory_space<semaphore_mem>>) src(%arg5 : memref<640x48xf32, #tpu.memory_space<hbm>>) dst(%dma_wait3A_257 : memref<640x48xf32, #tpu.memory_space<vmem_shared>>)
      tpu.yield
    }) : () -> ()
    %barrier3A = arith.constant 0 : index
    tpu.barrier barrier_id(%barrier3A)
    %dma_start3A = arith.constant 0 : i32
    %dma_start3A_7 = arith.constant 0 : i32
    %dma_start3A_8 = arith.constant 0 : i32
    %dma_start3A_9 = arith.constant 0 : i32
    %dma_start3A_10 = tpu.memref_slice %arg9[%dma_start3A_7, %dma_start3A_8, %dma_start3A_9] : memref<10x128x48xf32, #tpu.memory_space<vmem>> -> memref<1x128x48xf32, #tpu.memory_space<vmem>>
    %dma_start3A_11 = tpu.memref_squeeze %dma_start3A_10 : memref<1x128x48xf32, #tpu.memory_space<vmem>> -> memref<128x48xf32, #tpu.memory_space<vmem>>
    %dma_start3A_12 = arith.constant 0 : i32
    %dma_start3A_13 = tpu.memref_slice %arg7[%dma_start3A, %dma_start3A_12] : memref<80x128xi32, #tpu.memory_space<vmem>> -> memref<1x128xi32, #tpu.memory_space<vmem>>
    %dma_start3A_14 = tpu.memref_squeeze %dma_start3A_13 : memref<1x128xi32, #tpu.memory_space<vmem>> -> memref<128xi32, #tpu.memory_space<vmem>>
    %dma_start3A_15 = arith.constant 0 : i32
    %dma_start3A_16 = arith.constant 0 : i32
    %dma_start3A_17 = tpu.memref_slice %arg2[%dma_start3A_15, %dma_start3A_16] : memref<10000x48xf32, #tpu.memory_space<hbm>> -> memref<10000x48xf32, #tpu.memory_space<hbm>>
    tpu.enqueue_indirect_dma source(%dma_start3A_17 : memref<10000x48xf32, #tpu.memory_space<hbm>>) target(%dma_start3A_11 : memref<128x48xf32, #tpu.memory_space<vmem>>) offsets(%dma_start3A_14 : memref<128xi32, #tpu.memory_space<vmem>>) semaphore(%arg11 : memref<!tpu.dma_semaphore, #tpu.memory_space<semaphore_mem>>)
    %dma_start3A_18 = arith.constant 1 : i32
    %dma_start3A_19 = arith.constant 1 : i32
    %dma_start3A_20 = arith.constant 0 : i32
    %dma_start3A_21 = arith.constant 0 : i32
    %dma_start3A_22 = tpu.memref_slice %arg9[%dma_start3A_19, %dma_start3A_20, %dma_start3A_21] : memref<10x128x48xf32, #tpu.memory_space<vmem>> -> memref<1x128x48xf32, #tpu.memory_space<vmem>>
    %dma_start3A_23 = tpu.memref_squeeze %dma_start3A_22 : memref<1x128x48xf32, #tpu.memory_space<vmem>> -> memref<128x48xf32, #tpu.memory_space<vmem>>
    %dma_start3A_24 = arith.constant 0 : i32
    %dma_start3A_25 = tpu.memref_slice %arg7[%dma_start3A_18, %dma_start3A_24] : memref<80x128xi32, #tpu.memory_space<vmem>> -> memref<1x128xi32, #tpu.memory_space<vmem>>
    %dma_start3A_26 = tpu.memref_squeeze %dma_start3A_25 : memref<1x128xi32, #tpu.memory_space<vmem>> -> memref<128xi32, #tpu.memory_space<vmem>>
    %dma_start3A_27 = arith.constant 0 : i32
    %dma_start3A_28 = arith.constant 0 : i32
    %dma_start3A_29 = tpu.memref_slice %arg2[%dma_start3A_27, %dma_start3A_28] : memref<10000x48xf32, #tpu.memory_space<hbm>> -> memref<10000x48xf32, #tpu.memory_space<hbm>>
    tpu.enqueue_indirect_dma source(%dma_start3A_29 : memref<10000x48xf32, #tpu.memory_space<hbm>>) target(%dma_start3A_23 : memref<128x48xf32, #tpu.memory_space<vmem>>) offsets(%dma_start3A_26 : memref<128xi32, #tpu.memory_space<vmem>>) semaphore(%arg12 : memref<!tpu.dma_semaphore, #tpu.memory_space<semaphore_mem>>)
    %dma_start3A_30 = arith.constant 2 : i32
    %dma_start3A_31 = arith.constant 2 : i32
    %dma_start3A_32 = arith.constant 0 : i32
    %dma_start3A_33 = arith.constant 0 : i32
    %dma_start3A_34 = tpu.memref_slice %arg9[%dma_start3A_31, %dma_start3A_32, %dma_start3A_33] : memref<10x128x48xf32, #tpu.memory_space<vmem>> -> memref<1x128x48xf32, #tpu.memory_space<vmem>>
    %dma_start3A_35 = tpu.memref_squeeze %dma_start3A_34 : memref<1x128x48xf32, #tpu.memory_space<vmem>> -> memref<128x48xf32, #tpu.memory_space<vmem>>
    %dma_start3A_36 = arith.constant 0 : i32
    %dma_start3A_37 = tpu.memref_slice %arg7[%dma_start3A_30, %dma_start3A_36] : memref<80x128xi32, #tpu.memory_space<vmem>> -> memref<1x128xi32, #tpu.memory_space<vmem>>
    %dma_start3A_38 = tpu.memref_squeeze %dma_start3A_37 : memref<1x128xi32, #tpu.memory_space<vmem>> -> memref<128xi32, #tpu.memory_space<vmem>>
    %dma_start3A_39 = arith.constant 0 : i32
    %dma_start3A_40 = arith.constant 0 : i32
    %dma_start3A_41 = tpu.memref_slice %arg2[%dma_start3A_39, %dma_start3A_40] : memref<10000x48xf32, #tpu.memory_space<hbm>> -> memref<10000x48xf32, #tpu.memory_space<hbm>>
    tpu.enqueue_indirect_dma source(%dma_start3A_41 : memref<10000x48xf32, #tpu.memory_space<hbm>>) target(%dma_start3A_35 : memref<128x48xf32, #tpu.memory_space<vmem>>) offsets(%dma_start3A_38 : memref<128xi32, #tpu.memory_space<vmem>>) semaphore(%arg13 : memref<!tpu.dma_semaphore, #tpu.memory_space<semaphore_mem>>)
    %dma_start3A_42 = arith.constant 3 : i32
    %dma_start3A_43 = arith.constant 3 : i32
    %dma_start3A_44 = arith.constant 0 : i32
    %dma_start3A_45 = arith.constant 0 : i32
    %dma_start3A_46 = tpu.memref_slice %arg9[%dma_start3A_43, %dma_start3A_44, %dma_start3A_45] : memref<10x128x48xf32, #tpu.memory_space<vmem>> -> memref<1x128x48xf32, #tpu.memory_space<vmem>>
    %dma_start3A_47 = tpu.memref_squeeze %dma_start3A_46 : memref<1x128x48xf32, #tpu.memory_space<vmem>> -> memref<128x48xf32, #tpu.memory_space<vmem>>
    %dma_start3A_48 = arith.constant 0 : i32
    %dma_start3A_49 = tpu.memref_slice %arg7[%dma_start3A_42, %dma_start3A_48] : memref<80x128xi32, #tpu.memory_space<vmem>> -> memref<1x128xi32, #tpu.memory_space<vmem>>
    %dma_start3A_50 = tpu.memref_squeeze %dma_start3A_49 : memref<1x128xi32, #tpu.memory_space<vmem>> -> memref<128xi32, #tpu.memory_space<vmem>>
    %dma_start3A_51 = arith.constant 0 : i32
    %dma_start3A_52 = arith.constant 0 : i32
    %dma_start3A_53 = tpu.memref_slice %arg2[%dma_start3A_51, %dma_start3A_52] : memref<10000x48xf32, #tpu.memory_space<hbm>> -> memref<10000x48xf32, #tpu.memory_space<hbm>>
    tpu.enqueue_indirect_dma source(%dma_start3A_53 : memref<10000x48xf32, #tpu.memory_space<hbm>>) target(%dma_start3A_47 : memref<128x48xf32, #tpu.memory_space<vmem>>) offsets(%dma_start3A_50 : memref<128xi32, #tpu.memory_space<vmem>>) semaphore(%arg14 : memref<!tpu.dma_semaphore, #tpu.memory_space<semaphore_mem>>)
    %dma_start3A_54 = arith.constant 4 : i32
    %dma_start3A_55 = arith.constant 4 : i32
    %dma_start3A_56 = arith.constant 0 : i32
    %dma_start3A_57 = arith.constant 0 : i32
    %dma_start3A_58 = tpu.memref_slice %arg9[%dma_start3A_55, %dma_start3A_56, %dma_start3A_57] : memref<10x128x48xf32, #tpu.memory_space<vmem>> -> memref<1x128x48xf32, #tpu.memory_space<vmem>>
    %dma_start3A_59 = tpu.memref_squeeze %dma_start3A_58 : memref<1x128x48xf32, #tpu.memory_space<vmem>> -> memref<128x48xf32, #tpu.memory_space<vmem>>
    %dma_start3A_60 = arith.constant 0 : i32
    %dma_start3A_61 = tpu.memref_slice %arg7[%dma_start3A_54, %dma_start3A_60] : memref<80x128xi32, #tpu.memory_space<vmem>> -> memref<1x128xi32, #tpu.memory_space<vmem>>
    %dma_start3A_62 = tpu.memref_squeeze %dma_start3A_61 : memref<1x128xi32, #tpu.memory_space<vmem>> -> memref<128xi32, #tpu.memory_space<vmem>>
    %dma_start3A_63 = arith.constant 0 : i32
    %dma_start3A_64 = arith.constant 0 : i32
    %dma_start3A_65 = tpu.memref_slice %arg2[%dma_start3A_63, %dma_start3A_64] : memref<10000x48xf32, #tpu.memory_space<hbm>> -> memref<10000x48xf32, #tpu.memory_space<hbm>>
    tpu.enqueue_indirect_dma source(%dma_start3A_65 : memref<10000x48xf32, #tpu.memory_space<hbm>>) target(%dma_start3A_59 : memref<128x48xf32, #tpu.memory_space<vmem>>) offsets(%dma_start3A_62 : memref<128xi32, #tpu.memory_space<vmem>>) semaphore(%arg15 : memref<!tpu.dma_semaphore, #tpu.memory_space<semaphore_mem>>)
    %dma_start3A_66 = arith.constant 5 : i32
    %dma_start3A_67 = arith.constant 5 : i32
    %dma_start3A_68 = arith.constant 0 : i32
    %dma_start3A_69 = arith.constant 0 : i32
    %dma_start3A_70 = tpu.memref_slice %arg9[%dma_start3A_67, %dma_start3A_68, %dma_start3A_69] : memref<10x128x48xf32, #tpu.memory_space<vmem>> -> memref<1x128x48xf32, #tpu.memory_space<vmem>>
    %dma_start3A_71 = tpu.memref_squeeze %dma_start3A_70 : memref<1x128x48xf32, #tpu.memory_space<vmem>> -> memref<128x48xf32, #tpu.memory_space<vmem>>
    %dma_start3A_72 = arith.constant 0 : i32
    %dma_start3A_73 = tpu.memref_slice %arg7[%dma_start3A_66, %dma_start3A_72] : memref<80x128xi32, #tpu.memory_space<vmem>> -> memref<1x128xi32, #tpu.memory_space<vmem>>
    %dma_start3A_74 = tpu.memref_squeeze %dma_start3A_73 : memref<1x128xi32, #tpu.memory_space<vmem>> -> memref<128xi32, #tpu.memory_space<vmem>>
    %dma_start3A_75 = arith.constant 0 : i32
    %dma_start3A_76 = arith.constant 0 : i32
    %dma_start3A_77 = tpu.memref_slice %arg2[%dma_start3A_75, %dma_start3A_76] : memref<10000x48xf32, #tpu.memory_space<hbm>> -> memref<10000x48xf32, #tpu.memory_space<hbm>>
    tpu.enqueue_indirect_dma source(%dma_start3A_77 : memref<10000x48xf32, #tpu.memory_space<hbm>>) target(%dma_start3A_71 : memref<128x48xf32, #tpu.memory_space<vmem>>) offsets(%dma_start3A_74 : memref<128xi32, #tpu.memory_space<vmem>>) semaphore(%arg16 : memref<!tpu.dma_semaphore, #tpu.memory_space<semaphore_mem>>)
    %dma_start3A_78 = arith.constant 6 : i32
    %dma_start3A_79 = arith.constant 6 : i32
    %dma_start3A_80 = arith.constant 0 : i32
    %dma_start3A_81 = arith.constant 0 : i32
    %dma_start3A_82 = tpu.memref_slice %arg9[%dma_start3A_79, %dma_start3A_80, %dma_start3A_81] : memref<10x128x48xf32, #tpu.memory_space<vmem>> -> memref<1x128x48xf32, #tpu.memory_space<vmem>>
    %dma_start3A_83 = tpu.memref_squeeze %dma_start3A_82 : memref<1x128x48xf32, #tpu.memory_space<vmem>> -> memref<128x48xf32, #tpu.memory_space<vmem>>
    %dma_start3A_84 = arith.constant 0 : i32
    %dma_start3A_85 = tpu.memref_slice %arg7[%dma_start3A_78, %dma_start3A_84] : memref<80x128xi32, #tpu.memory_space<vmem>> -> memref<1x128xi32, #tpu.memory_space<vmem>>
    %dma_start3A_86 = tpu.memref_squeeze %dma_start3A_85 : memref<1x128xi32, #tpu.memory_space<vmem>> -> memref<128xi32, #tpu.memory_space<vmem>>
    %dma_start3A_87 = arith.constant 0 : i32
    %dma_start3A_88 = arith.constant 0 : i32
    %dma_start3A_89 = tpu.memref_slice %arg2[%dma_start3A_87, %dma_start3A_88] : memref<10000x48xf32, #tpu.memory_space<hbm>> -> memref<10000x48xf32, #tpu.memory_space<hbm>>
    tpu.enqueue_indirect_dma source(%dma_start3A_89 : memref<10000x48xf32, #tpu.memory_space<hbm>>) target(%dma_start3A_83 : memref<128x48xf32, #tpu.memory_space<vmem>>) offsets(%dma_start3A_86 : memref<128xi32, #tpu.memory_space<vmem>>) semaphore(%arg17 : memref<!tpu.dma_semaphore, #tpu.memory_space<semaphore_mem>>)
    %dma_start3A_90 = arith.constant 7 : i32
    %dma_start3A_91 = arith.constant 7 : i32
    %dma_start3A_92 = arith.constant 0 : i32
    %dma_start3A_93 = arith.constant 0 : i32
    %dma_start3A_94 = tpu.memref_slice %arg9[%dma_start3A_91, %dma_start3A_92, %dma_start3A_93] : memref<10x128x48xf32, #tpu.memory_space<vmem>> -> memref<1x128x48xf32, #tpu.memory_space<vmem>>
    %dma_start3A_95 = tpu.memref_squeeze %dma_start3A_94 : memref<1x128x48xf32, #tpu.memory_space<vmem>> -> memref<128x48xf32, #tpu.memory_space<vmem>>
    %dma_start3A_96 = arith.constant 0 : i32
    %dma_start3A_97 = tpu.memref_slice %arg7[%dma_start3A_90, %dma_start3A_96] : memref<80x128xi32, #tpu.memory_space<vmem>> -> memref<1x128xi32, #tpu.memory_space<vmem>>
    %dma_start3A_98 = tpu.memref_squeeze %dma_start3A_97 : memref<1x128xi32, #tpu.memory_space<vmem>> -> memref<128xi32, #tpu.memory_space<vmem>>
    %dma_start3A_99 = arith.constant 0 : i32
    %dma_start3A_100 = arith.constant 0 : i32
    %dma_start3A_101 = tpu.memref_slice %arg2[%dma_start3A_99, %dma_start3A_100] : memref<10000x48xf32, #tpu.memory_space<hbm>> -> memref<10000x48xf32, #tpu.memory_space<hbm>>
    tpu.enqueue_indirect_dma source(%dma_start3A_101 : memref<10000x48xf32, #tpu.memory_space<hbm>>) target(%dma_start3A_95 : memref<128x48xf32, #tpu.memory_space<vmem>>) offsets(%dma_start3A_98 : memref<128xi32, #tpu.memory_space<vmem>>) semaphore(%arg18 : memref<!tpu.dma_semaphore, #tpu.memory_space<semaphore_mem>>)
    %dma_start3A_102 = arith.constant 8 : i32
    %dma_start3A_103 = arith.constant 8 : i32
    %dma_start3A_104 = arith.constant 0 : i32
    %dma_start3A_105 = arith.constant 0 : i32
    %dma_start3A_106 = tpu.memref_slice %arg9[%dma_start3A_103, %dma_start3A_104, %dma_start3A_105] : memref<10x128x48xf32, #tpu.memory_space<vmem>> -> memref<1x128x48xf32, #tpu.memory_space<vmem>>
    %dma_start3A_107 = tpu.memref_squeeze %dma_start3A_106 : memref<1x128x48xf32, #tpu.memory_space<vmem>> -> memref<128x48xf32, #tpu.memory_space<vmem>>
    %dma_start3A_108 = arith.constant 0 : i32
    %dma_start3A_109 = tpu.memref_slice %arg7[%dma_start3A_102, %dma_start3A_108] : memref<80x128xi32, #tpu.memory_space<vmem>> -> memref<1x128xi32, #tpu.memory_space<vmem>>
    %dma_start3A_110 = tpu.memref_squeeze %dma_start3A_109 : memref<1x128xi32, #tpu.memory_space<vmem>> -> memref<128xi32, #tpu.memory_space<vmem>>
    %dma_start3A_111 = arith.constant 0 : i32
    %dma_start3A_112 = arith.constant 0 : i32
    %dma_start3A_113 = tpu.memref_slice %arg2[%dma_start3A_111, %dma_start3A_112] : memref<10000x48xf32, #tpu.memory_space<hbm>> -> memref<10000x48xf32, #tpu.memory_space<hbm>>
    tpu.enqueue_indirect_dma source(%dma_start3A_113 : memref<10000x48xf32, #tpu.memory_space<hbm>>) target(%dma_start3A_107 : memref<128x48xf32, #tpu.memory_space<vmem>>) offsets(%dma_start3A_110 : memref<128xi32, #tpu.memory_space<vmem>>) semaphore(%arg19 : memref<!tpu.dma_semaphore, #tpu.memory_space<semaphore_mem>>)
    %dma_start3A_114 = arith.constant 9 : i32
    %dma_start3A_115 = arith.constant 9 : i32
    %dma_start3A_116 = arith.constant 0 : i32
    %dma_start3A_117 = arith.constant 0 : i32
    %dma_start3A_118 = tpu.memref_slice %arg9[%dma_start3A_115, %dma_start3A_116, %dma_start3A_117] : memref<10x128x48xf32, #tpu.memory_space<vmem>> -> memref<1x128x48xf32, #tpu.memory_space<vmem>>
    %dma_start3A_119 = tpu.memref_squeeze %dma_start3A_118 : memref<1x128x48xf32, #tpu.memory_space<vmem>> -> memref<128x48xf32, #tpu.memory_space<vmem>>
    %dma_start3A_120 = arith.constant 0 : i32
    %dma_start3A_121 = tpu.memref_slice %arg7[%dma_start3A_114, %dma_start3A_120] : memref<80x128xi32, #tpu.memory_space<vmem>> -> memref<1x128xi32, #tpu.memory_space<vmem>>
    %dma_start3A_122 = tpu.memref_squeeze %dma_start3A_121 : memref<1x128xi32, #tpu.memory_space<vmem>> -> memref<128xi32, #tpu.memory_space<vmem>>
    %dma_start3A_123 = arith.constant 0 : i32
    %dma_start3A_124 = arith.constant 0 : i32
    %dma_start3A_125 = tpu.memref_slice %arg2[%dma_start3A_123, %dma_start3A_124] : memref<10000x48xf32, #tpu.memory_space<hbm>> -> memref<10000x48xf32, #tpu.memory_space<hbm>>
    tpu.enqueue_indirect_dma source(%dma_start3A_125 : memref<10000x48xf32, #tpu.memory_space<hbm>>) target(%dma_start3A_119 : memref<128x48xf32, #tpu.memory_space<vmem>>) offsets(%dma_start3A_122 : memref<128xi32, #tpu.memory_space<vmem>>) semaphore(%arg20 : memref<!tpu.dma_semaphore, #tpu.memory_space<semaphore_mem>>)
    %scan3A = arith.constant 0 : i32
    %scan3A_126 = arith.constant 0 : i32
    %scan3A_127 = arith.constant 8 : i32
    %scan3A_128 = arith.addi %scan3A_126, %scan3A_127 : i32
    %scan3A_129 = arith.constant 1 : i32
    scf.for %scan3A_254 = %scan3A_126 to %scan3A_128 step %scan3A_129  : i32 {
      %mul3A_255 = arith.constant 10 : i32
      %mul3A_256 = arith.muli %scan3A_254, %mul3A_255 : i32
      %add3A_257 = arith.constant 0 : i32
      %add3A_258 = arith.addi %mul3A_256, %add3A_257 : i32
      %dma_wait3A_259 = arith.constant 0 : i32
      %dma_wait3A_260 = arith.constant 0 : i32
      %dma_wait3A_261 = arith.constant 0 : i32
      %dma_wait3A_262 = tpu.memref_slice %arg9[%dma_wait3A_259, %dma_wait3A_260, %dma_wait3A_261] : memref<10x128x48xf32, #tpu.memory_space<vmem>> -> memref<1x128x48xf32, #tpu.memory_space<vmem>>
      %dma_wait3A_263 = tpu.memref_squeeze %dma_wait3A_262 : memref<1x128x48xf32, #tpu.memory_space<vmem>> -> memref<128x48xf32, #tpu.memory_space<vmem>>
      %dma_wait3A_264 = arith.constant 0 : i32
      %dma_wait3A_265 = tpu.memref_slice %arg7[%add3A_258, %dma_wait3A_264] : memref<80x128xi32, #tpu.memory_space<vmem>> -> memref<1x128xi32, #tpu.memory_space<vmem>>
      %dma_wait3A_266 = tpu.memref_squeeze %dma_wait3A_265 : memref<1x128xi32, #tpu.memory_space<vmem>> -> memref<128xi32, #tpu.memory_space<vmem>>
      %dma_wait3A_267 = arith.constant 0 : i32
      %dma_wait3A_268 = arith.constant 0 : i32
      %dma_wait3A_269 = tpu.memref_slice %arg2[%dma_wait3A_267, %dma_wait3A_268] : memref<10000x48xf32, #tpu.memory_space<hbm>> -> memref<10000x48xf32, #tpu.memory_space<hbm>>
      tpu.wait_indirect_dma semaphore(%arg11 : memref<!tpu.dma_semaphore, #tpu.memory_space<semaphore_mem>>) src(%dma_wait3A_269 : memref<10000x48xf32, #tpu.memory_space<hbm>>) dst(%dma_wait3A_263 : memref<128x48xf32, #tpu.memory_space<vmem>>)
      %dma_start3A_270 = arith.constant 0 : i32
      %dma_start3A_271 = arith.constant 0 : i32
      %dma_start3A_272 = arith.constant 0 : i32
      %dma_start3A_273 = tpu.memref_slice %arg9[%dma_start3A_270, %dma_start3A_271, %dma_start3A_272] : memref<10x128x48xf32, #tpu.memory_space<vmem>> -> memref<1x128x48xf32, #tpu.memory_space<vmem>>
      %dma_start3A_274 = tpu.memref_squeeze %dma_start3A_273 : memref<1x128x48xf32, #tpu.memory_space<vmem>> -> memref<128x48xf32, #tpu.memory_space<vmem>>
      %dma_start3A_275 = arith.constant 0 : i32
      %dma_start3A_276 = tpu.memref_slice %arg8[%add3A_258, %dma_start3A_275] : memref<80x128xi32, #tpu.memory_space<vmem>> -> memref<1x128xi32, #tpu.memory_space<vmem>>
      %dma_start3A_277 = tpu.memref_squeeze %dma_start3A_276 : memref<1x128xi32, #tpu.memory_space<vmem>> -> memref<128xi32, #tpu.memory_space<vmem>>
      %dma_start3A_278 = arith.constant 0 : i32
      %dma_start3A_279 = arith.constant 0 : i32
      %dma_start3A_280 = tpu.memref_slice %arg10[%dma_start3A_278, %dma_start3A_279] : memref<10240x48xf32, #tpu.memory_space<vmem_shared>> -> memref<10240x48xf32, #tpu.memory_space<vmem_shared>>
      tpu.enqueue_indirect_dma source(%dma_start3A_274 : memref<128x48xf32, #tpu.memory_space<vmem>>) target(%dma_start3A_280 : memref<10240x48xf32, #tpu.memory_space<vmem_shared>>) offsets(%dma_start3A_277 : memref<128xi32, #tpu.memory_space<vmem>>) semaphore(%arg21 : memref<!tpu.dma_semaphore, #tpu.memory_space<semaphore_mem>>) {add = true}
      %add3A_281 = arith.constant 1 : i32
      %add3A_282 = arith.addi %mul3A_256, %add3A_281 : i32
      %dma_wait3A_283 = arith.constant 1 : i32
      %dma_wait3A_284 = arith.constant 0 : i32
      %dma_wait3A_285 = arith.constant 0 : i32
      %dma_wait3A_286 = tpu.memref_slice %arg9[%dma_wait3A_283, %dma_wait3A_284, %dma_wait3A_285] : memref<10x128x48xf32, #tpu.memory_space<vmem>> -> memref<1x128x48xf32, #tpu.memory_space<vmem>>
      %dma_wait3A_287 = tpu.memref_squeeze %dma_wait3A_286 : memref<1x128x48xf32, #tpu.memory_space<vmem>> -> memref<128x48xf32, #tpu.memory_space<vmem>>
      %dma_wait3A_288 = arith.constant 0 : i32
      %dma_wait3A_289 = tpu.memref_slice %arg7[%add3A_282, %dma_wait3A_288] : memref<80x128xi32, #tpu.memory_space<vmem>> -> memref<1x128xi32, #tpu.memory_space<vmem>>
      %dma_wait3A_290 = tpu.memref_squeeze %dma_wait3A_289 : memref<1x128xi32, #tpu.memory_space<vmem>> -> memref<128xi32, #tpu.memory_space<vmem>>
      %dma_wait3A_291 = arith.constant 0 : i32
      %dma_wait3A_292 = arith.constant 0 : i32
      %dma_wait3A_293 = tpu.memref_slice %arg2[%dma_wait3A_291, %dma_wait3A_292] : memref<10000x48xf32, #tpu.memory_space<hbm>> -> memref<10000x48xf32, #tpu.memory_space<hbm>>
      tpu.wait_indirect_dma semaphore(%arg12 : memref<!tpu.dma_semaphore, #tpu.memory_space<semaphore_mem>>) src(%dma_wait3A_293 : memref<10000x48xf32, #tpu.memory_space<hbm>>) dst(%dma_wait3A_287 : memref<128x48xf32, #tpu.memory_space<vmem>>)
      %dma_start3A_294 = arith.constant 1 : i32
      %dma_start3A_295 = arith.constant 0 : i32
      %dma_start3A_296 = arith.constant 0 : i32
      %dma_start3A_297 = tpu.memref_slice %arg9[%dma_start3A_294, %dma_start3A_295, %dma_start3A_296] : memref<10x128x48xf32, #tpu.memory_space<vmem>> -> memref<1x128x48xf32, #tpu.memory_space<vmem>>
      %dma_start3A_298 = tpu.memref_squeeze %dma_start3A_297 : memref<1x128x48xf32, #tpu.memory_space<vmem>> -> memref<128x48xf32, #tpu.memory_space<vmem>>
      %dma_start3A_299 = arith.constant 0 : i32
      %dma_start3A_300 = tpu.memref_slice %arg8[%add3A_282, %dma_start3A_299] : memref<80x128xi32, #tpu.memory_space<vmem>> -> memref<1x128xi32, #tpu.memory_space<vmem>>
      %dma_start3A_301 = tpu.memref_squeeze %dma_start3A_300 : memref<1x128xi32, #tpu.memory_space<vmem>> -> memref<128xi32, #tpu.memory_space<vmem>>
      %dma_start3A_302 = arith.constant 0 : i32
      %dma_start3A_303 = arith.constant 0 : i32
      %dma_start3A_304 = tpu.memref_slice %arg10[%dma_start3A_302, %dma_start3A_303] : memref<10240x48xf32, #tpu.memory_space<vmem_shared>> -> memref<10240x48xf32, #tpu.memory_space<vmem_shared>>
      tpu.enqueue_indirect_dma source(%dma_start3A_298 : memref<128x48xf32, #tpu.memory_space<vmem>>) target(%dma_start3A_304 : memref<10240x48xf32, #tpu.memory_space<vmem_shared>>) offsets(%dma_start3A_301 : memref<128xi32, #tpu.memory_space<vmem>>) semaphore(%arg22 : memref<!tpu.dma_semaphore, #tpu.memory_space<semaphore_mem>>) {add = true}
      %add3A_305 = arith.constant 2 : i32
      %add3A_306 = arith.addi %mul3A_256, %add3A_305 : i32
      %dma_wait3A_307 = arith.constant 2 : i32
      %dma_wait3A_308 = arith.constant 0 : i32
      %dma_wait3A_309 = arith.constant 0 : i32
      %dma_wait3A_310 = tpu.memref_slice %arg9[%dma_wait3A_307, %dma_wait3A_308, %dma_wait3A_309] : memref<10x128x48xf32, #tpu.memory_space<vmem>> -> memref<1x128x48xf32, #tpu.memory_space<vmem>>
      %dma_wait3A_311 = tpu.memref_squeeze %dma_wait3A_310 : memref<1x128x48xf32, #tpu.memory_space<vmem>> -> memref<128x48xf32, #tpu.memory_space<vmem>>
      %dma_wait3A_312 = arith.constant 0 : i32
      %dma_wait3A_313 = tpu.memref_slice %arg7[%add3A_306, %dma_wait3A_312] : memref<80x128xi32, #tpu.memory_space<vmem>> -> memref<1x128xi32, #tpu.memory_space<vmem>>
      %dma_wait3A_314 = tpu.memref_squeeze %dma_wait3A_313 : memref<1x128xi32, #tpu.memory_space<vmem>> -> memref<128xi32, #tpu.memory_space<vmem>>
      %dma_wait3A_315 = arith.constant 0 : i32
      %dma_wait3A_316 = arith.constant 0 : i32
      %dma_wait3A_317 = tpu.memref_slice %arg2[%dma_wait3A_315, %dma_wait3A_316] : memref<10000x48xf32, #tpu.memory_space<hbm>> -> memref<10000x48xf32, #tpu.memory_space<hbm>>
      tpu.wait_indirect_dma semaphore(%arg13 : memref<!tpu.dma_semaphore, #tpu.memory_space<semaphore_mem>>) src(%dma_wait3A_317 : memref<10000x48xf32, #tpu.memory_space<hbm>>) dst(%dma_wait3A_311 : memref<128x48xf32, #tpu.memory_space<vmem>>)
      %dma_start3A_318 = arith.constant 2 : i32
      %dma_start3A_319 = arith.constant 0 : i32
      %dma_start3A_320 = arith.constant 0 : i32
      %dma_start3A_321 = tpu.memref_slice %arg9[%dma_start3A_318, %dma_start3A_319, %dma_start3A_320] : memref<10x128x48xf32, #tpu.memory_space<vmem>> -> memref<1x128x48xf32, #tpu.memory_space<vmem>>
      %dma_start3A_322 = tpu.memref_squeeze %dma_start3A_321 : memref<1x128x48xf32, #tpu.memory_space<vmem>> -> memref<128x48xf32, #tpu.memory_space<vmem>>
      %dma_start3A_323 = arith.constant 0 : i32
      %dma_start3A_324 = tpu.memref_slice %arg8[%add3A_306, %dma_start3A_323] : memref<80x128xi32, #tpu.memory_space<vmem>> -> memref<1x128xi32, #tpu.memory_space<vmem>>
      %dma_start3A_325 = tpu.memref_squeeze %dma_start3A_324 : memref<1x128xi32, #tpu.memory_space<vmem>> -> memref<128xi32, #tpu.memory_space<vmem>>
      %dma_start3A_326 = arith.constant 0 : i32
      %dma_start3A_327 = arith.constant 0 : i32
      %dma_start3A_328 = tpu.memref_slice %arg10[%dma_start3A_326, %dma_start3A_327] : memref<10240x48xf32, #tpu.memory_space<vmem_shared>> -> memref<10240x48xf32, #tpu.memory_space<vmem_shared>>
      tpu.enqueue_indirect_dma source(%dma_start3A_322 : memref<128x48xf32, #tpu.memory_space<vmem>>) target(%dma_start3A_328 : memref<10240x48xf32, #tpu.memory_space<vmem_shared>>) offsets(%dma_start3A_325 : memref<128xi32, #tpu.memory_space<vmem>>) semaphore(%arg23 : memref<!tpu.dma_semaphore, #tpu.memory_space<semaphore_mem>>) {add = true}
      %add3A_329 = arith.constant 3 : i32
      %add3A_330 = arith.addi %mul3A_256, %add3A_329 : i32
      %dma_wait3A_331 = arith.constant 3 : i32
      %dma_wait3A_332 = arith.constant 0 : i32
      %dma_wait3A_333 = arith.constant 0 : i32
      %dma_wait3A_334 = tpu.memref_slice %arg9[%dma_wait3A_331, %dma_wait3A_332, %dma_wait3A_333] : memref<10x128x48xf32, #tpu.memory_space<vmem>> -> memref<1x128x48xf32, #tpu.memory_space<vmem>>
      %dma_wait3A_335 = tpu.memref_squeeze %dma_wait3A_334 : memref<1x128x48xf32, #tpu.memory_space<vmem>> -> memref<128x48xf32, #tpu.memory_space<vmem>>
      %dma_wait3A_336 = arith.constant 0 : i32
      %dma_wait3A_337 = tpu.memref_slice %arg7[%add3A_330, %dma_wait3A_336] : memref<80x128xi32, #tpu.memory_space<vmem>> -> memref<1x128xi32, #tpu.memory_space<vmem>>
      %dma_wait3A_338 = tpu.memref_squeeze %dma_wait3A_337 : memref<1x128xi32, #tpu.memory_space<vmem>> -> memref<128xi32, #tpu.memory_space<vmem>>
      %dma_wait3A_339 = arith.constant 0 : i32
      %dma_wait3A_340 = arith.constant 0 : i32
      %dma_wait3A_341 = tpu.memref_slice %arg2[%dma_wait3A_339, %dma_wait3A_340] : memref<10000x48xf32, #tpu.memory_space<hbm>> -> memref<10000x48xf32, #tpu.memory_space<hbm>>
      tpu.wait_indirect_dma semaphore(%arg14 : memref<!tpu.dma_semaphore, #tpu.memory_space<semaphore_mem>>) src(%dma_wait3A_341 : memref<10000x48xf32, #tpu.memory_space<hbm>>) dst(%dma_wait3A_335 : memref<128x48xf32, #tpu.memory_space<vmem>>)
      %dma_start3A_342 = arith.constant 3 : i32
      %dma_start3A_343 = arith.constant 0 : i32
      %dma_start3A_344 = arith.constant 0 : i32
      %dma_start3A_345 = tpu.memref_slice %arg9[%dma_start3A_342, %dma_start3A_343, %dma_start3A_344] : memref<10x128x48xf32, #tpu.memory_space<vmem>> -> memref<1x128x48xf32, #tpu.memory_space<vmem>>
      %dma_start3A_346 = tpu.memref_squeeze %dma_start3A_345 : memref<1x128x48xf32, #tpu.memory_space<vmem>> -> memref<128x48xf32, #tpu.memory_space<vmem>>
      %dma_start3A_347 = arith.constant 0 : i32
      %dma_start3A_348 = tpu.memref_slice %arg8[%add3A_330, %dma_start3A_347] : memref<80x128xi32, #tpu.memory_space<vmem>> -> memref<1x128xi32, #tpu.memory_space<vmem>>
      %dma_start3A_349 = tpu.memref_squeeze %dma_start3A_348 : memref<1x128xi32, #tpu.memory_space<vmem>> -> memref<128xi32, #tpu.memory_space<vmem>>
      %dma_start3A_350 = arith.constant 0 : i32
      %dma_start3A_351 = arith.constant 0 : i32
      %dma_start3A_352 = tpu.memref_slice %arg10[%dma_start3A_350, %dma_start3A_351] : memref<10240x48xf32, #tpu.memory_space<vmem_shared>> -> memref<10240x48xf32, #tpu.memory_space<vmem_shared>>
      tpu.enqueue_indirect_dma source(%dma_start3A_346 : memref<128x48xf32, #tpu.memory_space<vmem>>) target(%dma_start3A_352 : memref<10240x48xf32, #tpu.memory_space<vmem_shared>>) offsets(%dma_start3A_349 : memref<128xi32, #tpu.memory_space<vmem>>) semaphore(%arg24 : memref<!tpu.dma_semaphore, #tpu.memory_space<semaphore_mem>>) {add = true}
      %add3A_353 = arith.constant 4 : i32
      %add3A_354 = arith.addi %mul3A_256, %add3A_353 : i32
      %dma_wait3A_355 = arith.constant 4 : i32
      %dma_wait3A_356 = arith.constant 0 : i32
      %dma_wait3A_357 = arith.constant 0 : i32
      %dma_wait3A_358 = tpu.memref_slice %arg9[%dma_wait3A_355, %dma_wait3A_356, %dma_wait3A_357] : memref<10x128x48xf32, #tpu.memory_space<vmem>> -> memref<1x128x48xf32, #tpu.memory_space<vmem>>
      %dma_wait3A_359 = tpu.memref_squeeze %dma_wait3A_358 : memref<1x128x48xf32, #tpu.memory_space<vmem>> -> memref<128x48xf32, #tpu.memory_space<vmem>>
      %dma_wait3A_360 = arith.constant 0 : i32
      %dma_wait3A_361 = tpu.memref_slice %arg7[%add3A_354, %dma_wait3A_360] : memref<80x128xi32, #tpu.memory_space<vmem>> -> memref<1x128xi32, #tpu.memory_space<vmem>>
      %dma_wait3A_362 = tpu.memref_squeeze %dma_wait3A_361 : memref<1x128xi32, #tpu.memory_space<vmem>> -> memref<128xi32, #tpu.memory_space<vmem>>
      %dma_wait3A_363 = arith.constant 0 : i32
      %dma_wait3A_364 = arith.constant 0 : i32
      %dma_wait3A_365 = tpu.memref_slice %arg2[%dma_wait3A_363, %dma_wait3A_364] : memref<10000x48xf32, #tpu.memory_space<hbm>> -> memref<10000x48xf32, #tpu.memory_space<hbm>>
      tpu.wait_indirect_dma semaphore(%arg15 : memref<!tpu.dma_semaphore, #tpu.memory_space<semaphore_mem>>) src(%dma_wait3A_365 : memref<10000x48xf32, #tpu.memory_space<hbm>>) dst(%dma_wait3A_359 : memref<128x48xf32, #tpu.memory_space<vmem>>)
      %dma_start3A_366 = arith.constant 4 : i32
      %dma_start3A_367 = arith.constant 0 : i32
      %dma_start3A_368 = arith.constant 0 : i32
      %dma_start3A_369 = tpu.memref_slice %arg9[%dma_start3A_366, %dma_start3A_367, %dma_start3A_368] : memref<10x128x48xf32, #tpu.memory_space<vmem>> -> memref<1x128x48xf32, #tpu.memory_space<vmem>>
      %dma_start3A_370 = tpu.memref_squeeze %dma_start3A_369 : memref<1x128x48xf32, #tpu.memory_space<vmem>> -> memref<128x48xf32, #tpu.memory_space<vmem>>
      %dma_start3A_371 = arith.constant 0 : i32
      %dma_start3A_372 = tpu.memref_slice %arg8[%add3A_354, %dma_start3A_371] : memref<80x128xi32, #tpu.memory_space<vmem>> -> memref<1x128xi32, #tpu.memory_space<vmem>>
      %dma_start3A_373 = tpu.memref_squeeze %dma_start3A_372 : memref<1x128xi32, #tpu.memory_space<vmem>> -> memref<128xi32, #tpu.memory_space<vmem>>
      %dma_start3A_374 = arith.constant 0 : i32
      %dma_start3A_375 = arith.constant 0 : i32
      %dma_start3A_376 = tpu.memref_slice %arg10[%dma_start3A_374, %dma_start3A_375] : memref<10240x48xf32, #tpu.memory_space<vmem_shared>> -> memref<10240x48xf32, #tpu.memory_space<vmem_shared>>
      tpu.enqueue_indirect_dma source(%dma_start3A_370 : memref<128x48xf32, #tpu.memory_space<vmem>>) target(%dma_start3A_376 : memref<10240x48xf32, #tpu.memory_space<vmem_shared>>) offsets(%dma_start3A_373 : memref<128xi32, #tpu.memory_space<vmem>>) semaphore(%arg25 : memref<!tpu.dma_semaphore, #tpu.memory_space<semaphore_mem>>) {add = true}
      %add3A_377 = arith.constant 5 : i32
      %add3A_378 = arith.addi %mul3A_256, %add3A_377 : i32
      %dma_wait3A_379 = arith.constant 5 : i32
      %dma_wait3A_380 = arith.constant 0 : i32
      %dma_wait3A_381 = arith.constant 0 : i32
      %dma_wait3A_382 = tpu.memref_slice %arg9[%dma_wait3A_379, %dma_wait3A_380, %dma_wait3A_381] : memref<10x128x48xf32, #tpu.memory_space<vmem>> -> memref<1x128x48xf32, #tpu.memory_space<vmem>>
      %dma_wait3A_383 = tpu.memref_squeeze %dma_wait3A_382 : memref<1x128x48xf32, #tpu.memory_space<vmem>> -> memref<128x48xf32, #tpu.memory_space<vmem>>
      %dma_wait3A_384 = arith.constant 0 : i32
      %dma_wait3A_385 = tpu.memref_slice %arg7[%add3A_378, %dma_wait3A_384] : memref<80x128xi32, #tpu.memory_space<vmem>> -> memref<1x128xi32, #tpu.memory_space<vmem>>
      %dma_wait3A_386 = tpu.memref_squeeze %dma_wait3A_385 : memref<1x128xi32, #tpu.memory_space<vmem>> -> memref<128xi32, #tpu.memory_space<vmem>>
      %dma_wait3A_387 = arith.constant 0 : i32
      %dma_wait3A_388 = arith.constant 0 : i32
      %dma_wait3A_389 = tpu.memref_slice %arg2[%dma_wait3A_387, %dma_wait3A_388] : memref<10000x48xf32, #tpu.memory_space<hbm>> -> memref<10000x48xf32, #tpu.memory_space<hbm>>
      tpu.wait_indirect_dma semaphore(%arg16 : memref<!tpu.dma_semaphore, #tpu.memory_space<semaphore_mem>>) src(%dma_wait3A_389 : memref<10000x48xf32, #tpu.memory_space<hbm>>) dst(%dma_wait3A_383 : memref<128x48xf32, #tpu.memory_space<vmem>>)
      %dma_start3A_390 = arith.constant 5 : i32
      %dma_start3A_391 = arith.constant 0 : i32
      %dma_start3A_392 = arith.constant 0 : i32
      %dma_start3A_393 = tpu.memref_slice %arg9[%dma_start3A_390, %dma_start3A_391, %dma_start3A_392] : memref<10x128x48xf32, #tpu.memory_space<vmem>> -> memref<1x128x48xf32, #tpu.memory_space<vmem>>
      %dma_start3A_394 = tpu.memref_squeeze %dma_start3A_393 : memref<1x128x48xf32, #tpu.memory_space<vmem>> -> memref<128x48xf32, #tpu.memory_space<vmem>>
      %dma_start3A_395 = arith.constant 0 : i32
      %dma_start3A_396 = tpu.memref_slice %arg8[%add3A_378, %dma_start3A_395] : memref<80x128xi32, #tpu.memory_space<vmem>> -> memref<1x128xi32, #tpu.memory_space<vmem>>
      %dma_start3A_397 = tpu.memref_squeeze %dma_start3A_396 : memref<1x128xi32, #tpu.memory_space<vmem>> -> memref<128xi32, #tpu.memory_space<vmem>>
      %dma_start3A_398 = arith.constant 0 : i32
      %dma_start3A_399 = arith.constant 0 : i32
      %dma_start3A_400 = tpu.memref_slice %arg10[%dma_start3A_398, %dma_start3A_399] : memref<10240x48xf32, #tpu.memory_space<vmem_shared>> -> memref<10240x48xf32, #tpu.memory_space<vmem_shared>>
      tpu.enqueue_indirect_dma source(%dma_start3A_394 : memref<128x48xf32, #tpu.memory_space<vmem>>) target(%dma_start3A_400 : memref<10240x48xf32, #tpu.memory_space<vmem_shared>>) offsets(%dma_start3A_397 : memref<128xi32, #tpu.memory_space<vmem>>) semaphore(%arg26 : memref<!tpu.dma_semaphore, #tpu.memory_space<semaphore_mem>>) {add = true}
      %add3A_401 = arith.constant 6 : i32
      %add3A_402 = arith.addi %mul3A_256, %add3A_401 : i32
      %dma_wait3A_403 = arith.constant 6 : i32
      %dma_wait3A_404 = arith.constant 0 : i32
      %dma_wait3A_405 = arith.constant 0 : i32
      %dma_wait3A_406 = tpu.memref_slice %arg9[%dma_wait3A_403, %dma_wait3A_404, %dma_wait3A_405] : memref<10x128x48xf32, #tpu.memory_space<vmem>> -> memref<1x128x48xf32, #tpu.memory_space<vmem>>
      %dma_wait3A_407 = tpu.memref_squeeze %dma_wait3A_406 : memref<1x128x48xf32, #tpu.memory_space<vmem>> -> memref<128x48xf32, #tpu.memory_space<vmem>>
      %dma_wait3A_408 = arith.constant 0 : i32
      %dma_wait3A_409 = tpu.memref_slice %arg7[%add3A_402, %dma_wait3A_408] : memref<80x128xi32, #tpu.memory_space<vmem>> -> memref<1x128xi32, #tpu.memory_space<vmem>>
      %dma_wait3A_410 = tpu.memref_squeeze %dma_wait3A_409 : memref<1x128xi32, #tpu.memory_space<vmem>> -> memref<128xi32, #tpu.memory_space<vmem>>
      %dma_wait3A_411 = arith.constant 0 : i32
      %dma_wait3A_412 = arith.constant 0 : i32
      %dma_wait3A_413 = tpu.memref_slice %arg2[%dma_wait3A_411, %dma_wait3A_412] : memref<10000x48xf32, #tpu.memory_space<hbm>> -> memref<10000x48xf32, #tpu.memory_space<hbm>>
      tpu.wait_indirect_dma semaphore(%arg17 : memref<!tpu.dma_semaphore, #tpu.memory_space<semaphore_mem>>) src(%dma_wait3A_413 : memref<10000x48xf32, #tpu.memory_space<hbm>>) dst(%dma_wait3A_407 : memref<128x48xf32, #tpu.memory_space<vmem>>)
      %dma_start3A_414 = arith.constant 6 : i32
      %dma_start3A_415 = arith.constant 0 : i32
      %dma_start3A_416 = arith.constant 0 : i32
      %dma_start3A_417 = tpu.memref_slice %arg9[%dma_start3A_414, %dma_start3A_415, %dma_start3A_416] : memref<10x128x48xf32, #tpu.memory_space<vmem>> -> memref<1x128x48xf32, #tpu.memory_space<vmem>>
      %dma_start3A_418 = tpu.memref_squeeze %dma_start3A_417 : memref<1x128x48xf32, #tpu.memory_space<vmem>> -> memref<128x48xf32, #tpu.memory_space<vmem>>
      %dma_start3A_419 = arith.constant 0 : i32
      %dma_start3A_420 = tpu.memref_slice %arg8[%add3A_402, %dma_start3A_419] : memref<80x128xi32, #tpu.memory_space<vmem>> -> memref<1x128xi32, #tpu.memory_space<vmem>>
      %dma_start3A_421 = tpu.memref_squeeze %dma_start3A_420 : memref<1x128xi32, #tpu.memory_space<vmem>> -> memref<128xi32, #tpu.memory_space<vmem>>
      %dma_start3A_422 = arith.constant 0 : i32
      %dma_start3A_423 = arith.constant 0 : i32
      %dma_start3A_424 = tpu.memref_slice %arg10[%dma_start3A_422, %dma_start3A_423] : memref<10240x48xf32, #tpu.memory_space<vmem_shared>> -> memref<10240x48xf32, #tpu.memory_space<vmem_shared>>
      tpu.enqueue_indirect_dma source(%dma_start3A_418 : memref<128x48xf32, #tpu.memory_space<vmem>>) target(%dma_start3A_424 : memref<10240x48xf32, #tpu.memory_space<vmem_shared>>) offsets(%dma_start3A_421 : memref<128xi32, #tpu.memory_space<vmem>>) semaphore(%arg27 : memref<!tpu.dma_semaphore, #tpu.memory_space<semaphore_mem>>) {add = true}
      %add3A_425 = arith.constant 7 : i32
      %add3A_426 = arith.addi %mul3A_256, %add3A_425 : i32
      %dma_wait3A_427 = arith.constant 7 : i32
      %dma_wait3A_428 = arith.constant 0 : i32
      %dma_wait3A_429 = arith.constant 0 : i32
      %dma_wait3A_430 = tpu.memref_slice %arg9[%dma_wait3A_427, %dma_wait3A_428, %dma_wait3A_429] : memref<10x128x48xf32, #tpu.memory_space<vmem>> -> memref<1x128x48xf32, #tpu.memory_space<vmem>>
      %dma_wait3A_431 = tpu.memref_squeeze %dma_wait3A_430 : memref<1x128x48xf32, #tpu.memory_space<vmem>> -> memref<128x48xf32, #tpu.memory_space<vmem>>
      %dma_wait3A_432 = arith.constant 0 : i32
      %dma_wait3A_433 = tpu.memref_slice %arg7[%add3A_426, %dma_wait3A_432] : memref<80x128xi32, #tpu.memory_space<vmem>> -> memref<1x128xi32, #tpu.memory_space<vmem>>
      %dma_wait3A_434 = tpu.memref_squeeze %dma_wait3A_433 : memref<1x128xi32, #tpu.memory_space<vmem>> -> memref<128xi32, #tpu.memory_space<vmem>>
      %dma_wait3A_435 = arith.constant 0 : i32
      %dma_wait3A_436 = arith.constant 0 : i32
      %dma_wait3A_437 = tpu.memref_slice %arg2[%dma_wait3A_435, %dma_wait3A_436] : memref<10000x48xf32, #tpu.memory_space<hbm>> -> memref<10000x48xf32, #tpu.memory_space<hbm>>
      tpu.wait_indirect_dma semaphore(%arg18 : memref<!tpu.dma_semaphore, #tpu.memory_space<semaphore_mem>>) src(%dma_wait3A_437 : memref<10000x48xf32, #tpu.memory_space<hbm>>) dst(%dma_wait3A_431 : memref<128x48xf32, #tpu.memory_space<vmem>>)
      %dma_start3A_438 = arith.constant 7 : i32
      %dma_start3A_439 = arith.constant 0 : i32
      %dma_start3A_440 = arith.constant 0 : i32
      %dma_start3A_441 = tpu.memref_slice %arg9[%dma_start3A_438, %dma_start3A_439, %dma_start3A_440] : memref<10x128x48xf32, #tpu.memory_space<vmem>> -> memref<1x128x48xf32, #tpu.memory_space<vmem>>
      %dma_start3A_442 = tpu.memref_squeeze %dma_start3A_441 : memref<1x128x48xf32, #tpu.memory_space<vmem>> -> memref<128x48xf32, #tpu.memory_space<vmem>>
      %dma_start3A_443 = arith.constant 0 : i32
      %dma_start3A_444 = tpu.memref_slice %arg8[%add3A_426, %dma_start3A_443] : memref<80x128xi32, #tpu.memory_space<vmem>> -> memref<1x128xi32, #tpu.memory_space<vmem>>
      %dma_start3A_445 = tpu.memref_squeeze %dma_start3A_444 : memref<1x128xi32, #tpu.memory_space<vmem>> -> memref<128xi32, #tpu.memory_space<vmem>>
      %dma_start3A_446 = arith.constant 0 : i32
      %dma_start3A_447 = arith.constant 0 : i32
      %dma_start3A_448 = tpu.memref_slice %arg10[%dma_start3A_446, %dma_start3A_447] : memref<10240x48xf32, #tpu.memory_space<vmem_shared>> -> memref<10240x48xf32, #tpu.memory_space<vmem_shared>>
      tpu.enqueue_indirect_dma source(%dma_start3A_442 : memref<128x48xf32, #tpu.memory_space<vmem>>) target(%dma_start3A_448 : memref<10240x48xf32, #tpu.memory_space<vmem_shared>>) offsets(%dma_start3A_445 : memref<128xi32, #tpu.memory_space<vmem>>) semaphore(%arg28 : memref<!tpu.dma_semaphore, #tpu.memory_space<semaphore_mem>>) {add = true}
      %add3A_449 = arith.constant 8 : i32
      %add3A_450 = arith.addi %mul3A_256, %add3A_449 : i32
      %dma_wait3A_451 = arith.constant 8 : i32
      %dma_wait3A_452 = arith.constant 0 : i32
      %dma_wait3A_453 = arith.constant 0 : i32
      %dma_wait3A_454 = tpu.memref_slice %arg9[%dma_wait3A_451, %dma_wait3A_452, %dma_wait3A_453] : memref<10x128x48xf32, #tpu.memory_space<vmem>> -> memref<1x128x48xf32, #tpu.memory_space<vmem>>
      %dma_wait3A_455 = tpu.memref_squeeze %dma_wait3A_454 : memref<1x128x48xf32, #tpu.memory_space<vmem>> -> memref<128x48xf32, #tpu.memory_space<vmem>>
      %dma_wait3A_456 = arith.constant 0 : i32
      %dma_wait3A_457 = tpu.memref_slice %arg7[%add3A_450, %dma_wait3A_456] : memref<80x128xi32, #tpu.memory_space<vmem>> -> memref<1x128xi32, #tpu.memory_space<vmem>>
      %dma_wait3A_458 = tpu.memref_squeeze %dma_wait3A_457 : memref<1x128xi32, #tpu.memory_space<vmem>> -> memref<128xi32, #tpu.memory_space<vmem>>
      %dma_wait3A_459 = arith.constant 0 : i32
      %dma_wait3A_460 = arith.constant 0 : i32
      %dma_wait3A_461 = tpu.memref_slice %arg2[%dma_wait3A_459, %dma_wait3A_460] : memref<10000x48xf32, #tpu.memory_space<hbm>> -> memref<10000x48xf32, #tpu.memory_space<hbm>>
      tpu.wait_indirect_dma semaphore(%arg19 : memref<!tpu.dma_semaphore, #tpu.memory_space<semaphore_mem>>) src(%dma_wait3A_461 : memref<10000x48xf32, #tpu.memory_space<hbm>>) dst(%dma_wait3A_455 : memref<128x48xf32, #tpu.memory_space<vmem>>)
      %dma_start3A_462 = arith.constant 8 : i32
      %dma_start3A_463 = arith.constant 0 : i32
      %dma_start3A_464 = arith.constant 0 : i32
      %dma_start3A_465 = tpu.memref_slice %arg9[%dma_start3A_462, %dma_start3A_463, %dma_start3A_464] : memref<10x128x48xf32, #tpu.memory_space<vmem>> -> memref<1x128x48xf32, #tpu.memory_space<vmem>>
      %dma_start3A_466 = tpu.memref_squeeze %dma_start3A_465 : memref<1x128x48xf32, #tpu.memory_space<vmem>> -> memref<128x48xf32, #tpu.memory_space<vmem>>
      %dma_start3A_467 = arith.constant 0 : i32
      %dma_start3A_468 = tpu.memref_slice %arg8[%add3A_450, %dma_start3A_467] : memref<80x128xi32, #tpu.memory_space<vmem>> -> memref<1x128xi32, #tpu.memory_space<vmem>>
      %dma_start3A_469 = tpu.memref_squeeze %dma_start3A_468 : memref<1x128xi32, #tpu.memory_space<vmem>> -> memref<128xi32, #tpu.memory_space<vmem>>
      %dma_start3A_470 = arith.constant 0 : i32
      %dma_start3A_471 = arith.constant 0 : i32
      %dma_start3A_472 = tpu.memref_slice %arg10[%dma_start3A_470, %dma_start3A_471] : memref<10240x48xf32, #tpu.memory_space<vmem_shared>> -> memref<10240x48xf32, #tpu.memory_space<vmem_shared>>
      tpu.enqueue_indirect_dma source(%dma_start3A_466 : memref<128x48xf32, #tpu.memory_space<vmem>>) target(%dma_start3A_472 : memref<10240x48xf32, #tpu.memory_space<vmem_shared>>) offsets(%dma_start3A_469 : memref<128xi32, #tpu.memory_space<vmem>>) semaphore(%arg29 : memref<!tpu.dma_semaphore, #tpu.memory_space<semaphore_mem>>) {add = true}
      %add3A_473 = arith.constant 9 : i32
      %add3A_474 = arith.addi %mul3A_256, %add3A_473 : i32
      %dma_wait3A_475 = arith.constant 9 : i32
      %dma_wait3A_476 = arith.constant 0 : i32
      %dma_wait3A_477 = arith.constant 0 : i32
      %dma_wait3A_478 = tpu.memref_slice %arg9[%dma_wait3A_475, %dma_wait3A_476, %dma_wait3A_477] : memref<10x128x48xf32, #tpu.memory_space<vmem>> -> memref<1x128x48xf32, #tpu.memory_space<vmem>>
      %dma_wait3A_479 = tpu.memref_squeeze %dma_wait3A_478 : memref<1x128x48xf32, #tpu.memory_space<vmem>> -> memref<128x48xf32, #tpu.memory_space<vmem>>
      %dma_wait3A_480 = arith.constant 0 : i32
      %dma_wait3A_481 = tpu.memref_slice %arg7[%add3A_474, %dma_wait3A_480] : memref<80x128xi32, #tpu.memory_space<vmem>> -> memref<1x128xi32, #tpu.memory_space<vmem>>
      %dma_wait3A_482 = tpu.memref_squeeze %dma_wait3A_481 : memref<1x128xi32, #tpu.memory_space<vmem>> -> memref<128xi32, #tpu.memory_space<vmem>>
      %dma_wait3A_483 = arith.constant 0 : i32
      %dma_wait3A_484 = arith.constant 0 : i32
      %dma_wait3A_485 = tpu.memref_slice %arg2[%dma_wait3A_483, %dma_wait3A_484] : memref<10000x48xf32, #tpu.memory_space<hbm>> -> memref<10000x48xf32, #tpu.memory_space<hbm>>
      tpu.wait_indirect_dma semaphore(%arg20 : memref<!tpu.dma_semaphore, #tpu.memory_space<semaphore_mem>>) src(%dma_wait3A_485 : memref<10000x48xf32, #tpu.memory_space<hbm>>) dst(%dma_wait3A_479 : memref<128x48xf32, #tpu.memory_space<vmem>>)
      %dma_start3A_486 = arith.constant 9 : i32
      %dma_start3A_487 = arith.constant 0 : i32
      %dma_start3A_488 = arith.constant 0 : i32
      %dma_start3A_489 = tpu.memref_slice %arg9[%dma_start3A_486, %dma_start3A_487, %dma_start3A_488] : memref<10x128x48xf32, #tpu.memory_space<vmem>> -> memref<1x128x48xf32, #tpu.memory_space<vmem>>
      %dma_start3A_490 = tpu.memref_squeeze %dma_start3A_489 : memref<1x128x48xf32, #tpu.memory_space<vmem>> -> memref<128x48xf32, #tpu.memory_space<vmem>>
      %dma_start3A_491 = arith.constant 0 : i32
      %dma_start3A_492 = tpu.memref_slice %arg8[%add3A_474, %dma_start3A_491] : memref<80x128xi32, #tpu.memory_space<vmem>> -> memref<1x128xi32, #tpu.memory_space<vmem>>
      %dma_start3A_493 = tpu.memref_squeeze %dma_start3A_492 : memref<1x128xi32, #tpu.memory_space<vmem>> -> memref<128xi32, #tpu.memory_space<vmem>>
      %dma_start3A_494 = arith.constant 0 : i32
      %dma_start3A_495 = arith.constant 0 : i32
      %dma_start3A_496 = tpu.memref_slice %arg10[%dma_start3A_494, %dma_start3A_495] : memref<10240x48xf32, #tpu.memory_space<vmem_shared>> -> memref<10240x48xf32, #tpu.memory_space<vmem_shared>>
      tpu.enqueue_indirect_dma source(%dma_start3A_490 : memref<128x48xf32, #tpu.memory_space<vmem>>) target(%dma_start3A_496 : memref<10240x48xf32, #tpu.memory_space<vmem_shared>>) offsets(%dma_start3A_493 : memref<128xi32, #tpu.memory_space<vmem>>) semaphore(%arg30 : memref<!tpu.dma_semaphore, #tpu.memory_space<semaphore_mem>>) {add = true}
      %add3A_497 = arith.constant 10 : i32
      %add3A_498 = arith.addi %mul3A_256, %add3A_497 : i32
      %add3A_499 = arith.constant 0 : i32
      %add3A_500 = arith.addi %add3A_498, %add3A_499 : i32
      %lt3A = arith.constant 80 : i32
      %lt3A_501 = arith.cmpi slt, %add3A_500, %lt3A : i32
      %convert_element_type3A = arith.extui %lt3A_501 : i1 to i32
      %cond3A = arith.constant 0 : i32
      %cond3A_502 = arith.constant 0 : i32
      %cond3A_503 = arith.cmpi ne, %convert_element_type3A, %cond3A_502 : i32
      scf.if %cond3A_503 {
        %dma_wait3A_594 = arith.constant 0 : i32
        %dma_wait3A_595 = arith.constant 0 : i32
        %dma_wait3A_596 = tpu.memref_slice %arg9[%cond3A, %dma_wait3A_594, %dma_wait3A_595] : memref<10x128x48xf32, #tpu.memory_space<vmem>> -> memref<1x128x48xf32, #tpu.memory_space<vmem>>
        %dma_wait3A_597 = tpu.memref_squeeze %dma_wait3A_596 : memref<1x128x48xf32, #tpu.memory_space<vmem>> -> memref<128x48xf32, #tpu.memory_space<vmem>>
        %dma_wait3A_598 = arith.constant 0 : i32
        %dma_wait3A_599 = tpu.memref_slice %arg8[%add3A_258, %dma_wait3A_598] : memref<80x128xi32, #tpu.memory_space<vmem>> -> memref<1x128xi32, #tpu.memory_space<vmem>>
        %dma_wait3A_600 = tpu.memref_squeeze %dma_wait3A_599 : memref<1x128xi32, #tpu.memory_space<vmem>> -> memref<128xi32, #tpu.memory_space<vmem>>
        %dma_wait3A_601 = arith.constant 0 : i32
        %dma_wait3A_602 = arith.constant 0 : i32
        %dma_wait3A_603 = tpu.memref_slice %arg10[%dma_wait3A_601, %dma_wait3A_602] : memref<10240x48xf32, #tpu.memory_space<vmem_shared>> -> memref<10240x48xf32, #tpu.memory_space<vmem_shared>>
        tpu.wait_indirect_dma semaphore(%arg21 : memref<!tpu.dma_semaphore, #tpu.memory_space<semaphore_mem>>) src(%dma_wait3A_597 : memref<128x48xf32, #tpu.memory_space<vmem>>) dst(%dma_wait3A_603 : memref<10240x48xf32, #tpu.memory_space<vmem_shared>>)
        %dma_start3A_604 = arith.constant 0 : i32
        %dma_start3A_605 = arith.constant 0 : i32
        %dma_start3A_606 = arith.constant 0 : i32
        %dma_start3A_607 = tpu.memref_slice %arg9[%dma_start3A_604, %dma_start3A_605, %dma_start3A_606] : memref<10x128x48xf32, #tpu.memory_space<vmem>> -> memref<1x128x48xf32, #tpu.memory_space<vmem>>
        %dma_start3A_608 = tpu.memref_squeeze %dma_start3A_607 : memref<1x128x48xf32, #tpu.memory_space<vmem>> -> memref<128x48xf32, #tpu.memory_space<vmem>>
        %dma_start3A_609 = arith.constant 0 : i32
        %dma_start3A_610 = tpu.memref_slice %arg7[%add3A_500, %dma_start3A_609] : memref<80x128xi32, #tpu.memory_space<vmem>> -> memref<1x128xi32, #tpu.memory_space<vmem>>
        %dma_start3A_611 = tpu.memref_squeeze %dma_start3A_610 : memref<1x128xi32, #tpu.memory_space<vmem>> -> memref<128xi32, #tpu.memory_space<vmem>>
        %dma_start3A_612 = arith.constant 0 : i32
        %dma_start3A_613 = arith.constant 0 : i32
        %dma_start3A_614 = tpu.memref_slice %arg2[%dma_start3A_612, %dma_start3A_613] : memref<10000x48xf32, #tpu.memory_space<hbm>> -> memref<10000x48xf32, #tpu.memory_space<hbm>>
        tpu.enqueue_indirect_dma source(%dma_start3A_614 : memref<10000x48xf32, #tpu.memory_space<hbm>>) target(%dma_start3A_608 : memref<128x48xf32, #tpu.memory_space<vmem>>) offsets(%dma_start3A_611 : memref<128xi32, #tpu.memory_space<vmem>>) semaphore(%arg11 : memref<!tpu.dma_semaphore, #tpu.memory_space<semaphore_mem>>)
      } else {
      }
      %add3A_504 = arith.constant 10 : i32
      %add3A_505 = arith.addi %mul3A_256, %add3A_504 : i32
      %add3A_506 = arith.constant 1 : i32
      %add3A_507 = arith.addi %add3A_505, %add3A_506 : i32
      %lt3A_508 = arith.constant 80 : i32
      %lt3A_509 = arith.cmpi slt, %add3A_507, %lt3A_508 : i32
      %convert_element_type3A_510 = arith.extui %lt3A_509 : i1 to i32
      %cond3A_511 = arith.constant 1 : i32
      %cond3A_512 = arith.constant 0 : i32
      %cond3A_513 = arith.cmpi ne, %convert_element_type3A_510, %cond3A_512 : i32
      scf.if %cond3A_513 {
        %dma_wait3A_594 = arith.constant 0 : i32
        %dma_wait3A_595 = arith.constant 0 : i32
        %dma_wait3A_596 = tpu.memref_slice %arg9[%cond3A_511, %dma_wait3A_594, %dma_wait3A_595] : memref<10x128x48xf32, #tpu.memory_space<vmem>> -> memref<1x128x48xf32, #tpu.memory_space<vmem>>
        %dma_wait3A_597 = tpu.memref_squeeze %dma_wait3A_596 : memref<1x128x48xf32, #tpu.memory_space<vmem>> -> memref<128x48xf32, #tpu.memory_space<vmem>>
        %dma_wait3A_598 = arith.constant 0 : i32
        %dma_wait3A_599 = tpu.memref_slice %arg8[%add3A_282, %dma_wait3A_598] : memref<80x128xi32, #tpu.memory_space<vmem>> -> memref<1x128xi32, #tpu.memory_space<vmem>>
        %dma_wait3A_600 = tpu.memref_squeeze %dma_wait3A_599 : memref<1x128xi32, #tpu.memory_space<vmem>> -> memref<128xi32, #tpu.memory_space<vmem>>
        %dma_wait3A_601 = arith.constant 0 : i32
        %dma_wait3A_602 = arith.constant 0 : i32
        %dma_wait3A_603 = tpu.memref_slice %arg10[%dma_wait3A_601, %dma_wait3A_602] : memref<10240x48xf32, #tpu.memory_space<vmem_shared>> -> memref<10240x48xf32, #tpu.memory_space<vmem_shared>>
        tpu.wait_indirect_dma semaphore(%arg22 : memref<!tpu.dma_semaphore, #tpu.memory_space<semaphore_mem>>) src(%dma_wait3A_597 : memref<128x48xf32, #tpu.memory_space<vmem>>) dst(%dma_wait3A_603 : memref<10240x48xf32, #tpu.memory_space<vmem_shared>>)
        %dma_start3A_604 = arith.constant 1 : i32
        %dma_start3A_605 = arith.constant 0 : i32
        %dma_start3A_606 = arith.constant 0 : i32
        %dma_start3A_607 = tpu.memref_slice %arg9[%dma_start3A_604, %dma_start3A_605, %dma_start3A_606] : memref<10x128x48xf32, #tpu.memory_space<vmem>> -> memref<1x128x48xf32, #tpu.memory_space<vmem>>
        %dma_start3A_608 = tpu.memref_squeeze %dma_start3A_607 : memref<1x128x48xf32, #tpu.memory_space<vmem>> -> memref<128x48xf32, #tpu.memory_space<vmem>>
        %dma_start3A_609 = arith.constant 0 : i32
        %dma_start3A_610 = tpu.memref_slice %arg7[%add3A_507, %dma_start3A_609] : memref<80x128xi32, #tpu.memory_space<vmem>> -> memref<1x128xi32, #tpu.memory_space<vmem>>
        %dma_start3A_611 = tpu.memref_squeeze %dma_start3A_610 : memref<1x128xi32, #tpu.memory_space<vmem>> -> memref<128xi32, #tpu.memory_space<vmem>>
        %dma_start3A_612 = arith.constant 0 : i32
        %dma_start3A_613 = arith.constant 0 : i32
        %dma_start3A_614 = tpu.memref_slice %arg2[%dma_start3A_612, %dma_start3A_613] : memref<10000x48xf32, #tpu.memory_space<hbm>> -> memref<10000x48xf32, #tpu.memory_space<hbm>>
        tpu.enqueue_indirect_dma source(%dma_start3A_614 : memref<10000x48xf32, #tpu.memory_space<hbm>>) target(%dma_start3A_608 : memref<128x48xf32, #tpu.memory_space<vmem>>) offsets(%dma_start3A_611 : memref<128xi32, #tpu.memory_space<vmem>>) semaphore(%arg12 : memref<!tpu.dma_semaphore, #tpu.memory_space<semaphore_mem>>)
      } else {
      }
      %add3A_514 = arith.constant 10 : i32
      %add3A_515 = arith.addi %mul3A_256, %add3A_514 : i32
      %add3A_516 = arith.constant 2 : i32
      %add3A_517 = arith.addi %add3A_515, %add3A_516 : i32
      %lt3A_518 = arith.constant 80 : i32
      %lt3A_519 = arith.cmpi slt, %add3A_517, %lt3A_518 : i32
      %convert_element_type3A_520 = arith.extui %lt3A_519 : i1 to i32
      %cond3A_521 = arith.constant 2 : i32
      %cond3A_522 = arith.constant 0 : i32
      %cond3A_523 = arith.cmpi ne, %convert_element_type3A_520, %cond3A_522 : i32
      scf.if %cond3A_523 {
        %dma_wait3A_594 = arith.constant 0 : i32
        %dma_wait3A_595 = arith.constant 0 : i32
        %dma_wait3A_596 = tpu.memref_slice %arg9[%cond3A_521, %dma_wait3A_594, %dma_wait3A_595] : memref<10x128x48xf32, #tpu.memory_space<vmem>> -> memref<1x128x48xf32, #tpu.memory_space<vmem>>
        %dma_wait3A_597 = tpu.memref_squeeze %dma_wait3A_596 : memref<1x128x48xf32, #tpu.memory_space<vmem>> -> memref<128x48xf32, #tpu.memory_space<vmem>>
        %dma_wait3A_598 = arith.constant 0 : i32
        %dma_wait3A_599 = tpu.memref_slice %arg8[%add3A_306, %dma_wait3A_598] : memref<80x128xi32, #tpu.memory_space<vmem>> -> memref<1x128xi32, #tpu.memory_space<vmem>>
        %dma_wait3A_600 = tpu.memref_squeeze %dma_wait3A_599 : memref<1x128xi32, #tpu.memory_space<vmem>> -> memref<128xi32, #tpu.memory_space<vmem>>
        %dma_wait3A_601 = arith.constant 0 : i32
        %dma_wait3A_602 = arith.constant 0 : i32
        %dma_wait3A_603 = tpu.memref_slice %arg10[%dma_wait3A_601, %dma_wait3A_602] : memref<10240x48xf32, #tpu.memory_space<vmem_shared>> -> memref<10240x48xf32, #tpu.memory_space<vmem_shared>>
        tpu.wait_indirect_dma semaphore(%arg23 : memref<!tpu.dma_semaphore, #tpu.memory_space<semaphore_mem>>) src(%dma_wait3A_597 : memref<128x48xf32, #tpu.memory_space<vmem>>) dst(%dma_wait3A_603 : memref<10240x48xf32, #tpu.memory_space<vmem_shared>>)
        %dma_start3A_604 = arith.constant 2 : i32
        %dma_start3A_605 = arith.constant 0 : i32
        %dma_start3A_606 = arith.constant 0 : i32
        %dma_start3A_607 = tpu.memref_slice %arg9[%dma_start3A_604, %dma_start3A_605, %dma_start3A_606] : memref<10x128x48xf32, #tpu.memory_space<vmem>> -> memref<1x128x48xf32, #tpu.memory_space<vmem>>
        %dma_start3A_608 = tpu.memref_squeeze %dma_start3A_607 : memref<1x128x48xf32, #tpu.memory_space<vmem>> -> memref<128x48xf32, #tpu.memory_space<vmem>>
        %dma_start3A_609 = arith.constant 0 : i32
        %dma_start3A_610 = tpu.memref_slice %arg7[%add3A_517, %dma_start3A_609] : memref<80x128xi32, #tpu.memory_space<vmem>> -> memref<1x128xi32, #tpu.memory_space<vmem>>
        %dma_start3A_611 = tpu.memref_squeeze %dma_start3A_610 : memref<1x128xi32, #tpu.memory_space<vmem>> -> memref<128xi32, #tpu.memory_space<vmem>>
        %dma_start3A_612 = arith.constant 0 : i32
        %dma_start3A_613 = arith.constant 0 : i32
        %dma_start3A_614 = tpu.memref_slice %arg2[%dma_start3A_612, %dma_start3A_613] : memref<10000x48xf32, #tpu.memory_space<hbm>> -> memref<10000x48xf32, #tpu.memory_space<hbm>>
        tpu.enqueue_indirect_dma source(%dma_start3A_614 : memref<10000x48xf32, #tpu.memory_space<hbm>>) target(%dma_start3A_608 : memref<128x48xf32, #tpu.memory_space<vmem>>) offsets(%dma_start3A_611 : memref<128xi32, #tpu.memory_space<vmem>>) semaphore(%arg13 : memref<!tpu.dma_semaphore, #tpu.memory_space<semaphore_mem>>)
      } else {
      }
      %add3A_524 = arith.constant 10 : i32
      %add3A_525 = arith.addi %mul3A_256, %add3A_524 : i32
      %add3A_526 = arith.constant 3 : i32
      %add3A_527 = arith.addi %add3A_525, %add3A_526 : i32
      %lt3A_528 = arith.constant 80 : i32
      %lt3A_529 = arith.cmpi slt, %add3A_527, %lt3A_528 : i32
      %convert_element_type3A_530 = arith.extui %lt3A_529 : i1 to i32
      %cond3A_531 = arith.constant 3 : i32
      %cond3A_532 = arith.constant 0 : i32
      %cond3A_533 = arith.cmpi ne, %convert_element_type3A_530, %cond3A_532 : i32
      scf.if %cond3A_533 {
        %dma_wait3A_594 = arith.constant 0 : i32
        %dma_wait3A_595 = arith.constant 0 : i32
        %dma_wait3A_596 = tpu.memref_slice %arg9[%cond3A_531, %dma_wait3A_594, %dma_wait3A_595] : memref<10x128x48xf32, #tpu.memory_space<vmem>> -> memref<1x128x48xf32, #tpu.memory_space<vmem>>
        %dma_wait3A_597 = tpu.memref_squeeze %dma_wait3A_596 : memref<1x128x48xf32, #tpu.memory_space<vmem>> -> memref<128x48xf32, #tpu.memory_space<vmem>>
        %dma_wait3A_598 = arith.constant 0 : i32
        %dma_wait3A_599 = tpu.memref_slice %arg8[%add3A_330, %dma_wait3A_598] : memref<80x128xi32, #tpu.memory_space<vmem>> -> memref<1x128xi32, #tpu.memory_space<vmem>>
        %dma_wait3A_600 = tpu.memref_squeeze %dma_wait3A_599 : memref<1x128xi32, #tpu.memory_space<vmem>> -> memref<128xi32, #tpu.memory_space<vmem>>
        %dma_wait3A_601 = arith.constant 0 : i32
        %dma_wait3A_602 = arith.constant 0 : i32
        %dma_wait3A_603 = tpu.memref_slice %arg10[%dma_wait3A_601, %dma_wait3A_602] : memref<10240x48xf32, #tpu.memory_space<vmem_shared>> -> memref<10240x48xf32, #tpu.memory_space<vmem_shared>>
        tpu.wait_indirect_dma semaphore(%arg24 : memref<!tpu.dma_semaphore, #tpu.memory_space<semaphore_mem>>) src(%dma_wait3A_597 : memref<128x48xf32, #tpu.memory_space<vmem>>) dst(%dma_wait3A_603 : memref<10240x48xf32, #tpu.memory_space<vmem_shared>>)
        %dma_start3A_604 = arith.constant 3 : i32
        %dma_start3A_605 = arith.constant 0 : i32
        %dma_start3A_606 = arith.constant 0 : i32
        %dma_start3A_607 = tpu.memref_slice %arg9[%dma_start3A_604, %dma_start3A_605, %dma_start3A_606] : memref<10x128x48xf32, #tpu.memory_space<vmem>> -> memref<1x128x48xf32, #tpu.memory_space<vmem>>
        %dma_start3A_608 = tpu.memref_squeeze %dma_start3A_607 : memref<1x128x48xf32, #tpu.memory_space<vmem>> -> memref<128x48xf32, #tpu.memory_space<vmem>>
        %dma_start3A_609 = arith.constant 0 : i32
        %dma_start3A_610 = tpu.memref_slice %arg7[%add3A_527, %dma_start3A_609] : memref<80x128xi32, #tpu.memory_space<vmem>> -> memref<1x128xi32, #tpu.memory_space<vmem>>
        %dma_start3A_611 = tpu.memref_squeeze %dma_start3A_610 : memref<1x128xi32, #tpu.memory_space<vmem>> -> memref<128xi32, #tpu.memory_space<vmem>>
        %dma_start3A_612 = arith.constant 0 : i32
        %dma_start3A_613 = arith.constant 0 : i32
        %dma_start3A_614 = tpu.memref_slice %arg2[%dma_start3A_612, %dma_start3A_613] : memref<10000x48xf32, #tpu.memory_space<hbm>> -> memref<10000x48xf32, #tpu.memory_space<hbm>>
        tpu.enqueue_indirect_dma source(%dma_start3A_614 : memref<10000x48xf32, #tpu.memory_space<hbm>>) target(%dma_start3A_608 : memref<128x48xf32, #tpu.memory_space<vmem>>) offsets(%dma_start3A_611 : memref<128xi32, #tpu.memory_space<vmem>>) semaphore(%arg14 : memref<!tpu.dma_semaphore, #tpu.memory_space<semaphore_mem>>)
      } else {
      }
      %add3A_534 = arith.constant 10 : i32
      %add3A_535 = arith.addi %mul3A_256, %add3A_534 : i32
      %add3A_536 = arith.constant 4 : i32
      %add3A_537 = arith.addi %add3A_535, %add3A_536 : i32
      %lt3A_538 = arith.constant 80 : i32
      %lt3A_539 = arith.cmpi slt, %add3A_537, %lt3A_538 : i32
      %convert_element_type3A_540 = arith.extui %lt3A_539 : i1 to i32
      %cond3A_541 = arith.constant 4 : i32
      %cond3A_542 = arith.constant 0 : i32
      %cond3A_543 = arith.cmpi ne, %convert_element_type3A_540, %cond3A_542 : i32
      scf.if %cond3A_543 {
        %dma_wait3A_594 = arith.constant 0 : i32
        %dma_wait3A_595 = arith.constant 0 : i32
        %dma_wait3A_596 = tpu.memref_slice %arg9[%cond3A_541, %dma_wait3A_594, %dma_wait3A_595] : memref<10x128x48xf32, #tpu.memory_space<vmem>> -> memref<1x128x48xf32, #tpu.memory_space<vmem>>
        %dma_wait3A_597 = tpu.memref_squeeze %dma_wait3A_596 : memref<1x128x48xf32, #tpu.memory_space<vmem>> -> memref<128x48xf32, #tpu.memory_space<vmem>>
        %dma_wait3A_598 = arith.constant 0 : i32
        %dma_wait3A_599 = tpu.memref_slice %arg8[%add3A_354, %dma_wait3A_598] : memref<80x128xi32, #tpu.memory_space<vmem>> -> memref<1x128xi32, #tpu.memory_space<vmem>>
        %dma_wait3A_600 = tpu.memref_squeeze %dma_wait3A_599 : memref<1x128xi32, #tpu.memory_space<vmem>> -> memref<128xi32, #tpu.memory_space<vmem>>
        %dma_wait3A_601 = arith.constant 0 : i32
        %dma_wait3A_602 = arith.constant 0 : i32
        %dma_wait3A_603 = tpu.memref_slice %arg10[%dma_wait3A_601, %dma_wait3A_602] : memref<10240x48xf32, #tpu.memory_space<vmem_shared>> -> memref<10240x48xf32, #tpu.memory_space<vmem_shared>>
        tpu.wait_indirect_dma semaphore(%arg25 : memref<!tpu.dma_semaphore, #tpu.memory_space<semaphore_mem>>) src(%dma_wait3A_597 : memref<128x48xf32, #tpu.memory_space<vmem>>) dst(%dma_wait3A_603 : memref<10240x48xf32, #tpu.memory_space<vmem_shared>>)
        %dma_start3A_604 = arith.constant 4 : i32
        %dma_start3A_605 = arith.constant 0 : i32
        %dma_start3A_606 = arith.constant 0 : i32
        %dma_start3A_607 = tpu.memref_slice %arg9[%dma_start3A_604, %dma_start3A_605, %dma_start3A_606] : memref<10x128x48xf32, #tpu.memory_space<vmem>> -> memref<1x128x48xf32, #tpu.memory_space<vmem>>
        %dma_start3A_608 = tpu.memref_squeeze %dma_start3A_607 : memref<1x128x48xf32, #tpu.memory_space<vmem>> -> memref<128x48xf32, #tpu.memory_space<vmem>>
        %dma_start3A_609 = arith.constant 0 : i32
        %dma_start3A_610 = tpu.memref_slice %arg7[%add3A_537, %dma_start3A_609] : memref<80x128xi32, #tpu.memory_space<vmem>> -> memref<1x128xi32, #tpu.memory_space<vmem>>
        %dma_start3A_611 = tpu.memref_squeeze %dma_start3A_610 : memref<1x128xi32, #tpu.memory_space<vmem>> -> memref<128xi32, #tpu.memory_space<vmem>>
        %dma_start3A_612 = arith.constant 0 : i32
        %dma_start3A_613 = arith.constant 0 : i32
        %dma_start3A_614 = tpu.memref_slice %arg2[%dma_start3A_612, %dma_start3A_613] : memref<10000x48xf32, #tpu.memory_space<hbm>> -> memref<10000x48xf32, #tpu.memory_space<hbm>>
        tpu.enqueue_indirect_dma source(%dma_start3A_614 : memref<10000x48xf32, #tpu.memory_space<hbm>>) target(%dma_start3A_608 : memref<128x48xf32, #tpu.memory_space<vmem>>) offsets(%dma_start3A_611 : memref<128xi32, #tpu.memory_space<vmem>>) semaphore(%arg15 : memref<!tpu.dma_semaphore, #tpu.memory_space<semaphore_mem>>)
      } else {
      }
      %add3A_544 = arith.constant 10 : i32
      %add3A_545 = arith.addi %mul3A_256, %add3A_544 : i32
      %add3A_546 = arith.constant 5 : i32
      %add3A_547 = arith.addi %add3A_545, %add3A_546 : i32
      %lt3A_548 = arith.constant 80 : i32
      %lt3A_549 = arith.cmpi slt, %add3A_547, %lt3A_548 : i32
      %convert_element_type3A_550 = arith.extui %lt3A_549 : i1 to i32
      %cond3A_551 = arith.constant 5 : i32
      %cond3A_552 = arith.constant 0 : i32
      %cond3A_553 = arith.cmpi ne, %convert_element_type3A_550, %cond3A_552 : i32
      scf.if %cond3A_553 {
        %dma_wait3A_594 = arith.constant 0 : i32
        %dma_wait3A_595 = arith.constant 0 : i32
        %dma_wait3A_596 = tpu.memref_slice %arg9[%cond3A_551, %dma_wait3A_594, %dma_wait3A_595] : memref<10x128x48xf32, #tpu.memory_space<vmem>> -> memref<1x128x48xf32, #tpu.memory_space<vmem>>
        %dma_wait3A_597 = tpu.memref_squeeze %dma_wait3A_596 : memref<1x128x48xf32, #tpu.memory_space<vmem>> -> memref<128x48xf32, #tpu.memory_space<vmem>>
        %dma_wait3A_598 = arith.constant 0 : i32
        %dma_wait3A_599 = tpu.memref_slice %arg8[%add3A_378, %dma_wait3A_598] : memref<80x128xi32, #tpu.memory_space<vmem>> -> memref<1x128xi32, #tpu.memory_space<vmem>>
        %dma_wait3A_600 = tpu.memref_squeeze %dma_wait3A_599 : memref<1x128xi32, #tpu.memory_space<vmem>> -> memref<128xi32, #tpu.memory_space<vmem>>
        %dma_wait3A_601 = arith.constant 0 : i32
        %dma_wait3A_602 = arith.constant 0 : i32
        %dma_wait3A_603 = tpu.memref_slice %arg10[%dma_wait3A_601, %dma_wait3A_602] : memref<10240x48xf32, #tpu.memory_space<vmem_shared>> -> memref<10240x48xf32, #tpu.memory_space<vmem_shared>>
        tpu.wait_indirect_dma semaphore(%arg26 : memref<!tpu.dma_semaphore, #tpu.memory_space<semaphore_mem>>) src(%dma_wait3A_597 : memref<128x48xf32, #tpu.memory_space<vmem>>) dst(%dma_wait3A_603 : memref<10240x48xf32, #tpu.memory_space<vmem_shared>>)
        %dma_start3A_604 = arith.constant 5 : i32
        %dma_start3A_605 = arith.constant 0 : i32
        %dma_start3A_606 = arith.constant 0 : i32
        %dma_start3A_607 = tpu.memref_slice %arg9[%dma_start3A_604, %dma_start3A_605, %dma_start3A_606] : memref<10x128x48xf32, #tpu.memory_space<vmem>> -> memref<1x128x48xf32, #tpu.memory_space<vmem>>
        %dma_start3A_608 = tpu.memref_squeeze %dma_start3A_607 : memref<1x128x48xf32, #tpu.memory_space<vmem>> -> memref<128x48xf32, #tpu.memory_space<vmem>>
        %dma_start3A_609 = arith.constant 0 : i32
        %dma_start3A_610 = tpu.memref_slice %arg7[%add3A_547, %dma_start3A_609] : memref<80x128xi32, #tpu.memory_space<vmem>> -> memref<1x128xi32, #tpu.memory_space<vmem>>
        %dma_start3A_611 = tpu.memref_squeeze %dma_start3A_610 : memref<1x128xi32, #tpu.memory_space<vmem>> -> memref<128xi32, #tpu.memory_space<vmem>>
        %dma_start3A_612 = arith.constant 0 : i32
        %dma_start3A_613 = arith.constant 0 : i32
        %dma_start3A_614 = tpu.memref_slice %arg2[%dma_start3A_612, %dma_start3A_613] : memref<10000x48xf32, #tpu.memory_space<hbm>> -> memref<10000x48xf32, #tpu.memory_space<hbm>>
        tpu.enqueue_indirect_dma source(%dma_start3A_614 : memref<10000x48xf32, #tpu.memory_space<hbm>>) target(%dma_start3A_608 : memref<128x48xf32, #tpu.memory_space<vmem>>) offsets(%dma_start3A_611 : memref<128xi32, #tpu.memory_space<vmem>>) semaphore(%arg16 : memref<!tpu.dma_semaphore, #tpu.memory_space<semaphore_mem>>)
      } else {
      }
      %add3A_554 = arith.constant 10 : i32
      %add3A_555 = arith.addi %mul3A_256, %add3A_554 : i32
      %add3A_556 = arith.constant 6 : i32
      %add3A_557 = arith.addi %add3A_555, %add3A_556 : i32
      %lt3A_558 = arith.constant 80 : i32
      %lt3A_559 = arith.cmpi slt, %add3A_557, %lt3A_558 : i32
      %convert_element_type3A_560 = arith.extui %lt3A_559 : i1 to i32
      %cond3A_561 = arith.constant 6 : i32
      %cond3A_562 = arith.constant 0 : i32
      %cond3A_563 = arith.cmpi ne, %convert_element_type3A_560, %cond3A_562 : i32
      scf.if %cond3A_563 {
        %dma_wait3A_594 = arith.constant 0 : i32
        %dma_wait3A_595 = arith.constant 0 : i32
        %dma_wait3A_596 = tpu.memref_slice %arg9[%cond3A_561, %dma_wait3A_594, %dma_wait3A_595] : memref<10x128x48xf32, #tpu.memory_space<vmem>> -> memref<1x128x48xf32, #tpu.memory_space<vmem>>
        %dma_wait3A_597 = tpu.memref_squeeze %dma_wait3A_596 : memref<1x128x48xf32, #tpu.memory_space<vmem>> -> memref<128x48xf32, #tpu.memory_space<vmem>>
        %dma_wait3A_598 = arith.constant 0 : i32
        %dma_wait3A_599 = tpu.memref_slice %arg8[%add3A_402, %dma_wait3A_598] : memref<80x128xi32, #tpu.memory_space<vmem>> -> memref<1x128xi32, #tpu.memory_space<vmem>>
        %dma_wait3A_600 = tpu.memref_squeeze %dma_wait3A_599 : memref<1x128xi32, #tpu.memory_space<vmem>> -> memref<128xi32, #tpu.memory_space<vmem>>
        %dma_wait3A_601 = arith.constant 0 : i32
        %dma_wait3A_602 = arith.constant 0 : i32
        %dma_wait3A_603 = tpu.memref_slice %arg10[%dma_wait3A_601, %dma_wait3A_602] : memref<10240x48xf32, #tpu.memory_space<vmem_shared>> -> memref<10240x48xf32, #tpu.memory_space<vmem_shared>>
        tpu.wait_indirect_dma semaphore(%arg27 : memref<!tpu.dma_semaphore, #tpu.memory_space<semaphore_mem>>) src(%dma_wait3A_597 : memref<128x48xf32, #tpu.memory_space<vmem>>) dst(%dma_wait3A_603 : memref<10240x48xf32, #tpu.memory_space<vmem_shared>>)
        %dma_start3A_604 = arith.constant 6 : i32
        %dma_start3A_605 = arith.constant 0 : i32
        %dma_start3A_606 = arith.constant 0 : i32
        %dma_start3A_607 = tpu.memref_slice %arg9[%dma_start3A_604, %dma_start3A_605, %dma_start3A_606] : memref<10x128x48xf32, #tpu.memory_space<vmem>> -> memref<1x128x48xf32, #tpu.memory_space<vmem>>
        %dma_start3A_608 = tpu.memref_squeeze %dma_start3A_607 : memref<1x128x48xf32, #tpu.memory_space<vmem>> -> memref<128x48xf32, #tpu.memory_space<vmem>>
        %dma_start3A_609 = arith.constant 0 : i32
        %dma_start3A_610 = tpu.memref_slice %arg7[%add3A_557, %dma_start3A_609] : memref<80x128xi32, #tpu.memory_space<vmem>> -> memref<1x128xi32, #tpu.memory_space<vmem>>
        %dma_start3A_611 = tpu.memref_squeeze %dma_start3A_610 : memref<1x128xi32, #tpu.memory_space<vmem>> -> memref<128xi32, #tpu.memory_space<vmem>>
        %dma_start3A_612 = arith.constant 0 : i32
        %dma_start3A_613 = arith.constant 0 : i32
        %dma_start3A_614 = tpu.memref_slice %arg2[%dma_start3A_612, %dma_start3A_613] : memref<10000x48xf32, #tpu.memory_space<hbm>> -> memref<10000x48xf32, #tpu.memory_space<hbm>>
        tpu.enqueue_indirect_dma source(%dma_start3A_614 : memref<10000x48xf32, #tpu.memory_space<hbm>>) target(%dma_start3A_608 : memref<128x48xf32, #tpu.memory_space<vmem>>) offsets(%dma_start3A_611 : memref<128xi32, #tpu.memory_space<vmem>>) semaphore(%arg17 : memref<!tpu.dma_semaphore, #tpu.memory_space<semaphore_mem>>)
      } else {
      }
      %add3A_564 = arith.constant 10 : i32
      %add3A_565 = arith.addi %mul3A_256, %add3A_564 : i32
      %add3A_566 = arith.constant 7 : i32
      %add3A_567 = arith.addi %add3A_565, %add3A_566 : i32
      %lt3A_568 = arith.constant 80 : i32
      %lt3A_569 = arith.cmpi slt, %add3A_567, %lt3A_568 : i32
      %convert_element_type3A_570 = arith.extui %lt3A_569 : i1 to i32
      %cond3A_571 = arith.constant 7 : i32
      %cond3A_572 = arith.constant 0 : i32
      %cond3A_573 = arith.cmpi ne, %convert_element_type3A_570, %cond3A_572 : i32
      scf.if %cond3A_573 {
        %dma_wait3A_594 = arith.constant 0 : i32
        %dma_wait3A_595 = arith.constant 0 : i32
        %dma_wait3A_596 = tpu.memref_slice %arg9[%cond3A_571, %dma_wait3A_594, %dma_wait3A_595] : memref<10x128x48xf32, #tpu.memory_space<vmem>> -> memref<1x128x48xf32, #tpu.memory_space<vmem>>
        %dma_wait3A_597 = tpu.memref_squeeze %dma_wait3A_596 : memref<1x128x48xf32, #tpu.memory_space<vmem>> -> memref<128x48xf32, #tpu.memory_space<vmem>>
        %dma_wait3A_598 = arith.constant 0 : i32
        %dma_wait3A_599 = tpu.memref_slice %arg8[%add3A_426, %dma_wait3A_598] : memref<80x128xi32, #tpu.memory_space<vmem>> -> memref<1x128xi32, #tpu.memory_space<vmem>>
        %dma_wait3A_600 = tpu.memref_squeeze %dma_wait3A_599 : memref<1x128xi32, #tpu.memory_space<vmem>> -> memref<128xi32, #tpu.memory_space<vmem>>
        %dma_wait3A_601 = arith.constant 0 : i32
        %dma_wait3A_602 = arith.constant 0 : i32
        %dma_wait3A_603 = tpu.memref_slice %arg10[%dma_wait3A_601, %dma_wait3A_602] : memref<10240x48xf32, #tpu.memory_space<vmem_shared>> -> memref<10240x48xf32, #tpu.memory_space<vmem_shared>>
        tpu.wait_indirect_dma semaphore(%arg28 : memref<!tpu.dma_semaphore, #tpu.memory_space<semaphore_mem>>) src(%dma_wait3A_597 : memref<128x48xf32, #tpu.memory_space<vmem>>) dst(%dma_wait3A_603 : memref<10240x48xf32, #tpu.memory_space<vmem_shared>>)
        %dma_start3A_604 = arith.constant 7 : i32
        %dma_start3A_605 = arith.constant 0 : i32
        %dma_start3A_606 = arith.constant 0 : i32
        %dma_start3A_607 = tpu.memref_slice %arg9[%dma_start3A_604, %dma_start3A_605, %dma_start3A_606] : memref<10x128x48xf32, #tpu.memory_space<vmem>> -> memref<1x128x48xf32, #tpu.memory_space<vmem>>
        %dma_start3A_608 = tpu.memref_squeeze %dma_start3A_607 : memref<1x128x48xf32, #tpu.memory_space<vmem>> -> memref<128x48xf32, #tpu.memory_space<vmem>>
        %dma_start3A_609 = arith.constant 0 : i32
        %dma_start3A_610 = tpu.memref_slice %arg7[%add3A_567, %dma_start3A_609] : memref<80x128xi32, #tpu.memory_space<vmem>> -> memref<1x128xi32, #tpu.memory_space<vmem>>
        %dma_start3A_611 = tpu.memref_squeeze %dma_start3A_610 : memref<1x128xi32, #tpu.memory_space<vmem>> -> memref<128xi32, #tpu.memory_space<vmem>>
        %dma_start3A_612 = arith.constant 0 : i32
        %dma_start3A_613 = arith.constant 0 : i32
        %dma_start3A_614 = tpu.memref_slice %arg2[%dma_start3A_612, %dma_start3A_613] : memref<10000x48xf32, #tpu.memory_space<hbm>> -> memref<10000x48xf32, #tpu.memory_space<hbm>>
        tpu.enqueue_indirect_dma source(%dma_start3A_614 : memref<10000x48xf32, #tpu.memory_space<hbm>>) target(%dma_start3A_608 : memref<128x48xf32, #tpu.memory_space<vmem>>) offsets(%dma_start3A_611 : memref<128xi32, #tpu.memory_space<vmem>>) semaphore(%arg18 : memref<!tpu.dma_semaphore, #tpu.memory_space<semaphore_mem>>)
      } else {
      }
      %add3A_574 = arith.constant 10 : i32
      %add3A_575 = arith.addi %mul3A_256, %add3A_574 : i32
      %add3A_576 = arith.constant 8 : i32
      %add3A_577 = arith.addi %add3A_575, %add3A_576 : i32
      %lt3A_578 = arith.constant 80 : i32
      %lt3A_579 = arith.cmpi slt, %add3A_577, %lt3A_578 : i32
      %convert_element_type3A_580 = arith.extui %lt3A_579 : i1 to i32
      %cond3A_581 = arith.constant 8 : i32
      %cond3A_582 = arith.constant 0 : i32
      %cond3A_583 = arith.cmpi ne, %convert_element_type3A_580, %cond3A_582 : i32
      scf.if %cond3A_583 {
        %dma_wait3A_594 = arith.constant 0 : i32
        %dma_wait3A_595 = arith.constant 0 : i32
        %dma_wait3A_596 = tpu.memref_slice %arg9[%cond3A_581, %dma_wait3A_594, %dma_wait3A_595] : memref<10x128x48xf32, #tpu.memory_space<vmem>> -> memref<1x128x48xf32, #tpu.memory_space<vmem>>
        %dma_wait3A_597 = tpu.memref_squeeze %dma_wait3A_596 : memref<1x128x48xf32, #tpu.memory_space<vmem>> -> memref<128x48xf32, #tpu.memory_space<vmem>>
        %dma_wait3A_598 = arith.constant 0 : i32
        %dma_wait3A_599 = tpu.memref_slice %arg8[%add3A_450, %dma_wait3A_598] : memref<80x128xi32, #tpu.memory_space<vmem>> -> memref<1x128xi32, #tpu.memory_space<vmem>>
        %dma_wait3A_600 = tpu.memref_squeeze %dma_wait3A_599 : memref<1x128xi32, #tpu.memory_space<vmem>> -> memref<128xi32, #tpu.memory_space<vmem>>
        %dma_wait3A_601 = arith.constant 0 : i32
        %dma_wait3A_602 = arith.constant 0 : i32
        %dma_wait3A_603 = tpu.memref_slice %arg10[%dma_wait3A_601, %dma_wait3A_602] : memref<10240x48xf32, #tpu.memory_space<vmem_shared>> -> memref<10240x48xf32, #tpu.memory_space<vmem_shared>>
        tpu.wait_indirect_dma semaphore(%arg29 : memref<!tpu.dma_semaphore, #tpu.memory_space<semaphore_mem>>) src(%dma_wait3A_597 : memref<128x48xf32, #tpu.memory_space<vmem>>) dst(%dma_wait3A_603 : memref<10240x48xf32, #tpu.memory_space<vmem_shared>>)
        %dma_start3A_604 = arith.constant 8 : i32
        %dma_start3A_605 = arith.constant 0 : i32
        %dma_start3A_606 = arith.constant 0 : i32
        %dma_start3A_607 = tpu.memref_slice %arg9[%dma_start3A_604, %dma_start3A_605, %dma_start3A_606] : memref<10x128x48xf32, #tpu.memory_space<vmem>> -> memref<1x128x48xf32, #tpu.memory_space<vmem>>
        %dma_start3A_608 = tpu.memref_squeeze %dma_start3A_607 : memref<1x128x48xf32, #tpu.memory_space<vmem>> -> memref<128x48xf32, #tpu.memory_space<vmem>>
        %dma_start3A_609 = arith.constant 0 : i32
        %dma_start3A_610 = tpu.memref_slice %arg7[%add3A_577, %dma_start3A_609] : memref<80x128xi32, #tpu.memory_space<vmem>> -> memref<1x128xi32, #tpu.memory_space<vmem>>
        %dma_start3A_611 = tpu.memref_squeeze %dma_start3A_610 : memref<1x128xi32, #tpu.memory_space<vmem>> -> memref<128xi32, #tpu.memory_space<vmem>>
        %dma_start3A_612 = arith.constant 0 : i32
        %dma_start3A_613 = arith.constant 0 : i32
        %dma_start3A_614 = tpu.memref_slice %arg2[%dma_start3A_612, %dma_start3A_613] : memref<10000x48xf32, #tpu.memory_space<hbm>> -> memref<10000x48xf32, #tpu.memory_space<hbm>>
        tpu.enqueue_indirect_dma source(%dma_start3A_614 : memref<10000x48xf32, #tpu.memory_space<hbm>>) target(%dma_start3A_608 : memref<128x48xf32, #tpu.memory_space<vmem>>) offsets(%dma_start3A_611 : memref<128xi32, #tpu.memory_space<vmem>>) semaphore(%arg19 : memref<!tpu.dma_semaphore, #tpu.memory_space<semaphore_mem>>)
      } else {
      }
      %add3A_584 = arith.constant 10 : i32
      %add3A_585 = arith.addi %mul3A_256, %add3A_584 : i32
      %add3A_586 = arith.constant 9 : i32
      %add3A_587 = arith.addi %add3A_585, %add3A_586 : i32
      %lt3A_588 = arith.constant 80 : i32
      %lt3A_589 = arith.cmpi slt, %add3A_587, %lt3A_588 : i32
      %convert_element_type3A_590 = arith.extui %lt3A_589 : i1 to i32
      %cond3A_591 = arith.constant 9 : i32
      %cond3A_592 = arith.constant 0 : i32
      %cond3A_593 = arith.cmpi ne, %convert_element_type3A_590, %cond3A_592 : i32
      scf.if %cond3A_593 {
        %dma_wait3A_594 = arith.constant 0 : i32
        %dma_wait3A_595 = arith.constant 0 : i32
        %dma_wait3A_596 = tpu.memref_slice %arg9[%cond3A_591, %dma_wait3A_594, %dma_wait3A_595] : memref<10x128x48xf32, #tpu.memory_space<vmem>> -> memref<1x128x48xf32, #tpu.memory_space<vmem>>
        %dma_wait3A_597 = tpu.memref_squeeze %dma_wait3A_596 : memref<1x128x48xf32, #tpu.memory_space<vmem>> -> memref<128x48xf32, #tpu.memory_space<vmem>>
        %dma_wait3A_598 = arith.constant 0 : i32
        %dma_wait3A_599 = tpu.memref_slice %arg8[%add3A_474, %dma_wait3A_598] : memref<80x128xi32, #tpu.memory_space<vmem>> -> memref<1x128xi32, #tpu.memory_space<vmem>>
        %dma_wait3A_600 = tpu.memref_squeeze %dma_wait3A_599 : memref<1x128xi32, #tpu.memory_space<vmem>> -> memref<128xi32, #tpu.memory_space<vmem>>
        %dma_wait3A_601 = arith.constant 0 : i32
        %dma_wait3A_602 = arith.constant 0 : i32
        %dma_wait3A_603 = tpu.memref_slice %arg10[%dma_wait3A_601, %dma_wait3A_602] : memref<10240x48xf32, #tpu.memory_space<vmem_shared>> -> memref<10240x48xf32, #tpu.memory_space<vmem_shared>>
        tpu.wait_indirect_dma semaphore(%arg30 : memref<!tpu.dma_semaphore, #tpu.memory_space<semaphore_mem>>) src(%dma_wait3A_597 : memref<128x48xf32, #tpu.memory_space<vmem>>) dst(%dma_wait3A_603 : memref<10240x48xf32, #tpu.memory_space<vmem_shared>>)
        %dma_start3A_604 = arith.constant 9 : i32
        %dma_start3A_605 = arith.constant 0 : i32
        %dma_start3A_606 = arith.constant 0 : i32
        %dma_start3A_607 = tpu.memref_slice %arg9[%dma_start3A_604, %dma_start3A_605, %dma_start3A_606] : memref<10x128x48xf32, #tpu.memory_space<vmem>> -> memref<1x128x48xf32, #tpu.memory_space<vmem>>
        %dma_start3A_608 = tpu.memref_squeeze %dma_start3A_607 : memref<1x128x48xf32, #tpu.memory_space<vmem>> -> memref<128x48xf32, #tpu.memory_space<vmem>>
        %dma_start3A_609 = arith.constant 0 : i32
        %dma_start3A_610 = tpu.memref_slice %arg7[%add3A_587, %dma_start3A_609] : memref<80x128xi32, #tpu.memory_space<vmem>> -> memref<1x128xi32, #tpu.memory_space<vmem>>
        %dma_start3A_611 = tpu.memref_squeeze %dma_start3A_610 : memref<1x128xi32, #tpu.memory_space<vmem>> -> memref<128xi32, #tpu.memory_space<vmem>>
        %dma_start3A_612 = arith.constant 0 : i32
        %dma_start3A_613 = arith.constant 0 : i32
        %dma_start3A_614 = tpu.memref_slice %arg2[%dma_start3A_612, %dma_start3A_613] : memref<10000x48xf32, #tpu.memory_space<hbm>> -> memref<10000x48xf32, #tpu.memory_space<hbm>>
        tpu.enqueue_indirect_dma source(%dma_start3A_614 : memref<10000x48xf32, #tpu.memory_space<hbm>>) target(%dma_start3A_608 : memref<128x48xf32, #tpu.memory_space<vmem>>) offsets(%dma_start3A_611 : memref<128xi32, #tpu.memory_space<vmem>>) semaphore(%arg20 : memref<!tpu.dma_semaphore, #tpu.memory_space<semaphore_mem>>)
      } else {
      }
    }
    %scan3A_130 = arith.constant 8 : i32
    %dma_wait3A = arith.constant 0 : i32
    %dma_wait3A_131 = arith.constant 70 : i32
    %dma_wait3A_132 = arith.constant 0 : i32
    %dma_wait3A_133 = arith.constant 0 : i32
    %dma_wait3A_134 = tpu.memref_slice %arg9[%dma_wait3A, %dma_wait3A_132, %dma_wait3A_133] : memref<10x128x48xf32, #tpu.memory_space<vmem>> -> memref<1x128x48xf32, #tpu.memory_space<vmem>>
    %dma_wait3A_135 = tpu.memref_squeeze %dma_wait3A_134 : memref<1x128x48xf32, #tpu.memory_space<vmem>> -> memref<128x48xf32, #tpu.memory_space<vmem>>
    %dma_wait3A_136 = arith.constant 0 : i32
    %dma_wait3A_137 = tpu.memref_slice %arg8[%dma_wait3A_131, %dma_wait3A_136] : memref<80x128xi32, #tpu.memory_space<vmem>> -> memref<1x128xi32, #tpu.memory_space<vmem>>
    %dma_wait3A_138 = tpu.memref_squeeze %dma_wait3A_137 : memref<1x128xi32, #tpu.memory_space<vmem>> -> memref<128xi32, #tpu.memory_space<vmem>>
    %dma_wait3A_139 = arith.constant 0 : i32
    %dma_wait3A_140 = arith.constant 0 : i32
    %dma_wait3A_141 = tpu.memref_slice %arg10[%dma_wait3A_139, %dma_wait3A_140] : memref<10240x48xf32, #tpu.memory_space<vmem_shared>> -> memref<10240x48xf32, #tpu.memory_space<vmem_shared>>
    tpu.wait_indirect_dma semaphore(%arg21 : memref<!tpu.dma_semaphore, #tpu.memory_space<semaphore_mem>>) src(%dma_wait3A_135 : memref<128x48xf32, #tpu.memory_space<vmem>>) dst(%dma_wait3A_141 : memref<10240x48xf32, #tpu.memory_space<vmem_shared>>)
    %dma_wait3A_142 = arith.constant 1 : i32
    %dma_wait3A_143 = arith.constant 71 : i32
    %dma_wait3A_144 = arith.constant 0 : i32
    %dma_wait3A_145 = arith.constant 0 : i32
    %dma_wait3A_146 = tpu.memref_slice %arg9[%dma_wait3A_142, %dma_wait3A_144, %dma_wait3A_145] : memref<10x128x48xf32, #tpu.memory_space<vmem>> -> memref<1x128x48xf32, #tpu.memory_space<vmem>>
    %dma_wait3A_147 = tpu.memref_squeeze %dma_wait3A_146 : memref<1x128x48xf32, #tpu.memory_space<vmem>> -> memref<128x48xf32, #tpu.memory_space<vmem>>
    %dma_wait3A_148 = arith.constant 0 : i32
    %dma_wait3A_149 = tpu.memref_slice %arg8[%dma_wait3A_143, %dma_wait3A_148] : memref<80x128xi32, #tpu.memory_space<vmem>> -> memref<1x128xi32, #tpu.memory_space<vmem>>
    %dma_wait3A_150 = tpu.memref_squeeze %dma_wait3A_149 : memref<1x128xi32, #tpu.memory_space<vmem>> -> memref<128xi32, #tpu.memory_space<vmem>>
    %dma_wait3A_151 = arith.constant 0 : i32
    %dma_wait3A_152 = arith.constant 0 : i32
    %dma_wait3A_153 = tpu.memref_slice %arg10[%dma_wait3A_151, %dma_wait3A_152] : memref<10240x48xf32, #tpu.memory_space<vmem_shared>> -> memref<10240x48xf32, #tpu.memory_space<vmem_shared>>
    tpu.wait_indirect_dma semaphore(%arg22 : memref<!tpu.dma_semaphore, #tpu.memory_space<semaphore_mem>>) src(%dma_wait3A_147 : memref<128x48xf32, #tpu.memory_space<vmem>>) dst(%dma_wait3A_153 : memref<10240x48xf32, #tpu.memory_space<vmem_shared>>)
    %dma_wait3A_154 = arith.constant 2 : i32
    %dma_wait3A_155 = arith.constant 72 : i32
    %dma_wait3A_156 = arith.constant 0 : i32
    %dma_wait3A_157 = arith.constant 0 : i32
    %dma_wait3A_158 = tpu.memref_slice %arg9[%dma_wait3A_154, %dma_wait3A_156, %dma_wait3A_157] : memref<10x128x48xf32, #tpu.memory_space<vmem>> -> memref<1x128x48xf32, #tpu.memory_space<vmem>>
    %dma_wait3A_159 = tpu.memref_squeeze %dma_wait3A_158 : memref<1x128x48xf32, #tpu.memory_space<vmem>> -> memref<128x48xf32, #tpu.memory_space<vmem>>
    %dma_wait3A_160 = arith.constant 0 : i32
    %dma_wait3A_161 = tpu.memref_slice %arg8[%dma_wait3A_155, %dma_wait3A_160] : memref<80x128xi32, #tpu.memory_space<vmem>> -> memref<1x128xi32, #tpu.memory_space<vmem>>
    %dma_wait3A_162 = tpu.memref_squeeze %dma_wait3A_161 : memref<1x128xi32, #tpu.memory_space<vmem>> -> memref<128xi32, #tpu.memory_space<vmem>>
    %dma_wait3A_163 = arith.constant 0 : i32
    %dma_wait3A_164 = arith.constant 0 : i32
    %dma_wait3A_165 = tpu.memref_slice %arg10[%dma_wait3A_163, %dma_wait3A_164] : memref<10240x48xf32, #tpu.memory_space<vmem_shared>> -> memref<10240x48xf32, #tpu.memory_space<vmem_shared>>
    tpu.wait_indirect_dma semaphore(%arg23 : memref<!tpu.dma_semaphore, #tpu.memory_space<semaphore_mem>>) src(%dma_wait3A_159 : memref<128x48xf32, #tpu.memory_space<vmem>>) dst(%dma_wait3A_165 : memref<10240x48xf32, #tpu.memory_space<vmem_shared>>)
    %dma_wait3A_166 = arith.constant 3 : i32
    %dma_wait3A_167 = arith.constant 73 : i32
    %dma_wait3A_168 = arith.constant 0 : i32
    %dma_wait3A_169 = arith.constant 0 : i32
    %dma_wait3A_170 = tpu.memref_slice %arg9[%dma_wait3A_166, %dma_wait3A_168, %dma_wait3A_169] : memref<10x128x48xf32, #tpu.memory_space<vmem>> -> memref<1x128x48xf32, #tpu.memory_space<vmem>>
    %dma_wait3A_171 = tpu.memref_squeeze %dma_wait3A_170 : memref<1x128x48xf32, #tpu.memory_space<vmem>> -> memref<128x48xf32, #tpu.memory_space<vmem>>
    %dma_wait3A_172 = arith.constant 0 : i32
    %dma_wait3A_173 = tpu.memref_slice %arg8[%dma_wait3A_167, %dma_wait3A_172] : memref<80x128xi32, #tpu.memory_space<vmem>> -> memref<1x128xi32, #tpu.memory_space<vmem>>
    %dma_wait3A_174 = tpu.memref_squeeze %dma_wait3A_173 : memref<1x128xi32, #tpu.memory_space<vmem>> -> memref<128xi32, #tpu.memory_space<vmem>>
    %dma_wait3A_175 = arith.constant 0 : i32
    %dma_wait3A_176 = arith.constant 0 : i32
    %dma_wait3A_177 = tpu.memref_slice %arg10[%dma_wait3A_175, %dma_wait3A_176] : memref<10240x48xf32, #tpu.memory_space<vmem_shared>> -> memref<10240x48xf32, #tpu.memory_space<vmem_shared>>
    tpu.wait_indirect_dma semaphore(%arg24 : memref<!tpu.dma_semaphore, #tpu.memory_space<semaphore_mem>>) src(%dma_wait3A_171 : memref<128x48xf32, #tpu.memory_space<vmem>>) dst(%dma_wait3A_177 : memref<10240x48xf32, #tpu.memory_space<vmem_shared>>)
    %dma_wait3A_178 = arith.constant 4 : i32
    %dma_wait3A_179 = arith.constant 74 : i32
    %dma_wait3A_180 = arith.constant 0 : i32
    %dma_wait3A_181 = arith.constant 0 : i32
    %dma_wait3A_182 = tpu.memref_slice %arg9[%dma_wait3A_178, %dma_wait3A_180, %dma_wait3A_181] : memref<10x128x48xf32, #tpu.memory_space<vmem>> -> memref<1x128x48xf32, #tpu.memory_space<vmem>>
    %dma_wait3A_183 = tpu.memref_squeeze %dma_wait3A_182 : memref<1x128x48xf32, #tpu.memory_space<vmem>> -> memref<128x48xf32, #tpu.memory_space<vmem>>
    %dma_wait3A_184 = arith.constant 0 : i32
    %dma_wait3A_185 = tpu.memref_slice %arg8[%dma_wait3A_179, %dma_wait3A_184] : memref<80x128xi32, #tpu.memory_space<vmem>> -> memref<1x128xi32, #tpu.memory_space<vmem>>
    %dma_wait3A_186 = tpu.memref_squeeze %dma_wait3A_185 : memref<1x128xi32, #tpu.memory_space<vmem>> -> memref<128xi32, #tpu.memory_space<vmem>>
    %dma_wait3A_187 = arith.constant 0 : i32
    %dma_wait3A_188 = arith.constant 0 : i32
    %dma_wait3A_189 = tpu.memref_slice %arg10[%dma_wait3A_187, %dma_wait3A_188] : memref<10240x48xf32, #tpu.memory_space<vmem_shared>> -> memref<10240x48xf32, #tpu.memory_space<vmem_shared>>
    tpu.wait_indirect_dma semaphore(%arg25 : memref<!tpu.dma_semaphore, #tpu.memory_space<semaphore_mem>>) src(%dma_wait3A_183 : memref<128x48xf32, #tpu.memory_space<vmem>>) dst(%dma_wait3A_189 : memref<10240x48xf32, #tpu.memory_space<vmem_shared>>)
    %dma_wait3A_190 = arith.constant 5 : i32
    %dma_wait3A_191 = arith.constant 75 : i32
    %dma_wait3A_192 = arith.constant 0 : i32
    %dma_wait3A_193 = arith.constant 0 : i32
    %dma_wait3A_194 = tpu.memref_slice %arg9[%dma_wait3A_190, %dma_wait3A_192, %dma_wait3A_193] : memref<10x128x48xf32, #tpu.memory_space<vmem>> -> memref<1x128x48xf32, #tpu.memory_space<vmem>>
    %dma_wait3A_195 = tpu.memref_squeeze %dma_wait3A_194 : memref<1x128x48xf32, #tpu.memory_space<vmem>> -> memref<128x48xf32, #tpu.memory_space<vmem>>
    %dma_wait3A_196 = arith.constant 0 : i32
    %dma_wait3A_197 = tpu.memref_slice %arg8[%dma_wait3A_191, %dma_wait3A_196] : memref<80x128xi32, #tpu.memory_space<vmem>> -> memref<1x128xi32, #tpu.memory_space<vmem>>
    %dma_wait3A_198 = tpu.memref_squeeze %dma_wait3A_197 : memref<1x128xi32, #tpu.memory_space<vmem>> -> memref<128xi32, #tpu.memory_space<vmem>>
    %dma_wait3A_199 = arith.constant 0 : i32
    %dma_wait3A_200 = arith.constant 0 : i32
    %dma_wait3A_201 = tpu.memref_slice %arg10[%dma_wait3A_199, %dma_wait3A_200] : memref<10240x48xf32, #tpu.memory_space<vmem_shared>> -> memref<10240x48xf32, #tpu.memory_space<vmem_shared>>
    tpu.wait_indirect_dma semaphore(%arg26 : memref<!tpu.dma_semaphore, #tpu.memory_space<semaphore_mem>>) src(%dma_wait3A_195 : memref<128x48xf32, #tpu.memory_space<vmem>>) dst(%dma_wait3A_201 : memref<10240x48xf32, #tpu.memory_space<vmem_shared>>)
    %dma_wait3A_202 = arith.constant 6 : i32
    %dma_wait3A_203 = arith.constant 76 : i32
    %dma_wait3A_204 = arith.constant 0 : i32
    %dma_wait3A_205 = arith.constant 0 : i32
    %dma_wait3A_206 = tpu.memref_slice %arg9[%dma_wait3A_202, %dma_wait3A_204, %dma_wait3A_205] : memref<10x128x48xf32, #tpu.memory_space<vmem>> -> memref<1x128x48xf32, #tpu.memory_space<vmem>>
    %dma_wait3A_207 = tpu.memref_squeeze %dma_wait3A_206 : memref<1x128x48xf32, #tpu.memory_space<vmem>> -> memref<128x48xf32, #tpu.memory_space<vmem>>
    %dma_wait3A_208 = arith.constant 0 : i32
    %dma_wait3A_209 = tpu.memref_slice %arg8[%dma_wait3A_203, %dma_wait3A_208] : memref<80x128xi32, #tpu.memory_space<vmem>> -> memref<1x128xi32, #tpu.memory_space<vmem>>
    %dma_wait3A_210 = tpu.memref_squeeze %dma_wait3A_209 : memref<1x128xi32, #tpu.memory_space<vmem>> -> memref<128xi32, #tpu.memory_space<vmem>>
    %dma_wait3A_211 = arith.constant 0 : i32
    %dma_wait3A_212 = arith.constant 0 : i32
    %dma_wait3A_213 = tpu.memref_slice %arg10[%dma_wait3A_211, %dma_wait3A_212] : memref<10240x48xf32, #tpu.memory_space<vmem_shared>> -> memref<10240x48xf32, #tpu.memory_space<vmem_shared>>
    tpu.wait_indirect_dma semaphore(%arg27 : memref<!tpu.dma_semaphore, #tpu.memory_space<semaphore_mem>>) src(%dma_wait3A_207 : memref<128x48xf32, #tpu.memory_space<vmem>>) dst(%dma_wait3A_213 : memref<10240x48xf32, #tpu.memory_space<vmem_shared>>)
    %dma_wait3A_214 = arith.constant 7 : i32
    %dma_wait3A_215 = arith.constant 77 : i32
    %dma_wait3A_216 = arith.constant 0 : i32
    %dma_wait3A_217 = arith.constant 0 : i32
    %dma_wait3A_218 = tpu.memref_slice %arg9[%dma_wait3A_214, %dma_wait3A_216, %dma_wait3A_217] : memref<10x128x48xf32, #tpu.memory_space<vmem>> -> memref<1x128x48xf32, #tpu.memory_space<vmem>>
    %dma_wait3A_219 = tpu.memref_squeeze %dma_wait3A_218 : memref<1x128x48xf32, #tpu.memory_space<vmem>> -> memref<128x48xf32, #tpu.memory_space<vmem>>
    %dma_wait3A_220 = arith.constant 0 : i32
    %dma_wait3A_221 = tpu.memref_slice %arg8[%dma_wait3A_215, %dma_wait3A_220] : memref<80x128xi32, #tpu.memory_space<vmem>> -> memref<1x128xi32, #tpu.memory_space<vmem>>
    %dma_wait3A_222 = tpu.memref_squeeze %dma_wait3A_221 : memref<1x128xi32, #tpu.memory_space<vmem>> -> memref<128xi32, #tpu.memory_space<vmem>>
    %dma_wait3A_223 = arith.constant 0 : i32
    %dma_wait3A_224 = arith.constant 0 : i32
    %dma_wait3A_225 = tpu.memref_slice %arg10[%dma_wait3A_223, %dma_wait3A_224] : memref<10240x48xf32, #tpu.memory_space<vmem_shared>> -> memref<10240x48xf32, #tpu.memory_space<vmem_shared>>
    tpu.wait_indirect_dma semaphore(%arg28 : memref<!tpu.dma_semaphore, #tpu.memory_space<semaphore_mem>>) src(%dma_wait3A_219 : memref<128x48xf32, #tpu.memory_space<vmem>>) dst(%dma_wait3A_225 : memref<10240x48xf32, #tpu.memory_space<vmem_shared>>)
    %dma_wait3A_226 = arith.constant 8 : i32
    %dma_wait3A_227 = arith.constant 78 : i32
    %dma_wait3A_228 = arith.constant 0 : i32
    %dma_wait3A_229 = arith.constant 0 : i32
    %dma_wait3A_230 = tpu.memref_slice %arg9[%dma_wait3A_226, %dma_wait3A_228, %dma_wait3A_229] : memref<10x128x48xf32, #tpu.memory_space<vmem>> -> memref<1x128x48xf32, #tpu.memory_space<vmem>>
    %dma_wait3A_231 = tpu.memref_squeeze %dma_wait3A_230 : memref<1x128x48xf32, #tpu.memory_space<vmem>> -> memref<128x48xf32, #tpu.memory_space<vmem>>
    %dma_wait3A_232 = arith.constant 0 : i32
    %dma_wait3A_233 = tpu.memref_slice %arg8[%dma_wait3A_227, %dma_wait3A_232] : memref<80x128xi32, #tpu.memory_space<vmem>> -> memref<1x128xi32, #tpu.memory_space<vmem>>
    %dma_wait3A_234 = tpu.memref_squeeze %dma_wait3A_233 : memref<1x128xi32, #tpu.memory_space<vmem>> -> memref<128xi32, #tpu.memory_space<vmem>>
    %dma_wait3A_235 = arith.constant 0 : i32
    %dma_wait3A_236 = arith.constant 0 : i32
    %dma_wait3A_237 = tpu.memref_slice %arg10[%dma_wait3A_235, %dma_wait3A_236] : memref<10240x48xf32, #tpu.memory_space<vmem_shared>> -> memref<10240x48xf32, #tpu.memory_space<vmem_shared>>
    tpu.wait_indirect_dma semaphore(%arg29 : memref<!tpu.dma_semaphore, #tpu.memory_space<semaphore_mem>>) src(%dma_wait3A_231 : memref<128x48xf32, #tpu.memory_space<vmem>>) dst(%dma_wait3A_237 : memref<10240x48xf32, #tpu.memory_space<vmem_shared>>)
    %dma_wait3A_238 = arith.constant 9 : i32
    %dma_wait3A_239 = arith.constant 79 : i32
    %dma_wait3A_240 = arith.constant 0 : i32
    %dma_wait3A_241 = arith.constant 0 : i32
    %dma_wait3A_242 = tpu.memref_slice %arg9[%dma_wait3A_238, %dma_wait3A_240, %dma_wait3A_241] : memref<10x128x48xf32, #tpu.memory_space<vmem>> -> memref<1x128x48xf32, #tpu.memory_space<vmem>>
    %dma_wait3A_243 = tpu.memref_squeeze %dma_wait3A_242 : memref<1x128x48xf32, #tpu.memory_space<vmem>> -> memref<128x48xf32, #tpu.memory_space<vmem>>
    %dma_wait3A_244 = arith.constant 0 : i32
    %dma_wait3A_245 = tpu.memref_slice %arg8[%dma_wait3A_239, %dma_wait3A_244] : memref<80x128xi32, #tpu.memory_space<vmem>> -> memref<1x128xi32, #tpu.memory_space<vmem>>
    %dma_wait3A_246 = tpu.memref_squeeze %dma_wait3A_245 : memref<1x128xi32, #tpu.memory_space<vmem>> -> memref<128xi32, #tpu.memory_space<vmem>>
    %dma_wait3A_247 = arith.constant 0 : i32
    %dma_wait3A_248 = arith.constant 0 : i32
    %dma_wait3A_249 = tpu.memref_slice %arg10[%dma_wait3A_247, %dma_wait3A_248] : memref<10240x48xf32, #tpu.memory_space<vmem_shared>> -> memref<10240x48xf32, #tpu.memory_space<vmem_shared>>
    tpu.wait_indirect_dma semaphore(%arg30 : memref<!tpu.dma_semaphore, #tpu.memory_space<semaphore_mem>>) src(%dma_wait3A_243 : memref<128x48xf32, #tpu.memory_space<vmem>>) dst(%dma_wait3A_249 : memref<10240x48xf32, #tpu.memory_space<vmem_shared>>)
    %barrier3A_250 = arith.constant 0 : index
    tpu.barrier barrier_id(%barrier3A_250)
    %mul3A_251 = arith.constant 10240 : i32
    %mul3A_252 = arith.muli %arg0, %mul3A_251 : i32
    %add3A_253 = arith.addi %mul3A_252, %mul3A_2 : i32
    "tpu.region"() ({
      %run_scoped3A = tpu.sem_alloc : memref<!tpu.dma_semaphore, #tpu.memory_space<semaphore_mem>>
      %dma_start3A_254 = arith.constant 0 : i32
      %dma_start3A_255 = tpu.memref_slice %arg6[%add3A_253, %dma_start3A_254] : memref<20480x128xf32, #tpu.memory_space<hbm>> -> memref<640x48xf32, #tpu.memory_space<hbm>>
      %dma_start3A_256 = arith.constant 0 : i32
      %dma_start3A_257 = tpu.memref_slice %arg10[%mul3A_2, %dma_start3A_256] : memref<10240x48xf32, #tpu.memory_space<vmem_shared>> -> memref<640x48xf32, #tpu.memory_space<vmem_shared>>
      tpu.enqueue_dma source(%dma_start3A_257 : memref<640x48xf32, #tpu.memory_space<vmem_shared>>) target(%dma_start3A_255 : memref<640x48xf32, #tpu.memory_space<hbm>>) target_semaphore(%run_scoped3A : memref<!tpu.dma_semaphore, #tpu.memory_space<semaphore_mem>>)
      %dma_wait3A_258 = arith.constant 0 : i32
      %dma_wait3A_259 = tpu.memref_slice %arg6[%add3A_253, %dma_wait3A_258] : memref<20480x128xf32, #tpu.memory_space<hbm>> -> memref<640x48xf32, #tpu.memory_space<hbm>>
      %dma_wait3A_260 = arith.constant 0 : i32
      %dma_wait3A_261 = tpu.memref_slice %arg10[%mul3A_2, %dma_wait3A_260] : memref<10240x48xf32, #tpu.memory_space<vmem_shared>> -> memref<640x48xf32, #tpu.memory_space<vmem_shared>>
      tpu.wait_dma2 semaphore(%run_scoped3A : memref<!tpu.dma_semaphore, #tpu.memory_space<semaphore_mem>>) src(%dma_wait3A_261 : memref<640x48xf32, #tpu.memory_space<vmem_shared>>) dst(%dma_wait3A_259 : memref<640x48xf32, #tpu.memory_space<hbm>>)
      tpu.yield
    }) : () -> ()
    return
  }
}

#map = affine_map<(d0, d1) -> (0, 0)>
module attributes {stable_mosaic.version = 14 : i64} {
  func.func @body(%arg0: i32, %arg1: i32, %arg2: memref<20000x64xf32, #tpu.memory_space<hbm>>, %arg3: memref<20000x64xf32, #tpu.memory_space<hbm>>, %arg4: memref<2560x128xi32, #tpu.memory_space<hbm>>, %arg5: memref<2560x128xi32, #tpu.memory_space<hbm>>, %arg6: memref<2560x128xi32, #tpu.memory_space<hbm>>, %arg7: memref<640x64xf32, #tpu.memory_space<hbm>>, %arg8: memref<640x16xf32, #tpu.memory_space<hbm>>, %arg9: memref<128x16xf32, #tpu.memory_space<hbm>>, %arg10: memref<20480x128xf32, #tpu.memory_space<hbm>>, %arg11: memref<20480x16xf32, #tpu.memory_space<hbm>>, %arg12: memref<80x128xi32, #tpu.memory_space<vmem>>, %arg13: memref<80x128xi32, #tpu.memory_space<vmem>>, %arg14: memref<80x128xi32, #tpu.memory_space<vmem>>, %arg15: memref<5x128x64xf32, #tpu.memory_space<vmem>>, %arg16: memref<10240x64xf32, #tpu.memory_space<vmem_shared>>, %arg17: memref<!tpu.dma_semaphore, #tpu.memory_space<semaphore_mem>>, %arg18: memref<!tpu.dma_semaphore, #tpu.memory_space<semaphore_mem>>, %arg19: memref<!tpu.dma_semaphore, #tpu.memory_space<semaphore_mem>>, %arg20: memref<!tpu.dma_semaphore, #tpu.memory_space<semaphore_mem>>, %arg21: memref<!tpu.dma_semaphore, #tpu.memory_space<semaphore_mem>>, %arg22: memref<!tpu.dma_semaphore, #tpu.memory_space<semaphore_mem>>, %arg23: memref<!tpu.dma_semaphore, #tpu.memory_space<semaphore_mem>>, %arg24: memref<!tpu.dma_semaphore, #tpu.memory_space<semaphore_mem>>, %arg25: memref<!tpu.dma_semaphore, #tpu.memory_space<semaphore_mem>>, %arg26: memref<!tpu.dma_semaphore, #tpu.memory_space<semaphore_mem>>, %arg27: memref<128x16xf32, #tpu.memory_space<vmem>>, %arg28: memref<10240x16xf32, #tpu.memory_space<vmem_shared>>) attributes {dimension_semantics = [#tpu.dimension_semantics<core_parallel>, #tpu.dimension_semantics<subcore_parallel>], iteration_bounds = array<i64: 2, 16>, scalar_prefetch = 0 : i64, scratch_operands = 17 : i64, tpu.core_type = #tpu.core_type<sc_vector_subcore>, window_params = [{transform_indices = #map}, {transform_indices = #map}, {transform_indices = #map}, {transform_indices = #map}, {transform_indices = #map}, {transform_indices = #map}, {transform_indices = #map}, {transform_indices = #map}, {transform_indices = #map}, {transform_indices = #map}]} {
    %mul3A = arith.constant 2 : i32
    %mul3A_0 = arith.muli %arg1, %mul3A : i32
    %add3A = arith.addi %mul3A_0, %arg0 : i32
    %mul3A_1 = arith.constant 640 : i32
    %mul3A_2 = arith.muli %arg1, %mul3A_1 : i32
    %mul3A_3 = arith.constant 80 : i32
    %mul3A_4 = arith.muli %add3A, %mul3A_3 : i32
    "tpu.region"() ({
      %run_scoped3A = tpu.sem_alloc : memref<!tpu.dma_semaphore, #tpu.memory_space<semaphore_mem>>
      %dma_start3A_305 = arith.constant 0 : i32
      %dma_start3A_306 = tpu.memref_slice %arg4[%mul3A_4, %dma_start3A_305] : memref<2560x128xi32, #tpu.memory_space<hbm>> -> memref<80x128xi32, #tpu.memory_space<hbm>>
      %dma_start3A_307 = arith.constant 0 : i32
      %dma_start3A_308 = tpu.memref_slice %arg4[%mul3A_4, %dma_start3A_307] : memref<2560x128xi32, #tpu.memory_space<hbm>> -> memref<80x128xi32, #tpu.memory_space<hbm>>
      tpu.enqueue_dma source(%dma_start3A_308 : memref<80x128xi32, #tpu.memory_space<hbm>>) target(%arg12 : memref<80x128xi32, #tpu.memory_space<vmem>>) target_semaphore(%run_scoped3A : memref<!tpu.dma_semaphore, #tpu.memory_space<semaphore_mem>>)
      %dma_wait3A_309 = arith.constant 0 : i32
      %dma_wait3A_310 = tpu.memref_slice %arg4[%mul3A_4, %dma_wait3A_309] : memref<2560x128xi32, #tpu.memory_space<hbm>> -> memref<80x128xi32, #tpu.memory_space<hbm>>
      %dma_wait3A_311 = arith.constant 0 : i32
      %dma_wait3A_312 = tpu.memref_slice %arg4[%mul3A_4, %dma_wait3A_311] : memref<2560x128xi32, #tpu.memory_space<hbm>> -> memref<80x128xi32, #tpu.memory_space<hbm>>
      tpu.wait_dma2 semaphore(%run_scoped3A : memref<!tpu.dma_semaphore, #tpu.memory_space<semaphore_mem>>) src(%dma_wait3A_312 : memref<80x128xi32, #tpu.memory_space<hbm>>) dst(%arg12 : memref<80x128xi32, #tpu.memory_space<vmem>>)
      tpu.yield
    }) : () -> ()
    %mul3A_5 = arith.constant 80 : i32
    %mul3A_6 = arith.muli %add3A, %mul3A_5 : i32
    "tpu.region"() ({
      %run_scoped3A = tpu.sem_alloc : memref<!tpu.dma_semaphore, #tpu.memory_space<semaphore_mem>>
      %dma_start3A_305 = arith.constant 0 : i32
      %dma_start3A_306 = tpu.memref_slice %arg5[%mul3A_6, %dma_start3A_305] : memref<2560x128xi32, #tpu.memory_space<hbm>> -> memref<80x128xi32, #tpu.memory_space<hbm>>
      %dma_start3A_307 = arith.constant 0 : i32
      %dma_start3A_308 = tpu.memref_slice %arg5[%mul3A_6, %dma_start3A_307] : memref<2560x128xi32, #tpu.memory_space<hbm>> -> memref<80x128xi32, #tpu.memory_space<hbm>>
      tpu.enqueue_dma source(%dma_start3A_308 : memref<80x128xi32, #tpu.memory_space<hbm>>) target(%arg13 : memref<80x128xi32, #tpu.memory_space<vmem>>) target_semaphore(%run_scoped3A : memref<!tpu.dma_semaphore, #tpu.memory_space<semaphore_mem>>)
      %dma_wait3A_309 = arith.constant 0 : i32
      %dma_wait3A_310 = tpu.memref_slice %arg5[%mul3A_6, %dma_wait3A_309] : memref<2560x128xi32, #tpu.memory_space<hbm>> -> memref<80x128xi32, #tpu.memory_space<hbm>>
      %dma_wait3A_311 = arith.constant 0 : i32
      %dma_wait3A_312 = tpu.memref_slice %arg5[%mul3A_6, %dma_wait3A_311] : memref<2560x128xi32, #tpu.memory_space<hbm>> -> memref<80x128xi32, #tpu.memory_space<hbm>>
      tpu.wait_dma2 semaphore(%run_scoped3A : memref<!tpu.dma_semaphore, #tpu.memory_space<semaphore_mem>>) src(%dma_wait3A_312 : memref<80x128xi32, #tpu.memory_space<hbm>>) dst(%arg13 : memref<80x128xi32, #tpu.memory_space<vmem>>)
      tpu.yield
    }) : () -> ()
    %mul3A_7 = arith.constant 80 : i32
    %mul3A_8 = arith.muli %add3A, %mul3A_7 : i32
    "tpu.region"() ({
      %run_scoped3A = tpu.sem_alloc : memref<!tpu.dma_semaphore, #tpu.memory_space<semaphore_mem>>
      %dma_start3A_305 = arith.constant 0 : i32
      %dma_start3A_306 = tpu.memref_slice %arg6[%mul3A_8, %dma_start3A_305] : memref<2560x128xi32, #tpu.memory_space<hbm>> -> memref<80x128xi32, #tpu.memory_space<hbm>>
      %dma_start3A_307 = arith.constant 0 : i32
      %dma_start3A_308 = tpu.memref_slice %arg6[%mul3A_8, %dma_start3A_307] : memref<2560x128xi32, #tpu.memory_space<hbm>> -> memref<80x128xi32, #tpu.memory_space<hbm>>
      tpu.enqueue_dma source(%dma_start3A_308 : memref<80x128xi32, #tpu.memory_space<hbm>>) target(%arg14 : memref<80x128xi32, #tpu.memory_space<vmem>>) target_semaphore(%run_scoped3A : memref<!tpu.dma_semaphore, #tpu.memory_space<semaphore_mem>>)
      %dma_wait3A_309 = arith.constant 0 : i32
      %dma_wait3A_310 = tpu.memref_slice %arg6[%mul3A_8, %dma_wait3A_309] : memref<2560x128xi32, #tpu.memory_space<hbm>> -> memref<80x128xi32, #tpu.memory_space<hbm>>
      %dma_wait3A_311 = arith.constant 0 : i32
      %dma_wait3A_312 = tpu.memref_slice %arg6[%mul3A_8, %dma_wait3A_311] : memref<2560x128xi32, #tpu.memory_space<hbm>> -> memref<80x128xi32, #tpu.memory_space<hbm>>
      tpu.wait_dma2 semaphore(%run_scoped3A : memref<!tpu.dma_semaphore, #tpu.memory_space<semaphore_mem>>) src(%dma_wait3A_312 : memref<80x128xi32, #tpu.memory_space<hbm>>) dst(%arg14 : memref<80x128xi32, #tpu.memory_space<vmem>>)
      tpu.yield
    }) : () -> ()
    "tpu.region"() ({
      %run_scoped3A = tpu.sem_alloc : memref<!tpu.dma_semaphore, #tpu.memory_space<semaphore_mem>>
      %dma_start3A_305 = arith.constant 0 : i32
      %dma_start3A_306 = tpu.memref_slice %arg28[%mul3A_2, %dma_start3A_305] : memref<10240x16xf32, #tpu.memory_space<vmem_shared>> -> memref<640x16xf32, #tpu.memory_space<vmem_shared>>
      tpu.enqueue_dma source(%arg8 : memref<640x16xf32, #tpu.memory_space<hbm>>) target(%dma_start3A_306 : memref<640x16xf32, #tpu.memory_space<vmem_shared>>) target_semaphore(%run_scoped3A : memref<!tpu.dma_semaphore, #tpu.memory_space<semaphore_mem>>)
      %dma_wait3A_307 = arith.constant 0 : i32
      %dma_wait3A_308 = tpu.memref_slice %arg28[%mul3A_2, %dma_wait3A_307] : memref<10240x16xf32, #tpu.memory_space<vmem_shared>> -> memref<640x16xf32, #tpu.memory_space<vmem_shared>>
      tpu.wait_dma2 semaphore(%run_scoped3A : memref<!tpu.dma_semaphore, #tpu.memory_space<semaphore_mem>>) src(%arg8 : memref<640x16xf32, #tpu.memory_space<hbm>>) dst(%dma_wait3A_308 : memref<640x16xf32, #tpu.memory_space<vmem_shared>>)
      tpu.yield
    }) : () -> ()
    "tpu.region"() ({
      %run_scoped3A = tpu.sem_alloc : memref<!tpu.dma_semaphore, #tpu.memory_space<semaphore_mem>>
      tpu.enqueue_dma source(%arg9 : memref<128x16xf32, #tpu.memory_space<hbm>>) target(%arg27 : memref<128x16xf32, #tpu.memory_space<vmem>>) target_semaphore(%run_scoped3A : memref<!tpu.dma_semaphore, #tpu.memory_space<semaphore_mem>>)
      tpu.wait_dma2 semaphore(%run_scoped3A : memref<!tpu.dma_semaphore, #tpu.memory_space<semaphore_mem>>) src(%arg9 : memref<128x16xf32, #tpu.memory_space<hbm>>) dst(%arg27 : memref<128x16xf32, #tpu.memory_space<vmem>>)
      tpu.yield
    }) : () -> ()
    "tpu.region"() ({
      %run_scoped3A = tpu.sem_alloc : memref<!tpu.dma_semaphore, #tpu.memory_space<semaphore_mem>>
      %dma_start3A_305 = arith.constant 0 : i32
      %dma_start3A_306 = tpu.memref_slice %arg16[%mul3A_2, %dma_start3A_305] : memref<10240x64xf32, #tpu.memory_space<vmem_shared>> -> memref<640x64xf32, #tpu.memory_space<vmem_shared>>
      tpu.enqueue_dma source(%arg7 : memref<640x64xf32, #tpu.memory_space<hbm>>) target(%dma_start3A_306 : memref<640x64xf32, #tpu.memory_space<vmem_shared>>) target_semaphore(%run_scoped3A : memref<!tpu.dma_semaphore, #tpu.memory_space<semaphore_mem>>)
      %dma_wait3A_307 = arith.constant 0 : i32
      %dma_wait3A_308 = tpu.memref_slice %arg16[%mul3A_2, %dma_wait3A_307] : memref<10240x64xf32, #tpu.memory_space<vmem_shared>> -> memref<640x64xf32, #tpu.memory_space<vmem_shared>>
      tpu.wait_dma2 semaphore(%run_scoped3A : memref<!tpu.dma_semaphore, #tpu.memory_space<semaphore_mem>>) src(%arg7 : memref<640x64xf32, #tpu.memory_space<hbm>>) dst(%dma_wait3A_308 : memref<640x64xf32, #tpu.memory_space<vmem_shared>>)
      tpu.yield
    }) : () -> ()
    %barrier3A = arith.constant 0 : index
    tpu.barrier barrier_id(%barrier3A)
    %dma_start3A = arith.constant 0 : i32
    %dma_start3A_9 = arith.constant 0 : i32
    %dma_start3A_10 = arith.constant 0 : i32
    %dma_start3A_11 = arith.constant 0 : i32
    %dma_start3A_12 = tpu.memref_slice %arg15[%dma_start3A_9, %dma_start3A_10, %dma_start3A_11] : memref<5x128x64xf32, #tpu.memory_space<vmem>> -> memref<1x128x64xf32, #tpu.memory_space<vmem>>
    %dma_start3A_13 = tpu.memref_squeeze %dma_start3A_12 : memref<1x128x64xf32, #tpu.memory_space<vmem>> -> memref<128x64xf32, #tpu.memory_space<vmem>>
    %dma_start3A_14 = arith.constant 0 : i32
    %dma_start3A_15 = tpu.memref_slice %arg12[%dma_start3A, %dma_start3A_14] : memref<80x128xi32, #tpu.memory_space<vmem>> -> memref<1x128xi32, #tpu.memory_space<vmem>>
    %dma_start3A_16 = tpu.memref_squeeze %dma_start3A_15 : memref<1x128xi32, #tpu.memory_space<vmem>> -> memref<128xi32, #tpu.memory_space<vmem>>
    %dma_start3A_17 = arith.constant 0 : i32
    %dma_start3A_18 = arith.constant 0 : i32
    %dma_start3A_19 = tpu.memref_slice %arg2[%dma_start3A_17, %dma_start3A_18] : memref<20000x64xf32, #tpu.memory_space<hbm>> -> memref<20000x64xf32, #tpu.memory_space<hbm>>
    tpu.enqueue_indirect_dma source(%dma_start3A_19 : memref<20000x64xf32, #tpu.memory_space<hbm>>) target(%dma_start3A_13 : memref<128x64xf32, #tpu.memory_space<vmem>>) offsets(%dma_start3A_16 : memref<128xi32, #tpu.memory_space<vmem>>) semaphore(%arg17 : memref<!tpu.dma_semaphore, #tpu.memory_space<semaphore_mem>>)
    %dma_start3A_20 = arith.constant 1 : i32
    %dma_start3A_21 = arith.constant 1 : i32
    %dma_start3A_22 = arith.constant 0 : i32
    %dma_start3A_23 = arith.constant 0 : i32
    %dma_start3A_24 = tpu.memref_slice %arg15[%dma_start3A_21, %dma_start3A_22, %dma_start3A_23] : memref<5x128x64xf32, #tpu.memory_space<vmem>> -> memref<1x128x64xf32, #tpu.memory_space<vmem>>
    %dma_start3A_25 = tpu.memref_squeeze %dma_start3A_24 : memref<1x128x64xf32, #tpu.memory_space<vmem>> -> memref<128x64xf32, #tpu.memory_space<vmem>>
    %dma_start3A_26 = arith.constant 0 : i32
    %dma_start3A_27 = tpu.memref_slice %arg12[%dma_start3A_20, %dma_start3A_26] : memref<80x128xi32, #tpu.memory_space<vmem>> -> memref<1x128xi32, #tpu.memory_space<vmem>>
    %dma_start3A_28 = tpu.memref_squeeze %dma_start3A_27 : memref<1x128xi32, #tpu.memory_space<vmem>> -> memref<128xi32, #tpu.memory_space<vmem>>
    %dma_start3A_29 = arith.constant 0 : i32
    %dma_start3A_30 = arith.constant 0 : i32
    %dma_start3A_31 = tpu.memref_slice %arg2[%dma_start3A_29, %dma_start3A_30] : memref<20000x64xf32, #tpu.memory_space<hbm>> -> memref<20000x64xf32, #tpu.memory_space<hbm>>
    tpu.enqueue_indirect_dma source(%dma_start3A_31 : memref<20000x64xf32, #tpu.memory_space<hbm>>) target(%dma_start3A_25 : memref<128x64xf32, #tpu.memory_space<vmem>>) offsets(%dma_start3A_28 : memref<128xi32, #tpu.memory_space<vmem>>) semaphore(%arg18 : memref<!tpu.dma_semaphore, #tpu.memory_space<semaphore_mem>>)
    %dma_start3A_32 = arith.constant 2 : i32
    %dma_start3A_33 = arith.constant 2 : i32
    %dma_start3A_34 = arith.constant 0 : i32
    %dma_start3A_35 = arith.constant 0 : i32
    %dma_start3A_36 = tpu.memref_slice %arg15[%dma_start3A_33, %dma_start3A_34, %dma_start3A_35] : memref<5x128x64xf32, #tpu.memory_space<vmem>> -> memref<1x128x64xf32, #tpu.memory_space<vmem>>
    %dma_start3A_37 = tpu.memref_squeeze %dma_start3A_36 : memref<1x128x64xf32, #tpu.memory_space<vmem>> -> memref<128x64xf32, #tpu.memory_space<vmem>>
    %dma_start3A_38 = arith.constant 0 : i32
    %dma_start3A_39 = tpu.memref_slice %arg12[%dma_start3A_32, %dma_start3A_38] : memref<80x128xi32, #tpu.memory_space<vmem>> -> memref<1x128xi32, #tpu.memory_space<vmem>>
    %dma_start3A_40 = tpu.memref_squeeze %dma_start3A_39 : memref<1x128xi32, #tpu.memory_space<vmem>> -> memref<128xi32, #tpu.memory_space<vmem>>
    %dma_start3A_41 = arith.constant 0 : i32
    %dma_start3A_42 = arith.constant 0 : i32
    %dma_start3A_43 = tpu.memref_slice %arg2[%dma_start3A_41, %dma_start3A_42] : memref<20000x64xf32, #tpu.memory_space<hbm>> -> memref<20000x64xf32, #tpu.memory_space<hbm>>
    tpu.enqueue_indirect_dma source(%dma_start3A_43 : memref<20000x64xf32, #tpu.memory_space<hbm>>) target(%dma_start3A_37 : memref<128x64xf32, #tpu.memory_space<vmem>>) offsets(%dma_start3A_40 : memref<128xi32, #tpu.memory_space<vmem>>) semaphore(%arg19 : memref<!tpu.dma_semaphore, #tpu.memory_space<semaphore_mem>>)
    %dma_start3A_44 = arith.constant 3 : i32
    %dma_start3A_45 = arith.constant 3 : i32
    %dma_start3A_46 = arith.constant 0 : i32
    %dma_start3A_47 = arith.constant 0 : i32
    %dma_start3A_48 = tpu.memref_slice %arg15[%dma_start3A_45, %dma_start3A_46, %dma_start3A_47] : memref<5x128x64xf32, #tpu.memory_space<vmem>> -> memref<1x128x64xf32, #tpu.memory_space<vmem>>
    %dma_start3A_49 = tpu.memref_squeeze %dma_start3A_48 : memref<1x128x64xf32, #tpu.memory_space<vmem>> -> memref<128x64xf32, #tpu.memory_space<vmem>>
    %dma_start3A_50 = arith.constant 0 : i32
    %dma_start3A_51 = tpu.memref_slice %arg12[%dma_start3A_44, %dma_start3A_50] : memref<80x128xi32, #tpu.memory_space<vmem>> -> memref<1x128xi32, #tpu.memory_space<vmem>>
    %dma_start3A_52 = tpu.memref_squeeze %dma_start3A_51 : memref<1x128xi32, #tpu.memory_space<vmem>> -> memref<128xi32, #tpu.memory_space<vmem>>
    %dma_start3A_53 = arith.constant 0 : i32
    %dma_start3A_54 = arith.constant 0 : i32
    %dma_start3A_55 = tpu.memref_slice %arg2[%dma_start3A_53, %dma_start3A_54] : memref<20000x64xf32, #tpu.memory_space<hbm>> -> memref<20000x64xf32, #tpu.memory_space<hbm>>
    tpu.enqueue_indirect_dma source(%dma_start3A_55 : memref<20000x64xf32, #tpu.memory_space<hbm>>) target(%dma_start3A_49 : memref<128x64xf32, #tpu.memory_space<vmem>>) offsets(%dma_start3A_52 : memref<128xi32, #tpu.memory_space<vmem>>) semaphore(%arg20 : memref<!tpu.dma_semaphore, #tpu.memory_space<semaphore_mem>>)
    %dma_start3A_56 = arith.constant 4 : i32
    %dma_start3A_57 = arith.constant 4 : i32
    %dma_start3A_58 = arith.constant 0 : i32
    %dma_start3A_59 = arith.constant 0 : i32
    %dma_start3A_60 = tpu.memref_slice %arg15[%dma_start3A_57, %dma_start3A_58, %dma_start3A_59] : memref<5x128x64xf32, #tpu.memory_space<vmem>> -> memref<1x128x64xf32, #tpu.memory_space<vmem>>
    %dma_start3A_61 = tpu.memref_squeeze %dma_start3A_60 : memref<1x128x64xf32, #tpu.memory_space<vmem>> -> memref<128x64xf32, #tpu.memory_space<vmem>>
    %dma_start3A_62 = arith.constant 0 : i32
    %dma_start3A_63 = tpu.memref_slice %arg12[%dma_start3A_56, %dma_start3A_62] : memref<80x128xi32, #tpu.memory_space<vmem>> -> memref<1x128xi32, #tpu.memory_space<vmem>>
    %dma_start3A_64 = tpu.memref_squeeze %dma_start3A_63 : memref<1x128xi32, #tpu.memory_space<vmem>> -> memref<128xi32, #tpu.memory_space<vmem>>
    %dma_start3A_65 = arith.constant 0 : i32
    %dma_start3A_66 = arith.constant 0 : i32
    %dma_start3A_67 = tpu.memref_slice %arg2[%dma_start3A_65, %dma_start3A_66] : memref<20000x64xf32, #tpu.memory_space<hbm>> -> memref<20000x64xf32, #tpu.memory_space<hbm>>
    tpu.enqueue_indirect_dma source(%dma_start3A_67 : memref<20000x64xf32, #tpu.memory_space<hbm>>) target(%dma_start3A_61 : memref<128x64xf32, #tpu.memory_space<vmem>>) offsets(%dma_start3A_64 : memref<128xi32, #tpu.memory_space<vmem>>) semaphore(%arg21 : memref<!tpu.dma_semaphore, #tpu.memory_space<semaphore_mem>>)
    %scan3A = arith.constant 0 : i32
    %scan3A_68 = arith.constant 0 : i32
    %scan3A_69 = arith.constant 16 : i32
    %scan3A_70 = arith.addi %scan3A_68, %scan3A_69 : i32
    %scan3A_71 = arith.constant 1 : i32
    scf.for %scan3A_305 = %scan3A_68 to %scan3A_70 step %scan3A_71  : i32 {
      %mul3A_306 = arith.constant 5 : i32
      %mul3A_307 = arith.muli %scan3A_305, %mul3A_306 : i32
      %add3A_308 = arith.constant 0 : i32
      %add3A_309 = arith.addi %mul3A_307, %add3A_308 : i32
      %dma_wait3A_310 = arith.constant 0 : i32
      %dma_wait3A_311 = arith.constant 0 : i32
      %dma_wait3A_312 = arith.constant 0 : i32
      %dma_wait3A_313 = tpu.memref_slice %arg15[%dma_wait3A_310, %dma_wait3A_311, %dma_wait3A_312] : memref<5x128x64xf32, #tpu.memory_space<vmem>> -> memref<1x128x64xf32, #tpu.memory_space<vmem>>
      %dma_wait3A_314 = tpu.memref_squeeze %dma_wait3A_313 : memref<1x128x64xf32, #tpu.memory_space<vmem>> -> memref<128x64xf32, #tpu.memory_space<vmem>>
      %dma_wait3A_315 = arith.constant 0 : i32
      %dma_wait3A_316 = tpu.memref_slice %arg12[%add3A_309, %dma_wait3A_315] : memref<80x128xi32, #tpu.memory_space<vmem>> -> memref<1x128xi32, #tpu.memory_space<vmem>>
      %dma_wait3A_317 = tpu.memref_squeeze %dma_wait3A_316 : memref<1x128xi32, #tpu.memory_space<vmem>> -> memref<128xi32, #tpu.memory_space<vmem>>
      %dma_wait3A_318 = arith.constant 0 : i32
      %dma_wait3A_319 = arith.constant 0 : i32
      %dma_wait3A_320 = tpu.memref_slice %arg2[%dma_wait3A_318, %dma_wait3A_319] : memref<20000x64xf32, #tpu.memory_space<hbm>> -> memref<20000x64xf32, #tpu.memory_space<hbm>>
      tpu.wait_indirect_dma semaphore(%arg17 : memref<!tpu.dma_semaphore, #tpu.memory_space<semaphore_mem>>) src(%dma_wait3A_320 : memref<20000x64xf32, #tpu.memory_space<hbm>>) dst(%dma_wait3A_314 : memref<128x64xf32, #tpu.memory_space<vmem>>)
      %dma_start3A_321 = arith.constant 0 : i32
      %dma_start3A_322 = arith.constant 0 : i32
      %dma_start3A_323 = arith.constant 0 : i32
      %dma_start3A_324 = tpu.memref_slice %arg15[%dma_start3A_321, %dma_start3A_322, %dma_start3A_323] : memref<5x128x64xf32, #tpu.memory_space<vmem>> -> memref<1x128x64xf32, #tpu.memory_space<vmem>>
      %dma_start3A_325 = tpu.memref_squeeze %dma_start3A_324 : memref<1x128x64xf32, #tpu.memory_space<vmem>> -> memref<128x64xf32, #tpu.memory_space<vmem>>
      %dma_start3A_326 = arith.constant 0 : i32
      %dma_start3A_327 = tpu.memref_slice %arg14[%add3A_309, %dma_start3A_326] : memref<80x128xi32, #tpu.memory_space<vmem>> -> memref<1x128xi32, #tpu.memory_space<vmem>>
      %dma_start3A_328 = tpu.memref_squeeze %dma_start3A_327 : memref<1x128xi32, #tpu.memory_space<vmem>> -> memref<128xi32, #tpu.memory_space<vmem>>
      %dma_start3A_329 = arith.constant 0 : i32
      %dma_start3A_330 = arith.constant 0 : i32
      %dma_start3A_331 = tpu.memref_slice %arg16[%dma_start3A_329, %dma_start3A_330] : memref<10240x64xf32, #tpu.memory_space<vmem_shared>> -> memref<10240x64xf32, #tpu.memory_space<vmem_shared>>
      tpu.enqueue_indirect_dma source(%dma_start3A_325 : memref<128x64xf32, #tpu.memory_space<vmem>>) target(%dma_start3A_331 : memref<10240x64xf32, #tpu.memory_space<vmem_shared>>) offsets(%dma_start3A_328 : memref<128xi32, #tpu.memory_space<vmem>>) semaphore(%arg22 : memref<!tpu.dma_semaphore, #tpu.memory_space<semaphore_mem>>) {add = true}
      %dma_start3A_332 = arith.constant 0 : i32
      %dma_start3A_333 = tpu.memref_slice %arg14[%add3A_309, %dma_start3A_332] : memref<80x128xi32, #tpu.memory_space<vmem>> -> memref<1x128xi32, #tpu.memory_space<vmem>>
      %dma_start3A_334 = tpu.memref_squeeze %dma_start3A_333 : memref<1x128xi32, #tpu.memory_space<vmem>> -> memref<128xi32, #tpu.memory_space<vmem>>
      %dma_start3A_335 = arith.constant 0 : i32
      %dma_start3A_336 = arith.constant 0 : i32
      %dma_start3A_337 = tpu.memref_slice %arg28[%dma_start3A_335, %dma_start3A_336] : memref<10240x16xf32, #tpu.memory_space<vmem_shared>> -> memref<10240x16xf32, #tpu.memory_space<vmem_shared>>
      tpu.enqueue_indirect_dma source(%arg27 : memref<128x16xf32, #tpu.memory_space<vmem>>) target(%dma_start3A_337 : memref<10240x16xf32, #tpu.memory_space<vmem_shared>>) offsets(%dma_start3A_334 : memref<128xi32, #tpu.memory_space<vmem>>) semaphore(%arg22 : memref<!tpu.dma_semaphore, #tpu.memory_space<semaphore_mem>>) {add = true}
      %add3A_338 = arith.constant 1 : i32
      %add3A_339 = arith.addi %mul3A_307, %add3A_338 : i32
      %dma_wait3A_340 = arith.constant 1 : i32
      %dma_wait3A_341 = arith.constant 0 : i32
      %dma_wait3A_342 = arith.constant 0 : i32
      %dma_wait3A_343 = tpu.memref_slice %arg15[%dma_wait3A_340, %dma_wait3A_341, %dma_wait3A_342] : memref<5x128x64xf32, #tpu.memory_space<vmem>> -> memref<1x128x64xf32, #tpu.memory_space<vmem>>
      %dma_wait3A_344 = tpu.memref_squeeze %dma_wait3A_343 : memref<1x128x64xf32, #tpu.memory_space<vmem>> -> memref<128x64xf32, #tpu.memory_space<vmem>>
      %dma_wait3A_345 = arith.constant 0 : i32
      %dma_wait3A_346 = tpu.memref_slice %arg12[%add3A_339, %dma_wait3A_345] : memref<80x128xi32, #tpu.memory_space<vmem>> -> memref<1x128xi32, #tpu.memory_space<vmem>>
      %dma_wait3A_347 = tpu.memref_squeeze %dma_wait3A_346 : memref<1x128xi32, #tpu.memory_space<vmem>> -> memref<128xi32, #tpu.memory_space<vmem>>
      %dma_wait3A_348 = arith.constant 0 : i32
      %dma_wait3A_349 = arith.constant 0 : i32
      %dma_wait3A_350 = tpu.memref_slice %arg2[%dma_wait3A_348, %dma_wait3A_349] : memref<20000x64xf32, #tpu.memory_space<hbm>> -> memref<20000x64xf32, #tpu.memory_space<hbm>>
      tpu.wait_indirect_dma semaphore(%arg18 : memref<!tpu.dma_semaphore, #tpu.memory_space<semaphore_mem>>) src(%dma_wait3A_350 : memref<20000x64xf32, #tpu.memory_space<hbm>>) dst(%dma_wait3A_344 : memref<128x64xf32, #tpu.memory_space<vmem>>)
      %dma_start3A_351 = arith.constant 1 : i32
      %dma_start3A_352 = arith.constant 0 : i32
      %dma_start3A_353 = arith.constant 0 : i32
      %dma_start3A_354 = tpu.memref_slice %arg15[%dma_start3A_351, %dma_start3A_352, %dma_start3A_353] : memref<5x128x64xf32, #tpu.memory_space<vmem>> -> memref<1x128x64xf32, #tpu.memory_space<vmem>>
      %dma_start3A_355 = tpu.memref_squeeze %dma_start3A_354 : memref<1x128x64xf32, #tpu.memory_space<vmem>> -> memref<128x64xf32, #tpu.memory_space<vmem>>
      %dma_start3A_356 = arith.constant 0 : i32
      %dma_start3A_357 = tpu.memref_slice %arg14[%add3A_339, %dma_start3A_356] : memref<80x128xi32, #tpu.memory_space<vmem>> -> memref<1x128xi32, #tpu.memory_space<vmem>>
      %dma_start3A_358 = tpu.memref_squeeze %dma_start3A_357 : memref<1x128xi32, #tpu.memory_space<vmem>> -> memref<128xi32, #tpu.memory_space<vmem>>
      %dma_start3A_359 = arith.constant 0 : i32
      %dma_start3A_360 = arith.constant 0 : i32
      %dma_start3A_361 = tpu.memref_slice %arg16[%dma_start3A_359, %dma_start3A_360] : memref<10240x64xf32, #tpu.memory_space<vmem_shared>> -> memref<10240x64xf32, #tpu.memory_space<vmem_shared>>
      tpu.enqueue_indirect_dma source(%dma_start3A_355 : memref<128x64xf32, #tpu.memory_space<vmem>>) target(%dma_start3A_361 : memref<10240x64xf32, #tpu.memory_space<vmem_shared>>) offsets(%dma_start3A_358 : memref<128xi32, #tpu.memory_space<vmem>>) semaphore(%arg23 : memref<!tpu.dma_semaphore, #tpu.memory_space<semaphore_mem>>) {add = true}
      %dma_start3A_362 = arith.constant 0 : i32
      %dma_start3A_363 = tpu.memref_slice %arg14[%add3A_339, %dma_start3A_362] : memref<80x128xi32, #tpu.memory_space<vmem>> -> memref<1x128xi32, #tpu.memory_space<vmem>>
      %dma_start3A_364 = tpu.memref_squeeze %dma_start3A_363 : memref<1x128xi32, #tpu.memory_space<vmem>> -> memref<128xi32, #tpu.memory_space<vmem>>
      %dma_start3A_365 = arith.constant 0 : i32
      %dma_start3A_366 = arith.constant 0 : i32
      %dma_start3A_367 = tpu.memref_slice %arg28[%dma_start3A_365, %dma_start3A_366] : memref<10240x16xf32, #tpu.memory_space<vmem_shared>> -> memref<10240x16xf32, #tpu.memory_space<vmem_shared>>
      tpu.enqueue_indirect_dma source(%arg27 : memref<128x16xf32, #tpu.memory_space<vmem>>) target(%dma_start3A_367 : memref<10240x16xf32, #tpu.memory_space<vmem_shared>>) offsets(%dma_start3A_364 : memref<128xi32, #tpu.memory_space<vmem>>) semaphore(%arg23 : memref<!tpu.dma_semaphore, #tpu.memory_space<semaphore_mem>>) {add = true}
      %add3A_368 = arith.constant 2 : i32
      %add3A_369 = arith.addi %mul3A_307, %add3A_368 : i32
      %dma_wait3A_370 = arith.constant 2 : i32
      %dma_wait3A_371 = arith.constant 0 : i32
      %dma_wait3A_372 = arith.constant 0 : i32
      %dma_wait3A_373 = tpu.memref_slice %arg15[%dma_wait3A_370, %dma_wait3A_371, %dma_wait3A_372] : memref<5x128x64xf32, #tpu.memory_space<vmem>> -> memref<1x128x64xf32, #tpu.memory_space<vmem>>
      %dma_wait3A_374 = tpu.memref_squeeze %dma_wait3A_373 : memref<1x128x64xf32, #tpu.memory_space<vmem>> -> memref<128x64xf32, #tpu.memory_space<vmem>>
      %dma_wait3A_375 = arith.constant 0 : i32
      %dma_wait3A_376 = tpu.memref_slice %arg12[%add3A_369, %dma_wait3A_375] : memref<80x128xi32, #tpu.memory_space<vmem>> -> memref<1x128xi32, #tpu.memory_space<vmem>>
      %dma_wait3A_377 = tpu.memref_squeeze %dma_wait3A_376 : memref<1x128xi32, #tpu.memory_space<vmem>> -> memref<128xi32, #tpu.memory_space<vmem>>
      %dma_wait3A_378 = arith.constant 0 : i32
      %dma_wait3A_379 = arith.constant 0 : i32
      %dma_wait3A_380 = tpu.memref_slice %arg2[%dma_wait3A_378, %dma_wait3A_379] : memref<20000x64xf32, #tpu.memory_space<hbm>> -> memref<20000x64xf32, #tpu.memory_space<hbm>>
      tpu.wait_indirect_dma semaphore(%arg19 : memref<!tpu.dma_semaphore, #tpu.memory_space<semaphore_mem>>) src(%dma_wait3A_380 : memref<20000x64xf32, #tpu.memory_space<hbm>>) dst(%dma_wait3A_374 : memref<128x64xf32, #tpu.memory_space<vmem>>)
      %dma_start3A_381 = arith.constant 2 : i32
      %dma_start3A_382 = arith.constant 0 : i32
      %dma_start3A_383 = arith.constant 0 : i32
      %dma_start3A_384 = tpu.memref_slice %arg15[%dma_start3A_381, %dma_start3A_382, %dma_start3A_383] : memref<5x128x64xf32, #tpu.memory_space<vmem>> -> memref<1x128x64xf32, #tpu.memory_space<vmem>>
      %dma_start3A_385 = tpu.memref_squeeze %dma_start3A_384 : memref<1x128x64xf32, #tpu.memory_space<vmem>> -> memref<128x64xf32, #tpu.memory_space<vmem>>
      %dma_start3A_386 = arith.constant 0 : i32
      %dma_start3A_387 = tpu.memref_slice %arg14[%add3A_369, %dma_start3A_386] : memref<80x128xi32, #tpu.memory_space<vmem>> -> memref<1x128xi32, #tpu.memory_space<vmem>>
      %dma_start3A_388 = tpu.memref_squeeze %dma_start3A_387 : memref<1x128xi32, #tpu.memory_space<vmem>> -> memref<128xi32, #tpu.memory_space<vmem>>
      %dma_start3A_389 = arith.constant 0 : i32
      %dma_start3A_390 = arith.constant 0 : i32
      %dma_start3A_391 = tpu.memref_slice %arg16[%dma_start3A_389, %dma_start3A_390] : memref<10240x64xf32, #tpu.memory_space<vmem_shared>> -> memref<10240x64xf32, #tpu.memory_space<vmem_shared>>
      tpu.enqueue_indirect_dma source(%dma_start3A_385 : memref<128x64xf32, #tpu.memory_space<vmem>>) target(%dma_start3A_391 : memref<10240x64xf32, #tpu.memory_space<vmem_shared>>) offsets(%dma_start3A_388 : memref<128xi32, #tpu.memory_space<vmem>>) semaphore(%arg24 : memref<!tpu.dma_semaphore, #tpu.memory_space<semaphore_mem>>) {add = true}
      %dma_start3A_392 = arith.constant 0 : i32
      %dma_start3A_393 = tpu.memref_slice %arg14[%add3A_369, %dma_start3A_392] : memref<80x128xi32, #tpu.memory_space<vmem>> -> memref<1x128xi32, #tpu.memory_space<vmem>>
      %dma_start3A_394 = tpu.memref_squeeze %dma_start3A_393 : memref<1x128xi32, #tpu.memory_space<vmem>> -> memref<128xi32, #tpu.memory_space<vmem>>
      %dma_start3A_395 = arith.constant 0 : i32
      %dma_start3A_396 = arith.constant 0 : i32
      %dma_start3A_397 = tpu.memref_slice %arg28[%dma_start3A_395, %dma_start3A_396] : memref<10240x16xf32, #tpu.memory_space<vmem_shared>> -> memref<10240x16xf32, #tpu.memory_space<vmem_shared>>
      tpu.enqueue_indirect_dma source(%arg27 : memref<128x16xf32, #tpu.memory_space<vmem>>) target(%dma_start3A_397 : memref<10240x16xf32, #tpu.memory_space<vmem_shared>>) offsets(%dma_start3A_394 : memref<128xi32, #tpu.memory_space<vmem>>) semaphore(%arg24 : memref<!tpu.dma_semaphore, #tpu.memory_space<semaphore_mem>>) {add = true}
      %add3A_398 = arith.constant 3 : i32
      %add3A_399 = arith.addi %mul3A_307, %add3A_398 : i32
      %dma_wait3A_400 = arith.constant 3 : i32
      %dma_wait3A_401 = arith.constant 0 : i32
      %dma_wait3A_402 = arith.constant 0 : i32
      %dma_wait3A_403 = tpu.memref_slice %arg15[%dma_wait3A_400, %dma_wait3A_401, %dma_wait3A_402] : memref<5x128x64xf32, #tpu.memory_space<vmem>> -> memref<1x128x64xf32, #tpu.memory_space<vmem>>
      %dma_wait3A_404 = tpu.memref_squeeze %dma_wait3A_403 : memref<1x128x64xf32, #tpu.memory_space<vmem>> -> memref<128x64xf32, #tpu.memory_space<vmem>>
      %dma_wait3A_405 = arith.constant 0 : i32
      %dma_wait3A_406 = tpu.memref_slice %arg12[%add3A_399, %dma_wait3A_405] : memref<80x128xi32, #tpu.memory_space<vmem>> -> memref<1x128xi32, #tpu.memory_space<vmem>>
      %dma_wait3A_407 = tpu.memref_squeeze %dma_wait3A_406 : memref<1x128xi32, #tpu.memory_space<vmem>> -> memref<128xi32, #tpu.memory_space<vmem>>
      %dma_wait3A_408 = arith.constant 0 : i32
      %dma_wait3A_409 = arith.constant 0 : i32
      %dma_wait3A_410 = tpu.memref_slice %arg2[%dma_wait3A_408, %dma_wait3A_409] : memref<20000x64xf32, #tpu.memory_space<hbm>> -> memref<20000x64xf32, #tpu.memory_space<hbm>>
      tpu.wait_indirect_dma semaphore(%arg20 : memref<!tpu.dma_semaphore, #tpu.memory_space<semaphore_mem>>) src(%dma_wait3A_410 : memref<20000x64xf32, #tpu.memory_space<hbm>>) dst(%dma_wait3A_404 : memref<128x64xf32, #tpu.memory_space<vmem>>)
      %dma_start3A_411 = arith.constant 3 : i32
      %dma_start3A_412 = arith.constant 0 : i32
      %dma_start3A_413 = arith.constant 0 : i32
      %dma_start3A_414 = tpu.memref_slice %arg15[%dma_start3A_411, %dma_start3A_412, %dma_start3A_413] : memref<5x128x64xf32, #tpu.memory_space<vmem>> -> memref<1x128x64xf32, #tpu.memory_space<vmem>>
      %dma_start3A_415 = tpu.memref_squeeze %dma_start3A_414 : memref<1x128x64xf32, #tpu.memory_space<vmem>> -> memref<128x64xf32, #tpu.memory_space<vmem>>
      %dma_start3A_416 = arith.constant 0 : i32
      %dma_start3A_417 = tpu.memref_slice %arg14[%add3A_399, %dma_start3A_416] : memref<80x128xi32, #tpu.memory_space<vmem>> -> memref<1x128xi32, #tpu.memory_space<vmem>>
      %dma_start3A_418 = tpu.memref_squeeze %dma_start3A_417 : memref<1x128xi32, #tpu.memory_space<vmem>> -> memref<128xi32, #tpu.memory_space<vmem>>
      %dma_start3A_419 = arith.constant 0 : i32
      %dma_start3A_420 = arith.constant 0 : i32
      %dma_start3A_421 = tpu.memref_slice %arg16[%dma_start3A_419, %dma_start3A_420] : memref<10240x64xf32, #tpu.memory_space<vmem_shared>> -> memref<10240x64xf32, #tpu.memory_space<vmem_shared>>
      tpu.enqueue_indirect_dma source(%dma_start3A_415 : memref<128x64xf32, #tpu.memory_space<vmem>>) target(%dma_start3A_421 : memref<10240x64xf32, #tpu.memory_space<vmem_shared>>) offsets(%dma_start3A_418 : memref<128xi32, #tpu.memory_space<vmem>>) semaphore(%arg25 : memref<!tpu.dma_semaphore, #tpu.memory_space<semaphore_mem>>) {add = true}
      %dma_start3A_422 = arith.constant 0 : i32
      %dma_start3A_423 = tpu.memref_slice %arg14[%add3A_399, %dma_start3A_422] : memref<80x128xi32, #tpu.memory_space<vmem>> -> memref<1x128xi32, #tpu.memory_space<vmem>>
      %dma_start3A_424 = tpu.memref_squeeze %dma_start3A_423 : memref<1x128xi32, #tpu.memory_space<vmem>> -> memref<128xi32, #tpu.memory_space<vmem>>
      %dma_start3A_425 = arith.constant 0 : i32
      %dma_start3A_426 = arith.constant 0 : i32
      %dma_start3A_427 = tpu.memref_slice %arg28[%dma_start3A_425, %dma_start3A_426] : memref<10240x16xf32, #tpu.memory_space<vmem_shared>> -> memref<10240x16xf32, #tpu.memory_space<vmem_shared>>
      tpu.enqueue_indirect_dma source(%arg27 : memref<128x16xf32, #tpu.memory_space<vmem>>) target(%dma_start3A_427 : memref<10240x16xf32, #tpu.memory_space<vmem_shared>>) offsets(%dma_start3A_424 : memref<128xi32, #tpu.memory_space<vmem>>) semaphore(%arg25 : memref<!tpu.dma_semaphore, #tpu.memory_space<semaphore_mem>>) {add = true}
      %add3A_428 = arith.constant 4 : i32
      %add3A_429 = arith.addi %mul3A_307, %add3A_428 : i32
      %dma_wait3A_430 = arith.constant 4 : i32
      %dma_wait3A_431 = arith.constant 0 : i32
      %dma_wait3A_432 = arith.constant 0 : i32
      %dma_wait3A_433 = tpu.memref_slice %arg15[%dma_wait3A_430, %dma_wait3A_431, %dma_wait3A_432] : memref<5x128x64xf32, #tpu.memory_space<vmem>> -> memref<1x128x64xf32, #tpu.memory_space<vmem>>
      %dma_wait3A_434 = tpu.memref_squeeze %dma_wait3A_433 : memref<1x128x64xf32, #tpu.memory_space<vmem>> -> memref<128x64xf32, #tpu.memory_space<vmem>>
      %dma_wait3A_435 = arith.constant 0 : i32
      %dma_wait3A_436 = tpu.memref_slice %arg12[%add3A_429, %dma_wait3A_435] : memref<80x128xi32, #tpu.memory_space<vmem>> -> memref<1x128xi32, #tpu.memory_space<vmem>>
      %dma_wait3A_437 = tpu.memref_squeeze %dma_wait3A_436 : memref<1x128xi32, #tpu.memory_space<vmem>> -> memref<128xi32, #tpu.memory_space<vmem>>
      %dma_wait3A_438 = arith.constant 0 : i32
      %dma_wait3A_439 = arith.constant 0 : i32
      %dma_wait3A_440 = tpu.memref_slice %arg2[%dma_wait3A_438, %dma_wait3A_439] : memref<20000x64xf32, #tpu.memory_space<hbm>> -> memref<20000x64xf32, #tpu.memory_space<hbm>>
      tpu.wait_indirect_dma semaphore(%arg21 : memref<!tpu.dma_semaphore, #tpu.memory_space<semaphore_mem>>) src(%dma_wait3A_440 : memref<20000x64xf32, #tpu.memory_space<hbm>>) dst(%dma_wait3A_434 : memref<128x64xf32, #tpu.memory_space<vmem>>)
      %dma_start3A_441 = arith.constant 4 : i32
      %dma_start3A_442 = arith.constant 0 : i32
      %dma_start3A_443 = arith.constant 0 : i32
      %dma_start3A_444 = tpu.memref_slice %arg15[%dma_start3A_441, %dma_start3A_442, %dma_start3A_443] : memref<5x128x64xf32, #tpu.memory_space<vmem>> -> memref<1x128x64xf32, #tpu.memory_space<vmem>>
      %dma_start3A_445 = tpu.memref_squeeze %dma_start3A_444 : memref<1x128x64xf32, #tpu.memory_space<vmem>> -> memref<128x64xf32, #tpu.memory_space<vmem>>
      %dma_start3A_446 = arith.constant 0 : i32
      %dma_start3A_447 = tpu.memref_slice %arg14[%add3A_429, %dma_start3A_446] : memref<80x128xi32, #tpu.memory_space<vmem>> -> memref<1x128xi32, #tpu.memory_space<vmem>>
      %dma_start3A_448 = tpu.memref_squeeze %dma_start3A_447 : memref<1x128xi32, #tpu.memory_space<vmem>> -> memref<128xi32, #tpu.memory_space<vmem>>
      %dma_start3A_449 = arith.constant 0 : i32
      %dma_start3A_450 = arith.constant 0 : i32
      %dma_start3A_451 = tpu.memref_slice %arg16[%dma_start3A_449, %dma_start3A_450] : memref<10240x64xf32, #tpu.memory_space<vmem_shared>> -> memref<10240x64xf32, #tpu.memory_space<vmem_shared>>
      tpu.enqueue_indirect_dma source(%dma_start3A_445 : memref<128x64xf32, #tpu.memory_space<vmem>>) target(%dma_start3A_451 : memref<10240x64xf32, #tpu.memory_space<vmem_shared>>) offsets(%dma_start3A_448 : memref<128xi32, #tpu.memory_space<vmem>>) semaphore(%arg26 : memref<!tpu.dma_semaphore, #tpu.memory_space<semaphore_mem>>) {add = true}
      %dma_start3A_452 = arith.constant 0 : i32
      %dma_start3A_453 = tpu.memref_slice %arg14[%add3A_429, %dma_start3A_452] : memref<80x128xi32, #tpu.memory_space<vmem>> -> memref<1x128xi32, #tpu.memory_space<vmem>>
      %dma_start3A_454 = tpu.memref_squeeze %dma_start3A_453 : memref<1x128xi32, #tpu.memory_space<vmem>> -> memref<128xi32, #tpu.memory_space<vmem>>
      %dma_start3A_455 = arith.constant 0 : i32
      %dma_start3A_456 = arith.constant 0 : i32
      %dma_start3A_457 = tpu.memref_slice %arg28[%dma_start3A_455, %dma_start3A_456] : memref<10240x16xf32, #tpu.memory_space<vmem_shared>> -> memref<10240x16xf32, #tpu.memory_space<vmem_shared>>
      tpu.enqueue_indirect_dma source(%arg27 : memref<128x16xf32, #tpu.memory_space<vmem>>) target(%dma_start3A_457 : memref<10240x16xf32, #tpu.memory_space<vmem_shared>>) offsets(%dma_start3A_454 : memref<128xi32, #tpu.memory_space<vmem>>) semaphore(%arg26 : memref<!tpu.dma_semaphore, #tpu.memory_space<semaphore_mem>>) {add = true}
      %add3A_458 = arith.constant 5 : i32
      %add3A_459 = arith.addi %mul3A_307, %add3A_458 : i32
      %add3A_460 = arith.constant 0 : i32
      %add3A_461 = arith.addi %add3A_459, %add3A_460 : i32
      %lt3A = arith.constant 80 : i32
      %lt3A_462 = arith.cmpi slt, %add3A_461, %lt3A : i32
      %convert_element_type3A = arith.extui %lt3A_462 : i1 to i32
      %cond3A = arith.constant 0 : i32
      %cond3A_463 = arith.constant 0 : i32
      %cond3A_464 = arith.cmpi ne, %convert_element_type3A, %cond3A_463 : i32
      scf.if %cond3A_464 {
        %dma_wait3A_505 = arith.constant 0 : i32
        %dma_wait3A_506 = arith.constant 0 : i32
        %dma_wait3A_507 = tpu.memref_slice %arg15[%cond3A, %dma_wait3A_505, %dma_wait3A_506] : memref<5x128x64xf32, #tpu.memory_space<vmem>> -> memref<1x128x64xf32, #tpu.memory_space<vmem>>
        %dma_wait3A_508 = tpu.memref_squeeze %dma_wait3A_507 : memref<1x128x64xf32, #tpu.memory_space<vmem>> -> memref<128x64xf32, #tpu.memory_space<vmem>>
        %dma_wait3A_509 = arith.constant 0 : i32
        %dma_wait3A_510 = tpu.memref_slice %arg14[%add3A_309, %dma_wait3A_509] : memref<80x128xi32, #tpu.memory_space<vmem>> -> memref<1x128xi32, #tpu.memory_space<vmem>>
        %dma_wait3A_511 = tpu.memref_squeeze %dma_wait3A_510 : memref<1x128xi32, #tpu.memory_space<vmem>> -> memref<128xi32, #tpu.memory_space<vmem>>
        %dma_wait3A_512 = arith.constant 0 : i32
        %dma_wait3A_513 = arith.constant 0 : i32
        %dma_wait3A_514 = tpu.memref_slice %arg16[%dma_wait3A_512, %dma_wait3A_513] : memref<10240x64xf32, #tpu.memory_space<vmem_shared>> -> memref<10240x64xf32, #tpu.memory_space<vmem_shared>>
        tpu.wait_indirect_dma semaphore(%arg22 : memref<!tpu.dma_semaphore, #tpu.memory_space<semaphore_mem>>) src(%dma_wait3A_508 : memref<128x64xf32, #tpu.memory_space<vmem>>) dst(%dma_wait3A_514 : memref<10240x64xf32, #tpu.memory_space<vmem_shared>>)
        %dma_wait3A_515 = arith.constant 0 : i32
        %dma_wait3A_516 = tpu.memref_slice %arg14[%add3A_309, %dma_wait3A_515] : memref<80x128xi32, #tpu.memory_space<vmem>> -> memref<1x128xi32, #tpu.memory_space<vmem>>
        %dma_wait3A_517 = tpu.memref_squeeze %dma_wait3A_516 : memref<1x128xi32, #tpu.memory_space<vmem>> -> memref<128xi32, #tpu.memory_space<vmem>>
        %dma_wait3A_518 = arith.constant 0 : i32
        %dma_wait3A_519 = arith.constant 0 : i32
        %dma_wait3A_520 = tpu.memref_slice %arg28[%dma_wait3A_518, %dma_wait3A_519] : memref<10240x16xf32, #tpu.memory_space<vmem_shared>> -> memref<10240x16xf32, #tpu.memory_space<vmem_shared>>
        tpu.wait_indirect_dma semaphore(%arg22 : memref<!tpu.dma_semaphore, #tpu.memory_space<semaphore_mem>>) src(%arg27 : memref<128x16xf32, #tpu.memory_space<vmem>>) dst(%dma_wait3A_520 : memref<10240x16xf32, #tpu.memory_space<vmem_shared>>)
        %dma_start3A_521 = arith.constant 0 : i32
        %dma_start3A_522 = arith.constant 0 : i32
        %dma_start3A_523 = arith.constant 0 : i32
        %dma_start3A_524 = tpu.memref_slice %arg15[%dma_start3A_521, %dma_start3A_522, %dma_start3A_523] : memref<5x128x64xf32, #tpu.memory_space<vmem>> -> memref<1x128x64xf32, #tpu.memory_space<vmem>>
        %dma_start3A_525 = tpu.memref_squeeze %dma_start3A_524 : memref<1x128x64xf32, #tpu.memory_space<vmem>> -> memref<128x64xf32, #tpu.memory_space<vmem>>
        %dma_start3A_526 = arith.constant 0 : i32
        %dma_start3A_527 = tpu.memref_slice %arg12[%add3A_461, %dma_start3A_526] : memref<80x128xi32, #tpu.memory_space<vmem>> -> memref<1x128xi32, #tpu.memory_space<vmem>>
        %dma_start3A_528 = tpu.memref_squeeze %dma_start3A_527 : memref<1x128xi32, #tpu.memory_space<vmem>> -> memref<128xi32, #tpu.memory_space<vmem>>
        %dma_start3A_529 = arith.constant 0 : i32
        %dma_start3A_530 = arith.constant 0 : i32
        %dma_start3A_531 = tpu.memref_slice %arg2[%dma_start3A_529, %dma_start3A_530] : memref<20000x64xf32, #tpu.memory_space<hbm>> -> memref<20000x64xf32, #tpu.memory_space<hbm>>
        tpu.enqueue_indirect_dma source(%dma_start3A_531 : memref<20000x64xf32, #tpu.memory_space<hbm>>) target(%dma_start3A_525 : memref<128x64xf32, #tpu.memory_space<vmem>>) offsets(%dma_start3A_528 : memref<128xi32, #tpu.memory_space<vmem>>) semaphore(%arg17 : memref<!tpu.dma_semaphore, #tpu.memory_space<semaphore_mem>>)
      } else {
      }
      %add3A_465 = arith.constant 5 : i32
      %add3A_466 = arith.addi %mul3A_307, %add3A_465 : i32
      %add3A_467 = arith.constant 1 : i32
      %add3A_468 = arith.addi %add3A_466, %add3A_467 : i32
      %lt3A_469 = arith.constant 80 : i32
      %lt3A_470 = arith.cmpi slt, %add3A_468, %lt3A_469 : i32
      %convert_element_type3A_471 = arith.extui %lt3A_470 : i1 to i32
      %cond3A_472 = arith.constant 1 : i32
      %cond3A_473 = arith.constant 0 : i32
      %cond3A_474 = arith.cmpi ne, %convert_element_type3A_471, %cond3A_473 : i32
      scf.if %cond3A_474 {
        %dma_wait3A_505 = arith.constant 0 : i32
        %dma_wait3A_506 = arith.constant 0 : i32
        %dma_wait3A_507 = tpu.memref_slice %arg15[%cond3A_472, %dma_wait3A_505, %dma_wait3A_506] : memref<5x128x64xf32, #tpu.memory_space<vmem>> -> memref<1x128x64xf32, #tpu.memory_space<vmem>>
        %dma_wait3A_508 = tpu.memref_squeeze %dma_wait3A_507 : memref<1x128x64xf32, #tpu.memory_space<vmem>> -> memref<128x64xf32, #tpu.memory_space<vmem>>
        %dma_wait3A_509 = arith.constant 0 : i32
        %dma_wait3A_510 = tpu.memref_slice %arg14[%add3A_339, %dma_wait3A_509] : memref<80x128xi32, #tpu.memory_space<vmem>> -> memref<1x128xi32, #tpu.memory_space<vmem>>
        %dma_wait3A_511 = tpu.memref_squeeze %dma_wait3A_510 : memref<1x128xi32, #tpu.memory_space<vmem>> -> memref<128xi32, #tpu.memory_space<vmem>>
        %dma_wait3A_512 = arith.constant 0 : i32
        %dma_wait3A_513 = arith.constant 0 : i32
        %dma_wait3A_514 = tpu.memref_slice %arg16[%dma_wait3A_512, %dma_wait3A_513] : memref<10240x64xf32, #tpu.memory_space<vmem_shared>> -> memref<10240x64xf32, #tpu.memory_space<vmem_shared>>
        tpu.wait_indirect_dma semaphore(%arg23 : memref<!tpu.dma_semaphore, #tpu.memory_space<semaphore_mem>>) src(%dma_wait3A_508 : memref<128x64xf32, #tpu.memory_space<vmem>>) dst(%dma_wait3A_514 : memref<10240x64xf32, #tpu.memory_space<vmem_shared>>)
        %dma_wait3A_515 = arith.constant 0 : i32
        %dma_wait3A_516 = tpu.memref_slice %arg14[%add3A_339, %dma_wait3A_515] : memref<80x128xi32, #tpu.memory_space<vmem>> -> memref<1x128xi32, #tpu.memory_space<vmem>>
        %dma_wait3A_517 = tpu.memref_squeeze %dma_wait3A_516 : memref<1x128xi32, #tpu.memory_space<vmem>> -> memref<128xi32, #tpu.memory_space<vmem>>
        %dma_wait3A_518 = arith.constant 0 : i32
        %dma_wait3A_519 = arith.constant 0 : i32
        %dma_wait3A_520 = tpu.memref_slice %arg28[%dma_wait3A_518, %dma_wait3A_519] : memref<10240x16xf32, #tpu.memory_space<vmem_shared>> -> memref<10240x16xf32, #tpu.memory_space<vmem_shared>>
        tpu.wait_indirect_dma semaphore(%arg23 : memref<!tpu.dma_semaphore, #tpu.memory_space<semaphore_mem>>) src(%arg27 : memref<128x16xf32, #tpu.memory_space<vmem>>) dst(%dma_wait3A_520 : memref<10240x16xf32, #tpu.memory_space<vmem_shared>>)
        %dma_start3A_521 = arith.constant 1 : i32
        %dma_start3A_522 = arith.constant 0 : i32
        %dma_start3A_523 = arith.constant 0 : i32
        %dma_start3A_524 = tpu.memref_slice %arg15[%dma_start3A_521, %dma_start3A_522, %dma_start3A_523] : memref<5x128x64xf32, #tpu.memory_space<vmem>> -> memref<1x128x64xf32, #tpu.memory_space<vmem>>
        %dma_start3A_525 = tpu.memref_squeeze %dma_start3A_524 : memref<1x128x64xf32, #tpu.memory_space<vmem>> -> memref<128x64xf32, #tpu.memory_space<vmem>>
        %dma_start3A_526 = arith.constant 0 : i32
        %dma_start3A_527 = tpu.memref_slice %arg12[%add3A_468, %dma_start3A_526] : memref<80x128xi32, #tpu.memory_space<vmem>> -> memref<1x128xi32, #tpu.memory_space<vmem>>
        %dma_start3A_528 = tpu.memref_squeeze %dma_start3A_527 : memref<1x128xi32, #tpu.memory_space<vmem>> -> memref<128xi32, #tpu.memory_space<vmem>>
        %dma_start3A_529 = arith.constant 0 : i32
        %dma_start3A_530 = arith.constant 0 : i32
        %dma_start3A_531 = tpu.memref_slice %arg2[%dma_start3A_529, %dma_start3A_530] : memref<20000x64xf32, #tpu.memory_space<hbm>> -> memref<20000x64xf32, #tpu.memory_space<hbm>>
        tpu.enqueue_indirect_dma source(%dma_start3A_531 : memref<20000x64xf32, #tpu.memory_space<hbm>>) target(%dma_start3A_525 : memref<128x64xf32, #tpu.memory_space<vmem>>) offsets(%dma_start3A_528 : memref<128xi32, #tpu.memory_space<vmem>>) semaphore(%arg18 : memref<!tpu.dma_semaphore, #tpu.memory_space<semaphore_mem>>)
      } else {
      }
      %add3A_475 = arith.constant 5 : i32
      %add3A_476 = arith.addi %mul3A_307, %add3A_475 : i32
      %add3A_477 = arith.constant 2 : i32
      %add3A_478 = arith.addi %add3A_476, %add3A_477 : i32
      %lt3A_479 = arith.constant 80 : i32
      %lt3A_480 = arith.cmpi slt, %add3A_478, %lt3A_479 : i32
      %convert_element_type3A_481 = arith.extui %lt3A_480 : i1 to i32
      %cond3A_482 = arith.constant 2 : i32
      %cond3A_483 = arith.constant 0 : i32
      %cond3A_484 = arith.cmpi ne, %convert_element_type3A_481, %cond3A_483 : i32
      scf.if %cond3A_484 {
        %dma_wait3A_505 = arith.constant 0 : i32
        %dma_wait3A_506 = arith.constant 0 : i32
        %dma_wait3A_507 = tpu.memref_slice %arg15[%cond3A_482, %dma_wait3A_505, %dma_wait3A_506] : memref<5x128x64xf32, #tpu.memory_space<vmem>> -> memref<1x128x64xf32, #tpu.memory_space<vmem>>
        %dma_wait3A_508 = tpu.memref_squeeze %dma_wait3A_507 : memref<1x128x64xf32, #tpu.memory_space<vmem>> -> memref<128x64xf32, #tpu.memory_space<vmem>>
        %dma_wait3A_509 = arith.constant 0 : i32
        %dma_wait3A_510 = tpu.memref_slice %arg14[%add3A_369, %dma_wait3A_509] : memref<80x128xi32, #tpu.memory_space<vmem>> -> memref<1x128xi32, #tpu.memory_space<vmem>>
        %dma_wait3A_511 = tpu.memref_squeeze %dma_wait3A_510 : memref<1x128xi32, #tpu.memory_space<vmem>> -> memref<128xi32, #tpu.memory_space<vmem>>
        %dma_wait3A_512 = arith.constant 0 : i32
        %dma_wait3A_513 = arith.constant 0 : i32
        %dma_wait3A_514 = tpu.memref_slice %arg16[%dma_wait3A_512, %dma_wait3A_513] : memref<10240x64xf32, #tpu.memory_space<vmem_shared>> -> memref<10240x64xf32, #tpu.memory_space<vmem_shared>>
        tpu.wait_indirect_dma semaphore(%arg24 : memref<!tpu.dma_semaphore, #tpu.memory_space<semaphore_mem>>) src(%dma_wait3A_508 : memref<128x64xf32, #tpu.memory_space<vmem>>) dst(%dma_wait3A_514 : memref<10240x64xf32, #tpu.memory_space<vmem_shared>>)
        %dma_wait3A_515 = arith.constant 0 : i32
        %dma_wait3A_516 = tpu.memref_slice %arg14[%add3A_369, %dma_wait3A_515] : memref<80x128xi32, #tpu.memory_space<vmem>> -> memref<1x128xi32, #tpu.memory_space<vmem>>
        %dma_wait3A_517 = tpu.memref_squeeze %dma_wait3A_516 : memref<1x128xi32, #tpu.memory_space<vmem>> -> memref<128xi32, #tpu.memory_space<vmem>>
        %dma_wait3A_518 = arith.constant 0 : i32
        %dma_wait3A_519 = arith.constant 0 : i32
        %dma_wait3A_520 = tpu.memref_slice %arg28[%dma_wait3A_518, %dma_wait3A_519] : memref<10240x16xf32, #tpu.memory_space<vmem_shared>> -> memref<10240x16xf32, #tpu.memory_space<vmem_shared>>
        tpu.wait_indirect_dma semaphore(%arg24 : memref<!tpu.dma_semaphore, #tpu.memory_space<semaphore_mem>>) src(%arg27 : memref<128x16xf32, #tpu.memory_space<vmem>>) dst(%dma_wait3A_520 : memref<10240x16xf32, #tpu.memory_space<vmem_shared>>)
        %dma_start3A_521 = arith.constant 2 : i32
        %dma_start3A_522 = arith.constant 0 : i32
        %dma_start3A_523 = arith.constant 0 : i32
        %dma_start3A_524 = tpu.memref_slice %arg15[%dma_start3A_521, %dma_start3A_522, %dma_start3A_523] : memref<5x128x64xf32, #tpu.memory_space<vmem>> -> memref<1x128x64xf32, #tpu.memory_space<vmem>>
        %dma_start3A_525 = tpu.memref_squeeze %dma_start3A_524 : memref<1x128x64xf32, #tpu.memory_space<vmem>> -> memref<128x64xf32, #tpu.memory_space<vmem>>
        %dma_start3A_526 = arith.constant 0 : i32
        %dma_start3A_527 = tpu.memref_slice %arg12[%add3A_478, %dma_start3A_526] : memref<80x128xi32, #tpu.memory_space<vmem>> -> memref<1x128xi32, #tpu.memory_space<vmem>>
        %dma_start3A_528 = tpu.memref_squeeze %dma_start3A_527 : memref<1x128xi32, #tpu.memory_space<vmem>> -> memref<128xi32, #tpu.memory_space<vmem>>
        %dma_start3A_529 = arith.constant 0 : i32
        %dma_start3A_530 = arith.constant 0 : i32
        %dma_start3A_531 = tpu.memref_slice %arg2[%dma_start3A_529, %dma_start3A_530] : memref<20000x64xf32, #tpu.memory_space<hbm>> -> memref<20000x64xf32, #tpu.memory_space<hbm>>
        tpu.enqueue_indirect_dma source(%dma_start3A_531 : memref<20000x64xf32, #tpu.memory_space<hbm>>) target(%dma_start3A_525 : memref<128x64xf32, #tpu.memory_space<vmem>>) offsets(%dma_start3A_528 : memref<128xi32, #tpu.memory_space<vmem>>) semaphore(%arg19 : memref<!tpu.dma_semaphore, #tpu.memory_space<semaphore_mem>>)
      } else {
      }
      %add3A_485 = arith.constant 5 : i32
      %add3A_486 = arith.addi %mul3A_307, %add3A_485 : i32
      %add3A_487 = arith.constant 3 : i32
      %add3A_488 = arith.addi %add3A_486, %add3A_487 : i32
      %lt3A_489 = arith.constant 80 : i32
      %lt3A_490 = arith.cmpi slt, %add3A_488, %lt3A_489 : i32
      %convert_element_type3A_491 = arith.extui %lt3A_490 : i1 to i32
      %cond3A_492 = arith.constant 3 : i32
      %cond3A_493 = arith.constant 0 : i32
      %cond3A_494 = arith.cmpi ne, %convert_element_type3A_491, %cond3A_493 : i32
      scf.if %cond3A_494 {
        %dma_wait3A_505 = arith.constant 0 : i32
        %dma_wait3A_506 = arith.constant 0 : i32
        %dma_wait3A_507 = tpu.memref_slice %arg15[%cond3A_492, %dma_wait3A_505, %dma_wait3A_506] : memref<5x128x64xf32, #tpu.memory_space<vmem>> -> memref<1x128x64xf32, #tpu.memory_space<vmem>>
        %dma_wait3A_508 = tpu.memref_squeeze %dma_wait3A_507 : memref<1x128x64xf32, #tpu.memory_space<vmem>> -> memref<128x64xf32, #tpu.memory_space<vmem>>
        %dma_wait3A_509 = arith.constant 0 : i32
        %dma_wait3A_510 = tpu.memref_slice %arg14[%add3A_399, %dma_wait3A_509] : memref<80x128xi32, #tpu.memory_space<vmem>> -> memref<1x128xi32, #tpu.memory_space<vmem>>
        %dma_wait3A_511 = tpu.memref_squeeze %dma_wait3A_510 : memref<1x128xi32, #tpu.memory_space<vmem>> -> memref<128xi32, #tpu.memory_space<vmem>>
        %dma_wait3A_512 = arith.constant 0 : i32
        %dma_wait3A_513 = arith.constant 0 : i32
        %dma_wait3A_514 = tpu.memref_slice %arg16[%dma_wait3A_512, %dma_wait3A_513] : memref<10240x64xf32, #tpu.memory_space<vmem_shared>> -> memref<10240x64xf32, #tpu.memory_space<vmem_shared>>
        tpu.wait_indirect_dma semaphore(%arg25 : memref<!tpu.dma_semaphore, #tpu.memory_space<semaphore_mem>>) src(%dma_wait3A_508 : memref<128x64xf32, #tpu.memory_space<vmem>>) dst(%dma_wait3A_514 : memref<10240x64xf32, #tpu.memory_space<vmem_shared>>)
        %dma_wait3A_515 = arith.constant 0 : i32
        %dma_wait3A_516 = tpu.memref_slice %arg14[%add3A_399, %dma_wait3A_515] : memref<80x128xi32, #tpu.memory_space<vmem>> -> memref<1x128xi32, #tpu.memory_space<vmem>>
        %dma_wait3A_517 = tpu.memref_squeeze %dma_wait3A_516 : memref<1x128xi32, #tpu.memory_space<vmem>> -> memref<128xi32, #tpu.memory_space<vmem>>
        %dma_wait3A_518 = arith.constant 0 : i32
        %dma_wait3A_519 = arith.constant 0 : i32
        %dma_wait3A_520 = tpu.memref_slice %arg28[%dma_wait3A_518, %dma_wait3A_519] : memref<10240x16xf32, #tpu.memory_space<vmem_shared>> -> memref<10240x16xf32, #tpu.memory_space<vmem_shared>>
        tpu.wait_indirect_dma semaphore(%arg25 : memref<!tpu.dma_semaphore, #tpu.memory_space<semaphore_mem>>) src(%arg27 : memref<128x16xf32, #tpu.memory_space<vmem>>) dst(%dma_wait3A_520 : memref<10240x16xf32, #tpu.memory_space<vmem_shared>>)
        %dma_start3A_521 = arith.constant 3 : i32
        %dma_start3A_522 = arith.constant 0 : i32
        %dma_start3A_523 = arith.constant 0 : i32
        %dma_start3A_524 = tpu.memref_slice %arg15[%dma_start3A_521, %dma_start3A_522, %dma_start3A_523] : memref<5x128x64xf32, #tpu.memory_space<vmem>> -> memref<1x128x64xf32, #tpu.memory_space<vmem>>
        %dma_start3A_525 = tpu.memref_squeeze %dma_start3A_524 : memref<1x128x64xf32, #tpu.memory_space<vmem>> -> memref<128x64xf32, #tpu.memory_space<vmem>>
        %dma_start3A_526 = arith.constant 0 : i32
        %dma_start3A_527 = tpu.memref_slice %arg12[%add3A_488, %dma_start3A_526] : memref<80x128xi32, #tpu.memory_space<vmem>> -> memref<1x128xi32, #tpu.memory_space<vmem>>
        %dma_start3A_528 = tpu.memref_squeeze %dma_start3A_527 : memref<1x128xi32, #tpu.memory_space<vmem>> -> memref<128xi32, #tpu.memory_space<vmem>>
        %dma_start3A_529 = arith.constant 0 : i32
        %dma_start3A_530 = arith.constant 0 : i32
        %dma_start3A_531 = tpu.memref_slice %arg2[%dma_start3A_529, %dma_start3A_530] : memref<20000x64xf32, #tpu.memory_space<hbm>> -> memref<20000x64xf32, #tpu.memory_space<hbm>>
        tpu.enqueue_indirect_dma source(%dma_start3A_531 : memref<20000x64xf32, #tpu.memory_space<hbm>>) target(%dma_start3A_525 : memref<128x64xf32, #tpu.memory_space<vmem>>) offsets(%dma_start3A_528 : memref<128xi32, #tpu.memory_space<vmem>>) semaphore(%arg20 : memref<!tpu.dma_semaphore, #tpu.memory_space<semaphore_mem>>)
      } else {
      }
      %add3A_495 = arith.constant 5 : i32
      %add3A_496 = arith.addi %mul3A_307, %add3A_495 : i32
      %add3A_497 = arith.constant 4 : i32
      %add3A_498 = arith.addi %add3A_496, %add3A_497 : i32
      %lt3A_499 = arith.constant 80 : i32
      %lt3A_500 = arith.cmpi slt, %add3A_498, %lt3A_499 : i32
      %convert_element_type3A_501 = arith.extui %lt3A_500 : i1 to i32
      %cond3A_502 = arith.constant 4 : i32
      %cond3A_503 = arith.constant 0 : i32
      %cond3A_504 = arith.cmpi ne, %convert_element_type3A_501, %cond3A_503 : i32
      scf.if %cond3A_504 {
        %dma_wait3A_505 = arith.constant 0 : i32
        %dma_wait3A_506 = arith.constant 0 : i32
        %dma_wait3A_507 = tpu.memref_slice %arg15[%cond3A_502, %dma_wait3A_505, %dma_wait3A_506] : memref<5x128x64xf32, #tpu.memory_space<vmem>> -> memref<1x128x64xf32, #tpu.memory_space<vmem>>
        %dma_wait3A_508 = tpu.memref_squeeze %dma_wait3A_507 : memref<1x128x64xf32, #tpu.memory_space<vmem>> -> memref<128x64xf32, #tpu.memory_space<vmem>>
        %dma_wait3A_509 = arith.constant 0 : i32
        %dma_wait3A_510 = tpu.memref_slice %arg14[%add3A_429, %dma_wait3A_509] : memref<80x128xi32, #tpu.memory_space<vmem>> -> memref<1x128xi32, #tpu.memory_space<vmem>>
        %dma_wait3A_511 = tpu.memref_squeeze %dma_wait3A_510 : memref<1x128xi32, #tpu.memory_space<vmem>> -> memref<128xi32, #tpu.memory_space<vmem>>
        %dma_wait3A_512 = arith.constant 0 : i32
        %dma_wait3A_513 = arith.constant 0 : i32
        %dma_wait3A_514 = tpu.memref_slice %arg16[%dma_wait3A_512, %dma_wait3A_513] : memref<10240x64xf32, #tpu.memory_space<vmem_shared>> -> memref<10240x64xf32, #tpu.memory_space<vmem_shared>>
        tpu.wait_indirect_dma semaphore(%arg26 : memref<!tpu.dma_semaphore, #tpu.memory_space<semaphore_mem>>) src(%dma_wait3A_508 : memref<128x64xf32, #tpu.memory_space<vmem>>) dst(%dma_wait3A_514 : memref<10240x64xf32, #tpu.memory_space<vmem_shared>>)
        %dma_wait3A_515 = arith.constant 0 : i32
        %dma_wait3A_516 = tpu.memref_slice %arg14[%add3A_429, %dma_wait3A_515] : memref<80x128xi32, #tpu.memory_space<vmem>> -> memref<1x128xi32, #tpu.memory_space<vmem>>
        %dma_wait3A_517 = tpu.memref_squeeze %dma_wait3A_516 : memref<1x128xi32, #tpu.memory_space<vmem>> -> memref<128xi32, #tpu.memory_space<vmem>>
        %dma_wait3A_518 = arith.constant 0 : i32
        %dma_wait3A_519 = arith.constant 0 : i32
        %dma_wait3A_520 = tpu.memref_slice %arg28[%dma_wait3A_518, %dma_wait3A_519] : memref<10240x16xf32, #tpu.memory_space<vmem_shared>> -> memref<10240x16xf32, #tpu.memory_space<vmem_shared>>
        tpu.wait_indirect_dma semaphore(%arg26 : memref<!tpu.dma_semaphore, #tpu.memory_space<semaphore_mem>>) src(%arg27 : memref<128x16xf32, #tpu.memory_space<vmem>>) dst(%dma_wait3A_520 : memref<10240x16xf32, #tpu.memory_space<vmem_shared>>)
        %dma_start3A_521 = arith.constant 4 : i32
        %dma_start3A_522 = arith.constant 0 : i32
        %dma_start3A_523 = arith.constant 0 : i32
        %dma_start3A_524 = tpu.memref_slice %arg15[%dma_start3A_521, %dma_start3A_522, %dma_start3A_523] : memref<5x128x64xf32, #tpu.memory_space<vmem>> -> memref<1x128x64xf32, #tpu.memory_space<vmem>>
        %dma_start3A_525 = tpu.memref_squeeze %dma_start3A_524 : memref<1x128x64xf32, #tpu.memory_space<vmem>> -> memref<128x64xf32, #tpu.memory_space<vmem>>
        %dma_start3A_526 = arith.constant 0 : i32
        %dma_start3A_527 = tpu.memref_slice %arg12[%add3A_498, %dma_start3A_526] : memref<80x128xi32, #tpu.memory_space<vmem>> -> memref<1x128xi32, #tpu.memory_space<vmem>>
        %dma_start3A_528 = tpu.memref_squeeze %dma_start3A_527 : memref<1x128xi32, #tpu.memory_space<vmem>> -> memref<128xi32, #tpu.memory_space<vmem>>
        %dma_start3A_529 = arith.constant 0 : i32
        %dma_start3A_530 = arith.constant 0 : i32
        %dma_start3A_531 = tpu.memref_slice %arg2[%dma_start3A_529, %dma_start3A_530] : memref<20000x64xf32, #tpu.memory_space<hbm>> -> memref<20000x64xf32, #tpu.memory_space<hbm>>
        tpu.enqueue_indirect_dma source(%dma_start3A_531 : memref<20000x64xf32, #tpu.memory_space<hbm>>) target(%dma_start3A_525 : memref<128x64xf32, #tpu.memory_space<vmem>>) offsets(%dma_start3A_528 : memref<128xi32, #tpu.memory_space<vmem>>) semaphore(%arg21 : memref<!tpu.dma_semaphore, #tpu.memory_space<semaphore_mem>>)
      } else {
      }
    }
    %scan3A_72 = arith.constant 16 : i32
    %dma_wait3A = arith.constant 0 : i32
    %dma_wait3A_73 = arith.constant 75 : i32
    %dma_wait3A_74 = arith.constant 0 : i32
    %dma_wait3A_75 = arith.constant 0 : i32
    %dma_wait3A_76 = tpu.memref_slice %arg15[%dma_wait3A, %dma_wait3A_74, %dma_wait3A_75] : memref<5x128x64xf32, #tpu.memory_space<vmem>> -> memref<1x128x64xf32, #tpu.memory_space<vmem>>
    %dma_wait3A_77 = tpu.memref_squeeze %dma_wait3A_76 : memref<1x128x64xf32, #tpu.memory_space<vmem>> -> memref<128x64xf32, #tpu.memory_space<vmem>>
    %dma_wait3A_78 = arith.constant 0 : i32
    %dma_wait3A_79 = tpu.memref_slice %arg14[%dma_wait3A_73, %dma_wait3A_78] : memref<80x128xi32, #tpu.memory_space<vmem>> -> memref<1x128xi32, #tpu.memory_space<vmem>>
    %dma_wait3A_80 = tpu.memref_squeeze %dma_wait3A_79 : memref<1x128xi32, #tpu.memory_space<vmem>> -> memref<128xi32, #tpu.memory_space<vmem>>
    %dma_wait3A_81 = arith.constant 0 : i32
    %dma_wait3A_82 = arith.constant 0 : i32
    %dma_wait3A_83 = tpu.memref_slice %arg16[%dma_wait3A_81, %dma_wait3A_82] : memref<10240x64xf32, #tpu.memory_space<vmem_shared>> -> memref<10240x64xf32, #tpu.memory_space<vmem_shared>>
    tpu.wait_indirect_dma semaphore(%arg22 : memref<!tpu.dma_semaphore, #tpu.memory_space<semaphore_mem>>) src(%dma_wait3A_77 : memref<128x64xf32, #tpu.memory_space<vmem>>) dst(%dma_wait3A_83 : memref<10240x64xf32, #tpu.memory_space<vmem_shared>>)
    %dma_wait3A_84 = arith.constant 75 : i32
    %dma_wait3A_85 = arith.constant 0 : i32
    %dma_wait3A_86 = tpu.memref_slice %arg14[%dma_wait3A_84, %dma_wait3A_85] : memref<80x128xi32, #tpu.memory_space<vmem>> -> memref<1x128xi32, #tpu.memory_space<vmem>>
    %dma_wait3A_87 = tpu.memref_squeeze %dma_wait3A_86 : memref<1x128xi32, #tpu.memory_space<vmem>> -> memref<128xi32, #tpu.memory_space<vmem>>
    %dma_wait3A_88 = arith.constant 0 : i32
    %dma_wait3A_89 = arith.constant 0 : i32
    %dma_wait3A_90 = tpu.memref_slice %arg28[%dma_wait3A_88, %dma_wait3A_89] : memref<10240x16xf32, #tpu.memory_space<vmem_shared>> -> memref<10240x16xf32, #tpu.memory_space<vmem_shared>>
    tpu.wait_indirect_dma semaphore(%arg22 : memref<!tpu.dma_semaphore, #tpu.memory_space<semaphore_mem>>) src(%arg27 : memref<128x16xf32, #tpu.memory_space<vmem>>) dst(%dma_wait3A_90 : memref<10240x16xf32, #tpu.memory_space<vmem_shared>>)
    %dma_wait3A_91 = arith.constant 1 : i32
    %dma_wait3A_92 = arith.constant 76 : i32
    %dma_wait3A_93 = arith.constant 0 : i32
    %dma_wait3A_94 = arith.constant 0 : i32
    %dma_wait3A_95 = tpu.memref_slice %arg15[%dma_wait3A_91, %dma_wait3A_93, %dma_wait3A_94] : memref<5x128x64xf32, #tpu.memory_space<vmem>> -> memref<1x128x64xf32, #tpu.memory_space<vmem>>
    %dma_wait3A_96 = tpu.memref_squeeze %dma_wait3A_95 : memref<1x128x64xf32, #tpu.memory_space<vmem>> -> memref<128x64xf32, #tpu.memory_space<vmem>>
    %dma_wait3A_97 = arith.constant 0 : i32
    %dma_wait3A_98 = tpu.memref_slice %arg14[%dma_wait3A_92, %dma_wait3A_97] : memref<80x128xi32, #tpu.memory_space<vmem>> -> memref<1x128xi32, #tpu.memory_space<vmem>>
    %dma_wait3A_99 = tpu.memref_squeeze %dma_wait3A_98 : memref<1x128xi32, #tpu.memory_space<vmem>> -> memref<128xi32, #tpu.memory_space<vmem>>
    %dma_wait3A_100 = arith.constant 0 : i32
    %dma_wait3A_101 = arith.constant 0 : i32
    %dma_wait3A_102 = tpu.memref_slice %arg16[%dma_wait3A_100, %dma_wait3A_101] : memref<10240x64xf32, #tpu.memory_space<vmem_shared>> -> memref<10240x64xf32, #tpu.memory_space<vmem_shared>>
    tpu.wait_indirect_dma semaphore(%arg23 : memref<!tpu.dma_semaphore, #tpu.memory_space<semaphore_mem>>) src(%dma_wait3A_96 : memref<128x64xf32, #tpu.memory_space<vmem>>) dst(%dma_wait3A_102 : memref<10240x64xf32, #tpu.memory_space<vmem_shared>>)
    %dma_wait3A_103 = arith.constant 76 : i32
    %dma_wait3A_104 = arith.constant 0 : i32
    %dma_wait3A_105 = tpu.memref_slice %arg14[%dma_wait3A_103, %dma_wait3A_104] : memref<80x128xi32, #tpu.memory_space<vmem>> -> memref<1x128xi32, #tpu.memory_space<vmem>>
    %dma_wait3A_106 = tpu.memref_squeeze %dma_wait3A_105 : memref<1x128xi32, #tpu.memory_space<vmem>> -> memref<128xi32, #tpu.memory_space<vmem>>
    %dma_wait3A_107 = arith.constant 0 : i32
    %dma_wait3A_108 = arith.constant 0 : i32
    %dma_wait3A_109 = tpu.memref_slice %arg28[%dma_wait3A_107, %dma_wait3A_108] : memref<10240x16xf32, #tpu.memory_space<vmem_shared>> -> memref<10240x16xf32, #tpu.memory_space<vmem_shared>>
    tpu.wait_indirect_dma semaphore(%arg23 : memref<!tpu.dma_semaphore, #tpu.memory_space<semaphore_mem>>) src(%arg27 : memref<128x16xf32, #tpu.memory_space<vmem>>) dst(%dma_wait3A_109 : memref<10240x16xf32, #tpu.memory_space<vmem_shared>>)
    %dma_wait3A_110 = arith.constant 2 : i32
    %dma_wait3A_111 = arith.constant 77 : i32
    %dma_wait3A_112 = arith.constant 0 : i32
    %dma_wait3A_113 = arith.constant 0 : i32
    %dma_wait3A_114 = tpu.memref_slice %arg15[%dma_wait3A_110, %dma_wait3A_112, %dma_wait3A_113] : memref<5x128x64xf32, #tpu.memory_space<vmem>> -> memref<1x128x64xf32, #tpu.memory_space<vmem>>
    %dma_wait3A_115 = tpu.memref_squeeze %dma_wait3A_114 : memref<1x128x64xf32, #tpu.memory_space<vmem>> -> memref<128x64xf32, #tpu.memory_space<vmem>>
    %dma_wait3A_116 = arith.constant 0 : i32
    %dma_wait3A_117 = tpu.memref_slice %arg14[%dma_wait3A_111, %dma_wait3A_116] : memref<80x128xi32, #tpu.memory_space<vmem>> -> memref<1x128xi32, #tpu.memory_space<vmem>>
    %dma_wait3A_118 = tpu.memref_squeeze %dma_wait3A_117 : memref<1x128xi32, #tpu.memory_space<vmem>> -> memref<128xi32, #tpu.memory_space<vmem>>
    %dma_wait3A_119 = arith.constant 0 : i32
    %dma_wait3A_120 = arith.constant 0 : i32
    %dma_wait3A_121 = tpu.memref_slice %arg16[%dma_wait3A_119, %dma_wait3A_120] : memref<10240x64xf32, #tpu.memory_space<vmem_shared>> -> memref<10240x64xf32, #tpu.memory_space<vmem_shared>>
    tpu.wait_indirect_dma semaphore(%arg24 : memref<!tpu.dma_semaphore, #tpu.memory_space<semaphore_mem>>) src(%dma_wait3A_115 : memref<128x64xf32, #tpu.memory_space<vmem>>) dst(%dma_wait3A_121 : memref<10240x64xf32, #tpu.memory_space<vmem_shared>>)
    %dma_wait3A_122 = arith.constant 77 : i32
    %dma_wait3A_123 = arith.constant 0 : i32
    %dma_wait3A_124 = tpu.memref_slice %arg14[%dma_wait3A_122, %dma_wait3A_123] : memref<80x128xi32, #tpu.memory_space<vmem>> -> memref<1x128xi32, #tpu.memory_space<vmem>>
    %dma_wait3A_125 = tpu.memref_squeeze %dma_wait3A_124 : memref<1x128xi32, #tpu.memory_space<vmem>> -> memref<128xi32, #tpu.memory_space<vmem>>
    %dma_wait3A_126 = arith.constant 0 : i32
    %dma_wait3A_127 = arith.constant 0 : i32
    %dma_wait3A_128 = tpu.memref_slice %arg28[%dma_wait3A_126, %dma_wait3A_127] : memref<10240x16xf32, #tpu.memory_space<vmem_shared>> -> memref<10240x16xf32, #tpu.memory_space<vmem_shared>>
    tpu.wait_indirect_dma semaphore(%arg24 : memref<!tpu.dma_semaphore, #tpu.memory_space<semaphore_mem>>) src(%arg27 : memref<128x16xf32, #tpu.memory_space<vmem>>) dst(%dma_wait3A_128 : memref<10240x16xf32, #tpu.memory_space<vmem_shared>>)
    %dma_wait3A_129 = arith.constant 3 : i32
    %dma_wait3A_130 = arith.constant 78 : i32
    %dma_wait3A_131 = arith.constant 0 : i32
    %dma_wait3A_132 = arith.constant 0 : i32
    %dma_wait3A_133 = tpu.memref_slice %arg15[%dma_wait3A_129, %dma_wait3A_131, %dma_wait3A_132] : memref<5x128x64xf32, #tpu.memory_space<vmem>> -> memref<1x128x64xf32, #tpu.memory_space<vmem>>
    %dma_wait3A_134 = tpu.memref_squeeze %dma_wait3A_133 : memref<1x128x64xf32, #tpu.memory_space<vmem>> -> memref<128x64xf32, #tpu.memory_space<vmem>>
    %dma_wait3A_135 = arith.constant 0 : i32
    %dma_wait3A_136 = tpu.memref_slice %arg14[%dma_wait3A_130, %dma_wait3A_135] : memref<80x128xi32, #tpu.memory_space<vmem>> -> memref<1x128xi32, #tpu.memory_space<vmem>>
    %dma_wait3A_137 = tpu.memref_squeeze %dma_wait3A_136 : memref<1x128xi32, #tpu.memory_space<vmem>> -> memref<128xi32, #tpu.memory_space<vmem>>
    %dma_wait3A_138 = arith.constant 0 : i32
    %dma_wait3A_139 = arith.constant 0 : i32
    %dma_wait3A_140 = tpu.memref_slice %arg16[%dma_wait3A_138, %dma_wait3A_139] : memref<10240x64xf32, #tpu.memory_space<vmem_shared>> -> memref<10240x64xf32, #tpu.memory_space<vmem_shared>>
    tpu.wait_indirect_dma semaphore(%arg25 : memref<!tpu.dma_semaphore, #tpu.memory_space<semaphore_mem>>) src(%dma_wait3A_134 : memref<128x64xf32, #tpu.memory_space<vmem>>) dst(%dma_wait3A_140 : memref<10240x64xf32, #tpu.memory_space<vmem_shared>>)
    %dma_wait3A_141 = arith.constant 78 : i32
    %dma_wait3A_142 = arith.constant 0 : i32
    %dma_wait3A_143 = tpu.memref_slice %arg14[%dma_wait3A_141, %dma_wait3A_142] : memref<80x128xi32, #tpu.memory_space<vmem>> -> memref<1x128xi32, #tpu.memory_space<vmem>>
    %dma_wait3A_144 = tpu.memref_squeeze %dma_wait3A_143 : memref<1x128xi32, #tpu.memory_space<vmem>> -> memref<128xi32, #tpu.memory_space<vmem>>
    %dma_wait3A_145 = arith.constant 0 : i32
    %dma_wait3A_146 = arith.constant 0 : i32
    %dma_wait3A_147 = tpu.memref_slice %arg28[%dma_wait3A_145, %dma_wait3A_146] : memref<10240x16xf32, #tpu.memory_space<vmem_shared>> -> memref<10240x16xf32, #tpu.memory_space<vmem_shared>>
    tpu.wait_indirect_dma semaphore(%arg25 : memref<!tpu.dma_semaphore, #tpu.memory_space<semaphore_mem>>) src(%arg27 : memref<128x16xf32, #tpu.memory_space<vmem>>) dst(%dma_wait3A_147 : memref<10240x16xf32, #tpu.memory_space<vmem_shared>>)
    %dma_wait3A_148 = arith.constant 4 : i32
    %dma_wait3A_149 = arith.constant 79 : i32
    %dma_wait3A_150 = arith.constant 0 : i32
    %dma_wait3A_151 = arith.constant 0 : i32
    %dma_wait3A_152 = tpu.memref_slice %arg15[%dma_wait3A_148, %dma_wait3A_150, %dma_wait3A_151] : memref<5x128x64xf32, #tpu.memory_space<vmem>> -> memref<1x128x64xf32, #tpu.memory_space<vmem>>
    %dma_wait3A_153 = tpu.memref_squeeze %dma_wait3A_152 : memref<1x128x64xf32, #tpu.memory_space<vmem>> -> memref<128x64xf32, #tpu.memory_space<vmem>>
    %dma_wait3A_154 = arith.constant 0 : i32
    %dma_wait3A_155 = tpu.memref_slice %arg14[%dma_wait3A_149, %dma_wait3A_154] : memref<80x128xi32, #tpu.memory_space<vmem>> -> memref<1x128xi32, #tpu.memory_space<vmem>>
    %dma_wait3A_156 = tpu.memref_squeeze %dma_wait3A_155 : memref<1x128xi32, #tpu.memory_space<vmem>> -> memref<128xi32, #tpu.memory_space<vmem>>
    %dma_wait3A_157 = arith.constant 0 : i32
    %dma_wait3A_158 = arith.constant 0 : i32
    %dma_wait3A_159 = tpu.memref_slice %arg16[%dma_wait3A_157, %dma_wait3A_158] : memref<10240x64xf32, #tpu.memory_space<vmem_shared>> -> memref<10240x64xf32, #tpu.memory_space<vmem_shared>>
    tpu.wait_indirect_dma semaphore(%arg26 : memref<!tpu.dma_semaphore, #tpu.memory_space<semaphore_mem>>) src(%dma_wait3A_153 : memref<128x64xf32, #tpu.memory_space<vmem>>) dst(%dma_wait3A_159 : memref<10240x64xf32, #tpu.memory_space<vmem_shared>>)
    %dma_wait3A_160 = arith.constant 79 : i32
    %dma_wait3A_161 = arith.constant 0 : i32
    %dma_wait3A_162 = tpu.memref_slice %arg14[%dma_wait3A_160, %dma_wait3A_161] : memref<80x128xi32, #tpu.memory_space<vmem>> -> memref<1x128xi32, #tpu.memory_space<vmem>>
    %dma_wait3A_163 = tpu.memref_squeeze %dma_wait3A_162 : memref<1x128xi32, #tpu.memory_space<vmem>> -> memref<128xi32, #tpu.memory_space<vmem>>
    %dma_wait3A_164 = arith.constant 0 : i32
    %dma_wait3A_165 = arith.constant 0 : i32
    %dma_wait3A_166 = tpu.memref_slice %arg28[%dma_wait3A_164, %dma_wait3A_165] : memref<10240x16xf32, #tpu.memory_space<vmem_shared>> -> memref<10240x16xf32, #tpu.memory_space<vmem_shared>>
    tpu.wait_indirect_dma semaphore(%arg26 : memref<!tpu.dma_semaphore, #tpu.memory_space<semaphore_mem>>) src(%arg27 : memref<128x16xf32, #tpu.memory_space<vmem>>) dst(%dma_wait3A_166 : memref<10240x16xf32, #tpu.memory_space<vmem_shared>>)
    %barrier3A_167 = arith.constant 0 : index
    tpu.barrier barrier_id(%barrier3A_167)
    %mul3A_168 = arith.constant 10240 : i32
    %mul3A_169 = arith.muli %arg0, %mul3A_168 : i32
    %add3A_170 = arith.addi %mul3A_169, %mul3A_2 : i32
    "tpu.region"() ({
      %run_scoped3A = tpu.sem_alloc : memref<!tpu.dma_semaphore, #tpu.memory_space<semaphore_mem>>
      %dma_start3A_305 = arith.constant 0 : i32
      %dma_start3A_306 = tpu.memref_slice %arg10[%add3A_170, %dma_start3A_305] : memref<20480x128xf32, #tpu.memory_space<hbm>> -> memref<640x64xf32, #tpu.memory_space<hbm>>
      %dma_start3A_307 = arith.constant 0 : i32
      %dma_start3A_308 = tpu.memref_slice %arg16[%mul3A_2, %dma_start3A_307] : memref<10240x64xf32, #tpu.memory_space<vmem_shared>> -> memref<640x64xf32, #tpu.memory_space<vmem_shared>>
      tpu.enqueue_dma source(%dma_start3A_308 : memref<640x64xf32, #tpu.memory_space<vmem_shared>>) target(%dma_start3A_306 : memref<640x64xf32, #tpu.memory_space<hbm>>) target_semaphore(%run_scoped3A : memref<!tpu.dma_semaphore, #tpu.memory_space<semaphore_mem>>)
      %dma_wait3A_309 = arith.constant 0 : i32
      %dma_wait3A_310 = tpu.memref_slice %arg10[%add3A_170, %dma_wait3A_309] : memref<20480x128xf32, #tpu.memory_space<hbm>> -> memref<640x64xf32, #tpu.memory_space<hbm>>
      %dma_wait3A_311 = arith.constant 0 : i32
      %dma_wait3A_312 = tpu.memref_slice %arg16[%mul3A_2, %dma_wait3A_311] : memref<10240x64xf32, #tpu.memory_space<vmem_shared>> -> memref<640x64xf32, #tpu.memory_space<vmem_shared>>
      tpu.wait_dma2 semaphore(%run_scoped3A : memref<!tpu.dma_semaphore, #tpu.memory_space<semaphore_mem>>) src(%dma_wait3A_312 : memref<640x64xf32, #tpu.memory_space<vmem_shared>>) dst(%dma_wait3A_310 : memref<640x64xf32, #tpu.memory_space<hbm>>)
      tpu.yield
    }) : () -> ()
    "tpu.region"() ({
      %run_scoped3A = tpu.sem_alloc : memref<!tpu.dma_semaphore, #tpu.memory_space<semaphore_mem>>
      %dma_start3A_305 = arith.constant 0 : i32
      %dma_start3A_306 = tpu.memref_slice %arg16[%mul3A_2, %dma_start3A_305] : memref<10240x64xf32, #tpu.memory_space<vmem_shared>> -> memref<640x64xf32, #tpu.memory_space<vmem_shared>>
      tpu.enqueue_dma source(%arg7 : memref<640x64xf32, #tpu.memory_space<hbm>>) target(%dma_start3A_306 : memref<640x64xf32, #tpu.memory_space<vmem_shared>>) target_semaphore(%run_scoped3A : memref<!tpu.dma_semaphore, #tpu.memory_space<semaphore_mem>>)
      %dma_wait3A_307 = arith.constant 0 : i32
      %dma_wait3A_308 = tpu.memref_slice %arg16[%mul3A_2, %dma_wait3A_307] : memref<10240x64xf32, #tpu.memory_space<vmem_shared>> -> memref<640x64xf32, #tpu.memory_space<vmem_shared>>
      tpu.wait_dma2 semaphore(%run_scoped3A : memref<!tpu.dma_semaphore, #tpu.memory_space<semaphore_mem>>) src(%arg7 : memref<640x64xf32, #tpu.memory_space<hbm>>) dst(%dma_wait3A_308 : memref<640x64xf32, #tpu.memory_space<vmem_shared>>)
      tpu.yield
    }) : () -> ()
    %barrier3A_171 = arith.constant 0 : index
    tpu.barrier barrier_id(%barrier3A_171)
    %dma_start3A_172 = arith.constant 0 : i32
    %dma_start3A_173 = arith.constant 0 : i32
    %dma_start3A_174 = arith.constant 0 : i32
    %dma_start3A_175 = arith.constant 0 : i32
    %dma_start3A_176 = tpu.memref_slice %arg15[%dma_start3A_173, %dma_start3A_174, %dma_start3A_175] : memref<5x128x64xf32, #tpu.memory_space<vmem>> -> memref<1x128x64xf32, #tpu.memory_space<vmem>>
    %dma_start3A_177 = tpu.memref_squeeze %dma_start3A_176 : memref<1x128x64xf32, #tpu.memory_space<vmem>> -> memref<128x64xf32, #tpu.memory_space<vmem>>
    %dma_start3A_178 = arith.constant 0 : i32
    %dma_start3A_179 = tpu.memref_slice %arg13[%dma_start3A_172, %dma_start3A_178] : memref<80x128xi32, #tpu.memory_space<vmem>> -> memref<1x128xi32, #tpu.memory_space<vmem>>
    %dma_start3A_180 = tpu.memref_squeeze %dma_start3A_179 : memref<1x128xi32, #tpu.memory_space<vmem>> -> memref<128xi32, #tpu.memory_space<vmem>>
    %dma_start3A_181 = arith.constant 0 : i32
    %dma_start3A_182 = arith.constant 0 : i32
    %dma_start3A_183 = tpu.memref_slice %arg3[%dma_start3A_181, %dma_start3A_182] : memref<20000x64xf32, #tpu.memory_space<hbm>> -> memref<20000x64xf32, #tpu.memory_space<hbm>>
    tpu.enqueue_indirect_dma source(%dma_start3A_183 : memref<20000x64xf32, #tpu.memory_space<hbm>>) target(%dma_start3A_177 : memref<128x64xf32, #tpu.memory_space<vmem>>) offsets(%dma_start3A_180 : memref<128xi32, #tpu.memory_space<vmem>>) semaphore(%arg17 : memref<!tpu.dma_semaphore, #tpu.memory_space<semaphore_mem>>)
    %dma_start3A_184 = arith.constant 1 : i32
    %dma_start3A_185 = arith.constant 1 : i32
    %dma_start3A_186 = arith.constant 0 : i32
    %dma_start3A_187 = arith.constant 0 : i32
    %dma_start3A_188 = tpu.memref_slice %arg15[%dma_start3A_185, %dma_start3A_186, %dma_start3A_187] : memref<5x128x64xf32, #tpu.memory_space<vmem>> -> memref<1x128x64xf32, #tpu.memory_space<vmem>>
    %dma_start3A_189 = tpu.memref_squeeze %dma_start3A_188 : memref<1x128x64xf32, #tpu.memory_space<vmem>> -> memref<128x64xf32, #tpu.memory_space<vmem>>
    %dma_start3A_190 = arith.constant 0 : i32
    %dma_start3A_191 = tpu.memref_slice %arg13[%dma_start3A_184, %dma_start3A_190] : memref<80x128xi32, #tpu.memory_space<vmem>> -> memref<1x128xi32, #tpu.memory_space<vmem>>
    %dma_start3A_192 = tpu.memref_squeeze %dma_start3A_191 : memref<1x128xi32, #tpu.memory_space<vmem>> -> memref<128xi32, #tpu.memory_space<vmem>>
    %dma_start3A_193 = arith.constant 0 : i32
    %dma_start3A_194 = arith.constant 0 : i32
    %dma_start3A_195 = tpu.memref_slice %arg3[%dma_start3A_193, %dma_start3A_194] : memref<20000x64xf32, #tpu.memory_space<hbm>> -> memref<20000x64xf32, #tpu.memory_space<hbm>>
    tpu.enqueue_indirect_dma source(%dma_start3A_195 : memref<20000x64xf32, #tpu.memory_space<hbm>>) target(%dma_start3A_189 : memref<128x64xf32, #tpu.memory_space<vmem>>) offsets(%dma_start3A_192 : memref<128xi32, #tpu.memory_space<vmem>>) semaphore(%arg18 : memref<!tpu.dma_semaphore, #tpu.memory_space<semaphore_mem>>)
    %dma_start3A_196 = arith.constant 2 : i32
    %dma_start3A_197 = arith.constant 2 : i32
    %dma_start3A_198 = arith.constant 0 : i32
    %dma_start3A_199 = arith.constant 0 : i32
    %dma_start3A_200 = tpu.memref_slice %arg15[%dma_start3A_197, %dma_start3A_198, %dma_start3A_199] : memref<5x128x64xf32, #tpu.memory_space<vmem>> -> memref<1x128x64xf32, #tpu.memory_space<vmem>>
    %dma_start3A_201 = tpu.memref_squeeze %dma_start3A_200 : memref<1x128x64xf32, #tpu.memory_space<vmem>> -> memref<128x64xf32, #tpu.memory_space<vmem>>
    %dma_start3A_202 = arith.constant 0 : i32
    %dma_start3A_203 = tpu.memref_slice %arg13[%dma_start3A_196, %dma_start3A_202] : memref<80x128xi32, #tpu.memory_space<vmem>> -> memref<1x128xi32, #tpu.memory_space<vmem>>
    %dma_start3A_204 = tpu.memref_squeeze %dma_start3A_203 : memref<1x128xi32, #tpu.memory_space<vmem>> -> memref<128xi32, #tpu.memory_space<vmem>>
    %dma_start3A_205 = arith.constant 0 : i32
    %dma_start3A_206 = arith.constant 0 : i32
    %dma_start3A_207 = tpu.memref_slice %arg3[%dma_start3A_205, %dma_start3A_206] : memref<20000x64xf32, #tpu.memory_space<hbm>> -> memref<20000x64xf32, #tpu.memory_space<hbm>>
    tpu.enqueue_indirect_dma source(%dma_start3A_207 : memref<20000x64xf32, #tpu.memory_space<hbm>>) target(%dma_start3A_201 : memref<128x64xf32, #tpu.memory_space<vmem>>) offsets(%dma_start3A_204 : memref<128xi32, #tpu.memory_space<vmem>>) semaphore(%arg19 : memref<!tpu.dma_semaphore, #tpu.memory_space<semaphore_mem>>)
    %dma_start3A_208 = arith.constant 3 : i32
    %dma_start3A_209 = arith.constant 3 : i32
    %dma_start3A_210 = arith.constant 0 : i32
    %dma_start3A_211 = arith.constant 0 : i32
    %dma_start3A_212 = tpu.memref_slice %arg15[%dma_start3A_209, %dma_start3A_210, %dma_start3A_211] : memref<5x128x64xf32, #tpu.memory_space<vmem>> -> memref<1x128x64xf32, #tpu.memory_space<vmem>>
    %dma_start3A_213 = tpu.memref_squeeze %dma_start3A_212 : memref<1x128x64xf32, #tpu.memory_space<vmem>> -> memref<128x64xf32, #tpu.memory_space<vmem>>
    %dma_start3A_214 = arith.constant 0 : i32
    %dma_start3A_215 = tpu.memref_slice %arg13[%dma_start3A_208, %dma_start3A_214] : memref<80x128xi32, #tpu.memory_space<vmem>> -> memref<1x128xi32, #tpu.memory_space<vmem>>
    %dma_start3A_216 = tpu.memref_squeeze %dma_start3A_215 : memref<1x128xi32, #tpu.memory_space<vmem>> -> memref<128xi32, #tpu.memory_space<vmem>>
    %dma_start3A_217 = arith.constant 0 : i32
    %dma_start3A_218 = arith.constant 0 : i32
    %dma_start3A_219 = tpu.memref_slice %arg3[%dma_start3A_217, %dma_start3A_218] : memref<20000x64xf32, #tpu.memory_space<hbm>> -> memref<20000x64xf32, #tpu.memory_space<hbm>>
    tpu.enqueue_indirect_dma source(%dma_start3A_219 : memref<20000x64xf32, #tpu.memory_space<hbm>>) target(%dma_start3A_213 : memref<128x64xf32, #tpu.memory_space<vmem>>) offsets(%dma_start3A_216 : memref<128xi32, #tpu.memory_space<vmem>>) semaphore(%arg20 : memref<!tpu.dma_semaphore, #tpu.memory_space<semaphore_mem>>)
    %dma_start3A_220 = arith.constant 4 : i32
    %dma_start3A_221 = arith.constant 4 : i32
    %dma_start3A_222 = arith.constant 0 : i32
    %dma_start3A_223 = arith.constant 0 : i32
    %dma_start3A_224 = tpu.memref_slice %arg15[%dma_start3A_221, %dma_start3A_222, %dma_start3A_223] : memref<5x128x64xf32, #tpu.memory_space<vmem>> -> memref<1x128x64xf32, #tpu.memory_space<vmem>>
    %dma_start3A_225 = tpu.memref_squeeze %dma_start3A_224 : memref<1x128x64xf32, #tpu.memory_space<vmem>> -> memref<128x64xf32, #tpu.memory_space<vmem>>
    %dma_start3A_226 = arith.constant 0 : i32
    %dma_start3A_227 = tpu.memref_slice %arg13[%dma_start3A_220, %dma_start3A_226] : memref<80x128xi32, #tpu.memory_space<vmem>> -> memref<1x128xi32, #tpu.memory_space<vmem>>
    %dma_start3A_228 = tpu.memref_squeeze %dma_start3A_227 : memref<1x128xi32, #tpu.memory_space<vmem>> -> memref<128xi32, #tpu.memory_space<vmem>>
    %dma_start3A_229 = arith.constant 0 : i32
    %dma_start3A_230 = arith.constant 0 : i32
    %dma_start3A_231 = tpu.memref_slice %arg3[%dma_start3A_229, %dma_start3A_230] : memref<20000x64xf32, #tpu.memory_space<hbm>> -> memref<20000x64xf32, #tpu.memory_space<hbm>>
    tpu.enqueue_indirect_dma source(%dma_start3A_231 : memref<20000x64xf32, #tpu.memory_space<hbm>>) target(%dma_start3A_225 : memref<128x64xf32, #tpu.memory_space<vmem>>) offsets(%dma_start3A_228 : memref<128xi32, #tpu.memory_space<vmem>>) semaphore(%arg21 : memref<!tpu.dma_semaphore, #tpu.memory_space<semaphore_mem>>)
    %scan3A_232 = arith.constant 0 : i32
    %scan3A_233 = arith.constant 0 : i32
    %scan3A_234 = arith.constant 16 : i32
    %scan3A_235 = arith.addi %scan3A_233, %scan3A_234 : i32
    %scan3A_236 = arith.constant 1 : i32
    scf.for %scan3A_305 = %scan3A_233 to %scan3A_235 step %scan3A_236  : i32 {
      %mul3A_306 = arith.constant 5 : i32
      %mul3A_307 = arith.muli %scan3A_305, %mul3A_306 : i32
      %add3A_308 = arith.constant 0 : i32
      %add3A_309 = arith.addi %mul3A_307, %add3A_308 : i32
      %dma_wait3A_310 = arith.constant 0 : i32
      %dma_wait3A_311 = arith.constant 0 : i32
      %dma_wait3A_312 = arith.constant 0 : i32
      %dma_wait3A_313 = tpu.memref_slice %arg15[%dma_wait3A_310, %dma_wait3A_311, %dma_wait3A_312] : memref<5x128x64xf32, #tpu.memory_space<vmem>> -> memref<1x128x64xf32, #tpu.memory_space<vmem>>
      %dma_wait3A_314 = tpu.memref_squeeze %dma_wait3A_313 : memref<1x128x64xf32, #tpu.memory_space<vmem>> -> memref<128x64xf32, #tpu.memory_space<vmem>>
      %dma_wait3A_315 = arith.constant 0 : i32
      %dma_wait3A_316 = tpu.memref_slice %arg13[%add3A_309, %dma_wait3A_315] : memref<80x128xi32, #tpu.memory_space<vmem>> -> memref<1x128xi32, #tpu.memory_space<vmem>>
      %dma_wait3A_317 = tpu.memref_squeeze %dma_wait3A_316 : memref<1x128xi32, #tpu.memory_space<vmem>> -> memref<128xi32, #tpu.memory_space<vmem>>
      %dma_wait3A_318 = arith.constant 0 : i32
      %dma_wait3A_319 = arith.constant 0 : i32
      %dma_wait3A_320 = tpu.memref_slice %arg3[%dma_wait3A_318, %dma_wait3A_319] : memref<20000x64xf32, #tpu.memory_space<hbm>> -> memref<20000x64xf32, #tpu.memory_space<hbm>>
      tpu.wait_indirect_dma semaphore(%arg17 : memref<!tpu.dma_semaphore, #tpu.memory_space<semaphore_mem>>) src(%dma_wait3A_320 : memref<20000x64xf32, #tpu.memory_space<hbm>>) dst(%dma_wait3A_314 : memref<128x64xf32, #tpu.memory_space<vmem>>)
      %dma_start3A_321 = arith.constant 0 : i32
      %dma_start3A_322 = arith.constant 0 : i32
      %dma_start3A_323 = arith.constant 0 : i32
      %dma_start3A_324 = tpu.memref_slice %arg15[%dma_start3A_321, %dma_start3A_322, %dma_start3A_323] : memref<5x128x64xf32, #tpu.memory_space<vmem>> -> memref<1x128x64xf32, #tpu.memory_space<vmem>>
      %dma_start3A_325 = tpu.memref_squeeze %dma_start3A_324 : memref<1x128x64xf32, #tpu.memory_space<vmem>> -> memref<128x64xf32, #tpu.memory_space<vmem>>
      %dma_start3A_326 = arith.constant 0 : i32
      %dma_start3A_327 = tpu.memref_slice %arg14[%add3A_309, %dma_start3A_326] : memref<80x128xi32, #tpu.memory_space<vmem>> -> memref<1x128xi32, #tpu.memory_space<vmem>>
      %dma_start3A_328 = tpu.memref_squeeze %dma_start3A_327 : memref<1x128xi32, #tpu.memory_space<vmem>> -> memref<128xi32, #tpu.memory_space<vmem>>
      %dma_start3A_329 = arith.constant 0 : i32
      %dma_start3A_330 = arith.constant 0 : i32
      %dma_start3A_331 = tpu.memref_slice %arg16[%dma_start3A_329, %dma_start3A_330] : memref<10240x64xf32, #tpu.memory_space<vmem_shared>> -> memref<10240x64xf32, #tpu.memory_space<vmem_shared>>
      tpu.enqueue_indirect_dma source(%dma_start3A_325 : memref<128x64xf32, #tpu.memory_space<vmem>>) target(%dma_start3A_331 : memref<10240x64xf32, #tpu.memory_space<vmem_shared>>) offsets(%dma_start3A_328 : memref<128xi32, #tpu.memory_space<vmem>>) semaphore(%arg22 : memref<!tpu.dma_semaphore, #tpu.memory_space<semaphore_mem>>) {add = true}
      %add3A_332 = arith.constant 1 : i32
      %add3A_333 = arith.addi %mul3A_307, %add3A_332 : i32
      %dma_wait3A_334 = arith.constant 1 : i32
      %dma_wait3A_335 = arith.constant 0 : i32
      %dma_wait3A_336 = arith.constant 0 : i32
      %dma_wait3A_337 = tpu.memref_slice %arg15[%dma_wait3A_334, %dma_wait3A_335, %dma_wait3A_336] : memref<5x128x64xf32, #tpu.memory_space<vmem>> -> memref<1x128x64xf32, #tpu.memory_space<vmem>>
      %dma_wait3A_338 = tpu.memref_squeeze %dma_wait3A_337 : memref<1x128x64xf32, #tpu.memory_space<vmem>> -> memref<128x64xf32, #tpu.memory_space<vmem>>
      %dma_wait3A_339 = arith.constant 0 : i32
      %dma_wait3A_340 = tpu.memref_slice %arg13[%add3A_333, %dma_wait3A_339] : memref<80x128xi32, #tpu.memory_space<vmem>> -> memref<1x128xi32, #tpu.memory_space<vmem>>
      %dma_wait3A_341 = tpu.memref_squeeze %dma_wait3A_340 : memref<1x128xi32, #tpu.memory_space<vmem>> -> memref<128xi32, #tpu.memory_space<vmem>>
      %dma_wait3A_342 = arith.constant 0 : i32
      %dma_wait3A_343 = arith.constant 0 : i32
      %dma_wait3A_344 = tpu.memref_slice %arg3[%dma_wait3A_342, %dma_wait3A_343] : memref<20000x64xf32, #tpu.memory_space<hbm>> -> memref<20000x64xf32, #tpu.memory_space<hbm>>
      tpu.wait_indirect_dma semaphore(%arg18 : memref<!tpu.dma_semaphore, #tpu.memory_space<semaphore_mem>>) src(%dma_wait3A_344 : memref<20000x64xf32, #tpu.memory_space<hbm>>) dst(%dma_wait3A_338 : memref<128x64xf32, #tpu.memory_space<vmem>>)
      %dma_start3A_345 = arith.constant 1 : i32
      %dma_start3A_346 = arith.constant 0 : i32
      %dma_start3A_347 = arith.constant 0 : i32
      %dma_start3A_348 = tpu.memref_slice %arg15[%dma_start3A_345, %dma_start3A_346, %dma_start3A_347] : memref<5x128x64xf32, #tpu.memory_space<vmem>> -> memref<1x128x64xf32, #tpu.memory_space<vmem>>
      %dma_start3A_349 = tpu.memref_squeeze %dma_start3A_348 : memref<1x128x64xf32, #tpu.memory_space<vmem>> -> memref<128x64xf32, #tpu.memory_space<vmem>>
      %dma_start3A_350 = arith.constant 0 : i32
      %dma_start3A_351 = tpu.memref_slice %arg14[%add3A_333, %dma_start3A_350] : memref<80x128xi32, #tpu.memory_space<vmem>> -> memref<1x128xi32, #tpu.memory_space<vmem>>
      %dma_start3A_352 = tpu.memref_squeeze %dma_start3A_351 : memref<1x128xi32, #tpu.memory_space<vmem>> -> memref<128xi32, #tpu.memory_space<vmem>>
      %dma_start3A_353 = arith.constant 0 : i32
      %dma_start3A_354 = arith.constant 0 : i32
      %dma_start3A_355 = tpu.memref_slice %arg16[%dma_start3A_353, %dma_start3A_354] : memref<10240x64xf32, #tpu.memory_space<vmem_shared>> -> memref<10240x64xf32, #tpu.memory_space<vmem_shared>>
      tpu.enqueue_indirect_dma source(%dma_start3A_349 : memref<128x64xf32, #tpu.memory_space<vmem>>) target(%dma_start3A_355 : memref<10240x64xf32, #tpu.memory_space<vmem_shared>>) offsets(%dma_start3A_352 : memref<128xi32, #tpu.memory_space<vmem>>) semaphore(%arg23 : memref<!tpu.dma_semaphore, #tpu.memory_space<semaphore_mem>>) {add = true}
      %add3A_356 = arith.constant 2 : i32
      %add3A_357 = arith.addi %mul3A_307, %add3A_356 : i32
      %dma_wait3A_358 = arith.constant 2 : i32
      %dma_wait3A_359 = arith.constant 0 : i32
      %dma_wait3A_360 = arith.constant 0 : i32
      %dma_wait3A_361 = tpu.memref_slice %arg15[%dma_wait3A_358, %dma_wait3A_359, %dma_wait3A_360] : memref<5x128x64xf32, #tpu.memory_space<vmem>> -> memref<1x128x64xf32, #tpu.memory_space<vmem>>
      %dma_wait3A_362 = tpu.memref_squeeze %dma_wait3A_361 : memref<1x128x64xf32, #tpu.memory_space<vmem>> -> memref<128x64xf32, #tpu.memory_space<vmem>>
      %dma_wait3A_363 = arith.constant 0 : i32
      %dma_wait3A_364 = tpu.memref_slice %arg13[%add3A_357, %dma_wait3A_363] : memref<80x128xi32, #tpu.memory_space<vmem>> -> memref<1x128xi32, #tpu.memory_space<vmem>>
      %dma_wait3A_365 = tpu.memref_squeeze %dma_wait3A_364 : memref<1x128xi32, #tpu.memory_space<vmem>> -> memref<128xi32, #tpu.memory_space<vmem>>
      %dma_wait3A_366 = arith.constant 0 : i32
      %dma_wait3A_367 = arith.constant 0 : i32
      %dma_wait3A_368 = tpu.memref_slice %arg3[%dma_wait3A_366, %dma_wait3A_367] : memref<20000x64xf32, #tpu.memory_space<hbm>> -> memref<20000x64xf32, #tpu.memory_space<hbm>>
      tpu.wait_indirect_dma semaphore(%arg19 : memref<!tpu.dma_semaphore, #tpu.memory_space<semaphore_mem>>) src(%dma_wait3A_368 : memref<20000x64xf32, #tpu.memory_space<hbm>>) dst(%dma_wait3A_362 : memref<128x64xf32, #tpu.memory_space<vmem>>)
      %dma_start3A_369 = arith.constant 2 : i32
      %dma_start3A_370 = arith.constant 0 : i32
      %dma_start3A_371 = arith.constant 0 : i32
      %dma_start3A_372 = tpu.memref_slice %arg15[%dma_start3A_369, %dma_start3A_370, %dma_start3A_371] : memref<5x128x64xf32, #tpu.memory_space<vmem>> -> memref<1x128x64xf32, #tpu.memory_space<vmem>>
      %dma_start3A_373 = tpu.memref_squeeze %dma_start3A_372 : memref<1x128x64xf32, #tpu.memory_space<vmem>> -> memref<128x64xf32, #tpu.memory_space<vmem>>
      %dma_start3A_374 = arith.constant 0 : i32
      %dma_start3A_375 = tpu.memref_slice %arg14[%add3A_357, %dma_start3A_374] : memref<80x128xi32, #tpu.memory_space<vmem>> -> memref<1x128xi32, #tpu.memory_space<vmem>>
      %dma_start3A_376 = tpu.memref_squeeze %dma_start3A_375 : memref<1x128xi32, #tpu.memory_space<vmem>> -> memref<128xi32, #tpu.memory_space<vmem>>
      %dma_start3A_377 = arith.constant 0 : i32
      %dma_start3A_378 = arith.constant 0 : i32
      %dma_start3A_379 = tpu.memref_slice %arg16[%dma_start3A_377, %dma_start3A_378] : memref<10240x64xf32, #tpu.memory_space<vmem_shared>> -> memref<10240x64xf32, #tpu.memory_space<vmem_shared>>
      tpu.enqueue_indirect_dma source(%dma_start3A_373 : memref<128x64xf32, #tpu.memory_space<vmem>>) target(%dma_start3A_379 : memref<10240x64xf32, #tpu.memory_space<vmem_shared>>) offsets(%dma_start3A_376 : memref<128xi32, #tpu.memory_space<vmem>>) semaphore(%arg24 : memref<!tpu.dma_semaphore, #tpu.memory_space<semaphore_mem>>) {add = true}
      %add3A_380 = arith.constant 3 : i32
      %add3A_381 = arith.addi %mul3A_307, %add3A_380 : i32
      %dma_wait3A_382 = arith.constant 3 : i32
      %dma_wait3A_383 = arith.constant 0 : i32
      %dma_wait3A_384 = arith.constant 0 : i32
      %dma_wait3A_385 = tpu.memref_slice %arg15[%dma_wait3A_382, %dma_wait3A_383, %dma_wait3A_384] : memref<5x128x64xf32, #tpu.memory_space<vmem>> -> memref<1x128x64xf32, #tpu.memory_space<vmem>>
      %dma_wait3A_386 = tpu.memref_squeeze %dma_wait3A_385 : memref<1x128x64xf32, #tpu.memory_space<vmem>> -> memref<128x64xf32, #tpu.memory_space<vmem>>
      %dma_wait3A_387 = arith.constant 0 : i32
      %dma_wait3A_388 = tpu.memref_slice %arg13[%add3A_381, %dma_wait3A_387] : memref<80x128xi32, #tpu.memory_space<vmem>> -> memref<1x128xi32, #tpu.memory_space<vmem>>
      %dma_wait3A_389 = tpu.memref_squeeze %dma_wait3A_388 : memref<1x128xi32, #tpu.memory_space<vmem>> -> memref<128xi32, #tpu.memory_space<vmem>>
      %dma_wait3A_390 = arith.constant 0 : i32
      %dma_wait3A_391 = arith.constant 0 : i32
      %dma_wait3A_392 = tpu.memref_slice %arg3[%dma_wait3A_390, %dma_wait3A_391] : memref<20000x64xf32, #tpu.memory_space<hbm>> -> memref<20000x64xf32, #tpu.memory_space<hbm>>
      tpu.wait_indirect_dma semaphore(%arg20 : memref<!tpu.dma_semaphore, #tpu.memory_space<semaphore_mem>>) src(%dma_wait3A_392 : memref<20000x64xf32, #tpu.memory_space<hbm>>) dst(%dma_wait3A_386 : memref<128x64xf32, #tpu.memory_space<vmem>>)
      %dma_start3A_393 = arith.constant 3 : i32
      %dma_start3A_394 = arith.constant 0 : i32
      %dma_start3A_395 = arith.constant 0 : i32
      %dma_start3A_396 = tpu.memref_slice %arg15[%dma_start3A_393, %dma_start3A_394, %dma_start3A_395] : memref<5x128x64xf32, #tpu.memory_space<vmem>> -> memref<1x128x64xf32, #tpu.memory_space<vmem>>
      %dma_start3A_397 = tpu.memref_squeeze %dma_start3A_396 : memref<1x128x64xf32, #tpu.memory_space<vmem>> -> memref<128x64xf32, #tpu.memory_space<vmem>>
      %dma_start3A_398 = arith.constant 0 : i32
      %dma_start3A_399 = tpu.memref_slice %arg14[%add3A_381, %dma_start3A_398] : memref<80x128xi32, #tpu.memory_space<vmem>> -> memref<1x128xi32, #tpu.memory_space<vmem>>
      %dma_start3A_400 = tpu.memref_squeeze %dma_start3A_399 : memref<1x128xi32, #tpu.memory_space<vmem>> -> memref<128xi32, #tpu.memory_space<vmem>>
      %dma_start3A_401 = arith.constant 0 : i32
      %dma_start3A_402 = arith.constant 0 : i32
      %dma_start3A_403 = tpu.memref_slice %arg16[%dma_start3A_401, %dma_start3A_402] : memref<10240x64xf32, #tpu.memory_space<vmem_shared>> -> memref<10240x64xf32, #tpu.memory_space<vmem_shared>>
      tpu.enqueue_indirect_dma source(%dma_start3A_397 : memref<128x64xf32, #tpu.memory_space<vmem>>) target(%dma_start3A_403 : memref<10240x64xf32, #tpu.memory_space<vmem_shared>>) offsets(%dma_start3A_400 : memref<128xi32, #tpu.memory_space<vmem>>) semaphore(%arg25 : memref<!tpu.dma_semaphore, #tpu.memory_space<semaphore_mem>>) {add = true}
      %add3A_404 = arith.constant 4 : i32
      %add3A_405 = arith.addi %mul3A_307, %add3A_404 : i32
      %dma_wait3A_406 = arith.constant 4 : i32
      %dma_wait3A_407 = arith.constant 0 : i32
      %dma_wait3A_408 = arith.constant 0 : i32
      %dma_wait3A_409 = tpu.memref_slice %arg15[%dma_wait3A_406, %dma_wait3A_407, %dma_wait3A_408] : memref<5x128x64xf32, #tpu.memory_space<vmem>> -> memref<1x128x64xf32, #tpu.memory_space<vmem>>
      %dma_wait3A_410 = tpu.memref_squeeze %dma_wait3A_409 : memref<1x128x64xf32, #tpu.memory_space<vmem>> -> memref<128x64xf32, #tpu.memory_space<vmem>>
      %dma_wait3A_411 = arith.constant 0 : i32
      %dma_wait3A_412 = tpu.memref_slice %arg13[%add3A_405, %dma_wait3A_411] : memref<80x128xi32, #tpu.memory_space<vmem>> -> memref<1x128xi32, #tpu.memory_space<vmem>>
      %dma_wait3A_413 = tpu.memref_squeeze %dma_wait3A_412 : memref<1x128xi32, #tpu.memory_space<vmem>> -> memref<128xi32, #tpu.memory_space<vmem>>
      %dma_wait3A_414 = arith.constant 0 : i32
      %dma_wait3A_415 = arith.constant 0 : i32
      %dma_wait3A_416 = tpu.memref_slice %arg3[%dma_wait3A_414, %dma_wait3A_415] : memref<20000x64xf32, #tpu.memory_space<hbm>> -> memref<20000x64xf32, #tpu.memory_space<hbm>>
      tpu.wait_indirect_dma semaphore(%arg21 : memref<!tpu.dma_semaphore, #tpu.memory_space<semaphore_mem>>) src(%dma_wait3A_416 : memref<20000x64xf32, #tpu.memory_space<hbm>>) dst(%dma_wait3A_410 : memref<128x64xf32, #tpu.memory_space<vmem>>)
      %dma_start3A_417 = arith.constant 4 : i32
      %dma_start3A_418 = arith.constant 0 : i32
      %dma_start3A_419 = arith.constant 0 : i32
      %dma_start3A_420 = tpu.memref_slice %arg15[%dma_start3A_417, %dma_start3A_418, %dma_start3A_419] : memref<5x128x64xf32, #tpu.memory_space<vmem>> -> memref<1x128x64xf32, #tpu.memory_space<vmem>>
      %dma_start3A_421 = tpu.memref_squeeze %dma_start3A_420 : memref<1x128x64xf32, #tpu.memory_space<vmem>> -> memref<128x64xf32, #tpu.memory_space<vmem>>
      %dma_start3A_422 = arith.constant 0 : i32
      %dma_start3A_423 = tpu.memref_slice %arg14[%add3A_405, %dma_start3A_422] : memref<80x128xi32, #tpu.memory_space<vmem>> -> memref<1x128xi32, #tpu.memory_space<vmem>>
      %dma_start3A_424 = tpu.memref_squeeze %dma_start3A_423 : memref<1x128xi32, #tpu.memory_space<vmem>> -> memref<128xi32, #tpu.memory_space<vmem>>
      %dma_start3A_425 = arith.constant 0 : i32
      %dma_start3A_426 = arith.constant 0 : i32
      %dma_start3A_427 = tpu.memref_slice %arg16[%dma_start3A_425, %dma_start3A_426] : memref<10240x64xf32, #tpu.memory_space<vmem_shared>> -> memref<10240x64xf32, #tpu.memory_space<vmem_shared>>
      tpu.enqueue_indirect_dma source(%dma_start3A_421 : memref<128x64xf32, #tpu.memory_space<vmem>>) target(%dma_start3A_427 : memref<10240x64xf32, #tpu.memory_space<vmem_shared>>) offsets(%dma_start3A_424 : memref<128xi32, #tpu.memory_space<vmem>>) semaphore(%arg26 : memref<!tpu.dma_semaphore, #tpu.memory_space<semaphore_mem>>) {add = true}
      %add3A_428 = arith.constant 5 : i32
      %add3A_429 = arith.addi %mul3A_307, %add3A_428 : i32
      %add3A_430 = arith.constant 0 : i32
      %add3A_431 = arith.addi %add3A_429, %add3A_430 : i32
      %lt3A = arith.constant 80 : i32
      %lt3A_432 = arith.cmpi slt, %add3A_431, %lt3A : i32
      %convert_element_type3A = arith.extui %lt3A_432 : i1 to i32
      %cond3A = arith.constant 0 : i32
      %cond3A_433 = arith.constant 0 : i32
      %cond3A_434 = arith.cmpi ne, %convert_element_type3A, %cond3A_433 : i32
      scf.if %cond3A_434 {
        %dma_wait3A_475 = arith.constant 0 : i32
        %dma_wait3A_476 = arith.constant 0 : i32
        %dma_wait3A_477 = tpu.memref_slice %arg15[%cond3A, %dma_wait3A_475, %dma_wait3A_476] : memref<5x128x64xf32, #tpu.memory_space<vmem>> -> memref<1x128x64xf32, #tpu.memory_space<vmem>>
        %dma_wait3A_478 = tpu.memref_squeeze %dma_wait3A_477 : memref<1x128x64xf32, #tpu.memory_space<vmem>> -> memref<128x64xf32, #tpu.memory_space<vmem>>
        %dma_wait3A_479 = arith.constant 0 : i32
        %dma_wait3A_480 = tpu.memref_slice %arg14[%add3A_309, %dma_wait3A_479] : memref<80x128xi32, #tpu.memory_space<vmem>> -> memref<1x128xi32, #tpu.memory_space<vmem>>
        %dma_wait3A_481 = tpu.memref_squeeze %dma_wait3A_480 : memref<1x128xi32, #tpu.memory_space<vmem>> -> memref<128xi32, #tpu.memory_space<vmem>>
        %dma_wait3A_482 = arith.constant 0 : i32
        %dma_wait3A_483 = arith.constant 0 : i32
        %dma_wait3A_484 = tpu.memref_slice %arg16[%dma_wait3A_482, %dma_wait3A_483] : memref<10240x64xf32, #tpu.memory_space<vmem_shared>> -> memref<10240x64xf32, #tpu.memory_space<vmem_shared>>
        tpu.wait_indirect_dma semaphore(%arg22 : memref<!tpu.dma_semaphore, #tpu.memory_space<semaphore_mem>>) src(%dma_wait3A_478 : memref<128x64xf32, #tpu.memory_space<vmem>>) dst(%dma_wait3A_484 : memref<10240x64xf32, #tpu.memory_space<vmem_shared>>)
        %dma_start3A_485 = arith.constant 0 : i32
        %dma_start3A_486 = arith.constant 0 : i32
        %dma_start3A_487 = arith.constant 0 : i32
        %dma_start3A_488 = tpu.memref_slice %arg15[%dma_start3A_485, %dma_start3A_486, %dma_start3A_487] : memref<5x128x64xf32, #tpu.memory_space<vmem>> -> memref<1x128x64xf32, #tpu.memory_space<vmem>>
        %dma_start3A_489 = tpu.memref_squeeze %dma_start3A_488 : memref<1x128x64xf32, #tpu.memory_space<vmem>> -> memref<128x64xf32, #tpu.memory_space<vmem>>
        %dma_start3A_490 = arith.constant 0 : i32
        %dma_start3A_491 = tpu.memref_slice %arg13[%add3A_431, %dma_start3A_490] : memref<80x128xi32, #tpu.memory_space<vmem>> -> memref<1x128xi32, #tpu.memory_space<vmem>>
        %dma_start3A_492 = tpu.memref_squeeze %dma_start3A_491 : memref<1x128xi32, #tpu.memory_space<vmem>> -> memref<128xi32, #tpu.memory_space<vmem>>
        %dma_start3A_493 = arith.constant 0 : i32
        %dma_start3A_494 = arith.constant 0 : i32
        %dma_start3A_495 = tpu.memref_slice %arg3[%dma_start3A_493, %dma_start3A_494] : memref<20000x64xf32, #tpu.memory_space<hbm>> -> memref<20000x64xf32, #tpu.memory_space<hbm>>
        tpu.enqueue_indirect_dma source(%dma_start3A_495 : memref<20000x64xf32, #tpu.memory_space<hbm>>) target(%dma_start3A_489 : memref<128x64xf32, #tpu.memory_space<vmem>>) offsets(%dma_start3A_492 : memref<128xi32, #tpu.memory_space<vmem>>) semaphore(%arg17 : memref<!tpu.dma_semaphore, #tpu.memory_space<semaphore_mem>>)
      } else {
      }
      %add3A_435 = arith.constant 5 : i32
      %add3A_436 = arith.addi %mul3A_307, %add3A_435 : i32
      %add3A_437 = arith.constant 1 : i32
      %add3A_438 = arith.addi %add3A_436, %add3A_437 : i32
      %lt3A_439 = arith.constant 80 : i32
      %lt3A_440 = arith.cmpi slt, %add3A_438, %lt3A_439 : i32
      %convert_element_type3A_441 = arith.extui %lt3A_440 : i1 to i32
      %cond3A_442 = arith.constant 1 : i32
      %cond3A_443 = arith.constant 0 : i32
      %cond3A_444 = arith.cmpi ne, %convert_element_type3A_441, %cond3A_443 : i32
      scf.if %cond3A_444 {
        %dma_wait3A_475 = arith.constant 0 : i32
        %dma_wait3A_476 = arith.constant 0 : i32
        %dma_wait3A_477 = tpu.memref_slice %arg15[%cond3A_442, %dma_wait3A_475, %dma_wait3A_476] : memref<5x128x64xf32, #tpu.memory_space<vmem>> -> memref<1x128x64xf32, #tpu.memory_space<vmem>>
        %dma_wait3A_478 = tpu.memref_squeeze %dma_wait3A_477 : memref<1x128x64xf32, #tpu.memory_space<vmem>> -> memref<128x64xf32, #tpu.memory_space<vmem>>
        %dma_wait3A_479 = arith.constant 0 : i32
        %dma_wait3A_480 = tpu.memref_slice %arg14[%add3A_333, %dma_wait3A_479] : memref<80x128xi32, #tpu.memory_space<vmem>> -> memref<1x128xi32, #tpu.memory_space<vmem>>
        %dma_wait3A_481 = tpu.memref_squeeze %dma_wait3A_480 : memref<1x128xi32, #tpu.memory_space<vmem>> -> memref<128xi32, #tpu.memory_space<vmem>>
        %dma_wait3A_482 = arith.constant 0 : i32
        %dma_wait3A_483 = arith.constant 0 : i32
        %dma_wait3A_484 = tpu.memref_slice %arg16[%dma_wait3A_482, %dma_wait3A_483] : memref<10240x64xf32, #tpu.memory_space<vmem_shared>> -> memref<10240x64xf32, #tpu.memory_space<vmem_shared>>
        tpu.wait_indirect_dma semaphore(%arg23 : memref<!tpu.dma_semaphore, #tpu.memory_space<semaphore_mem>>) src(%dma_wait3A_478 : memref<128x64xf32, #tpu.memory_space<vmem>>) dst(%dma_wait3A_484 : memref<10240x64xf32, #tpu.memory_space<vmem_shared>>)
        %dma_start3A_485 = arith.constant 1 : i32
        %dma_start3A_486 = arith.constant 0 : i32
        %dma_start3A_487 = arith.constant 0 : i32
        %dma_start3A_488 = tpu.memref_slice %arg15[%dma_start3A_485, %dma_start3A_486, %dma_start3A_487] : memref<5x128x64xf32, #tpu.memory_space<vmem>> -> memref<1x128x64xf32, #tpu.memory_space<vmem>>
        %dma_start3A_489 = tpu.memref_squeeze %dma_start3A_488 : memref<1x128x64xf32, #tpu.memory_space<vmem>> -> memref<128x64xf32, #tpu.memory_space<vmem>>
        %dma_start3A_490 = arith.constant 0 : i32
        %dma_start3A_491 = tpu.memref_slice %arg13[%add3A_438, %dma_start3A_490] : memref<80x128xi32, #tpu.memory_space<vmem>> -> memref<1x128xi32, #tpu.memory_space<vmem>>
        %dma_start3A_492 = tpu.memref_squeeze %dma_start3A_491 : memref<1x128xi32, #tpu.memory_space<vmem>> -> memref<128xi32, #tpu.memory_space<vmem>>
        %dma_start3A_493 = arith.constant 0 : i32
        %dma_start3A_494 = arith.constant 0 : i32
        %dma_start3A_495 = tpu.memref_slice %arg3[%dma_start3A_493, %dma_start3A_494] : memref<20000x64xf32, #tpu.memory_space<hbm>> -> memref<20000x64xf32, #tpu.memory_space<hbm>>
        tpu.enqueue_indirect_dma source(%dma_start3A_495 : memref<20000x64xf32, #tpu.memory_space<hbm>>) target(%dma_start3A_489 : memref<128x64xf32, #tpu.memory_space<vmem>>) offsets(%dma_start3A_492 : memref<128xi32, #tpu.memory_space<vmem>>) semaphore(%arg18 : memref<!tpu.dma_semaphore, #tpu.memory_space<semaphore_mem>>)
      } else {
      }
      %add3A_445 = arith.constant 5 : i32
      %add3A_446 = arith.addi %mul3A_307, %add3A_445 : i32
      %add3A_447 = arith.constant 2 : i32
      %add3A_448 = arith.addi %add3A_446, %add3A_447 : i32
      %lt3A_449 = arith.constant 80 : i32
      %lt3A_450 = arith.cmpi slt, %add3A_448, %lt3A_449 : i32
      %convert_element_type3A_451 = arith.extui %lt3A_450 : i1 to i32
      %cond3A_452 = arith.constant 2 : i32
      %cond3A_453 = arith.constant 0 : i32
      %cond3A_454 = arith.cmpi ne, %convert_element_type3A_451, %cond3A_453 : i32
      scf.if %cond3A_454 {
        %dma_wait3A_475 = arith.constant 0 : i32
        %dma_wait3A_476 = arith.constant 0 : i32
        %dma_wait3A_477 = tpu.memref_slice %arg15[%cond3A_452, %dma_wait3A_475, %dma_wait3A_476] : memref<5x128x64xf32, #tpu.memory_space<vmem>> -> memref<1x128x64xf32, #tpu.memory_space<vmem>>
        %dma_wait3A_478 = tpu.memref_squeeze %dma_wait3A_477 : memref<1x128x64xf32, #tpu.memory_space<vmem>> -> memref<128x64xf32, #tpu.memory_space<vmem>>
        %dma_wait3A_479 = arith.constant 0 : i32
        %dma_wait3A_480 = tpu.memref_slice %arg14[%add3A_357, %dma_wait3A_479] : memref<80x128xi32, #tpu.memory_space<vmem>> -> memref<1x128xi32, #tpu.memory_space<vmem>>
        %dma_wait3A_481 = tpu.memref_squeeze %dma_wait3A_480 : memref<1x128xi32, #tpu.memory_space<vmem>> -> memref<128xi32, #tpu.memory_space<vmem>>
        %dma_wait3A_482 = arith.constant 0 : i32
        %dma_wait3A_483 = arith.constant 0 : i32
        %dma_wait3A_484 = tpu.memref_slice %arg16[%dma_wait3A_482, %dma_wait3A_483] : memref<10240x64xf32, #tpu.memory_space<vmem_shared>> -> memref<10240x64xf32, #tpu.memory_space<vmem_shared>>
        tpu.wait_indirect_dma semaphore(%arg24 : memref<!tpu.dma_semaphore, #tpu.memory_space<semaphore_mem>>) src(%dma_wait3A_478 : memref<128x64xf32, #tpu.memory_space<vmem>>) dst(%dma_wait3A_484 : memref<10240x64xf32, #tpu.memory_space<vmem_shared>>)
        %dma_start3A_485 = arith.constant 2 : i32
        %dma_start3A_486 = arith.constant 0 : i32
        %dma_start3A_487 = arith.constant 0 : i32
        %dma_start3A_488 = tpu.memref_slice %arg15[%dma_start3A_485, %dma_start3A_486, %dma_start3A_487] : memref<5x128x64xf32, #tpu.memory_space<vmem>> -> memref<1x128x64xf32, #tpu.memory_space<vmem>>
        %dma_start3A_489 = tpu.memref_squeeze %dma_start3A_488 : memref<1x128x64xf32, #tpu.memory_space<vmem>> -> memref<128x64xf32, #tpu.memory_space<vmem>>
        %dma_start3A_490 = arith.constant 0 : i32
        %dma_start3A_491 = tpu.memref_slice %arg13[%add3A_448, %dma_start3A_490] : memref<80x128xi32, #tpu.memory_space<vmem>> -> memref<1x128xi32, #tpu.memory_space<vmem>>
        %dma_start3A_492 = tpu.memref_squeeze %dma_start3A_491 : memref<1x128xi32, #tpu.memory_space<vmem>> -> memref<128xi32, #tpu.memory_space<vmem>>
        %dma_start3A_493 = arith.constant 0 : i32
        %dma_start3A_494 = arith.constant 0 : i32
        %dma_start3A_495 = tpu.memref_slice %arg3[%dma_start3A_493, %dma_start3A_494] : memref<20000x64xf32, #tpu.memory_space<hbm>> -> memref<20000x64xf32, #tpu.memory_space<hbm>>
        tpu.enqueue_indirect_dma source(%dma_start3A_495 : memref<20000x64xf32, #tpu.memory_space<hbm>>) target(%dma_start3A_489 : memref<128x64xf32, #tpu.memory_space<vmem>>) offsets(%dma_start3A_492 : memref<128xi32, #tpu.memory_space<vmem>>) semaphore(%arg19 : memref<!tpu.dma_semaphore, #tpu.memory_space<semaphore_mem>>)
      } else {
      }
      %add3A_455 = arith.constant 5 : i32
      %add3A_456 = arith.addi %mul3A_307, %add3A_455 : i32
      %add3A_457 = arith.constant 3 : i32
      %add3A_458 = arith.addi %add3A_456, %add3A_457 : i32
      %lt3A_459 = arith.constant 80 : i32
      %lt3A_460 = arith.cmpi slt, %add3A_458, %lt3A_459 : i32
      %convert_element_type3A_461 = arith.extui %lt3A_460 : i1 to i32
      %cond3A_462 = arith.constant 3 : i32
      %cond3A_463 = arith.constant 0 : i32
      %cond3A_464 = arith.cmpi ne, %convert_element_type3A_461, %cond3A_463 : i32
      scf.if %cond3A_464 {
        %dma_wait3A_475 = arith.constant 0 : i32
        %dma_wait3A_476 = arith.constant 0 : i32
        %dma_wait3A_477 = tpu.memref_slice %arg15[%cond3A_462, %dma_wait3A_475, %dma_wait3A_476] : memref<5x128x64xf32, #tpu.memory_space<vmem>> -> memref<1x128x64xf32, #tpu.memory_space<vmem>>
        %dma_wait3A_478 = tpu.memref_squeeze %dma_wait3A_477 : memref<1x128x64xf32, #tpu.memory_space<vmem>> -> memref<128x64xf32, #tpu.memory_space<vmem>>
        %dma_wait3A_479 = arith.constant 0 : i32
        %dma_wait3A_480 = tpu.memref_slice %arg14[%add3A_381, %dma_wait3A_479] : memref<80x128xi32, #tpu.memory_space<vmem>> -> memref<1x128xi32, #tpu.memory_space<vmem>>
        %dma_wait3A_481 = tpu.memref_squeeze %dma_wait3A_480 : memref<1x128xi32, #tpu.memory_space<vmem>> -> memref<128xi32, #tpu.memory_space<vmem>>
        %dma_wait3A_482 = arith.constant 0 : i32
        %dma_wait3A_483 = arith.constant 0 : i32
        %dma_wait3A_484 = tpu.memref_slice %arg16[%dma_wait3A_482, %dma_wait3A_483] : memref<10240x64xf32, #tpu.memory_space<vmem_shared>> -> memref<10240x64xf32, #tpu.memory_space<vmem_shared>>
        tpu.wait_indirect_dma semaphore(%arg25 : memref<!tpu.dma_semaphore, #tpu.memory_space<semaphore_mem>>) src(%dma_wait3A_478 : memref<128x64xf32, #tpu.memory_space<vmem>>) dst(%dma_wait3A_484 : memref<10240x64xf32, #tpu.memory_space<vmem_shared>>)
        %dma_start3A_485 = arith.constant 3 : i32
        %dma_start3A_486 = arith.constant 0 : i32
        %dma_start3A_487 = arith.constant 0 : i32
        %dma_start3A_488 = tpu.memref_slice %arg15[%dma_start3A_485, %dma_start3A_486, %dma_start3A_487] : memref<5x128x64xf32, #tpu.memory_space<vmem>> -> memref<1x128x64xf32, #tpu.memory_space<vmem>>
        %dma_start3A_489 = tpu.memref_squeeze %dma_start3A_488 : memref<1x128x64xf32, #tpu.memory_space<vmem>> -> memref<128x64xf32, #tpu.memory_space<vmem>>
        %dma_start3A_490 = arith.constant 0 : i32
        %dma_start3A_491 = tpu.memref_slice %arg13[%add3A_458, %dma_start3A_490] : memref<80x128xi32, #tpu.memory_space<vmem>> -> memref<1x128xi32, #tpu.memory_space<vmem>>
        %dma_start3A_492 = tpu.memref_squeeze %dma_start3A_491 : memref<1x128xi32, #tpu.memory_space<vmem>> -> memref<128xi32, #tpu.memory_space<vmem>>
        %dma_start3A_493 = arith.constant 0 : i32
        %dma_start3A_494 = arith.constant 0 : i32
        %dma_start3A_495 = tpu.memref_slice %arg3[%dma_start3A_493, %dma_start3A_494] : memref<20000x64xf32, #tpu.memory_space<hbm>> -> memref<20000x64xf32, #tpu.memory_space<hbm>>
        tpu.enqueue_indirect_dma source(%dma_start3A_495 : memref<20000x64xf32, #tpu.memory_space<hbm>>) target(%dma_start3A_489 : memref<128x64xf32, #tpu.memory_space<vmem>>) offsets(%dma_start3A_492 : memref<128xi32, #tpu.memory_space<vmem>>) semaphore(%arg20 : memref<!tpu.dma_semaphore, #tpu.memory_space<semaphore_mem>>)
      } else {
      }
      %add3A_465 = arith.constant 5 : i32
      %add3A_466 = arith.addi %mul3A_307, %add3A_465 : i32
      %add3A_467 = arith.constant 4 : i32
      %add3A_468 = arith.addi %add3A_466, %add3A_467 : i32
      %lt3A_469 = arith.constant 80 : i32
      %lt3A_470 = arith.cmpi slt, %add3A_468, %lt3A_469 : i32
      %convert_element_type3A_471 = arith.extui %lt3A_470 : i1 to i32
      %cond3A_472 = arith.constant 4 : i32
      %cond3A_473 = arith.constant 0 : i32
      %cond3A_474 = arith.cmpi ne, %convert_element_type3A_471, %cond3A_473 : i32
      scf.if %cond3A_474 {
        %dma_wait3A_475 = arith.constant 0 : i32
        %dma_wait3A_476 = arith.constant 0 : i32
        %dma_wait3A_477 = tpu.memref_slice %arg15[%cond3A_472, %dma_wait3A_475, %dma_wait3A_476] : memref<5x128x64xf32, #tpu.memory_space<vmem>> -> memref<1x128x64xf32, #tpu.memory_space<vmem>>
        %dma_wait3A_478 = tpu.memref_squeeze %dma_wait3A_477 : memref<1x128x64xf32, #tpu.memory_space<vmem>> -> memref<128x64xf32, #tpu.memory_space<vmem>>
        %dma_wait3A_479 = arith.constant 0 : i32
        %dma_wait3A_480 = tpu.memref_slice %arg14[%add3A_405, %dma_wait3A_479] : memref<80x128xi32, #tpu.memory_space<vmem>> -> memref<1x128xi32, #tpu.memory_space<vmem>>
        %dma_wait3A_481 = tpu.memref_squeeze %dma_wait3A_480 : memref<1x128xi32, #tpu.memory_space<vmem>> -> memref<128xi32, #tpu.memory_space<vmem>>
        %dma_wait3A_482 = arith.constant 0 : i32
        %dma_wait3A_483 = arith.constant 0 : i32
        %dma_wait3A_484 = tpu.memref_slice %arg16[%dma_wait3A_482, %dma_wait3A_483] : memref<10240x64xf32, #tpu.memory_space<vmem_shared>> -> memref<10240x64xf32, #tpu.memory_space<vmem_shared>>
        tpu.wait_indirect_dma semaphore(%arg26 : memref<!tpu.dma_semaphore, #tpu.memory_space<semaphore_mem>>) src(%dma_wait3A_478 : memref<128x64xf32, #tpu.memory_space<vmem>>) dst(%dma_wait3A_484 : memref<10240x64xf32, #tpu.memory_space<vmem_shared>>)
        %dma_start3A_485 = arith.constant 4 : i32
        %dma_start3A_486 = arith.constant 0 : i32
        %dma_start3A_487 = arith.constant 0 : i32
        %dma_start3A_488 = tpu.memref_slice %arg15[%dma_start3A_485, %dma_start3A_486, %dma_start3A_487] : memref<5x128x64xf32, #tpu.memory_space<vmem>> -> memref<1x128x64xf32, #tpu.memory_space<vmem>>
        %dma_start3A_489 = tpu.memref_squeeze %dma_start3A_488 : memref<1x128x64xf32, #tpu.memory_space<vmem>> -> memref<128x64xf32, #tpu.memory_space<vmem>>
        %dma_start3A_490 = arith.constant 0 : i32
        %dma_start3A_491 = tpu.memref_slice %arg13[%add3A_468, %dma_start3A_490] : memref<80x128xi32, #tpu.memory_space<vmem>> -> memref<1x128xi32, #tpu.memory_space<vmem>>
        %dma_start3A_492 = tpu.memref_squeeze %dma_start3A_491 : memref<1x128xi32, #tpu.memory_space<vmem>> -> memref<128xi32, #tpu.memory_space<vmem>>
        %dma_start3A_493 = arith.constant 0 : i32
        %dma_start3A_494 = arith.constant 0 : i32
        %dma_start3A_495 = tpu.memref_slice %arg3[%dma_start3A_493, %dma_start3A_494] : memref<20000x64xf32, #tpu.memory_space<hbm>> -> memref<20000x64xf32, #tpu.memory_space<hbm>>
        tpu.enqueue_indirect_dma source(%dma_start3A_495 : memref<20000x64xf32, #tpu.memory_space<hbm>>) target(%dma_start3A_489 : memref<128x64xf32, #tpu.memory_space<vmem>>) offsets(%dma_start3A_492 : memref<128xi32, #tpu.memory_space<vmem>>) semaphore(%arg21 : memref<!tpu.dma_semaphore, #tpu.memory_space<semaphore_mem>>)
      } else {
      }
    }
    %scan3A_237 = arith.constant 16 : i32
    %dma_wait3A_238 = arith.constant 0 : i32
    %dma_wait3A_239 = arith.constant 75 : i32
    %dma_wait3A_240 = arith.constant 0 : i32
    %dma_wait3A_241 = arith.constant 0 : i32
    %dma_wait3A_242 = tpu.memref_slice %arg15[%dma_wait3A_238, %dma_wait3A_240, %dma_wait3A_241] : memref<5x128x64xf32, #tpu.memory_space<vmem>> -> memref<1x128x64xf32, #tpu.memory_space<vmem>>
    %dma_wait3A_243 = tpu.memref_squeeze %dma_wait3A_242 : memref<1x128x64xf32, #tpu.memory_space<vmem>> -> memref<128x64xf32, #tpu.memory_space<vmem>>
    %dma_wait3A_244 = arith.constant 0 : i32
    %dma_wait3A_245 = tpu.memref_slice %arg14[%dma_wait3A_239, %dma_wait3A_244] : memref<80x128xi32, #tpu.memory_space<vmem>> -> memref<1x128xi32, #tpu.memory_space<vmem>>
    %dma_wait3A_246 = tpu.memref_squeeze %dma_wait3A_245 : memref<1x128xi32, #tpu.memory_space<vmem>> -> memref<128xi32, #tpu.memory_space<vmem>>
    %dma_wait3A_247 = arith.constant 0 : i32
    %dma_wait3A_248 = arith.constant 0 : i32
    %dma_wait3A_249 = tpu.memref_slice %arg16[%dma_wait3A_247, %dma_wait3A_248] : memref<10240x64xf32, #tpu.memory_space<vmem_shared>> -> memref<10240x64xf32, #tpu.memory_space<vmem_shared>>
    tpu.wait_indirect_dma semaphore(%arg22 : memref<!tpu.dma_semaphore, #tpu.memory_space<semaphore_mem>>) src(%dma_wait3A_243 : memref<128x64xf32, #tpu.memory_space<vmem>>) dst(%dma_wait3A_249 : memref<10240x64xf32, #tpu.memory_space<vmem_shared>>)
    %dma_wait3A_250 = arith.constant 1 : i32
    %dma_wait3A_251 = arith.constant 76 : i32
    %dma_wait3A_252 = arith.constant 0 : i32
    %dma_wait3A_253 = arith.constant 0 : i32
    %dma_wait3A_254 = tpu.memref_slice %arg15[%dma_wait3A_250, %dma_wait3A_252, %dma_wait3A_253] : memref<5x128x64xf32, #tpu.memory_space<vmem>> -> memref<1x128x64xf32, #tpu.memory_space<vmem>>
    %dma_wait3A_255 = tpu.memref_squeeze %dma_wait3A_254 : memref<1x128x64xf32, #tpu.memory_space<vmem>> -> memref<128x64xf32, #tpu.memory_space<vmem>>
    %dma_wait3A_256 = arith.constant 0 : i32
    %dma_wait3A_257 = tpu.memref_slice %arg14[%dma_wait3A_251, %dma_wait3A_256] : memref<80x128xi32, #tpu.memory_space<vmem>> -> memref<1x128xi32, #tpu.memory_space<vmem>>
    %dma_wait3A_258 = tpu.memref_squeeze %dma_wait3A_257 : memref<1x128xi32, #tpu.memory_space<vmem>> -> memref<128xi32, #tpu.memory_space<vmem>>
    %dma_wait3A_259 = arith.constant 0 : i32
    %dma_wait3A_260 = arith.constant 0 : i32
    %dma_wait3A_261 = tpu.memref_slice %arg16[%dma_wait3A_259, %dma_wait3A_260] : memref<10240x64xf32, #tpu.memory_space<vmem_shared>> -> memref<10240x64xf32, #tpu.memory_space<vmem_shared>>
    tpu.wait_indirect_dma semaphore(%arg23 : memref<!tpu.dma_semaphore, #tpu.memory_space<semaphore_mem>>) src(%dma_wait3A_255 : memref<128x64xf32, #tpu.memory_space<vmem>>) dst(%dma_wait3A_261 : memref<10240x64xf32, #tpu.memory_space<vmem_shared>>)
    %dma_wait3A_262 = arith.constant 2 : i32
    %dma_wait3A_263 = arith.constant 77 : i32
    %dma_wait3A_264 = arith.constant 0 : i32
    %dma_wait3A_265 = arith.constant 0 : i32
    %dma_wait3A_266 = tpu.memref_slice %arg15[%dma_wait3A_262, %dma_wait3A_264, %dma_wait3A_265] : memref<5x128x64xf32, #tpu.memory_space<vmem>> -> memref<1x128x64xf32, #tpu.memory_space<vmem>>
    %dma_wait3A_267 = tpu.memref_squeeze %dma_wait3A_266 : memref<1x128x64xf32, #tpu.memory_space<vmem>> -> memref<128x64xf32, #tpu.memory_space<vmem>>
    %dma_wait3A_268 = arith.constant 0 : i32
    %dma_wait3A_269 = tpu.memref_slice %arg14[%dma_wait3A_263, %dma_wait3A_268] : memref<80x128xi32, #tpu.memory_space<vmem>> -> memref<1x128xi32, #tpu.memory_space<vmem>>
    %dma_wait3A_270 = tpu.memref_squeeze %dma_wait3A_269 : memref<1x128xi32, #tpu.memory_space<vmem>> -> memref<128xi32, #tpu.memory_space<vmem>>
    %dma_wait3A_271 = arith.constant 0 : i32
    %dma_wait3A_272 = arith.constant 0 : i32
    %dma_wait3A_273 = tpu.memref_slice %arg16[%dma_wait3A_271, %dma_wait3A_272] : memref<10240x64xf32, #tpu.memory_space<vmem_shared>> -> memref<10240x64xf32, #tpu.memory_space<vmem_shared>>
    tpu.wait_indirect_dma semaphore(%arg24 : memref<!tpu.dma_semaphore, #tpu.memory_space<semaphore_mem>>) src(%dma_wait3A_267 : memref<128x64xf32, #tpu.memory_space<vmem>>) dst(%dma_wait3A_273 : memref<10240x64xf32, #tpu.memory_space<vmem_shared>>)
    %dma_wait3A_274 = arith.constant 3 : i32
    %dma_wait3A_275 = arith.constant 78 : i32
    %dma_wait3A_276 = arith.constant 0 : i32
    %dma_wait3A_277 = arith.constant 0 : i32
    %dma_wait3A_278 = tpu.memref_slice %arg15[%dma_wait3A_274, %dma_wait3A_276, %dma_wait3A_277] : memref<5x128x64xf32, #tpu.memory_space<vmem>> -> memref<1x128x64xf32, #tpu.memory_space<vmem>>
    %dma_wait3A_279 = tpu.memref_squeeze %dma_wait3A_278 : memref<1x128x64xf32, #tpu.memory_space<vmem>> -> memref<128x64xf32, #tpu.memory_space<vmem>>
    %dma_wait3A_280 = arith.constant 0 : i32
    %dma_wait3A_281 = tpu.memref_slice %arg14[%dma_wait3A_275, %dma_wait3A_280] : memref<80x128xi32, #tpu.memory_space<vmem>> -> memref<1x128xi32, #tpu.memory_space<vmem>>
    %dma_wait3A_282 = tpu.memref_squeeze %dma_wait3A_281 : memref<1x128xi32, #tpu.memory_space<vmem>> -> memref<128xi32, #tpu.memory_space<vmem>>
    %dma_wait3A_283 = arith.constant 0 : i32
    %dma_wait3A_284 = arith.constant 0 : i32
    %dma_wait3A_285 = tpu.memref_slice %arg16[%dma_wait3A_283, %dma_wait3A_284] : memref<10240x64xf32, #tpu.memory_space<vmem_shared>> -> memref<10240x64xf32, #tpu.memory_space<vmem_shared>>
    tpu.wait_indirect_dma semaphore(%arg25 : memref<!tpu.dma_semaphore, #tpu.memory_space<semaphore_mem>>) src(%dma_wait3A_279 : memref<128x64xf32, #tpu.memory_space<vmem>>) dst(%dma_wait3A_285 : memref<10240x64xf32, #tpu.memory_space<vmem_shared>>)
    %dma_wait3A_286 = arith.constant 4 : i32
    %dma_wait3A_287 = arith.constant 79 : i32
    %dma_wait3A_288 = arith.constant 0 : i32
    %dma_wait3A_289 = arith.constant 0 : i32
    %dma_wait3A_290 = tpu.memref_slice %arg15[%dma_wait3A_286, %dma_wait3A_288, %dma_wait3A_289] : memref<5x128x64xf32, #tpu.memory_space<vmem>> -> memref<1x128x64xf32, #tpu.memory_space<vmem>>
    %dma_wait3A_291 = tpu.memref_squeeze %dma_wait3A_290 : memref<1x128x64xf32, #tpu.memory_space<vmem>> -> memref<128x64xf32, #tpu.memory_space<vmem>>
    %dma_wait3A_292 = arith.constant 0 : i32
    %dma_wait3A_293 = tpu.memref_slice %arg14[%dma_wait3A_287, %dma_wait3A_292] : memref<80x128xi32, #tpu.memory_space<vmem>> -> memref<1x128xi32, #tpu.memory_space<vmem>>
    %dma_wait3A_294 = tpu.memref_squeeze %dma_wait3A_293 : memref<1x128xi32, #tpu.memory_space<vmem>> -> memref<128xi32, #tpu.memory_space<vmem>>
    %dma_wait3A_295 = arith.constant 0 : i32
    %dma_wait3A_296 = arith.constant 0 : i32
    %dma_wait3A_297 = tpu.memref_slice %arg16[%dma_wait3A_295, %dma_wait3A_296] : memref<10240x64xf32, #tpu.memory_space<vmem_shared>> -> memref<10240x64xf32, #tpu.memory_space<vmem_shared>>
    tpu.wait_indirect_dma semaphore(%arg26 : memref<!tpu.dma_semaphore, #tpu.memory_space<semaphore_mem>>) src(%dma_wait3A_291 : memref<128x64xf32, #tpu.memory_space<vmem>>) dst(%dma_wait3A_297 : memref<10240x64xf32, #tpu.memory_space<vmem_shared>>)
    %barrier3A_298 = arith.constant 0 : index
    tpu.barrier barrier_id(%barrier3A_298)
    %mul3A_299 = arith.constant 10240 : i32
    %mul3A_300 = arith.muli %arg0, %mul3A_299 : i32
    %add3A_301 = arith.addi %mul3A_300, %mul3A_2 : i32
    "tpu.region"() ({
      %run_scoped3A = tpu.sem_alloc : memref<!tpu.dma_semaphore, #tpu.memory_space<semaphore_mem>>
      %dma_start3A_305 = arith.constant 64 : i32
      %dma_start3A_306 = tpu.memref_slice %arg10[%add3A_301, %dma_start3A_305] : memref<20480x128xf32, #tpu.memory_space<hbm>> -> memref<640x64xf32, #tpu.memory_space<hbm>>
      %dma_start3A_307 = arith.constant 0 : i32
      %dma_start3A_308 = tpu.memref_slice %arg16[%mul3A_2, %dma_start3A_307] : memref<10240x64xf32, #tpu.memory_space<vmem_shared>> -> memref<640x64xf32, #tpu.memory_space<vmem_shared>>
      tpu.enqueue_dma source(%dma_start3A_308 : memref<640x64xf32, #tpu.memory_space<vmem_shared>>) target(%dma_start3A_306 : memref<640x64xf32, #tpu.memory_space<hbm>>) target_semaphore(%run_scoped3A : memref<!tpu.dma_semaphore, #tpu.memory_space<semaphore_mem>>)
      %dma_wait3A_309 = arith.constant 64 : i32
      %dma_wait3A_310 = tpu.memref_slice %arg10[%add3A_301, %dma_wait3A_309] : memref<20480x128xf32, #tpu.memory_space<hbm>> -> memref<640x64xf32, #tpu.memory_space<hbm>>
      %dma_wait3A_311 = arith.constant 0 : i32
      %dma_wait3A_312 = tpu.memref_slice %arg16[%mul3A_2, %dma_wait3A_311] : memref<10240x64xf32, #tpu.memory_space<vmem_shared>> -> memref<640x64xf32, #tpu.memory_space<vmem_shared>>
      tpu.wait_dma2 semaphore(%run_scoped3A : memref<!tpu.dma_semaphore, #tpu.memory_space<semaphore_mem>>) src(%dma_wait3A_312 : memref<640x64xf32, #tpu.memory_space<vmem_shared>>) dst(%dma_wait3A_310 : memref<640x64xf32, #tpu.memory_space<hbm>>)
      tpu.yield
    }) : () -> ()
    %mul3A_302 = arith.constant 10240 : i32
    %mul3A_303 = arith.muli %arg0, %mul3A_302 : i32
    %add3A_304 = arith.addi %mul3A_303, %mul3A_2 : i32
    "tpu.region"() ({
      %run_scoped3A = tpu.sem_alloc : memref<!tpu.dma_semaphore, #tpu.memory_space<semaphore_mem>>
      %dma_start3A_305 = arith.constant 0 : i32
      %dma_start3A_306 = tpu.memref_slice %arg11[%add3A_304, %dma_start3A_305] : memref<20480x16xf32, #tpu.memory_space<hbm>> -> memref<640x16xf32, #tpu.memory_space<hbm>>
      %dma_start3A_307 = arith.constant 0 : i32
      %dma_start3A_308 = tpu.memref_slice %arg28[%mul3A_2, %dma_start3A_307] : memref<10240x16xf32, #tpu.memory_space<vmem_shared>> -> memref<640x16xf32, #tpu.memory_space<vmem_shared>>
      tpu.enqueue_dma source(%dma_start3A_308 : memref<640x16xf32, #tpu.memory_space<vmem_shared>>) target(%dma_start3A_306 : memref<640x16xf32, #tpu.memory_space<hbm>>) target_semaphore(%run_scoped3A : memref<!tpu.dma_semaphore, #tpu.memory_space<semaphore_mem>>)
      %dma_wait3A_309 = arith.constant 0 : i32
      %dma_wait3A_310 = tpu.memref_slice %arg11[%add3A_304, %dma_wait3A_309] : memref<20480x16xf32, #tpu.memory_space<hbm>> -> memref<640x16xf32, #tpu.memory_space<hbm>>
      %dma_wait3A_311 = arith.constant 0 : i32
      %dma_wait3A_312 = tpu.memref_slice %arg28[%mul3A_2, %dma_wait3A_311] : memref<10240x16xf32, #tpu.memory_space<vmem_shared>> -> memref<640x16xf32, #tpu.memory_space<vmem_shared>>
      tpu.wait_dma2 semaphore(%run_scoped3A : memref<!tpu.dma_semaphore, #tpu.memory_space<semaphore_mem>>) src(%dma_wait3A_312 : memref<640x16xf32, #tpu.memory_space<vmem_shared>>) dst(%dma_wait3A_310 : memref<640x16xf32, #tpu.memory_space<hbm>>)
      tpu.yield
    }) : () -> ()
    return
  }
}

module attributes {stable_mosaic.version = 14 : i64} {
  func.func @body(%arg0: i32, %arg1: memref<2x320000xi32, #tpu.memory_space<vmem>>, %arg2: memref<2560x128xi32, #tpu.memory_space<vmem>>, %arg3: memref<2560x128xi32, #tpu.memory_space<vmem>>, %arg4: memref<2560x128xi32, #tpu.memory_space<vmem>>, %arg5: memref<2560x128xi32, #tpu.memory_space<vmem>>) attributes {dimension_semantics = [#tpu.dimension_semantics<arbitrary>], iteration_bounds = array<i64: 1>, scalar_prefetch = 0 : i64, scratch_operands = 0 : i64, tpu.core_type = #tpu.core_type<tc>, window_params = [{pipeline_mode = #tpu.pipeline_mode<synchronous>, transform_indices = @transform_0, window_bounds = array<i64: 2, 320000>}, {pipeline_mode = #tpu.pipeline_mode<synchronous>, transform_indices = @transform_1, window_bounds = array<i64: 2560, 128>}, {pipeline_mode = #tpu.pipeline_mode<synchronous>, transform_indices = @transform_2, window_bounds = array<i64: 2560, 128>}, {pipeline_mode = #tpu.pipeline_mode<synchronous>, transform_indices = @transform_3, window_bounds = array<i64: 2560, 128>}, {pipeline_mode = #tpu.pipeline_mode<synchronous>, transform_indices = @transform_4, window_bounds = array<i64: 2560, 128>}]} {
    %get3A = arith.constant 0 : index
    %get3A_0 = arith.constant 0 : index
    %get3A_1 = vector.load %arg1[%get3A, %get3A_0] : memref<2x320000xi32, #tpu.memory_space<vmem>>, vector<2x320000xi32>
    %slice3A = vector.extract_strided_slice %get3A_1 {offsets = [0, 0], sizes = [1, 320000], strides = [1, 1]} : vector<2x320000xi32> to vector<1x320000xi32>
    %squeeze3A = vector.shape_cast %slice3A : vector<1x320000xi32> to vector<320000xi32>
    %reshape3A = vector.shape_cast %squeeze3A : vector<320000xi32> to vector<2500x128xi32>
    %slice3A_2 = vector.extract_strided_slice %get3A_1 {offsets = [1, 0], sizes = [1, 320000], strides = [1, 1]} : vector<2x320000xi32> to vector<1x320000xi32>
    %squeeze3A_3 = vector.shape_cast %slice3A_2 : vector<1x320000xi32> to vector<320000xi32>
    %reshape3A_4 = vector.shape_cast %squeeze3A_3 : vector<320000xi32> to vector<2500x128xi32>
    %iota3A = tpu.iota {dimensions = array<i32: 0>} : vector<60x128xi32>
    %mul3A = arith.constant 128 : i32
    %mul3A_5 = vector.broadcast %mul3A : i32 to vector<60x128xi32>
    %mul3A_6 = arith.muli %iota3A, %mul3A_5 : vector<60x128xi32>
    %iota3A_7 = tpu.iota {dimensions = array<i32: 1>} : vector<60x128xi32>
    %add3A = arith.addi %mul3A_6, %iota3A_7 : vector<60x128xi32>
    %jit3A = arith.constant 10000 : i32
    %eq3A = arith.constant 0 : i32
    %eq3A_8 = arith.cmpi eq, %jit3A, %eq3A : i32
    %jit3A_9 = arith.constant 1 : i32
    %select_n3A = arith.select %eq3A_8, %jit3A_9, %jit3A : i32
    %rem3A = vector.broadcast %select_n3A : i32 to vector<60x128xi32>
    %rem3A_10 = arith.remsi %add3A, %rem3A : vector<60x128xi32>
    %ne3A = arith.constant 0 : i32
    %ne3A_11 = vector.broadcast %ne3A : i32 to vector<60x128xi32>
    %ne3A_12 = arith.cmpi ne, %rem3A_10, %ne3A_11 : vector<60x128xi32>
    %lt3A = arith.constant 0 : i32
    %lt3A_13 = vector.broadcast %lt3A : i32 to vector<60x128xi32>
    %lt3A_14 = arith.cmpi slt, %rem3A_10, %lt3A_13 : vector<60x128xi32>
    %lt3A_15 = arith.constant 0 : i32
    %lt3A_16 = arith.cmpi slt, %select_n3A, %lt3A_15 : i32
    %ne3A_17 = vector.broadcast %lt3A_16 : i1 to vector<60x128xi1>
    %ne3A_18 = vector.broadcast %ne3A_17 : vector<60x128xi1> to vector<60x128xi1>
    %ne3A_19 = arith.xori %lt3A_14, %ne3A_18 : vector<60x128xi1>
    %and3A = arith.andi %ne3A_19, %ne3A_12 : vector<60x128xi1>
    %add3A_20 = vector.broadcast %select_n3A : i32 to vector<60x128xi32>
    %add3A_21 = arith.addi %rem3A_10, %add3A_20 : vector<60x128xi32>
    %select_n3A_22 = arith.select %and3A, %add3A_21, %rem3A_10 : vector<60x128xi1>, vector<60x128xi32>
    %concatenate3A = tpu.concatenate %reshape3A, %select_n3A_22 in 0 : vector<2500x128xi32>, vector<60x128xi32> -> vector<2560x128xi32>
    %swap3A = arith.constant 0 : index
    %swap3A_23 = arith.constant 0 : index
    %swap3A_24 = vector.load %arg2[%swap3A, %swap3A_23] : memref<2560x128xi32, #tpu.memory_space<vmem>>, vector<2560x128xi32>
    tpu.vector_store %arg2[%swap3A, %swap3A_23], %concatenate3A {strides = array<i32>} : memref<2560x128xi32, #tpu.memory_space<vmem>>, vector<2560x128xi32>,
    %jit3A_25 = arith.constant 240 : i32
    %eq3A_26 = arith.constant 0 : i32
    %eq3A_27 = arith.cmpi eq, %jit3A_25, %eq3A_26 : i32
    %jit3A_28 = arith.constant 1 : i32
    %select_n3A_29 = arith.select %eq3A_27, %jit3A_28, %jit3A_25 : i32
    %rem3A_30 = vector.broadcast %select_n3A_29 : i32 to vector<60x128xi32>
    %rem3A_31 = arith.remsi %add3A, %rem3A_30 : vector<60x128xi32>
    %ne3A_32 = arith.constant 0 : i32
    %ne3A_33 = vector.broadcast %ne3A_32 : i32 to vector<60x128xi32>
    %ne3A_34 = arith.cmpi ne, %rem3A_31, %ne3A_33 : vector<60x128xi32>
    %lt3A_35 = arith.constant 0 : i32
    %lt3A_36 = vector.broadcast %lt3A_35 : i32 to vector<60x128xi32>
    %lt3A_37 = arith.cmpi slt, %rem3A_31, %lt3A_36 : vector<60x128xi32>
    %lt3A_38 = arith.constant 0 : i32
    %lt3A_39 = arith.cmpi slt, %select_n3A_29, %lt3A_38 : i32
    %ne3A_40 = vector.broadcast %lt3A_39 : i1 to vector<60x128xi1>
    %ne3A_41 = vector.broadcast %ne3A_40 : vector<60x128xi1> to vector<60x128xi1>
    %ne3A_42 = arith.xori %lt3A_37, %ne3A_41 : vector<60x128xi1>
    %and3A_43 = arith.andi %ne3A_42, %ne3A_34 : vector<60x128xi1>
    %add3A_44 = vector.broadcast %select_n3A_29 : i32 to vector<60x128xi32>
    %add3A_45 = arith.addi %rem3A_31, %add3A_44 : vector<60x128xi32>
    %select_n3A_46 = arith.select %and3A_43, %add3A_45, %rem3A_31 : vector<60x128xi1>, vector<60x128xi32>
    %add3A_47 = arith.constant 10000 : i32
    %add3A_48 = vector.broadcast %add3A_47 : i32 to vector<60x128xi32>
    %add3A_49 = arith.addi %add3A_48, %select_n3A_46 : vector<60x128xi32>
    %concatenate3A_50 = tpu.concatenate %reshape3A_4, %add3A_49 in 0 : vector<2500x128xi32>, vector<60x128xi32> -> vector<2560x128xi32>
    %swap3A_51 = arith.constant 0 : index
    %swap3A_52 = arith.constant 0 : index
    %swap3A_53 = vector.load %arg3[%swap3A_51, %swap3A_52] : memref<2560x128xi32, #tpu.memory_space<vmem>>, vector<2560x128xi32>
    tpu.vector_store %arg3[%swap3A_51, %swap3A_52], %concatenate3A_50 {strides = array<i32>} : memref<2560x128xi32, #tpu.memory_space<vmem>>, vector<2560x128xi32>,
    %mul3A_54 = arith.constant 2 : i32
    %mul3A_55 = vector.broadcast %mul3A_54 : i32 to vector<2560x128xi32>
    %mul3A_56 = arith.muli %mul3A_55, %concatenate3A : vector<2560x128xi32>
    %swap3A_57 = arith.constant 0 : index
    %swap3A_58 = arith.constant 0 : index
    %swap3A_59 = vector.load %arg4[%swap3A_57, %swap3A_58] : memref<2560x128xi32, #tpu.memory_space<vmem>>, vector<2560x128xi32>
    tpu.vector_store %arg4[%swap3A_57, %swap3A_58], %mul3A_56 {strides = array<i32>} : memref<2560x128xi32, #tpu.memory_space<vmem>>, vector<2560x128xi32>,
    %mul3A_60 = arith.constant 2 : i32
    %mul3A_61 = vector.broadcast %mul3A_60 : i32 to vector<2560x128xi32>
    %mul3A_62 = arith.muli %mul3A_61, %concatenate3A : vector<2560x128xi32>
    %add3A_63 = arith.constant 1 : i32
    %add3A_64 = vector.broadcast %add3A_63 : i32 to vector<2560x128xi32>
    %add3A_65 = arith.addi %mul3A_62, %add3A_64 : vector<2560x128xi32>
    %swap3A_66 = arith.constant 0 : index
    %swap3A_67 = arith.constant 0 : index
    %swap3A_68 = vector.load %arg5[%swap3A_66, %swap3A_67] : memref<2560x128xi32, #tpu.memory_space<vmem>>, vector<2560x128xi32>
    tpu.vector_store %arg5[%swap3A_66, %swap3A_67], %add3A_65 {strides = array<i32>} : memref<2560x128xi32, #tpu.memory_space<vmem>>, vector<2560x128xi32>,
    return
  }
  func.func @transform_0(%arg0: i32) -> (i32, i32) {
    %c0_i32 = arith.constant 0 : i32
    %c0_i32_0 = arith.constant 0 : i32
    %c0_i32_1 = arith.constant 0 : i32
    return %c0_i32, %c0_i32_0 : i32, i32
  }
  func.func @transform_1(%arg0: i32) -> (i32, i32) {
    %c0_i32 = arith.constant 0 : i32
    %c0_i32_0 = arith.constant 0 : i32
    %c0_i32_1 = arith.constant 0 : i32
    return %c0_i32, %c0_i32_0 : i32, i32
  }
  func.func @transform_2(%arg0: i32) -> (i32, i32) {
    %c0_i32 = arith.constant 0 : i32
    %c0_i32_0 = arith.constant 0 : i32
    %c0_i32_1 = arith.constant 0 : i32
    return %c0_i32, %c0_i32_0 : i32, i32
  }
  func.func @transform_3(%arg0: i32) -> (i32, i32) {
    %c0_i32 = arith.constant 0 : i32
    %c0_i32_0 = arith.constant 0 : i32
    %c0_i32_1 = arith.constant 0 : i32
    return %c0_i32, %c0_i32_0 : i32, i32
  }
  func.func @transform_4(%arg0: i32) -> (i32, i32) {
    %c0_i32 = arith.constant 0 : i32
    %c0_i32_0 = arith.constant 0 : i32
    %c0_i32_1 = arith.constant 0 : i32
    return %c0_i32, %c0_i32_0 : i32, i32
  }
}

module attributes {stable_mosaic.version = 14 : i64} {
  func.func @body(%arg0: i32, %arg1: memref<1024x128xf32, #tpu.memory_space<vmem>>, %arg2: memref<1024x128xf32, #tpu.memory_space<vmem>>, %arg3: memref<128x128xf32, #tpu.memory_space<vmem>>, %arg4: memref<128x128xf32, #tpu.memory_space<vmem>>, %arg5: memref<1024x128xf32, #tpu.memory_space<vmem>>, %arg6: memref<128x256xf32, #tpu.memory_space<vmem>>, %arg7: memref<128x256xf32, #tpu.memory_space<vmem>>, %arg8: memref<1x256xf32, #tpu.memory_space<vmem>>, %arg9: memref<256x48xf32, #tpu.memory_space<vmem>>, %arg10: memref<256x48xf32, #tpu.memory_space<vmem>>, %arg11: memref<1x48xf32, #tpu.memory_space<vmem>>, %arg12: memref<1024x48xf32, #tpu.memory_space<vmem>>, %arg13: memref<1024x48xf32, #tpu.memory_space<vmem>>) attributes {dimension_semantics = [#tpu.dimension_semantics<arbitrary>], iteration_bounds = array<i64: 10>, scalar_prefetch = 0 : i64, scratch_operands = 0 : i64, tpu.core_type = #tpu.core_type<tc>, window_params = [{transform_indices = @transform_0, window_bounds = array<i64: 1024, 128>}, {transform_indices = @transform_1, window_bounds = array<i64: 1024, 128>}, {transform_indices = @transform_2, window_bounds = array<i64: 128, 128>}, {transform_indices = @transform_3, window_bounds = array<i64: 128, 128>}, {transform_indices = @transform_4, window_bounds = array<i64: 1024, 128>}, {pipeline_mode = #tpu.pipeline_mode<synchronous>, transform_indices = @transform_5, window_bounds = array<i64: 128, 256>}, {pipeline_mode = #tpu.pipeline_mode<synchronous>, transform_indices = @transform_6, window_bounds = array<i64: 128, 256>}, {pipeline_mode = #tpu.pipeline_mode<synchronous>, transform_indices = @transform_7, window_bounds = array<i64: 1, 256>}, {pipeline_mode = #tpu.pipeline_mode<synchronous>, transform_indices = @transform_8, window_bounds = array<i64: 256, 48>}, {pipeline_mode = #tpu.pipeline_mode<synchronous>, transform_indices = @transform_9, window_bounds = array<i64: 256, 48>}, {pipeline_mode = #tpu.pipeline_mode<synchronous>, transform_indices = @transform_10, window_bounds = array<i64: 1, 48>}, {transform_indices = @transform_11, window_bounds = array<i64: 1024, 48>}, {transform_indices = @transform_12, window_bounds = array<i64: 1024, 48>}]} {
    %get3A = arith.constant 0 : index
    %get3A_0 = arith.constant 0 : index
    %get3A_1 = vector.load %arg1[%get3A, %get3A_0] : memref<1024x128xf32, #tpu.memory_space<vmem>>, vector<1024x128xf32>
    %get3A_2 = arith.constant 0 : index
    %get3A_3 = arith.constant 0 : index
    %get3A_4 = vector.load %arg2[%get3A_2, %get3A_3] : memref<1024x128xf32, #tpu.memory_space<vmem>>, vector<1024x128xf32>
    %add3A = arith.addf %get3A_1, %get3A_4 : vector<1024x128xf32>
    %get3A_5 = arith.constant 0 : index
    %get3A_6 = arith.constant 0 : index
    %get3A_7 = vector.load %arg3[%get3A_5, %get3A_6] : memref<128x128xf32, #tpu.memory_space<vmem>>, vector<128x128xf32>
    %get3A_8 = arith.constant 0 : index
    %get3A_9 = arith.constant 0 : index
    %get3A_10 = vector.load %arg4[%get3A_8, %get3A_9] : memref<128x128xf32, #tpu.memory_space<vmem>>, vector<128x128xf32>
    %add3A_11 = arith.addf %get3A_7, %get3A_10 : vector<128x128xf32>
    %reshape3A = vector.shape_cast %add3A_11 : vector<128x128xf32> to vector<128x8x16xf32>
    %slice3A = vector.extract_strided_slice %reshape3A {offsets = [0, 0, 0], sizes = [128, 8, 1], strides = [1, 1, 1]} : vector<128x8x16xf32> to vector<128x8x1xf32>
    %max3A = arith.constant 1.000000e+00 : f32
    %max3A_12 = vector.broadcast %max3A : f32 to vector<128x8x1xf32>
    %max3A_13 = arith.maximumf %slice3A, %max3A_12 : vector<128x8x1xf32>
    %div3A = arith.constant 1.000000e+00 : f32
    %div3A_14 = vector.broadcast %div3A : f32 to vector<128x8x1xf32>
    %div3A_15 = arith.divf %div3A_14, %max3A_13 : vector<128x8x1xf32>
    %reshape3A_16 = vector.shape_cast %add3A : vector<1024x128xf32> to vector<128x8x128xf32>
    %mul3A = vector.broadcast %div3A_15 : vector<128x8x1xf32> to vector<128x8x128xf32>
    %mul3A_17 = arith.mulf %reshape3A_16, %mul3A : vector<128x8x128xf32>
    %reshape3A_18 = vector.shape_cast %mul3A_17 : vector<128x8x128xf32> to vector<1024x128xf32>
    %get3A_19 = arith.constant 0 : index
    %get3A_20 = arith.constant 0 : index
    %get3A_21 = vector.load %arg6[%get3A_19, %get3A_20] : memref<128x256xf32, #tpu.memory_space<vmem>>, vector<128x256xf32>
    %dot_general3A = arith.constant dense<0.000000e+00> : vector<1024x256xf32>
    %dot_general3A_22 = tpu.matmul %reshape3A_18, %get3A_21, %dot_general3A {dimension_numbers = #tpu.dot_dimension_numbers<[1], [0], [0], [1], [0, 0, 1, 1], [], []>, transpose_lhs_hint = false} : vector<1024x128xf32>, vector<128x256xf32>, vector<1024x256xf32> -> vector<1024x256xf32>
    %get3A_23 = arith.constant 0 : index
    %get3A_24 = arith.constant 0 : index
    %get3A_25 = vector.load %arg5[%get3A_23, %get3A_24] : memref<1024x128xf32, #tpu.memory_space<vmem>>, vector<1024x128xf32>
    %get3A_26 = arith.constant 0 : index
    %get3A_27 = arith.constant 0 : index
    %get3A_28 = vector.load %arg7[%get3A_26, %get3A_27] : memref<128x256xf32, #tpu.memory_space<vmem>>, vector<128x256xf32>
    %dot_general3A_29 = arith.constant dense<0.000000e+00> : vector<1024x256xf32>
    %dot_general3A_30 = tpu.matmul %get3A_25, %get3A_28, %dot_general3A_29 {dimension_numbers = #tpu.dot_dimension_numbers<[1], [0], [0], [1], [0, 0, 1, 1], [], []>, transpose_lhs_hint = false} : vector<1024x128xf32>, vector<128x256xf32>, vector<1024x256xf32> -> vector<1024x256xf32>
    %add3A_31 = arith.addf %dot_general3A_22, %dot_general3A_30 : vector<1024x256xf32>
    %get3A_32 = arith.constant 0 : index
    %get3A_33 = arith.constant 0 : index
    %get3A_34 = vector.load %arg8[%get3A_32, %get3A_33] : memref<1x256xf32, #tpu.memory_space<vmem>>, vector<1x256xf32>
    %add3A_35 = vector.broadcast %get3A_34 : vector<1x256xf32> to vector<1024x256xf32>
    %add3A_36 = arith.addf %add3A_31, %add3A_35 : vector<1024x256xf32>
    %max3A_37 = arith.constant 0.000000e+00 : f32
    %max3A_38 = vector.broadcast %max3A_37 : f32 to vector<1024x256xf32>
    %max3A_39 = arith.maximumf %add3A_36, %max3A_38 : vector<1024x256xf32>
    %get3A_40 = arith.constant 0 : index
    %get3A_41 = arith.constant 0 : index
    %get3A_42 = vector.load %arg9[%get3A_40, %get3A_41] : memref<256x48xf32, #tpu.memory_space<vmem>>, vector<256x48xf32>
    %dot_general3A_43 = arith.constant dense<0.000000e+00> : vector<1024x48xf32>
    %dot_general3A_44 = tpu.matmul %max3A_39, %get3A_42, %dot_general3A_43 {dimension_numbers = #tpu.dot_dimension_numbers<[1], [0], [0], [1], [0, 0, 1, 1], [], []>, transpose_lhs_hint = false} : vector<1024x256xf32>, vector<256x48xf32>, vector<1024x48xf32> -> vector<1024x48xf32>
    %swap3A = arith.constant 0 : index
    %swap3A_45 = arith.constant 0 : index
    %swap3A_46 = vector.load %arg12[%swap3A, %swap3A_45] : memref<1024x48xf32, #tpu.memory_space<vmem>>, vector<1024x48xf32>
    tpu.vector_store %arg12[%swap3A, %swap3A_45], %dot_general3A_44 {strides = array<i32>} : memref<1024x48xf32, #tpu.memory_space<vmem>>, vector<1024x48xf32>,
    %get3A_47 = arith.constant 0 : index
    %get3A_48 = arith.constant 0 : index
    %get3A_49 = vector.load %arg10[%get3A_47, %get3A_48] : memref<256x48xf32, #tpu.memory_space<vmem>>, vector<256x48xf32>
    %dot_general3A_50 = arith.constant dense<0.000000e+00> : vector<1024x48xf32>
    %dot_general3A_51 = tpu.matmul %max3A_39, %get3A_49, %dot_general3A_50 {dimension_numbers = #tpu.dot_dimension_numbers<[1], [0], [0], [1], [0, 0, 1, 1], [], []>, transpose_lhs_hint = false} : vector<1024x256xf32>, vector<256x48xf32>, vector<1024x48xf32> -> vector<1024x48xf32>
    %get3A_52 = arith.constant 0 : index
    %get3A_53 = arith.constant 0 : index
    %get3A_54 = vector.load %arg11[%get3A_52, %get3A_53] : memref<1x48xf32, #tpu.memory_space<vmem>>, vector<1x48xf32>
    %add3A_55 = vector.broadcast %get3A_54 : vector<1x48xf32> to vector<1024x48xf32>
    %add3A_56 = arith.addf %dot_general3A_51, %add3A_55 : vector<1024x48xf32>
    %swap3A_57 = arith.constant 0 : index
    %swap3A_58 = arith.constant 0 : index
    %swap3A_59 = vector.load %arg13[%swap3A_57, %swap3A_58] : memref<1024x48xf32, #tpu.memory_space<vmem>>, vector<1024x48xf32>
    tpu.vector_store %arg13[%swap3A_57, %swap3A_58], %add3A_56 {strides = array<i32>} : memref<1024x48xf32, #tpu.memory_space<vmem>>, vector<1024x48xf32>,
    return
  }
  func.func @transform_0(%arg0: i32) -> (i32, i32) {
    %c0_i32 = arith.constant 0 : i32
    %c0_i32_0 = arith.constant 0 : i32
    return %arg0, %c0_i32 : i32, i32
  }
  func.func @transform_1(%arg0: i32) -> (i32, i32) {
    %add3A = arith.constant 10 : i32
    %add3A_0 = arith.addi %add3A, %arg0 : i32
    %c0_i32 = arith.constant 0 : i32
    %c0_i32_1 = arith.constant 0 : i32
    return %add3A_0, %c0_i32 : i32, i32
  }
  func.func @transform_2(%arg0: i32) -> (i32, i32) {
    %c0_i32 = arith.constant 0 : i32
    %c0_i32_0 = arith.constant 0 : i32
    return %arg0, %c0_i32 : i32, i32
  }
  func.func @transform_3(%arg0: i32) -> (i32, i32) {
    %add3A = arith.constant 10 : i32
    %add3A_0 = arith.addi %add3A, %arg0 : i32
    %c0_i32 = arith.constant 0 : i32
    %c0_i32_1 = arith.constant 0 : i32
    return %add3A_0, %c0_i32 : i32, i32
  }
  func.func @transform_4(%arg0: i32) -> (i32, i32) {
    %c0_i32 = arith.constant 0 : i32
    %c0_i32_0 = arith.constant 0 : i32
    return %arg0, %c0_i32 : i32, i32
  }
  func.func @transform_5(%arg0: i32) -> (i32, i32) {
    %c0_i32 = arith.constant 0 : i32
    %c0_i32_0 = arith.constant 0 : i32
    %c0_i32_1 = arith.constant 0 : i32
    return %c0_i32, %c0_i32_0 : i32, i32
  }
  func.func @transform_6(%arg0: i32) -> (i32, i32) {
    %c0_i32 = arith.constant 0 : i32
    %c0_i32_0 = arith.constant 0 : i32
    %c0_i32_1 = arith.constant 0 : i32
    return %c0_i32, %c0_i32_0 : i32, i32
  }
  func.func @transform_7(%arg0: i32) -> (i32, i32) {
    %c0_i32 = arith.constant 0 : i32
    %c0_i32_0 = arith.constant 0 : i32
    %c0_i32_1 = arith.constant 0 : i32
    return %c0_i32, %c0_i32_0 : i32, i32
  }
  func.func @transform_8(%arg0: i32) -> (i32, i32) {
    %c0_i32 = arith.constant 0 : i32
    %c0_i32_0 = arith.constant 0 : i32
    %c0_i32_1 = arith.constant 0 : i32
    return %c0_i32, %c0_i32_0 : i32, i32
  }
  func.func @transform_9(%arg0: i32) -> (i32, i32) {
    %c0_i32 = arith.constant 0 : i32
    %c0_i32_0 = arith.constant 0 : i32
    %c0_i32_1 = arith.constant 0 : i32
    return %c0_i32, %c0_i32_0 : i32, i32
  }
  func.func @transform_10(%arg0: i32) -> (i32, i32) {
    %c0_i32 = arith.constant 0 : i32
    %c0_i32_0 = arith.constant 0 : i32
    %c0_i32_1 = arith.constant 0 : i32
    return %c0_i32, %c0_i32_0 : i32, i32
  }
  func.func @transform_11(%arg0: i32) -> (i32, i32) {
    %c0_i32 = arith.constant 0 : i32
    %c0_i32_0 = arith.constant 0 : i32
    return %arg0, %c0_i32 : i32, i32
  }
  func.func @transform_12(%arg0: i32) -> (i32, i32) {
    %c0_i32 = arith.constant 0 : i32
    %c0_i32_0 = arith.constant 0 : i32
    return %arg0, %c0_i32 : i32, i32
  }
}

module attributes {stable_mosaic.version = 14 : i64} {
  func.func @body(%arg0: i32, %arg1: memref<1024x128xf32, #tpu.memory_space<vmem>>, %arg2: memref<1024x128xf32, #tpu.memory_space<vmem>>, %arg3: memref<128x128xf32, #tpu.memory_space<vmem>>, %arg4: memref<128x128xf32, #tpu.memory_space<vmem>>, %arg5: memref<1024x48xf32, #tpu.memory_space<vmem>>, %arg6: memref<40x1024xf32, #tpu.memory_space<vmem>>) attributes {dimension_semantics = [#tpu.dimension_semantics<arbitrary>], iteration_bounds = array<i64: 10>, scalar_prefetch = 0 : i64, scratch_operands = 0 : i64, tpu.core_type = #tpu.core_type<tc>, window_params = [{transform_indices = @transform_0, window_bounds = array<i64: 1024, 128>}, {transform_indices = @transform_1, window_bounds = array<i64: 1024, 128>}, {transform_indices = @transform_2, window_bounds = array<i64: 128, 128>}, {transform_indices = @transform_3, window_bounds = array<i64: 128, 128>}, {transform_indices = @transform_4, window_bounds = array<i64: 1024, 48>}, {transform_indices = @transform_5, window_bounds = array<i64: 40, 1024>}]} {
    %get3A = arith.constant 0 : index
    %get3A_0 = arith.constant 0 : index
    %get3A_1 = vector.load %arg1[%get3A, %get3A_0] : memref<1024x128xf32, #tpu.memory_space<vmem>>, vector<1024x128xf32>
    %slice3A = vector.extract_strided_slice %get3A_1 {offsets = [0, 0], sizes = [1024, 48], strides = [1, 1]} : vector<1024x128xf32> to vector<1024x48xf32>
    %get3A_2 = arith.constant 0 : index
    %get3A_3 = arith.constant 0 : index
    %get3A_4 = vector.load %arg2[%get3A_2, %get3A_3] : memref<1024x128xf32, #tpu.memory_space<vmem>>, vector<1024x128xf32>
    %slice3A_5 = vector.extract_strided_slice %get3A_4 {offsets = [0, 0], sizes = [1024, 48], strides = [1, 1]} : vector<1024x128xf32> to vector<1024x48xf32>
    %add3A = arith.addf %slice3A, %slice3A_5 : vector<1024x48xf32>
    %get3A_6 = arith.constant 0 : index
    %get3A_7 = arith.constant 0 : index
    %get3A_8 = vector.load %arg3[%get3A_6, %get3A_7] : memref<128x128xf32, #tpu.memory_space<vmem>>, vector<128x128xf32>
    %get3A_9 = arith.constant 0 : index
    %get3A_10 = arith.constant 0 : index
    %get3A_11 = vector.load %arg4[%get3A_9, %get3A_10] : memref<128x128xf32, #tpu.memory_space<vmem>>, vector<128x128xf32>
    %add3A_12 = arith.addf %get3A_8, %get3A_11 : vector<128x128xf32>
    %reshape3A = vector.shape_cast %add3A_12 : vector<128x128xf32> to vector<128x8x16xf32>
    %slice3A_13 = vector.extract_strided_slice %reshape3A {offsets = [0, 0, 0], sizes = [128, 8, 1], strides = [1, 1, 1]} : vector<128x8x16xf32> to vector<128x8x1xf32>
    %max3A = arith.constant 1.000000e+00 : f32
    %max3A_14 = vector.broadcast %max3A : f32 to vector<128x8x1xf32>
    %max3A_15 = arith.maximumf %slice3A_13, %max3A_14 : vector<128x8x1xf32>
    %div3A = arith.constant 1.000000e+00 : f32
    %div3A_16 = vector.broadcast %div3A : f32 to vector<128x8x1xf32>
    %div3A_17 = arith.divf %div3A_16, %max3A_15 : vector<128x8x1xf32>
    %reshape3A_18 = vector.shape_cast %add3A : vector<1024x48xf32> to vector<128x8x48xf32>
    %mul3A = vector.broadcast %div3A_17 : vector<128x8x1xf32> to vector<128x8x48xf32>
    %mul3A_19 = arith.mulf %reshape3A_18, %mul3A : vector<128x8x48xf32>
    %reshape3A_20 = vector.shape_cast %mul3A_19 : vector<128x8x48xf32> to vector<1024x48xf32>
    %get3A_21 = arith.constant 0 : index
    %get3A_22 = arith.constant 0 : index
    %get3A_23 = vector.load %arg5[%get3A_21, %get3A_22] : memref<1024x48xf32, #tpu.memory_space<vmem>>, vector<1024x48xf32>
    %add3A_24 = arith.addf %reshape3A_20, %get3A_23 : vector<1024x48xf32>
    %iota3A = tpu.iota {dimensions = array<i32: 1>} : vector<1024x48xi32>
    %lt3A = arith.constant 40 : i32
    %lt3A_25 = vector.broadcast %lt3A : i32 to vector<1024x48xi32>
    %lt3A_26 = arith.cmpi slt, %iota3A, %lt3A_25 : vector<1024x48xi32>
    %jit3A = arith.constant -1.000000e+30 : f32
    %broadcast_in_dim3A = vector.broadcast %jit3A : f32 to vector<1024x48xf32>
    %select_n3A = arith.select %lt3A_26, %add3A_24, %broadcast_in_dim3A : vector<1024x48xi1>, vector<1024x48xf32>
    %reduce_max3A = arith.constant dense<0xFF800000> : vector<1024xf32>
    %reduce_max3A_27 = vector.multi_reduction <maximumf>, %select_n3A, %reduce_max3A [1] : vector<1024x48xf32> to vector<1024xf32>
    %broadcast_in_dim3A_28 = vector.shape_cast %reduce_max3A_27 : vector<1024xf32> to vector<1024x1xf32>
    %sub3A = vector.broadcast %broadcast_in_dim3A_28 : vector<1024x1xf32> to vector<1024x48xf32>
    %sub3A_29 = arith.subf %select_n3A, %sub3A : vector<1024x48xf32>
    %exp3A = math.exp %sub3A_29 : vector<1024x48xf32>
    %reduce_sum3A = arith.constant dense<0.000000e+00> : vector<1024xf32>
    %reduce_sum3A_30 = vector.multi_reduction <add>, %exp3A, %reduce_sum3A [1] : vector<1024x48xf32> to vector<1024xf32>
    %broadcast_in_dim3A_31 = vector.shape_cast %reduce_sum3A_30 : vector<1024xf32> to vector<1024x1xf32>
    %log3A = math.log %broadcast_in_dim3A_31 : vector<1024x1xf32>
    %sub3A_32 = vector.broadcast %broadcast_in_dim3A_28 : vector<1024x1xf32> to vector<1024x48xf32>
    %sub3A_33 = arith.subf %select_n3A, %sub3A_32 : vector<1024x48xf32>
    %sub3A_34 = vector.broadcast %log3A : vector<1024x1xf32> to vector<1024x48xf32>
    %sub3A_35 = arith.subf %sub3A_33, %sub3A_34 : vector<1024x48xf32>
    %slice3A_36 = vector.extract_strided_slice %sub3A_35 {offsets = [0, 0], sizes = [1024, 40], strides = [1, 1]} : vector<1024x48xf32> to vector<1024x40xf32>
    %transpose3A = tpu.transpose %slice3A_36, [1, 0] : vector<1024x40xf32> -> vector<40x1024xf32>
    %swap3A = arith.constant 0 : index
    %swap3A_37 = arith.constant 0 : index
    %swap3A_38 = vector.load %arg6[%swap3A, %swap3A_37] : memref<40x1024xf32, #tpu.memory_space<vmem>>, vector<40x1024xf32>
    tpu.vector_store %arg6[%swap3A, %swap3A_37], %transpose3A {strides = array<i32>} : memref<40x1024xf32, #tpu.memory_space<vmem>>, vector<40x1024xf32>,
    return
  }
  func.func @transform_0(%arg0: i32) -> (i32, i32) {
    %c0_i32 = arith.constant 0 : i32
    %c0_i32_0 = arith.constant 0 : i32
    return %arg0, %c0_i32 : i32, i32
  }
  func.func @transform_1(%arg0: i32) -> (i32, i32) {
    %add3A = arith.constant 10 : i32
    %add3A_0 = arith.addi %add3A, %arg0 : i32
    %c0_i32 = arith.constant 0 : i32
    %c0_i32_1 = arith.constant 0 : i32
    return %add3A_0, %c0_i32 : i32, i32
  }
  func.func @transform_2(%arg0: i32) -> (i32, i32) {
    %c0_i32 = arith.constant 0 : i32
    %c0_i32_0 = arith.constant 0 : i32
    return %arg0, %c0_i32 : i32, i32
  }
  func.func @transform_3(%arg0: i32) -> (i32, i32) {
    %add3A = arith.constant 10 : i32
    %add3A_0 = arith.addi %add3A, %arg0 : i32
    %c0_i32 = arith.constant 0 : i32
    %c0_i32_1 = arith.constant 0 : i32
    return %add3A_0, %c0_i32 : i32, i32
  }
  func.func @transform_4(%arg0: i32) -> (i32, i32) {
    %c0_i32 = arith.constant 0 : i32
    %c0_i32_0 = arith.constant 0 : i32
    return %arg0, %c0_i32 : i32, i32
  }
  func.func @transform_5(%arg0: i32) -> (i32, i32) {
    %c0_i32 = arith.constant 0 : i32
    %c0_i32_0 = arith.constant 0 : i32
    return %c0_i32, %arg0 : i32, i32
  }
}

</mosaic_0001>

<sc_bundles>
// kernel: kernel.10.cloned.1.call-start
scs
__scs_entry_jumppad:
0x0: {  	(pc) =	sbr.rel $0x88, $3  }
0x1: {  	(tag) =	ssettag $0x0;
	lr =	simm.s32 $0x1  }
0x2: {  	[smem:$0x3F99] =	sst lr;
	_ =	strace $0xD0000000  }
0x3: {  	_ = 	snop  }
0x4: {  	_ = 	snop  }
0x5: {  	_ = 	snop  }
0x6: {  	_ = 	snop  }
0x7: {  	_ = 	snop  }
__scs_overlays_trampoline_lowered:
0x8: {  	[smem:$0x3FA8] =	sst s0  }
0x9: {  	[smem:$0x3FA9] =	sst s1  }
0xa: {  	[smem:$0x3FAA] =	sst s2  }
0xb: {  	[smem:$0x3FAB] =	sst s3  }
0xc: {  	[smem:$0x3FAC] =	sst s4  }
0xd: {  	[smem:$0x3FAD] =	sst s5  }
0xe: {  	[smem:$0x3FAE] =	sst s6  }
0xf: {  	[smem:$0x3FAF] =	sst s7  }
0x10: {  	[smem:$0x3FB0] =	sst s8  }
0x11: {  	[smem:$0x3FB1] =	sst s9;
	s0 =	simm.s32 @!p0 $0x0  }
0x12: {  	s1 =	sld [smem:$0x3F97];
	s0 =	simm.s32 @p0 $0x1  }
0x13: {  	[smem:$0x3FB2] =	sst s0;
	s0 =	simm.s32 @!p1 $0x0  }
0x14: {  	s2 =	sld [smem:$0x3F96];
	s0 =	simm.s32 @p1 $0x1  }
0x15: {  	[smem:$0x3FB3] =	sst s0;
	s0 =	simm.s32 @!p2 $0x0  }
0x16: {  	s3 =	sld [smem:$0x3FDB];
	s0 =	simm.s32 @p2 $0x1  }
0x17: {  	s4 =	simm.s32 $0x1BF5;
	[smem:$0x3FB5] =	sst s0  }
0x18: {  	s0 =	sld [smem:$0x3F98];
	_ =	swait.ge [sflag:s4], $0x0  }
0x19: {  	s7 =	sld [smem:$0x3F99]  }
0x1a: {  	s8 =	sadd.s32 $0xFFFFE003, lr  }
0x1b: {  	s9 =	sadd.s32 $0xFFFFFEF7, lr;
	s5 =	simm.s32 $0xFFFFFFFF;
	p2 =	slt.u32 s8, $0xFFFFF086  }
0x1c: {  	p1 =	slt.u32 s9, $0xF7A;
	s5 =	simm.s32 @!p2 $0x0  }
0x1d: {  	s5 =	simm.s32 @p1 $0x1;
	p0 =	seq.s32 s7, s2  }
0x1e: {  	s7 =	smul.u32 @!p0 $0xF7A, s2;
	p2 =	seq.s32 @!p0 s5, $0x0  }
0x1f: {  	s9 =	smul.u32 $0xF7A, s1;
	s8 =	simm.s32 @!p0 $0x1BF5;
	p2 =	por !p2, p0  }
0x20: {  	[sflag:s8] =	ssyncset.s32 @!p0 $0xFFFFF086;
	s6 =	sadd.s32 @!p0 s3, s7;
	s7 =	simm.s32 @!p0 $0x108  }
0x21: {  	s3 =	sadd.s32 s3, s9;
	s6 =	sadd.s32 @!p0 $0x88, s6;
	s7 =	simm.s32 @p2 $0x1082  }
0x22: {  	[simem:s7], [sflag:s8] =	dma.local @!p0 [hbm:s6], $0xF7A  }
0x23: {  	s9 =	sor.u32 $0xD0000000, s2;
	s6 =	simm.s32 $0x108;
	_ =	swait.ge @!p0 [sflag:s8], $0x0  }
0x24: {  	s3 =	sadd.s32 $0x88, s3;
	s6 =	simm.s32 @!p1 $0x1082;
	[sflag:s4] =	ssyncset.s32 $0xFFFFF086  }
0x25: {  	[simem:s6], [sflag:s4] =	dma.local [hbm:s3], $0xF7A  }
0x26: {  	[smem:$0x3F99] =	sst s1;
	(tag) =	ssettag s2;
	_ =	strace s9  }
0x27: {  	s1 =	sld [smem:$0x3FA9]  }
0x28: {  	s2 =	sld [smem:$0x3FAA]  }
0x29: {  	s4 =	sld [smem:$0x3FAC]  }
0x2a: {  	p0 =	seq.s32 s5, $0x0;
	s5 =	sld [smem:$0x3FAD]  }
0x2b: {  	s6 =	sld [smem:$0x3FAE]  }
0x2c: {  	s7 =	sld [smem:$0x3FAF]  }
0x2d: {  	s3 =	simm.s32 $0x108;
	s8 =	sld [smem:$0x3FB0]  }
0x2e: {  	s3 =	simm.s32 @!p0 $0x1082;
	s9 =	sld [smem:$0x3FB1]  }
0x2f: {  	lr =	sadd.s32 s0, s3;
	s0 =	sld [smem:$0x3FA8]  }
0x30: {  	s3 =	sld [smem:$0x3FAB]  }
0x31: {  	[smem:$0x3FB4] =	sst s10  }
0x32: {  	s10 =	sld [smem:$0x3FB2];
	_ =	sdelay $0x3  }
0x33: {  	p0 =	seq.s32 s10, $0x1;
	s10 =	sld [smem:$0x3FB4];
	_ =	sdelay $0x3  }
0x34: {  	[smem:$0x3FB4] =	sst s10  }
0x35: {  	s10 =	sld [smem:$0x3FB3];
	_ =	sdelay $0x3  }
0x36: {  	p1 =	seq.s32 s10, $0x1;
	s10 =	sld [smem:$0x3FB4];
	_ =	sdelay $0x3  }
0x37: {  	[smem:$0x3FB4] =	sst s10  }
0x38: {  	s10 =	sld [smem:$0x3FB5]  }
0x39: {  	_ = 	snop;
	(pc) =	sbr.ind lr, $3  }
0x3a: {  	_ = 	snop  }
0x3b: {  	_ = 	snop  }
0x3c: {  	p2 =	seq.s32 s10, $0x1;
	s10 =	sld [smem:$0x3FB4]  }
0x3d: {  	_ =	shalt  }
0x3e: {  	_ =	shalt  }
0x3f: {  	_ =	shalt  }
0x40: {  	_ =	shalt  }
0x41: {  	_ =	shalt  }
0x42: {  	_ =	shalt  }
0x43: {  	_ =	shalt  }
0x44: {  	_ =	shalt  }
0x45: {  	_ =	shalt  }
0x46: {  	_ =	shalt  }
0x47: {  	_ =	shalt  }
0x48: {  	_ =	shalt  }
0x49: {  	_ =	shalt  }
0x4a: {  	_ =	shalt  }
0x4b: {  	_ =	shalt  }
0x4c: {  	_ =	shalt  }
0x4d: {  	_ =	shalt  }
0x4e: {  	_ =	shalt  }
0x4f: {  	_ =	shalt  }
0x50: {  	_ =	shalt  }
0x51: {  	_ =	shalt  }
0x52: {  	_ =	shalt  }
0x53: {  	_ =	shalt  }
0x54: {  	_ =	shalt  }
0x55: {  	_ =	shalt  }
0x56: {  	_ =	shalt  }
0x57: {  	_ =	shalt  }
0x58: {  	_ =	shalt  }
0x59: {  	_ =	shalt  }
0x5a: {  	_ =	shalt  }
0x5b: {  	_ =	shalt  }
0x5c: {  	_ =	shalt  }
0x5d: {  	_ =	shalt  }
0x5e: {  	_ =	shalt  }
0x5f: {  	_ =	shalt  }
0x60: {  	_ =	shalt  }
0x61: {  	_ =	shalt  }
0x62: {  	_ =	shalt  }
0x63: {  	_ =	shalt  }
0x64: {  	_ =	shalt  }
0x65: {  	_ =	shalt  }
0x66: {  	_ =	shalt  }
0x67: {  	_ =	shalt  }
0x68: {  	_ =	shalt  }
0x69: {  	_ =	shalt  }
0x6a: {  	_ =	shalt  }
0x6b: {  	_ =	shalt  }
0x6c: {  	_ =	shalt  }
0x6d: {  	_ =	shalt  }
0x6e: {  	_ =	shalt  }
0x6f: {  	_ =	shalt  }
0x70: {  	_ =	shalt  }
0x71: {  	_ =	shalt  }
0x72: {  	_ =	shalt  }
0x73: {  	_ =	shalt  }
0x74: {  	_ =	shalt  }
0x75: {  	_ =	shalt  }
0x76: {  	_ =	shalt  }
0x77: {  	_ =	shalt  }
0x78: {  	_ =	shalt  }
0x79: {  	_ =	shalt  }
0x7a: {  	_ =	shalt  }
0x7b: {  	_ =	shalt  }
0x7c: {  	_ =	shalt  }
0x7d: {  	_ =	shalt  }
0x7e: {  	_ =	shalt  }
0x7f: {  	_ =	shalt  }
0x80: {  	_ =	shalt  }
0x81: {  	_ =	shalt  }
0x82: {  	_ =	shalt  }
0x83: {  	_ =	shalt  }
0x84: {  	_ =	shalt  }
0x85: {  	_ =	shalt  }
0x86: {  	_ =	shalt  }
0x87: {  	_ =	shalt  }
.Lfunc_end0:
.L_simem_size_0:
called_computation.1_lowered:
.L_overlay_start_0:
0x88: {  	s2 =	sld [smem:$0x3FD9]  }
0x89: {  	s3 =	sld [smem:$0x3FFE];
	_ =	sdelay $0x1  }
0x8a: {  	s1 =	srdreg.scid  }
0x8b: {  	s0 =	sand.u32 $0x1, s1  }
0x8c: {  	s17 =	sshll.u32 s0, $0xA;
	s2 =	sadd.s32 s3, s2  }
0x8d: {  	s2 =	sadd.s32 s2, s17  }
0x8e: {  	[smem:$0x3FC0] =	sst s2  }
0x8f: {  	_ = 	snop  }
0x90: {  	s2 =	sld [smem:$0x3FD0];
	(tm) =	ssettm $0x1  }
0x91: {  	s18 =	sld [smem:$0x3FFB];
	_ =	sdelay $0x3  }
0x92: {  	_ =	strace s18  }
0x93: {  	s3 =	sld [smem:$0x3FFC];
	_ =	sdelay $0x3  }
0x94: {  	_ =	strace s3  }
0x95: {  	s3 =	sld [smem:$0x3FFD];
	_ =	sdelay $0x3  }
0x96: {  	_ =	strace s3  }
0x97: {  	_ =	strace $0x8FFFFFFF  }
0x98: {  	s19 =	sld [smem:$0x3FDB];
	_ =	sdelay $0x1  }
0x99: {  	s4 =	simm.s32 $_scs_section_size  }
0x9a: {  	s5 =	simm.s32 $_size__tile_overlayer_lowered;
	s6 =	simm.s32 $_tile_overlayer_lowered  }
0x9b: {  	s22 =	simm.s32 $0x1BFF;
	s21 =	sshll.u32 s6, $0x1;
	s3 =	sadd.s32 s4, s19  }
0x9c: {  	s7 =	simm.s32 $0x0;
	s20 =	sshll.u32 s5, $0x1;
	s5 =	sadd.s32 s21, s3  }
0x9d: {  	[timem:s7], [sflag:s22] =	dma.local [hbm:s5], s20  }
0x9e: {  	_ =	swait.ge [sflag:s22], s20  }
0x9f: {  	s4 =	ssub.s32 $0x0, s20;
	[sflag:s22] =	ssyncset.done $0x0  }
0xa0: {  	[sflag:s22] =	ssyncadd.s32 s4;
	_ =	sdelay $0x1  }
0xa1: {  	s23 =	simm.s32 $0x1B8B  }
0xa2: {  	_ =	swait.ge [sflag:s23], $0x1  }
0xa3: {  	[sflag:s23] =	ssyncset.done $0x0  }
0xa4: {  	s25 =	simm.s32 $0x1B8E;
	s24 =	sld [smem:$0x3FFE];
	[sflag:s23] =	ssyncadd.s32 $0xFFFFFFFF  }
0xa5: {  	s26 =	simm.s32 $execute0_lowered;
	[smem:$0x3FD2] =	sst s25  }
0xa6: {  	s5 =	sshll.u32 s26, $0x1;
	_ =	strace $0x80000049;
	[dreg:$0x1] =	wrdreg $0xFFFFFFFF  }
0xa7: {  	s28 =	simm.s32 $_size_execute0_lowered;
	s3 =	sadd.s32 s3, s5;
	[dreg:$0x0] =	wrdreg $0x0  }
0xa8: {  	s5 =	sshll.u32 s28, $0x1;
	[dreg:$0x2] =	wrdreg s3  }
0xa9: {  	[dreg:$0x3] =	wrdreg s5  }
0xaa: {  	[dreg:$0x4] =	wrdreg $0xC0  }
0xab: {  	_ =	task [dreg:s7], $0x5FFFF  }
0xac: {  	[dreg:$0x1] =	wrdreg $0xFFFFFFFF  }
0xad: {  	[dreg:$0x0] =	wrdreg $0x60  }
0xae: {  	[dreg:$0x2] =	wrdreg s24  }
0xaf: {  	[dreg:$0x3] =	wrdreg s2  }
0xb0: {  	[dreg:$0x4] =	wrdreg $0x140000  }
0xb1: {  	[dreg:$0x5] =	wrdreg $0x9  }
0xb2: {  	_ =	task.clear_ibuf [dreg:s7], $0x6FFFF;
	_ =	strace $0x90000049  }
0xb3: {  	s29 =	simm.s32 $0x9;
	_ =	strace $0x8000004B  }
0xb4: {  	_ =	swait.ge [sflag:s29], $0x1  }
0xb5: {  	[sflag:s29] =	ssyncadd.s32 $0xFFFFFFFF  }
0xb6: {  	_ =	strace $0x9000004B  }
0xb7: {  	_ =	sfence  }
0xb8: {  	s30 =	sld [smem:$0x0];
	_ =	sdelay $0x2  }
0xb9: {  	s31 =	sshll.u32 s1, $0xD;
	s1 =	sshrl.u32 s1, $0x2  }
0xba: {  	s3 =	sand.u32 $0x4000, s31;
	s1 =	sadd.s32 s1, s30  }
0xbb: {  	s0 =	sor.u32 s3, s0;
	s1 =	sshll.u32 s1, $0x11  }
0xbc: {  	s0 =	sor.u32 s1, s0  }
0xbd: {  	s0 =	sadd.s32 $0x8F2B, s0  }
0xbe: {  	[sflag:s0] =	ssyncadd.remote.s32 $0x1  }
0xbf: {  	_ =	sfence.sel $0xFFFF  }
0xc0: {  	[dreg:$0x0] =	wrdreg $0xFFFFFFFF;
	(pc) =	sbr.abs _section_cstart, $3  }
0xc1: {  	[dreg:$0x1] =	wrdreg $0xFFFFFFFF  }
0xc2: {  	_ =	task.clear_ibuf [dreg:s7], $0x2FFFF;
	_ =	strace $0x9FFFFFFF  }
0xc3: {  	(tm) =	ssettm $0x7FFFFFFF  }
tec
execute0_lowered:
.L_overlay_start_1:
0x0: {  	(tag) =	ssettag $0x1  }
0x1: {  	s0 =	rddreg [dreg:$0x0]  }
0x2: {  	s2 =	rddreg [dreg:$0x2];
	s1 =	simm.s32 $0x0  }
0x3: {  	s21 =	srdreg.scid;
	s8 =	stileid.u32;
	s14 =	simm.s32 $0x80  }
0x4: {  	s28 =	simm.s32 $0x8;
	s30 =	simm.s32 $0x9;
	s9 =	simm.s32 $0xE  }
0x5: {  	s12 =	simm.s32 $0x10;
	s13 =	simm.s32 $0x11;
	s10 =	simm.s32 $0x12  }
0x6: {  	s15 =	simm.s32 $0x13;
	s16 =	simm.s32 $0x14;
	s29 =	simm.s32 $0x8000  }
0x7: {  	s31 =	simm.s32 $0x9800;
	s17 =	simm.s32 $0xE000;
	s19 =	simm.s32 $0x12800  }
0x8: {  	[smem:$0x7FF] =	sst s1;
	s1 =	sand.u32 $0x1, s21;
	s4 =	smul.u32 $0x2800, s8  }
0x9: {  	s3 =	sshll.u32 s8, $0x1;
	s5 =	sadd.s32 $0x17200, s0;
	s7 =	smul.u32 $0x1E000, s8  }
0xa: {  	s26 =	sshll.u32 s8, $0x6;
	s8 =	simm.s32 $0xD;
	_ =	strace $0x8000004A  }
0xb: {  	s3 =	sor.u32 s1, s3;
	s6 =	smul.u32 $0x28000, s1;
	s1 =	ssub.s32 $0x2, s1  }
0xc: {  	s20 =	sor.u32 $0x1C15, s26;
	s3 =	smul.u32 $0x500, s3;
	s22 =	sshrl.u32 s1, $0x1  }
0xd: {  	s24 =	sshrl.u32 s7, $0x2;
	s7 =	simm.s32 $0xC;
	[dreg:$0x8] =	wrdreg s20  }
0xe: {  	s4 =	sadd.s32 s4, s6;
	s1 =	ssub.s32 s1, s22;
	s22 =	simm.s32 $0x15  }
0xf: {  	s6 =	simm.s32 $0xB;
	s3 =	sadd.s32 s3, s0;
	s0 =	sadd.s32 s4, s0  }
0x10: {  	s25 =	smax.u32 s1, $0x1;
	s4 =	simm.s32 $0xF;
	s1 =	simm.s32 $0x0  }
.Ltmp0:
0x11: {  	s23 =	sadd.s32 $0xD200, s3;
	[dreg:$0x7] =	wrdreg s25;
	(pc) =	sbr.rel .LBB2_1-.Ltmp0, $4  }
0x12: {  	s3 =	sadd.s32 $0x3200, s3;
	s0 =	sadd.s32 $0x7CE00, s0;
	[dreg:$0x4] =	wrdreg s23  }
0x13: {  	s25 =	simm.s32 $0x7;
	[dreg:$0x5] =	wrdreg s3;
	s3 =	sadd.s32 s24, s2  }
0x14: {  	[dreg:$0x6] =	wrdreg s0;
	s23 =	simm.s32 $0x6;
	s3 =	sshrl.u32 s3, $0x3  }
0x15: {  	s0 =	simm.s32 $0xA;
	s24 =	simm.s32 $0x11000;
	[dreg:$0x9] =	wrdreg s3  }
.LBB2_4:
0x16: {  	_ =	swait.ge [sflag:s7], $0x1800  }
0x17: {  	[sflag:s7] =	ssyncset.done $0x0  }
0x18: {  	[sflag:s7] =	ssyncadd.s32 $0xFFFFE800  }
0x19: {  	_ =	swait.ge [sflag:s8], $0x1800  }
0x1a: {  	[sflag:s8] =	ssyncset.done $0x0  }
0x1b: {  	[sflag:s8] =	ssyncadd.s32 $0xFFFFE800  }
0x1c: {  	_ =	swait.ge [sflag:s9], $0x1800  }
0x1d: {  	[sflag:s9] =	ssyncset.done $0x0  }
0x1e: {  	[sflag:s9] =	ssyncadd.s32 $0xFFFFE800  }
0x1f: {  	_ =	swait.ge [sflag:s4], $0x1800  }
0x20: {  	[sflag:s4] =	ssyncset.done $0x0  }
0x21: {  	[sflag:s4] =	ssyncadd.s32 $0xFFFFE800  }
0x22: {  	_ =	swait.ge [sflag:s12], $0x1800  }
0x23: {  	[sflag:s12] =	ssyncset.done $0x0  }
0x24: {  	[sflag:s12] =	ssyncadd.s32 $0xFFFFE800  }
0x25: {  	_ =	swait.ge [sflag:s13], $0x1800  }
0x26: {  	[sflag:s13] =	ssyncset.done $0x0  }
0x27: {  	[sflag:s13] =	ssyncadd.s32 $0xFFFFE800  }
0x28: {  	_ =	swait.ge [sflag:s10], $0x1800  }
0x29: {  	[sflag:s10] =	ssyncset.done $0x0  }
0x2a: {  	[sflag:s10] =	ssyncadd.s32 $0xFFFFE800  }
0x2b: {  	_ =	swait.ge [sflag:s15], $0x1800  }
0x2c: {  	[sflag:s15] =	ssyncset.done $0x0  }
0x2d: {  	[sflag:s15] =	ssyncadd.s32 $0xFFFFE800  }
0x2e: {  	_ =	swait.ge [sflag:s16], $0x1800  }
0x2f: {  	[sflag:s16] =	ssyncset.done $0x0  }
0x30: {  	[sflag:s16] =	ssyncadd.s32 $0xFFFFE800  }
0x31: {  	[bflag:$0x0] =	sbarrier.arrive $0xFFFF  }
0x32: {  	s18 =	rddreg [dreg:$0x6]  }
0x33: {  	s20 =	rddreg [dreg:$0x8]  }
0x34: {  	s22 =	simm.s32 $0x15;
	s3 =	rddreg [dreg:$0x9]  }
0x35: {  	[hbm:s18@s12], [sflag:s20] =	dma.strided [spmem:s3@s23], $0xF00, s21, $0x6   }
0x36: {  	_ =	swait.ge [sflag:s22], $0xF00  }
0x37: {  	s1 =	rddreg [dreg:$0xa]  }
0x38: {  	s26 =	rddreg [dreg:$0x7];
	s1 =	sadd.s32 $0x1, s1  }
0x39: {  	p0 =	sne.s32 s1, s26  }
.Ltmp1:
0x3a: {  	_ = 	snop;
	(pc) =	sbr.rel @!p0 .LBB2_5-.Ltmp1, $3  }
0x3b: {  	_ =	sdelay $0x1  }
0x3c: {  	[sflag:s22] =	ssyncset.done $0x0  }
0x3d: {  	[sflag:s22] =	ssyncadd.s32 $0xFFFFF100  }
.LBB2_1:
0x3e: {  	[dreg:$0xa] =	wrdreg s1  }
0x3f: {  	s11 =	simm.s32 $0x0;
	s18 =	rddreg [dreg:$0x4]  }
0x40: {  	[tilespmem:s11], [sflag:$0x15] =	stream.linear.gather [hbm4b:s18+s11], $0x2800, $0x38;
	[tilespmem:$0x1B800] =	vst v63  }
0x41: {  	_ =	swait.ge [sflag:s22], $0x2800  }
0x42: {  	[sflag:s22] =	ssyncset.done $0x0  }
0x43: {  	s21 =	simm.s32 $0x2800;
	s26 =	rddreg [dreg:$0x5];
	[sflag:s22] =	ssyncadd.s32 $0xFFFFD800  }
0x44: {  	[tilespmem:s21], [sflag:$0x15] =	stream.linear.gather [hbm4b:s26+s11], $0x2800, $0x38;
	[tilespmem:$0x1B800] =	vst v63  }
0x45: {  	_ =	swait.ge [sflag:s22], $0x2800  }
0x46: {  	[sflag:s22] =	ssyncset.done $0x0  }
0x47: {  	[sflag:s22] =	ssyncadd.s32 $0xFFFFD800  }
0x48: {  	s1 =	smov.u32 s20;
	s26 =	rddreg [dreg:$0x1]  }
0x49: {  	[spmem:s3], [sflag:s1] =	dma.local [hbm:s26], $0xF00  }
0x4a: {  	_ =	swait.ge [sflag:s22], $0xF00  }
0x4b: {  	[sflag:s22] =	ssyncset.done $0x0  }
0x4c: {  	[sflag:s22] =	ssyncadd.s32 $0xFFFFF100  }
0x4d: {  	s18 =	simm.s32 $0x5000;
	[bflag:$0x0] =	sbarrier.arrive $0xFFFF  }
0x4e: {  	[tilespmem:s18], [sflag:$0x1] =	stream.indirect.gather [hbm4b:s5+s14], $0x30, s11, s14, $0xb8;
	[tilespmem:$0x1B800] =	vst v63  }
0x4f: {  	s20 =	simm.s32 $0x6800  }
0x50: {  	[tilespmem:s20], [sflag:$0x2] =	stream.indirect.gather [hbm4b:s5+s14], $0x30, s14, s14, $0xb8;
	[tilespmem:$0x1B800] =	vst v63  }
0x51: {  	s21 =	simm.s32 $0x100  }
0x52: {  	[tilespmem:s29], [sflag:$0x3] =	stream.indirect.gather [hbm4b:s5+s14], $0x30, s21, s14, $0xb8;
	[tilespmem:$0x1B800] =	vst v63  }
0x53: {  	s22 =	simm.s32 $0x180  }
0x54: {  	[tilespmem:s31], [sflag:$0x4] =	stream.indirect.gather [hbm4b:s5+s14], $0x30, s22, s14, $0xb8;
	[tilespmem:$0x1B800] =	vst v63  }
0x55: {  	s26 =	simm.s32 $0x200;
	s3 =	simm.s32 $0xB000  }
0x56: {  	[tilespmem:s3], [sflag:$0x5] =	stream.indirect.gather [hbm4b:s5+s14], $0x30, s26, s14, $0xb8;
	[tilespmem:$0x1B800] =	vst v63  }
0x57: {  	s1 =	simm.s32 $0x280;
	s11 =	simm.s32 $0xC800  }
0x58: {  	[tilespmem:s11], [sflag:$0x6] =	stream.indirect.gather [hbm4b:s5+s14], $0x30, s1, s14, $0xb8;
	[tilespmem:$0x1B800] =	vst v63  }
0x59: {  	s20 =	simm.s32 $0x300  }
0x5a: {  	[tilespmem:s17], [sflag:$0x7] =	stream.indirect.gather [hbm4b:s5+s14], $0x30, s20, s14, $0xb8;
	[tilespmem:$0x1B800] =	vst v63  }
0x5b: {  	s21 =	simm.s32 $0x380;
	s1 =	simm.s32 $0xF800  }
0x5c: {  	[tilespmem:s1], [sflag:$0x8] =	stream.indirect.gather [hbm4b:s5+s14], $0x30, s21, s14, $0xb8;
	[tilespmem:$0x1B800] =	vst v63  }
0x5d: {  	s22 =	simm.s32 $0x400  }
0x5e: {  	[tilespmem:s24], [sflag:$0x9] =	stream.indirect.gather [hbm4b:s5+s14], $0x30, s22, s14, $0xb8;
	[tilespmem:$0x1B800] =	vst v63  }
0x5f: {  	s18 =	simm.s32 $0x0;
	s26 =	simm.s32 $0x480  }
0x60: {  	[tilespmem:s19], [sflag:$0xA] =	stream.indirect.gather [hbm4b:s5+s14], $0x30, s26, s14, $0xb8;
	[tilespmem:$0x1B800] =	vst v63  }
.LBB2_2:
0x61: {  	s22 =	simm.s32 $0x1  }
0x62: {  	_ =	swait.ge [sflag:s22], $0x1800  }
0x63: {  	s20 =	sshra.s32 s18, $0x2;
	[sflag:s22] =	ssyncset.done $0x0  }
0x64: {  	s26 =	simm.s32 $0x5000;
	[sflag:s22] =	ssyncadd.s32 $0xFFFFE800;
	s22 =	sadd.s32 $0x2800, s20  }
0x65: {  	[spmem:s2] =	stream.indirect.scatter.add.f32 [tilespmem:s26], [sflag:$0xB], $0x30, s22, s14, $0xb8;
	[tilespmem:$0x1B800] =	vst v63  }
0x66: {  	s26 =	simm.s32 $0x2  }
0x67: {  	_ =	swait.ge [sflag:s26], $0x1800  }
0x68: {  	[sflag:s26] =	ssyncset.done $0x0  }
0x69: {  	s22 =	sadd.s32 $0x2880, s20;
	[sflag:s26] =	ssyncadd.s32 $0xFFFFE800;
	s26 =	simm.s32 $0x6800  }
0x6a: {  	[spmem:s2] =	stream.indirect.scatter.add.f32 [tilespmem:s26], [sflag:$0xC], $0x30, s22, s14, $0xb8;
	[tilespmem:$0x1B800] =	vst v63  }
0x6b: {  	s26 =	simm.s32 $0x3  }
0x6c: {  	_ =	swait.ge [sflag:s26], $0x1800  }
0x6d: {  	[sflag:s26] =	ssyncset.done $0x0  }
0x6e: {  	[sflag:s26] =	ssyncadd.s32 $0xFFFFE800;
	s26 =	sadd.s32 $0x2900, s20  }
0x6f: {  	[spmem:s2] =	stream.indirect.scatter.add.f32 [tilespmem:s29], [sflag:$0xD], $0x30, s26, s14, $0xb8;
	[tilespmem:$0x1B800] =	vst v63  }
0x70: {  	s26 =	simm.s32 $0x4  }
0x71: {  	_ =	swait.ge [sflag:s26], $0x1800  }
0x72: {  	[sflag:s26] =	ssyncset.done $0x0  }
0x73: {  	[sflag:s26] =	ssyncadd.s32 $0xFFFFE800;
	s26 =	sadd.s32 $0x2980, s20  }
0x74: {  	[spmem:s2] =	stream.indirect.scatter.add.f32 [tilespmem:s31], [sflag:$0xE], $0x30, s26, s14, $0xb8;
	[tilespmem:$0x1B800] =	vst v63  }
0x75: {  	s26 =	simm.s32 $0x5  }
0x76: {  	_ =	swait.ge [sflag:s26], $0x1800  }
0x77: {  	[sflag:s26] =	ssyncset.done $0x0  }
0x78: {  	[sflag:s26] =	ssyncadd.s32 $0xFFFFE800;
	s26 =	sadd.s32 $0x2A00, s20  }
0x79: {  	[spmem:s2] =	stream.indirect.scatter.add.f32 [tilespmem:s3], [sflag:$0xF], $0x30, s26, s14, $0xb8;
	[tilespmem:$0x1B800] =	vst v63  }
0x7a: {  	_ =	swait.ge [sflag:s23], $0x1800  }
0x7b: {  	[sflag:s23] =	ssyncset.done $0x0  }
0x7c: {  	s26 =	sadd.s32 $0x2A80, s20;
	[sflag:s23] =	ssyncadd.s32 $0xFFFFE800  }
0x7d: {  	[spmem:s2] =	stream.indirect.scatter.add.f32 [tilespmem:s11], [sflag:$0x10], $0x30, s26, s14, $0xb8;
	[tilespmem:$0x1B800] =	vst v63  }
0x7e: {  	_ =	swait.ge [sflag:s25], $0x1800  }
0x7f: {  	[sflag:s25] =	ssyncset.done $0x0  }
0x80: {  	s26 =	sadd.s32 $0x2B00, s20;
	[sflag:s25] =	ssyncadd.s32 $0xFFFFE800  }
0x81: {  	[spmem:s2] =	stream.indirect.scatter.add.f32 [tilespmem:s17], [sflag:$0x11], $0x30, s26, s14, $0xb8;
	[tilespmem:$0x1B800] =	vst v63  }
0x82: {  	_ =	swait.ge [sflag:s28], $0x1800  }
0x83: {  	[sflag:s28] =	ssyncset.done $0x0  }
0x84: {  	s26 =	sadd.s32 $0x2B80, s20;
	[sflag:s28] =	ssyncadd.s32 $0xFFFFE800  }
0x85: {  	[spmem:s2] =	stream.indirect.scatter.add.f32 [tilespmem:s1], [sflag:$0x12], $0x30, s26, s14, $0xb8;
	[tilespmem:$0x1B800] =	vst v63  }
0x86: {  	_ =	swait.ge [sflag:s30], $0x1800  }
0x87: {  	[sflag:s30] =	ssyncset.done $0x0  }
0x88: {  	s26 =	sadd.s32 $0x2C00, s20;
	[sflag:s30] =	ssyncadd.s32 $0xFFFFE800  }
0x89: {  	[spmem:s2] =	stream.indirect.scatter.add.f32 [tilespmem:s24], [sflag:$0x13], $0x30, s26, s14, $0xb8;
	[tilespmem:$0x1B800] =	vst v63  }
0x8a: {  	_ =	swait.ge [sflag:s0], $0x1800  }
0x8b: {  	p0 =	seq.s32 s18, $0x8C00;
	[sflag:s0] =	ssyncset.done $0x0  }
.Ltmp2:
0x8c: {  	s26 =	sadd.s32 $0x2C80, s20;
	[sflag:s0] =	ssyncadd.s32 $0xFFFFE800;
	(pc) =	sbr.rel @p0 .LBB2_4-.Ltmp2, $4  }
0x8d: {  	[spmem:s2] =	stream.indirect.scatter.add.f32 [tilespmem:s19], [sflag:$0x14], $0x30, s26, s14, $0xb8;
	[tilespmem:$0x1B800] =	vst v63  }
0x8e: {  	_ =	swait.ge [sflag:s6], $0x1800  }
0x8f: {  	[sflag:s6] =	ssyncset.done $0x0  }
0x90: {  	s21 =	simm.s32 $0x1;
	[sflag:s6] =	ssyncadd.s32 $0xFFFFE800  }
0x91: {  	s22 =	sadd.s32 $0x500, s20;
	s21 =	simm.s32 $0x5000  }
0x92: {  	[tilespmem:s21], [sflag:$0x1] =	stream.indirect.gather [hbm4b:s5+s14], $0x30, s22, s14, $0xb8;
	[tilespmem:$0x1B800] =	vst v63  }
0x93: {  	_ =	swait.ge [sflag:s7], $0x1800  }
0x94: {  	[sflag:s7] =	ssyncset.done $0x0  }
0x95: {  	s26 =	simm.s32 $0x6800;
	s21 =	sadd.s32 $0x580, s20;
	[sflag:s7] =	ssyncadd.s32 $0xFFFFE800  }
0x96: {  	[tilespmem:s26], [sflag:$0x2] =	stream.indirect.gather [hbm4b:s5+s14], $0x30, s21, s14, $0xb8;
	[tilespmem:$0x1B800] =	vst v63  }
0x97: {  	_ =	swait.ge [sflag:s8], $0x1800  }
0x98: {  	[sflag:s8] =	ssyncset.done $0x0  }
0x99: {  	s21 =	sadd.s32 $0x600, s20;
	[sflag:s8] =	ssyncadd.s32 $0xFFFFE800  }
0x9a: {  	[tilespmem:s29], [sflag:$0x3] =	stream.indirect.gather [hbm4b:s5+s14], $0x30, s21, s14, $0xb8;
	[tilespmem:$0x1B800] =	vst v63  }
0x9b: {  	_ =	swait.ge [sflag:s9], $0x1800  }
0x9c: {  	[sflag:s9] =	ssyncset.done $0x0  }
0x9d: {  	s26 =	sadd.s32 $0x680, s20;
	[sflag:s9] =	ssyncadd.s32 $0xFFFFE800  }
0x9e: {  	[tilespmem:s31], [sflag:$0x4] =	stream.indirect.gather [hbm4b:s5+s14], $0x30, s26, s14, $0xb8;
	[tilespmem:$0x1B800] =	vst v63  }
0x9f: {  	_ =	swait.ge [sflag:s4], $0x1800  }
0xa0: {  	[sflag:s4] =	ssyncset.done $0x0  }
0xa1: {  	s21 =	sadd.s32 $0x700, s20;
	[sflag:s4] =	ssyncadd.s32 $0xFFFFE800  }
0xa2: {  	[tilespmem:s3], [sflag:$0x5] =	stream.indirect.gather [hbm4b:s5+s14], $0x30, s21, s14, $0xb8;
	[tilespmem:$0x1B800] =	vst v63  }
0xa3: {  	_ =	swait.ge [sflag:s12], $0x1800  }
0xa4: {  	[sflag:s12] =	ssyncset.done $0x0  }
0xa5: {  	s26 =	sadd.s32 $0x780, s20;
	[sflag:s12] =	ssyncadd.s32 $0xFFFFE800  }
0xa6: {  	[tilespmem:s11], [sflag:$0x6] =	stream.indirect.gather [hbm4b:s5+s14], $0x30, s26, s14, $0xb8;
	[tilespmem:$0x1B800] =	vst v63  }
0xa7: {  	_ =	swait.ge [sflag:s13], $0x1800  }
0xa8: {  	[sflag:s13] =	ssyncset.done $0x0  }
0xa9: {  	s21 =	sadd.s32 $0x800, s20;
	[sflag:s13] =	ssyncadd.s32 $0xFFFFE800  }
0xaa: {  	[tilespmem:s17], [sflag:$0x7] =	stream.indirect.gather [hbm4b:s5+s14], $0x30, s21, s14, $0xb8;
	[tilespmem:$0x1B800] =	vst v63  }
0xab: {  	_ =	swait.ge [sflag:s10], $0x1800  }
0xac: {  	[sflag:s10] =	ssyncset.done $0x0  }
0xad: {  	s26 =	sadd.s32 $0x880, s20;
	[sflag:s10] =	ssyncadd.s32 $0xFFFFE800  }
0xae: {  	[tilespmem:s1], [sflag:$0x8] =	stream.indirect.gather [hbm4b:s5+s14], $0x30, s26, s14, $0xb8;
	[tilespmem:$0x1B800] =	vst v63  }
0xaf: {  	_ =	swait.ge [sflag:s15], $0x1800  }
0xb0: {  	[sflag:s15] =	ssyncset.done $0x0  }
0xb1: {  	s21 =	sadd.s32 $0x900, s20;
	[sflag:s15] =	ssyncadd.s32 $0xFFFFE800  }
0xb2: {  	[tilespmem:s24], [sflag:$0x9] =	stream.indirect.gather [hbm4b:s5+s14], $0x30, s21, s14, $0xb8;
	[tilespmem:$0x1B800] =	vst v63  }
.Ltmp3:
0xb3: {  	_ = 	snop;
	(pc) =	sbr.rel .LBB2_2-.Ltmp3, $4  }
0xb4: {  	_ =	swait.ge [sflag:s16], $0x1800  }
0xb5: {  	[sflag:s16] =	ssyncset.done $0x0  }
0xb6: {  	s18 =	sadd.s32 $0x1400, s18;
	s26 =	sadd.s32 $0x980, s20;
	[sflag:s16] =	ssyncadd.s32 $0xFFFFE800  }
0xb7: {  	[tilespmem:s19], [sflag:$0xA] =	stream.indirect.gather [hbm4b:s5+s14], $0x30, s26, s14, $0xb8;
	[tilespmem:$0x1B800] =	vst v63  }
.LBB2_5:
0xb8: {  	_ =	sfence.sel $0x180000  }
0xb9: {  	[bflag:$0x0] =	sbarrier.arrive $0xFFFF  }
0xba: {  	_ =	strace $0x9000004A  }
0xbb: {  	s0 =	stileid.u32;
	[bflag:$0x2] =	sbarrier.arrive $0xFFFF  }
0xbc: {  	p0 =	sne.s32 s0, $0x0;
	s0 =	rddreg [dreg:$0x3]  }
0xbd: {  	s0 =	sadd.s32 @!p0 $0x100000, s0  }
0xbe: {  	[sflag:s0] =	ssyncadd.tile.s32 @!p0 $0x1;
	_ =	shalt  }
.Lfunc_end2:
_tile_overlayer_lowered:
.L_overlay_start_2:
0xbf: {  	(tag) =	ssettag $0x2  }
0xc0: {  	s0 =	rddreg [dreg:$0x0];
	s2 =	stileid.u32  }
0xc1: {  	s1 =	rddreg [dreg:$0x1];
	p0 =	sne.s32 s2, $0x0  }
0xc2: {  	s3 =	rddreg [dreg:$0x2];
	[bflag:$0x3] =	sbarrier.arrive $0xFFFF;
	s2 =	simm.s32 @!p0 $0x1C15  }
0xc3: {  	[timem:s3], [sflag:s2] =	dma.local @!p0 [hbm:s0], s1  }
0xc4: {  	s0 =	simm.s32 @!p0 $0x15  }
0xc5: {  	_ =	swait.ge @!p0 [sflag:s0], s1  }
0xc6: {  	s1 =	ssub.s32 @!p0 $0x0, s1;
	[sflag:s0] =	ssyncset.done @!p0 $0x0  }
0xc7: {  	[sflag:s0] =	ssyncadd.s32 @!p0 s1  }
0xc8: {  	[bflag:$0x3] =	sbarrier.arrive $0xFFFF  }
0xc9: {  	_ =	shalt  }

// kernel: kernel.7.cloned.1.call-start
scs
__scs_entry_jumppad:
0x0: {  	(pc) =	sbr.rel $0x88, $3  }
0x1: {  	(tag) =	ssettag $0x0;
	lr =	simm.s32 $0x1  }
0x2: {  	[smem:$0x3F99] =	sst lr;
	_ =	strace $0xD0000000  }
0x3: {  	_ = 	snop  }
0x4: {  	_ = 	snop  }
0x5: {  	_ = 	snop  }
0x6: {  	_ = 	snop  }
0x7: {  	_ = 	snop  }
__scs_overlays_trampoline_lowered:
0x8: {  	[smem:$0x3FA8] =	sst s0  }
0x9: {  	[smem:$0x3FA9] =	sst s1  }
0xa: {  	[smem:$0x3FAA] =	sst s2  }
0xb: {  	[smem:$0x3FAB] =	sst s3  }
0xc: {  	[smem:$0x3FAC] =	sst s4  }
0xd: {  	[smem:$0x3FAD] =	sst s5  }
0xe: {  	[smem:$0x3FAE] =	sst s6  }
0xf: {  	[smem:$0x3FAF] =	sst s7  }
0x10: {  	[smem:$0x3FB0] =	sst s8  }
0x11: {  	[smem:$0x3FB1] =	sst s9;
	s0 =	simm.s32 @!p0 $0x0  }
0x12: {  	s1 =	sld [smem:$0x3F97];
	s0 =	simm.s32 @p0 $0x1  }
0x13: {  	[smem:$0x3FB2] =	sst s0;
	s0 =	simm.s32 @!p1 $0x0  }
0x14: {  	s2 =	sld [smem:$0x3F96];
	s0 =	simm.s32 @p1 $0x1  }
0x15: {  	[smem:$0x3FB3] =	sst s0;
	s0 =	simm.s32 @!p2 $0x0  }
0x16: {  	s3 =	sld [smem:$0x3FDB];
	s0 =	simm.s32 @p2 $0x1  }
0x17: {  	s4 =	simm.s32 $0x1BF5;
	[smem:$0x3FB5] =	sst s0  }
0x18: {  	s0 =	sld [smem:$0x3F98];
	_ =	swait.ge [sflag:s4], $0x0  }
0x19: {  	s7 =	sld [smem:$0x3F99]  }
0x1a: {  	s8 =	sadd.s32 $0xFFFFE003, lr  }
0x1b: {  	s9 =	sadd.s32 $0xFFFFFEF7, lr;
	s5 =	simm.s32 $0xFFFFFFFF;
	p2 =	slt.u32 s8, $0xFFFFF086  }
0x1c: {  	p1 =	slt.u32 s9, $0xF7A;
	s5 =	simm.s32 @!p2 $0x0  }
0x1d: {  	s5 =	simm.s32 @p1 $0x1;
	p0 =	seq.s32 s7, s2  }
0x1e: {  	s7 =	smul.u32 @!p0 $0xF7A, s2;
	p2 =	seq.s32 @!p0 s5, $0x0  }
0x1f: {  	s9 =	smul.u32 $0xF7A, s1;
	s8 =	simm.s32 @!p0 $0x1BF5;
	p2 =	por !p2, p0  }
0x20: {  	[sflag:s8] =	ssyncset.s32 @!p0 $0xFFFFF086;
	s6 =	sadd.s32 @!p0 s3, s7;
	s7 =	simm.s32 @!p0 $0x108  }
0x21: {  	s3 =	sadd.s32 s3, s9;
	s6 =	sadd.s32 @!p0 $0x88, s6;
	s7 =	simm.s32 @p2 $0x1082  }
0x22: {  	[simem:s7], [sflag:s8] =	dma.local @!p0 [hbm:s6], $0xF7A  }
0x23: {  	s9 =	sor.u32 $0xD0000000, s2;
	s6 =	simm.s32 $0x108;
	_ =	swait.ge @!p0 [sflag:s8], $0x0  }
0x24: {  	s3 =	sadd.s32 $0x88, s3;
	s6 =	simm.s32 @!p1 $0x1082;
	[sflag:s4] =	ssyncset.s32 $0xFFFFF086  }
0x25: {  	[simem:s6], [sflag:s4] =	dma.local [hbm:s3], $0xF7A  }
0x26: {  	[smem:$0x3F99] =	sst s1;
	(tag) =	ssettag s2;
	_ =	strace s9  }
0x27: {  	s1 =	sld [smem:$0x3FA9]  }
0x28: {  	s2 =	sld [smem:$0x3FAA]  }
0x29: {  	s4 =	sld [smem:$0x3FAC]  }
0x2a: {  	p0 =	seq.s32 s5, $0x0;
	s5 =	sld [smem:$0x3FAD]  }
0x2b: {  	s6 =	sld [smem:$0x3FAE]  }
0x2c: {  	s7 =	sld [smem:$0x3FAF]  }
0x2d: {  	s3 =	simm.s32 $0x108;
	s8 =	sld [smem:$0x3FB0]  }
0x2e: {  	s3 =	simm.s32 @!p0 $0x1082;
	s9 =	sld [smem:$0x3FB1]  }
0x2f: {  	lr =	sadd.s32 s0, s3;
	s0 =	sld [smem:$0x3FA8]  }
0x30: {  	s3 =	sld [smem:$0x3FAB]  }
0x31: {  	[smem:$0x3FB4] =	sst s10  }
0x32: {  	s10 =	sld [smem:$0x3FB2];
	_ =	sdelay $0x3  }
0x33: {  	p0 =	seq.s32 s10, $0x1;
	s10 =	sld [smem:$0x3FB4];
	_ =	sdelay $0x3  }
0x34: {  	[smem:$0x3FB4] =	sst s10  }
0x35: {  	s10 =	sld [smem:$0x3FB3];
	_ =	sdelay $0x3  }
0x36: {  	p1 =	seq.s32 s10, $0x1;
	s10 =	sld [smem:$0x3FB4];
	_ =	sdelay $0x3  }
0x37: {  	[smem:$0x3FB4] =	sst s10  }
0x38: {  	s10 =	sld [smem:$0x3FB5]  }
0x39: {  	_ = 	snop;
	(pc) =	sbr.ind lr, $3  }
0x3a: {  	_ = 	snop  }
0x3b: {  	_ = 	snop  }
0x3c: {  	p2 =	seq.s32 s10, $0x1;
	s10 =	sld [smem:$0x3FB4]  }
0x3d: {  	_ =	shalt  }
0x3e: {  	_ =	shalt  }
0x3f: {  	_ =	shalt  }
0x40: {  	_ =	shalt  }
0x41: {  	_ =	shalt  }
0x42: {  	_ =	shalt  }
0x43: {  	_ =	shalt  }
0x44: {  	_ =	shalt  }
0x45: {  	_ =	shalt  }
0x46: {  	_ =	shalt  }
0x47: {  	_ =	shalt  }
0x48: {  	_ =	shalt  }
0x49: {  	_ =	shalt  }
0x4a: {  	_ =	shalt  }
0x4b: {  	_ =	shalt  }
0x4c: {  	_ =	shalt  }
0x4d: {  	_ =	shalt  }
0x4e: {  	_ =	shalt  }
0x4f: {  	_ =	shalt  }
0x50: {  	_ =	shalt  }
0x51: {  	_ =	shalt  }
0x52: {  	_ =	shalt  }
0x53: {  	_ =	shalt  }
0x54: {  	_ =	shalt  }
0x55: {  	_ =	shalt  }
0x56: {  	_ =	shalt  }
0x57: {  	_ =	shalt  }
0x58: {  	_ =	shalt  }
0x59: {  	_ =	shalt  }
0x5a: {  	_ =	shalt  }
0x5b: {  	_ =	shalt  }
0x5c: {  	_ =	shalt  }
0x5d: {  	_ =	shalt  }
0x5e: {  	_ =	shalt  }
0x5f: {  	_ =	shalt  }
0x60: {  	_ =	shalt  }
0x61: {  	_ =	shalt  }
0x62: {  	_ =	shalt  }
0x63: {  	_ =	shalt  }
0x64: {  	_ =	shalt  }
0x65: {  	_ =	shalt  }
0x66: {  	_ =	shalt  }
0x67: {  	_ =	shalt  }
0x68: {  	_ =	shalt  }
0x69: {  	_ =	shalt  }
0x6a: {  	_ =	shalt  }
0x6b: {  	_ =	shalt  }
0x6c: {  	_ =	shalt  }
0x6d: {  	_ =	shalt  }
0x6e: {  	_ =	shalt  }
0x6f: {  	_ =	shalt  }
0x70: {  	_ =	shalt  }
0x71: {  	_ =	shalt  }
0x72: {  	_ =	shalt  }
0x73: {  	_ =	shalt  }
0x74: {  	_ =	shalt  }
0x75: {  	_ =	shalt  }
0x76: {  	_ =	shalt  }
0x77: {  	_ =	shalt  }
0x78: {  	_ =	shalt  }
0x79: {  	_ =	shalt  }
0x7a: {  	_ =	shalt  }
0x7b: {  	_ =	shalt  }
0x7c: {  	_ =	shalt  }
0x7d: {  	_ =	shalt  }
0x7e: {  	_ =	shalt  }
0x7f: {  	_ =	shalt  }
0x80: {  	_ =	shalt  }
0x81: {  	_ =	shalt  }
0x82: {  	_ =	shalt  }
0x83: {  	_ =	shalt  }
0x84: {  	_ =	shalt  }
0x85: {  	_ =	shalt  }
0x86: {  	_ =	shalt  }
0x87: {  	_ =	shalt  }
.Lfunc_end0:
.L_simem_size_0:
called_computation_lowered:
.L_overlay_start_0:
0x88: {  	s2 =	sld [smem:$0x3FD9]  }
0x89: {  	s3 =	sld [smem:$0x3FFE];
	_ =	sdelay $0x1  }
0x8a: {  	s1 =	srdreg.scid  }
0x8b: {  	s0 =	sand.u32 $0x1, s1  }
0x8c: {  	s17 =	sshll.u32 s0, $0xA;
	s2 =	sadd.s32 s3, s2  }
0x8d: {  	s2 =	sadd.s32 s2, s17  }
0x8e: {  	[smem:$0x3FC0] =	sst s2  }
0x8f: {  	_ = 	snop  }
0x90: {  	s2 =	sld [smem:$0x3FC9]  }
0x91: {  	s18 =	sld [smem:$0x3FD0];
	(tm) =	ssettm $0x1  }
0x92: {  	s4 =	sld [smem:$0x3FFB];
	_ =	sdelay $0x3  }
0x93: {  	_ =	strace s4  }
0x94: {  	s4 =	sld [smem:$0x3FFC];
	_ =	sdelay $0x3  }
0x95: {  	_ =	strace s4  }
0x96: {  	s4 =	sld [smem:$0x3FFD];
	_ =	sdelay $0x3  }
0x97: {  	_ =	strace s4  }
0x98: {  	_ =	strace $0x8FFFFFFF  }
0x99: {  	s19 =	sld [smem:$0x3FDB];
	_ =	sdelay $0x1  }
0x9a: {  	s5 =	simm.s32 $_scs_section_size  }
0x9b: {  	s6 =	simm.s32 $_size__tile_overlayer_lowered;
	s7 =	simm.s32 $_tile_overlayer_lowered  }
0x9c: {  	s22 =	simm.s32 $0x1BFF;
	s21 =	sshll.u32 s7, $0x1;
	s4 =	sadd.s32 s5, s19  }
0x9d: {  	s8 =	simm.s32 $0x0;
	s20 =	sshll.u32 s6, $0x1;
	s6 =	sadd.s32 s21, s4  }
0x9e: {  	[timem:s8], [sflag:s22] =	dma.local [hbm:s6], s20  }
0x9f: {  	_ =	swait.ge [sflag:s22], s20  }
0xa0: {  	s5 =	ssub.s32 $0x0, s20;
	[sflag:s22] =	ssyncset.done $0x0  }
0xa1: {  	[sflag:s22] =	ssyncadd.s32 s5;
	_ =	sdelay $0x1  }
0xa2: {  	s23 =	simm.s32 $0x1B8B  }
0xa3: {  	_ =	swait.ge [sflag:s23], $0x1  }
0xa4: {  	[sflag:s23] =	ssyncset.done $0x0  }
0xa5: {  	s25 =	simm.s32 $0x1B8E;
	s24 =	sld [smem:$0x3FFE];
	[sflag:s23] =	ssyncadd.s32 $0xFFFFFFFF  }
0xa6: {  	s26 =	simm.s32 $execute0_lowered;
	[smem:$0x3FD2] =	sst s25  }
0xa7: {  	s6 =	sshll.u32 s26, $0x1;
	_ =	strace $0x80000046;
	[dreg:$0x1] =	wrdreg $0xFFFFFFFF  }
0xa8: {  	s28 =	simm.s32 $_size_execute0_lowered;
	s4 =	sadd.s32 s4, s6;
	[dreg:$0x0] =	wrdreg $0x0  }
0xa9: {  	s6 =	sshll.u32 s28, $0x1;
	[dreg:$0x2] =	wrdreg s4  }
0xaa: {  	[dreg:$0x3] =	wrdreg s6  }
0xab: {  	[dreg:$0x4] =	wrdreg $0xC0  }
0xac: {  	_ =	task [dreg:s8], $0x5FFFF  }
0xad: {  	[dreg:$0x1] =	wrdreg $0xFFFFFFFF  }
0xae: {  	[dreg:$0x0] =	wrdreg $0x60  }
0xaf: {  	[dreg:$0x2] =	wrdreg s2  }
0xb0: {  	[dreg:$0x3] =	wrdreg s18  }
0xb1: {  	[dreg:$0x4] =	wrdreg s24  }
0xb2: {  	[dreg:$0x5] =	wrdreg $0x1C0000  }
0xb3: {  	[dreg:$0x6] =	wrdreg $0x118000  }
0xb4: {  	[dreg:$0x7] =	wrdreg $0x9  }
0xb5: {  	_ =	task.clear_ibuf [dreg:s8], $0x8FFFF;
	_ =	strace $0x90000046  }
0xb6: {  	s29 =	simm.s32 $0x9;
	_ =	strace $0x80000048  }
0xb7: {  	_ =	swait.ge [sflag:s29], $0x1  }
0xb8: {  	[sflag:s29] =	ssyncadd.s32 $0xFFFFFFFF  }
0xb9: {  	_ =	strace $0x90000048  }
0xba: {  	_ =	sfence  }
0xbb: {  	s30 =	sld [smem:$0x0];
	_ =	sdelay $0x2  }
0xbc: {  	s31 =	sshll.u32 s1, $0xD;
	s1 =	sshrl.u32 s1, $0x2  }
0xbd: {  	s3 =	sand.u32 $0x4000, s31;
	s1 =	sadd.s32 s1, s30  }
0xbe: {  	s0 =	sor.u32 s3, s0;
	s1 =	sshll.u32 s1, $0x11  }
0xbf: {  	s0 =	sor.u32 s1, s0  }
0xc0: {  	s0 =	sadd.s32 $0x8F2B, s0  }
0xc1: {  	[sflag:s0] =	ssyncadd.remote.s32 $0x1  }
0xc2: {  	_ =	sfence.sel $0xFFFF  }
0xc3: {  	[dreg:$0x0] =	wrdreg $0xFFFFFFFF;
	(pc) =	sbr.abs _section_cstart, $3  }
0xc4: {  	[dreg:$0x1] =	wrdreg $0xFFFFFFFF  }
0xc5: {  	_ =	task.clear_ibuf [dreg:s8], $0x2FFFF;
	_ =	strace $0x9FFFFFFF  }
0xc6: {  	(tm) =	ssettm $0x7FFFFFFF  }
0xc7: {  	_ =	shalt  }
tec
execute0_lowered:
.L_overlay_start_1:
0x0: {  	(tag) =	ssettag $0x1  }
0x1: {  	s1 =	rddreg [dreg:$0x0]  }
0x2: {  	s0 =	srdreg.scid;
	s2 =	rddreg [dreg:$0x1]  }
0x3: {  	s14 =	stileid.u32;
	s7 =	rddreg [dreg:$0x2]  }
0x4: {  	s5 =	simm.s32 $0x0;
	s28 =	simm.s32 $0xB800;
	s30 =	simm.s32 $0xD800  }
0x5: {  	s29 =	simm.s32 $0x4;
	s31 =	simm.s32 $0x5;
	s15 =	simm.s32 $0x7700  }
0x6: {  	s0 =	sand.u32 $0x1, s0;
	s3 =	sshll.u32 s14, $0x1;
	s6 =	smul.u32 $0x280, s14  }
0x7: {  	[smem:$0x7FF] =	sst s5;
	s16 =	sadd.s32 $0x21400, s7;
	s11 =	sadd.s32 $0x22800, s7  }
0x8: {  	s13 =	smul.u32 $0xA000, s14;
	s4 =	sor.u32 s0, s3;
	s3 =	rddreg [dreg:$0x3]  }
0x9: {  	s12 =	sadd.s32 $0x21200, s7;
	s8 =	smul.u32 $0x500, s4;
	s4 =	rddreg [dreg:$0x4]  }
0xa: {  	s19 =	smul.u32 $0x28000, s14;
	_ =	strace $0x80000047;
	[dreg:$0x10] =	wrdreg s16  }
0xb: {  	s9 =	smul.u32 $0x2800, s0;
	s0 =	ssub.s32 $0x2, s0;
	[dreg:$0x6] =	wrdreg s11  }
0xc: {  	s26 =	sshll.u32 s14, $0x6;
	[dreg:$0x7] =	wrdreg s12;
	s18 =	sshrl.u32 s0, $0x1  }
0xd: {  	s21 =	sshrl.u32 s13, $0x2;
	s23 =	sshrl.u32 s19, $0x2;
	s19 =	simm.s32 $0x2  }
0xe: {  	s16 =	simm.s32 $0x0;
	s9 =	sadd.s32 s6, s9;
	s0 =	ssub.s32 s0, s18  }
0xf: {  	s10 =	sadd.s32 s8, s7;
	s17 =	sshll.u32 s9, $0x4;
	s9 =	sshll.u32 s9, $0x1  }
0x10: {  	s2 =	sadd.s32 s2, s8;
	s8 =	sadd.s32 s23, s4;
	s0 =	smax.u32 s0, $0x1  }
0x11: {  	s23 =	simm.s32 $0x80;
	s11 =	sadd.s32 s17, s7;
	[dreg:$0x8] =	wrdreg s2  }
0x12: {  	s7 =	sadd.s32 s9, s7;
	s20 =	sadd.s32 $0x17200, s10;
	[dreg:$0xb] =	wrdreg s8  }
0x13: {  	s22 =	sadd.s32 $0x3200, s10;
	s2 =	sadd.s32 s21, s3;
	[dreg:$0xf] =	wrdreg s0  }
0x14: {  	s17 =	simm.s32 $0xB;
	s0 =	simm.s32 $0x1;
	s8 =	simm.s32 $0x7  }
0x15: {  	s9 =	simm.s32 $0x8;
	s10 =	simm.s32 $0x9;
	[dreg:$0x9] =	wrdreg s20  }
0x16: {  	s21 =	simm.s32 $0x7680;
	[dreg:$0xa] =	wrdreg s22;
	s24 =	sadd.s32 $0x22E00, s11  }
0x17: {  	s25 =	sadd.s32 $0x22E08, s11;
	s7 =	sadd.s32 $0x72E00, s7;
	s20 =	sor.u32 $0x1C0B, s26  }
0x18: {  	s6 =	sshrl.u32 s2, $0x3;
	s22 =	simm.s32 $0x1B800;
	[dreg:$0xc] =	wrdreg s24  }
0x19: {  	s2 =	simm.s32 $0xF800;
	s26 =	simm.s32 $0x3;
	[dreg:$0xd] =	wrdreg s25  }
0x1a: {  	s11 =	simm.s32 $0xA;
	[dreg:$0xe] =	wrdreg s7;
	s24 =	simm.s32 $0x7800  }
0x1b: {  	s25 =	simm.s32 $0x9800;
	s7 =	simm.s32 $0x6;
	[dreg:$0x11] =	wrdreg s6  }
.LBB2_1:
0x1c: {  	s12 =	rddreg [dreg:$0x8]  }
0x1d: {  	[tilespmem:s5], [sflag:$0xB] =	stream.linear.gather [hbm4b:s12+s5], $0x2800, $0x38;
	[tilespmem:$0x1E800] =	vst v63  }
0x1e: {  	_ =	swait.ge [sflag:s17], $0x2800  }
0x1f: {  	[sflag:s17] =	ssyncset.done $0x0  }
0x20: {  	s13 =	simm.s32 $0x2800;
	s18 =	rddreg [dreg:$0x9];
	[sflag:s17] =	ssyncadd.s32 $0xFFFFD800  }
0x21: {  	[tilespmem:s13], [sflag:$0xB] =	stream.linear.gather [hbm4b:s18+s5], $0x2800, $0x38;
	[tilespmem:$0x1E800] =	vst v63  }
0x22: {  	_ =	swait.ge [sflag:s17], $0x2800  }
0x23: {  	[sflag:s17] =	ssyncset.done $0x0  }
0x24: {  	s14 =	simm.s32 $0x5000;
	s13 =	rddreg [dreg:$0xa];
	[sflag:s17] =	ssyncadd.s32 $0xFFFFD800  }
0x25: {  	[tilespmem:s14], [sflag:$0xB] =	stream.linear.gather [hbm4b:s13+s5], $0x2800, $0x38;
	[tilespmem:$0x1E800] =	vst v63  }
0x26: {  	_ =	swait.ge [sflag:s17], $0x2800  }
0x27: {  	[sflag:s17] =	ssyncset.done $0x0  }
0x28: {  	s18 =	rddreg [dreg:$0x6];
	[sflag:s17] =	ssyncadd.s32 $0xFFFFD800  }
0x29: {  	[spmem:s6], [sflag:s20] =	dma.local [hbm:s18], $0x500  }
0x2a: {  	_ =	swait.ge [sflag:s17], $0x500  }
0x2b: {  	[sflag:s17] =	ssyncset.done $0x0  }
0x2c: {  	s6 =	rddreg [dreg:$0x7];
	[sflag:s17] =	ssyncadd.s32 $0xFFFFFB00  }
0x2d: {  	[tilespmem:s22], [sflag:$0xB] =	stream.linear.gather [hbm4b:s6+s5], $0x800, $0x38;
	[tilespmem:$0x1E800] =	vst v63  }
0x2e: {  	_ =	swait.ge [sflag:s17], $0x800  }
0x2f: {  	[sflag:s17] =	ssyncset.done $0x0;
	s13 =	rddreg [dreg:$0xb]  }
0x30: {  	s14 =	rddreg [dreg:$0x10];
	[sflag:s17] =	ssyncadd.s32 $0xFFFFF800;
	s18 =	sshrl.u32 s13, $0x3  }
0x31: {  	[spmem:s18], [sflag:s20] =	dma.local [hbm:s14], $0x1400  }
0x32: {  	_ =	swait.ge [sflag:s17], $0x1400  }
0x33: {  	[sflag:s17] =	ssyncset.done $0x0  }
0x34: {  	[sflag:s17] =	ssyncadd.s32 $0xFFFFEC00  }
0x35: {  	[bflag:$0x0] =	sbarrier.arrive $0xFFFF  }
0x36: {  	[tilespmem:s24], [sflag:$0x1] =	stream.indirect.gather [hbm4b:s1+s23], $0x40, s5, s23, $0xb8;
	[tilespmem:$0x1E800] =	vst v63  }
0x37: {  	_ = 	snop  }
0x38: {  	[tilespmem:s25], [sflag:$0x2] =	stream.indirect.gather [hbm4b:s1+s23], $0x40, s23, s23, $0xb8;
	[tilespmem:$0x1E800] =	vst v63  }
0x39: {  	s6 =	simm.s32 $0x100  }
0x3a: {  	[tilespmem:s28], [sflag:$0x3] =	stream.indirect.gather [hbm4b:s1+s23], $0x40, s6, s23, $0xb8;
	[tilespmem:$0x1E800] =	vst v63  }
0x3b: {  	s13 =	simm.s32 $0x180  }
0x3c: {  	[tilespmem:s30], [sflag:$0x4] =	stream.indirect.gather [hbm4b:s1+s23], $0x40, s13, s23, $0xb8;
	[tilespmem:$0x1E800] =	vst v63  }
0x3d: {  	s14 =	simm.s32 $0x200  }
0x3e: {  	[tilespmem:s2], [sflag:$0x5] =	stream.indirect.gather [hbm4b:s1+s23], $0x40, s14, s23, $0xb8;
	[tilespmem:$0x1E800] =	vst v63  }
0x3f: {  	_ =	swait.ge [sflag:s0], $0x2000  }
0x40: {  	[sflag:s0] =	ssyncset.done $0x0  }
0x41: {  	s6 =	simm.s32 $0x5000;
	[sflag:s0] =	ssyncadd.s32 $0xFFFFE000  }
0x42: {  	[spmem:s4] =	stream.indirect.scatter.add.f32 [tilespmem:s24], [sflag:$0x6], $0x40, s6, s23, $0xb8;
	[tilespmem:$0x1E800] =	vst v63  }
0x43: {  	_ = 	snop  }
0x44: {  	[spmem:s3] =	stream.indirect.scatter.add.f32 [tilespmem:s22], [sflag:$0x6], $0x10, s6, s23, $0xb8;
	[tilespmem:$0x1E800] =	vst v63  }
0x45: {  	_ =	swait.ge [sflag:s19], $0x2000  }
0x46: {  	[sflag:s19] =	ssyncset.done $0x0  }
0x47: {  	s13 =	simm.s32 $0x5080;
	[sflag:s19] =	ssyncadd.s32 $0xFFFFE000  }
0x48: {  	[spmem:s4] =	stream.indirect.scatter.add.f32 [tilespmem:s25], [sflag:$0x7], $0x40, s13, s23, $0xb8;
	[tilespmem:$0x1E800] =	vst v63  }
0x49: {  	_ = 	snop  }
0x4a: {  	[spmem:s3] =	stream.indirect.scatter.add.f32 [tilespmem:s22], [sflag:$0x7], $0x10, s13, s23, $0xb8;
	[tilespmem:$0x1E800] =	vst v63  }
0x4b: {  	_ =	swait.ge [sflag:s26], $0x2000  }
0x4c: {  	[sflag:s26] =	ssyncset.done $0x0  }
0x4d: {  	s14 =	simm.s32 $0x5100;
	[sflag:s26] =	ssyncadd.s32 $0xFFFFE000  }
0x4e: {  	[spmem:s4] =	stream.indirect.scatter.add.f32 [tilespmem:s28], [sflag:$0x8], $0x40, s14, s23, $0xb8;
	[tilespmem:$0x1E800] =	vst v63  }
0x4f: {  	_ = 	snop  }
0x50: {  	[spmem:s3] =	stream.indirect.scatter.add.f32 [tilespmem:s22], [sflag:$0x8], $0x10, s14, s23, $0xb8;
	[tilespmem:$0x1E800] =	vst v63  }
0x51: {  	_ =	swait.ge [sflag:s29], $0x2000  }
0x52: {  	[sflag:s29] =	ssyncset.done $0x0  }
0x53: {  	s6 =	simm.s32 $0x5180;
	[sflag:s29] =	ssyncadd.s32 $0xFFFFE000  }
0x54: {  	[spmem:s4] =	stream.indirect.scatter.add.f32 [tilespmem:s30], [sflag:$0x9], $0x40, s6, s23, $0xb8;
	[tilespmem:$0x1E800] =	vst v63  }
0x55: {  	_ = 	snop  }
0x56: {  	[spmem:s3] =	stream.indirect.scatter.add.f32 [tilespmem:s22], [sflag:$0x9], $0x10, s6, s23, $0xb8;
	[tilespmem:$0x1E800] =	vst v63  }
0x57: {  	_ =	swait.ge [sflag:s31], $0x2000  }
0x58: {  	[sflag:s31] =	ssyncset.done $0x0  }
0x59: {  	s13 =	simm.s32 $0x5200;
	[sflag:s31] =	ssyncadd.s32 $0xFFFFE000  }
0x5a: {  	[spmem:s4] =	stream.indirect.scatter.add.f32 [tilespmem:s2], [sflag:$0xA], $0x40, s13, s23, $0xb8;
	[tilespmem:$0x1E800] =	vst v63  }
0x5b: {  	_ = 	snop  }
0x5c: {  	[spmem:s3] =	stream.indirect.scatter.add.f32 [tilespmem:s22], [sflag:$0xA], $0x10, s13, s23, $0xb8;
	[tilespmem:$0x1E800] =	vst v63  }
0x5d: {  	_ =	swait.ge [sflag:s7], $0x2000  }
0x5e: {  	[sflag:s7] =	ssyncset.done $0x0  }
0x5f: {  	[sflag:s7] =	ssyncadd.s32 $0xFFFFE000  }
0x60: {  	_ =	swait.ge [sflag:s7], $0x800  }
0x61: {  	[sflag:s7] =	ssyncset.done $0x0  }
0x62: {  	s14 =	simm.s32 $0x280;
	[sflag:s7] =	ssyncadd.s32 $0xFFFFF800  }
0x63: {  	[tilespmem:s24], [sflag:$0x1] =	stream.indirect.gather [hbm4b:s1+s23], $0x40, s14, s23, $0xb8;
	[tilespmem:$0x1E800] =	vst v63  }
0x64: {  	_ =	swait.ge [sflag:s8], $0x2000  }
0x65: {  	[sflag:s8] =	ssyncset.done $0x0  }
0x66: {  	[sflag:s8] =	ssyncadd.s32 $0xFFFFE000  }
0x67: {  	_ =	swait.ge [sflag:s8], $0x800  }
0x68: {  	[sflag:s8] =	ssyncset.done $0x0  }
0x69: {  	s6 =	simm.s32 $0x300;
	[sflag:s8] =	ssyncadd.s32 $0xFFFFF800  }
0x6a: {  	[tilespmem:s25], [sflag:$0x2] =	stream.indirect.gather [hbm4b:s1+s23], $0x40, s6, s23, $0xb8;
	[tilespmem:$0x1E800] =	vst v63  }
0x6b: {  	_ =	swait.ge [sflag:s9], $0x2000  }
0x6c: {  	[sflag:s9] =	ssyncset.done $0x0  }
0x6d: {  	[sflag:s9] =	ssyncadd.s32 $0xFFFFE000  }
0x6e: {  	_ =	swait.ge [sflag:s9], $0x800  }
0x6f: {  	[sflag:s9] =	ssyncset.done $0x0  }
0x70: {  	s13 =	simm.s32 $0x380;
	[sflag:s9] =	ssyncadd.s32 $0xFFFFF800  }
0x71: {  	[tilespmem:s28], [sflag:$0x3] =	stream.indirect.gather [hbm4b:s1+s23], $0x40, s13, s23, $0xb8;
	[tilespmem:$0x1E800] =	vst v63  }
0x72: {  	_ =	swait.ge [sflag:s10], $0x2000  }
0x73: {  	[sflag:s10] =	ssyncset.done $0x0  }
0x74: {  	[sflag:s10] =	ssyncadd.s32 $0xFFFFE000  }
0x75: {  	_ =	swait.ge [sflag:s10], $0x800  }
0x76: {  	[sflag:s10] =	ssyncset.done $0x0  }
0x77: {  	s14 =	simm.s32 $0x400;
	[sflag:s10] =	ssyncadd.s32 $0xFFFFF800  }
0x78: {  	[tilespmem:s30], [sflag:$0x4] =	stream.indirect.gather [hbm4b:s1+s23], $0x40, s14, s23, $0xb8;
	[tilespmem:$0x1E800] =	vst v63  }
0x79: {  	_ =	swait.ge [sflag:s11], $0x2000  }
0x7a: {  	[sflag:s11] =	ssyncset.done $0x0  }
0x7b: {  	[sflag:s11] =	ssyncadd.s32 $0xFFFFE000  }
0x7c: {  	_ =	swait.ge [sflag:s11], $0x800  }
0x7d: {  	[sflag:s11] =	ssyncset.done $0x0  }
0x7e: {  	s12 =	simm.s32 $0xA00;
	s13 =	simm.s32 $0x480;
	[sflag:s11] =	ssyncadd.s32 $0xFFFFF800  }
.LBB2_2:
0x7f: {  	[tilespmem:s2], [sflag:$0x5] =	stream.indirect.gather [hbm4b:s1+s23], $0x40, s13, s23, $0xb8;
	[tilespmem:$0x1E800] =	vst v63  }
0x80: {  	s13 =	smov.u32 s12  }
0x81: {  	p0 =	sne.s32 s12, $0x8C00;
	s12 =	sadd.s32 $0xA00, s12;
	_ =	swait.ge [sflag:s0], $0x2000  }
0x82: {  	s13 =	sshra.s32 s13, $0x2;
	[sflag:s0] =	ssyncset.done $0x0  }
0x83: {  	s14 =	sadd.s32 $0x5000, s13;
	[sflag:s0] =	ssyncadd.s32 $0xFFFFE000  }
0x84: {  	[spmem:s4] =	stream.indirect.scatter.add.f32 [tilespmem:s24], [sflag:$0x6], $0x40, s14, s23, $0xb8;
	[tilespmem:$0x1E800] =	vst v63  }
0x85: {  	_ = 	snop  }
0x86: {  	[spmem:s3] =	stream.indirect.scatter.add.f32 [tilespmem:s22], [sflag:$0x6], $0x10, s14, s23, $0xb8;
	[tilespmem:$0x1E800] =	vst v63  }
0x87: {  	_ =	swait.ge [sflag:s19], $0x2000  }
0x88: {  	[sflag:s19] =	ssyncset.done $0x0  }
0x89: {  	s14 =	sadd.s32 $0x5080, s13;
	[sflag:s19] =	ssyncadd.s32 $0xFFFFE000  }
0x8a: {  	[spmem:s4] =	stream.indirect.scatter.add.f32 [tilespmem:s25], [sflag:$0x7], $0x40, s14, s23, $0xb8;
	[tilespmem:$0x1E800] =	vst v63  }
0x8b: {  	_ = 	snop  }
0x8c: {  	[spmem:s3] =	stream.indirect.scatter.add.f32 [tilespmem:s22], [sflag:$0x7], $0x10, s14, s23, $0xb8;
	[tilespmem:$0x1E800] =	vst v63  }
0x8d: {  	_ =	swait.ge [sflag:s26], $0x2000  }
0x8e: {  	[sflag:s26] =	ssyncset.done $0x0  }
0x8f: {  	s14 =	sadd.s32 $0x5100, s13;
	[sflag:s26] =	ssyncadd.s32 $0xFFFFE000  }
0x90: {  	[spmem:s4] =	stream.indirect.scatter.add.f32 [tilespmem:s28], [sflag:$0x8], $0x40, s14, s23, $0xb8;
	[tilespmem:$0x1E800] =	vst v63  }
0x91: {  	_ = 	snop  }
0x92: {  	[spmem:s3] =	stream.indirect.scatter.add.f32 [tilespmem:s22], [sflag:$0x8], $0x10, s14, s23, $0xb8;
	[tilespmem:$0x1E800] =	vst v63  }
0x93: {  	_ =	swait.ge [sflag:s29], $0x2000  }
0x94: {  	[sflag:s29] =	ssyncset.done $0x0  }
0x95: {  	s14 =	sadd.s32 $0x5180, s13;
	[sflag:s29] =	ssyncadd.s32 $0xFFFFE000  }
0x96: {  	[spmem:s4] =	stream.indirect.scatter.add.f32 [tilespmem:s30], [sflag:$0x9], $0x40, s14, s23, $0xb8;
	[tilespmem:$0x1E800] =	vst v63  }
0x97: {  	_ = 	snop  }
0x98: {  	[spmem:s3] =	stream.indirect.scatter.add.f32 [tilespmem:s22], [sflag:$0x9], $0x10, s14, s23, $0xb8;
	[tilespmem:$0x1E800] =	vst v63  }
0x99: {  	_ =	swait.ge [sflag:s31], $0x2000  }
0x9a: {  	[sflag:s31] =	ssyncset.done $0x0  }
0x9b: {  	s14 =	sadd.s32 $0x5200, s13;
	[sflag:s31] =	ssyncadd.s32 $0xFFFFE000  }
0x9c: {  	[spmem:s4] =	stream.indirect.scatter.add.f32 [tilespmem:s2], [sflag:$0xA], $0x40, s14, s23, $0xb8;
	[tilespmem:$0x1E800] =	vst v63  }
0x9d: {  	_ = 	snop  }
0x9e: {  	[spmem:s3] =	stream.indirect.scatter.add.f32 [tilespmem:s22], [sflag:$0xA], $0x10, s14, s23, $0xb8;
	[tilespmem:$0x1E800] =	vst v63  }
0x9f: {  	_ =	swait.ge [sflag:s7], $0x2000  }
0xa0: {  	[sflag:s7] =	ssyncset.done $0x0  }
0xa1: {  	[sflag:s7] =	ssyncadd.s32 $0xFFFFE000  }
0xa2: {  	_ =	swait.ge [sflag:s7], $0x800  }
0xa3: {  	[sflag:s7] =	ssyncset.done $0x0  }
0xa4: {  	s14 =	sadd.s32 $0x280, s13;
	[sflag:s7] =	ssyncadd.s32 $0xFFFFF800  }
0xa5: {  	[tilespmem:s24], [sflag:$0x1] =	stream.indirect.gather [hbm4b:s1+s23], $0x40, s14, s23, $0xb8;
	[tilespmem:$0x1E800] =	vst v63  }
0xa6: {  	_ =	swait.ge [sflag:s8], $0x2000  }
0xa7: {  	[sflag:s8] =	ssyncset.done $0x0  }
0xa8: {  	[sflag:s8] =	ssyncadd.s32 $0xFFFFE000  }
0xa9: {  	_ =	swait.ge [sflag:s8], $0x800  }
0xaa: {  	[sflag:s8] =	ssyncset.done $0x0  }
0xab: {  	s14 =	sadd.s32 $0x300, s13;
	[sflag:s8] =	ssyncadd.s32 $0xFFFFF800  }
0xac: {  	[tilespmem:s25], [sflag:$0x2] =	stream.indirect.gather [hbm4b:s1+s23], $0x40, s14, s23, $0xb8;
	[tilespmem:$0x1E800] =	vst v63  }
0xad: {  	_ =	swait.ge [sflag:s9], $0x2000  }
0xae: {  	[sflag:s9] =	ssyncset.done $0x0  }
0xaf: {  	[sflag:s9] =	ssyncadd.s32 $0xFFFFE000  }
0xb0: {  	_ =	swait.ge [sflag:s9], $0x800  }
0xb1: {  	[sflag:s9] =	ssyncset.done $0x0  }
0xb2: {  	s14 =	sadd.s32 $0x380, s13;
	[sflag:s9] =	ssyncadd.s32 $0xFFFFF800  }
0xb3: {  	[tilespmem:s28], [sflag:$0x3] =	stream.indirect.gather [hbm4b:s1+s23], $0x40, s14, s23, $0xb8;
	[tilespmem:$0x1E800] =	vst v63  }
0xb4: {  	_ =	swait.ge [sflag:s10], $0x2000  }
0xb5: {  	[sflag:s10] =	ssyncset.done $0x0  }
0xb6: {  	[sflag:s10] =	ssyncadd.s32 $0xFFFFE000  }
0xb7: {  	_ =	swait.ge [sflag:s10], $0x800  }
0xb8: {  	[sflag:s10] =	ssyncset.done $0x0  }
0xb9: {  	s14 =	sadd.s32 $0x400, s13;
	[sflag:s10] =	ssyncadd.s32 $0xFFFFF800  }
0xba: {  	[tilespmem:s30], [sflag:$0x4] =	stream.indirect.gather [hbm4b:s1+s23], $0x40, s14, s23, $0xb8;
	[tilespmem:$0x1E800] =	vst v63  }
0xbb: {  	_ =	swait.ge [sflag:s11], $0x2000  }
.Ltmp0:
0xbc: {  	[sflag:s11] =	ssyncset.done $0x0;
	(pc) =	sbr.rel @p0 .LBB2_2-.Ltmp0, $4  }
0xbd: {  	[sflag:s11] =	ssyncadd.s32 $0xFFFFE000  }
0xbe: {  	_ =	swait.ge [sflag:s11], $0x800  }
0xbf: {  	[sflag:s11] =	ssyncset.done $0x0  }
0xc0: {  	s13 =	sadd.s32 $0x480, s13;
	[sflag:s11] =	ssyncadd.s32 $0xFFFFF800  }
0xc1: {  	[tilespmem:s2], [sflag:$0x5] =	stream.indirect.gather [hbm4b:s1+s23], $0x40, s13, s23, $0xb8;
	[tilespmem:$0x1E800] =	vst v63  }
0xc2: {  	_ =	swait.ge [sflag:s0], $0x2000  }
0xc3: {  	[sflag:s0] =	ssyncset.done $0x0  }
0xc4: {  	s12 =	simm.s32 $0x7580;
	[sflag:s0] =	ssyncadd.s32 $0xFFFFE000  }
0xc5: {  	[spmem:s4] =	stream.indirect.scatter.add.f32 [tilespmem:s24], [sflag:$0x6], $0x40, s12, s23, $0xb8;
	[tilespmem:$0x1E800] =	vst v63  }
0xc6: {  	_ = 	snop  }
0xc7: {  	[spmem:s3] =	stream.indirect.scatter.add.f32 [tilespmem:s22], [sflag:$0x6], $0x10, s12, s23, $0xb8;
	[tilespmem:$0x1E800] =	vst v63  }
0xc8: {  	_ =	swait.ge [sflag:s19], $0x2000  }
0xc9: {  	[sflag:s19] =	ssyncset.done $0x0  }
0xca: {  	s14 =	simm.s32 $0x7600;
	[sflag:s19] =	ssyncadd.s32 $0xFFFFE000  }
0xcb: {  	[spmem:s4] =	stream.indirect.scatter.add.f32 [tilespmem:s25], [sflag:$0x7], $0x40, s14, s23, $0xb8;
	[tilespmem:$0x1E800] =	vst v63  }
0xcc: {  	_ = 	snop  }
0xcd: {  	[spmem:s3] =	stream.indirect.scatter.add.f32 [tilespmem:s22], [sflag:$0x7], $0x10, s14, s23, $0xb8;
	[tilespmem:$0x1E800] =	vst v63  }
0xce: {  	_ =	swait.ge [sflag:s26], $0x2000  }
0xcf: {  	[sflag:s26] =	ssyncset.done $0x0  }
0xd0: {  	s6 =	simm.s32 $0x7680;
	[sflag:s26] =	ssyncadd.s32 $0xFFFFE000  }
0xd1: {  	[spmem:s4] =	stream.indirect.scatter.add.f32 [tilespmem:s28], [sflag:$0x8], $0x40, s6, s23, $0xb8;
	[tilespmem:$0x1E800] =	vst v63  }
0xd2: {  	_ = 	snop  }
0xd3: {  	[spmem:s3] =	stream.indirect.scatter.add.f32 [tilespmem:s22], [sflag:$0x8], $0x10, s6, s23, $0xb8;
	[tilespmem:$0x1E800] =	vst v63  }
0xd4: {  	_ =	swait.ge [sflag:s29], $0x2000  }
0xd5: {  	[sflag:s29] =	ssyncset.done $0x0  }
0xd6: {  	s13 =	simm.s32 $0x7700;
	[sflag:s29] =	ssyncadd.s32 $0xFFFFE000  }
0xd7: {  	[spmem:s4] =	stream.indirect.scatter.add.f32 [tilespmem:s30], [sflag:$0x9], $0x40, s13, s23, $0xb8;
	[tilespmem:$0x1E800] =	vst v63  }
0xd8: {  	_ = 	snop  }
0xd9: {  	[spmem:s3] =	stream.indirect.scatter.add.f32 [tilespmem:s22], [sflag:$0x9], $0x10, s13, s23, $0xb8;
	[tilespmem:$0x1E800] =	vst v63  }
0xda: {  	_ =	swait.ge [sflag:s31], $0x2000  }
0xdb: {  	[sflag:s31] =	ssyncset.done $0x0  }
0xdc: {  	s14 =	simm.s32 $0x7780;
	[sflag:s31] =	ssyncadd.s32 $0xFFFFE000  }
0xdd: {  	[spmem:s4] =	stream.indirect.scatter.add.f32 [tilespmem:s2], [sflag:$0xA], $0x40, s14, s23, $0xb8;
	[tilespmem:$0x1E800] =	vst v63  }
0xde: {  	_ = 	snop  }
0xdf: {  	[spmem:s3] =	stream.indirect.scatter.add.f32 [tilespmem:s22], [sflag:$0xA], $0x10, s14, s23, $0xb8;
	[tilespmem:$0x1E800] =	vst v63  }
0xe0: {  	_ =	swait.ge [sflag:s7], $0x2000  }
0xe1: {  	[sflag:s7] =	ssyncset.done $0x0  }
0xe2: {  	[sflag:s7] =	ssyncadd.s32 $0xFFFFE000  }
0xe3: {  	_ =	swait.ge [sflag:s7], $0x800  }
0xe4: {  	[sflag:s7] =	ssyncset.done $0x0  }
0xe5: {  	[sflag:s7] =	ssyncadd.s32 $0xFFFFF800  }
0xe6: {  	_ =	swait.ge [sflag:s8], $0x2000  }
0xe7: {  	[sflag:s8] =	ssyncset.done $0x0  }
0xe8: {  	[sflag:s8] =	ssyncadd.s32 $0xFFFFE000  }
0xe9: {  	_ =	swait.ge [sflag:s8], $0x800  }
0xea: {  	[sflag:s8] =	ssyncset.done $0x0  }
0xeb: {  	[sflag:s8] =	ssyncadd.s32 $0xFFFFF800  }
0xec: {  	_ =	swait.ge [sflag:s9], $0x2000  }
0xed: {  	[sflag:s9] =	ssyncset.done $0x0  }
0xee: {  	[sflag:s9] =	ssyncadd.s32 $0xFFFFE000  }
0xef: {  	_ =	swait.ge [sflag:s9], $0x800  }
0xf0: {  	[sflag:s9] =	ssyncset.done $0x0  }
0xf1: {  	[sflag:s9] =	ssyncadd.s32 $0xFFFFF800  }
0xf2: {  	_ =	swait.ge [sflag:s10], $0x2000  }
0xf3: {  	[sflag:s10] =	ssyncset.done $0x0  }
0xf4: {  	[sflag:s10] =	ssyncadd.s32 $0xFFFFE000  }
0xf5: {  	_ =	swait.ge [sflag:s10], $0x800  }
0xf6: {  	[sflag:s10] =	ssyncset.done $0x0  }
0xf7: {  	[sflag:s10] =	ssyncadd.s32 $0xFFFFF800  }
0xf8: {  	_ =	swait.ge [sflag:s11], $0x2000  }
0xf9: {  	[sflag:s11] =	ssyncset.done $0x0  }
0xfa: {  	[sflag:s11] =	ssyncadd.s32 $0xFFFFE000  }
0xfb: {  	_ =	swait.ge [sflag:s11], $0x800  }
0xfc: {  	[sflag:s11] =	ssyncset.done $0x0  }
0xfd: {  	[sflag:s11] =	ssyncadd.s32 $0xFFFFF800  }
0xfe: {  	[bflag:$0x0] =	sbarrier.arrive $0xFFFF  }
0xff: {  	s14 =	simm.s32 $0x10;
	s13 =	rddreg [dreg:$0xc]  }
0x100: {  	[hbm:s13@s14], [sflag:s20] =	dma.strided [spmem:s18@s9], $0x1400, s0, $0x8   }
0x101: {  	_ =	swait.ge [sflag:s17], $0x1400  }
0x102: {  	[sflag:s17] =	ssyncset.done $0x0  }
0x103: {  	s14 =	rddreg [dreg:$0x10];
	[sflag:s17] =	ssyncadd.s32 $0xFFFFEC00  }
0x104: {  	[spmem:s18], [sflag:s20] =	dma.local [hbm:s14], $0x1400  }
0x105: {  	_ =	swait.ge [sflag:s17], $0x1400  }
0x106: {  	[sflag:s17] =	ssyncset.done $0x0  }
0x107: {  	[sflag:s17] =	ssyncadd.s32 $0xFFFFEC00  }
0x108: {  	s13 =	simm.s32 $0x2800;
	[bflag:$0x0] =	sbarrier.arrive $0xFFFF  }
0x109: {  	[tilespmem:s24], [sflag:$0x1] =	stream.indirect.gather [hbm4b:s1+s23], $0x40, s13, s23, $0xb8;
	[tilespmem:$0x1E800] =	vst v63  }
0x10a: {  	s14 =	simm.s32 $0x2880  }
0x10b: {  	[tilespmem:s25], [sflag:$0x2] =	stream.indirect.gather [hbm4b:s1+s23], $0x40, s14, s23, $0xb8;
	[tilespmem:$0x1E800] =	vst v63  }
0x10c: {  	s13 =	simm.s32 $0x2900  }
0x10d: {  	[tilespmem:s28], [sflag:$0x3] =	stream.indirect.gather [hbm4b:s1+s23], $0x40, s13, s23, $0xb8;
	[tilespmem:$0x1E800] =	vst v63  }
0x10e: {  	s14 =	simm.s32 $0x2980  }
0x10f: {  	[tilespmem:s30], [sflag:$0x4] =	stream.indirect.gather [hbm4b:s1+s23], $0x40, s14, s23, $0xb8;
	[tilespmem:$0x1E800] =	vst v63  }
0x110: {  	s13 =	simm.s32 $0x2A00  }
0x111: {  	[tilespmem:s2], [sflag:$0x5] =	stream.indirect.gather [hbm4b:s1+s23], $0x40, s13, s23, $0xb8;
	[tilespmem:$0x1E800] =	vst v63  }
0x112: {  	_ =	swait.ge [sflag:s0], $0x2000  }
0x113: {  	[sflag:s0] =	ssyncset.done $0x0  }
0x114: {  	s14 =	simm.s32 $0x5000;
	[sflag:s0] =	ssyncadd.s32 $0xFFFFE000  }
0x115: {  	[spmem:s4] =	stream.indirect.scatter.add.f32 [tilespmem:s24], [sflag:$0x6], $0x40, s14, s23, $0xb8;
	[tilespmem:$0x1E800] =	vst v63  }
0x116: {  	_ =	swait.ge [sflag:s19], $0x2000  }
0x117: {  	[sflag:s19] =	ssyncset.done $0x0  }
0x118: {  	s13 =	simm.s32 $0x5080;
	[sflag:s19] =	ssyncadd.s32 $0xFFFFE000  }
0x119: {  	[spmem:s4] =	stream.indirect.scatter.add.f32 [tilespmem:s25], [sflag:$0x7], $0x40, s13, s23, $0xb8;
	[tilespmem:$0x1E800] =	vst v63  }
0x11a: {  	_ =	swait.ge [sflag:s26], $0x2000  }
0x11b: {  	[sflag:s26] =	ssyncset.done $0x0  }
0x11c: {  	s14 =	simm.s32 $0x5100;
	[sflag:s26] =	ssyncadd.s32 $0xFFFFE000  }
0x11d: {  	[spmem:s4] =	stream.indirect.scatter.add.f32 [tilespmem:s28], [sflag:$0x8], $0x40, s14, s23, $0xb8;
	[tilespmem:$0x1E800] =	vst v63  }
0x11e: {  	_ =	swait.ge [sflag:s29], $0x2000  }
0x11f: {  	[sflag:s29] =	ssyncset.done $0x0  }
0x120: {  	s13 =	simm.s32 $0x5180;
	[sflag:s29] =	ssyncadd.s32 $0xFFFFE000  }
0x121: {  	[spmem:s4] =	stream.indirect.scatter.add.f32 [tilespmem:s30], [sflag:$0x9], $0x40, s13, s23, $0xb8;
	[tilespmem:$0x1E800] =	vst v63  }
0x122: {  	_ =	swait.ge [sflag:s31], $0x2000  }
0x123: {  	[sflag:s31] =	ssyncset.done $0x0  }
0x124: {  	s14 =	simm.s32 $0x5200;
	[sflag:s31] =	ssyncadd.s32 $0xFFFFE000  }
0x125: {  	[spmem:s4] =	stream.indirect.scatter.add.f32 [tilespmem:s2], [sflag:$0xA], $0x40, s14, s23, $0xb8;
	[tilespmem:$0x1E800] =	vst v63  }
0x126: {  	_ =	swait.ge [sflag:s7], $0x2000  }
0x127: {  	[sflag:s7] =	ssyncset.done $0x0  }
0x128: {  	s13 =	simm.s32 $0x2A80;
	[sflag:s7] =	ssyncadd.s32 $0xFFFFE000  }
0x129: {  	[tilespmem:s24], [sflag:$0x1] =	stream.indirect.gather [hbm4b:s1+s23], $0x40, s13, s23, $0xb8;
	[tilespmem:$0x1E800] =	vst v63  }
0x12a: {  	_ =	swait.ge [sflag:s8], $0x2000  }
0x12b: {  	[sflag:s8] =	ssyncset.done $0x0  }
0x12c: {  	s14 =	simm.s32 $0x2B00;
	[sflag:s8] =	ssyncadd.s32 $0xFFFFE000  }
0x12d: {  	[tilespmem:s25], [sflag:$0x2] =	stream.indirect.gather [hbm4b:s1+s23], $0x40, s14, s23, $0xb8;
	[tilespmem:$0x1E800] =	vst v63  }
0x12e: {  	_ =	swait.ge [sflag:s9], $0x2000  }
0x12f: {  	[sflag:s9] =	ssyncset.done $0x0  }
0x130: {  	s13 =	simm.s32 $0x2B80;
	[sflag:s9] =	ssyncadd.s32 $0xFFFFE000  }
0x131: {  	[tilespmem:s28], [sflag:$0x3] =	stream.indirect.gather [hbm4b:s1+s23], $0x40, s13, s23, $0xb8;
	[tilespmem:$0x1E800] =	vst v63  }
0x132: {  	_ =	swait.ge [sflag:s10], $0x2000  }
0x133: {  	[sflag:s10] =	ssyncset.done $0x0  }
0x134: {  	s14 =	simm.s32 $0x2C00;
	[sflag:s10] =	ssyncadd.s32 $0xFFFFE000  }
0x135: {  	[tilespmem:s30], [sflag:$0x4] =	stream.indirect.gather [hbm4b:s1+s23], $0x40, s14, s23, $0xb8;
	[tilespmem:$0x1E800] =	vst v63  }
0x136: {  	_ =	swait.ge [sflag:s11], $0x2000  }
0x137: {  	s12 =	simm.s32 $0xA00;
	[sflag:s11] =	ssyncset.done $0x0  }
0x138: {  	s6 =	simm.s32 $0x7780;
	s13 =	simm.s32 $0x2C80;
	[sflag:s11] =	ssyncadd.s32 $0xFFFFE000  }
.LBB2_4:
0x139: {  	[tilespmem:s2], [sflag:$0x5] =	stream.indirect.gather [hbm4b:s1+s23], $0x40, s13, s23, $0xb8;
	[tilespmem:$0x1E800] =	vst v63  }
0x13a: {  	s13 =	smov.u32 s12  }
0x13b: {  	p0 =	sne.s32 s12, $0x8C00;
	s12 =	sadd.s32 $0xA00, s12;
	_ =	swait.ge [sflag:s0], $0x2000  }
0x13c: {  	s13 =	sshra.s32 s13, $0x2;
	[sflag:s0] =	ssyncset.done $0x0  }
0x13d: {  	s14 =	sadd.s32 $0x5000, s13;
	[sflag:s0] =	ssyncadd.s32 $0xFFFFE000  }
0x13e: {  	[spmem:s4] =	stream.indirect.scatter.add.f32 [tilespmem:s24], [sflag:$0x6], $0x40, s14, s23, $0xb8;
	[tilespmem:$0x1E800] =	vst v63  }
0x13f: {  	_ =	swait.ge [sflag:s19], $0x2000  }
0x140: {  	[sflag:s19] =	ssyncset.done $0x0  }
0x141: {  	s14 =	sadd.s32 $0x5080, s13;
	[sflag:s19] =	ssyncadd.s32 $0xFFFFE000  }
0x142: {  	[spmem:s4] =	stream.indirect.scatter.add.f32 [tilespmem:s25], [sflag:$0x7], $0x40, s14, s23, $0xb8;
	[tilespmem:$0x1E800] =	vst v63  }
0x143: {  	_ =	swait.ge [sflag:s26], $0x2000  }
0x144: {  	[sflag:s26] =	ssyncset.done $0x0  }
0x145: {  	s14 =	sadd.s32 $0x5100, s13;
	[sflag:s26] =	ssyncadd.s32 $0xFFFFE000  }
0x146: {  	[spmem:s4] =	stream.indirect.scatter.add.f32 [tilespmem:s28], [sflag:$0x8], $0x40, s14, s23, $0xb8;
	[tilespmem:$0x1E800] =	vst v63  }
0x147: {  	_ =	swait.ge [sflag:s29], $0x2000  }
0x148: {  	[sflag:s29] =	ssyncset.done $0x0  }
0x149: {  	s14 =	sadd.s32 $0x5180, s13;
	[sflag:s29] =	ssyncadd.s32 $0xFFFFE000  }
0x14a: {  	[spmem:s4] =	stream.indirect.scatter.add.f32 [tilespmem:s30], [sflag:$0x9], $0x40, s14, s23, $0xb8;
	[tilespmem:$0x1E800] =	vst v63  }
0x14b: {  	_ =	swait.ge [sflag:s31], $0x2000  }
0x14c: {  	[sflag:s31] =	ssyncset.done $0x0  }
0x14d: {  	s14 =	sadd.s32 $0x5200, s13;
	[sflag:s31] =	ssyncadd.s32 $0xFFFFE000  }
0x14e: {  	[spmem:s4] =	stream.indirect.scatter.add.f32 [tilespmem:s2], [sflag:$0xA], $0x40, s14, s23, $0xb8;
	[tilespmem:$0x1E800] =	vst v63  }
0x14f: {  	_ =	swait.ge [sflag:s7], $0x2000  }
0x150: {  	[sflag:s7] =	ssyncset.done $0x0  }
0x151: {  	s14 =	sadd.s32 $0x2A80, s13;
	[sflag:s7] =	ssyncadd.s32 $0xFFFFE000  }
0x152: {  	[tilespmem:s24], [sflag:$0x1] =	stream.indirect.gather [hbm4b:s1+s23], $0x40, s14, s23, $0xb8;
	[tilespmem:$0x1E800] =	vst v63  }
0x153: {  	_ =	swait.ge [sflag:s8], $0x2000  }
0x154: {  	[sflag:s8] =	ssyncset.done $0x0  }
0x155: {  	s14 =	sadd.s32 $0x2B00, s13;
	[sflag:s8] =	ssyncadd.s32 $0xFFFFE000  }
0x156: {  	[tilespmem:s25], [sflag:$0x2] =	stream.indirect.gather [hbm4b:s1+s23], $0x40, s14, s23, $0xb8;
	[tilespmem:$0x1E800] =	vst v63  }
0x157: {  	_ =	swait.ge [sflag:s9], $0x2000  }
0x158: {  	[sflag:s9] =	ssyncset.done $0x0  }
0x159: {  	s14 =	sadd.s32 $0x2B80, s13;
	[sflag:s9] =	ssyncadd.s32 $0xFFFFE000  }
0x15a: {  	[tilespmem:s28], [sflag:$0x3] =	stream.indirect.gather [hbm4b:s1+s23], $0x40, s14, s23, $0xb8;
	[tilespmem:$0x1E800] =	vst v63  }
0x15b: {  	_ =	swait.ge [sflag:s10], $0x2000  }
0x15c: {  	[sflag:s10] =	ssyncset.done $0x0  }
.Ltmp1:
0x15d: {  	s14 =	sadd.s32 $0x2C00, s13;
	[sflag:s10] =	ssyncadd.s32 $0xFFFFE000;
	(pc) =	sbr.rel @p0 .LBB2_4-.Ltmp1, $4  }
0x15e: {  	[tilespmem:s30], [sflag:$0x4] =	stream.indirect.gather [hbm4b:s1+s23], $0x40, s14, s23, $0xb8;
	[tilespmem:$0x1E800] =	vst v63  }
0x15f: {  	_ =	swait.ge [sflag:s11], $0x2000  }
0x160: {  	[sflag:s11] =	ssyncset.done $0x0  }
0x161: {  	s13 =	sadd.s32 $0x2C80, s13;
	[sflag:s11] =	ssyncadd.s32 $0xFFFFE000  }
0x162: {  	[tilespmem:s2], [sflag:$0x5] =	stream.indirect.gather [hbm4b:s1+s23], $0x40, s13, s23, $0xb8;
	[tilespmem:$0x1E800] =	vst v63  }
0x163: {  	_ =	swait.ge [sflag:s0], $0x2000  }
0x164: {  	[sflag:s0] =	ssyncset.done $0x0  }
0x165: {  	s12 =	simm.s32 $0x7580;
	[sflag:s0] =	ssyncadd.s32 $0xFFFFE000  }
0x166: {  	[spmem:s4] =	stream.indirect.scatter.add.f32 [tilespmem:s24], [sflag:$0x6], $0x40, s12, s23, $0xb8;
	[tilespmem:$0x1E800] =	vst v63  }
0x167: {  	_ =	swait.ge [sflag:s19], $0x2000  }
0x168: {  	[sflag:s19] =	ssyncset.done $0x0  }
0x169: {  	s14 =	simm.s32 $0x7600;
	[sflag:s19] =	ssyncadd.s32 $0xFFFFE000  }
0x16a: {  	[spmem:s4] =	stream.indirect.scatter.add.f32 [tilespmem:s25], [sflag:$0x7], $0x40, s14, s23, $0xb8;
	[tilespmem:$0x1E800] =	vst v63  }
0x16b: {  	_ =	swait.ge [sflag:s26], $0x2000  }
0x16c: {  	[sflag:s26] =	ssyncset.done $0x0  }
0x16d: {  	[sflag:s26] =	ssyncadd.s32 $0xFFFFE000  }
0x16e: {  	[spmem:s4] =	stream.indirect.scatter.add.f32 [tilespmem:s28], [sflag:$0x8], $0x40, s21, s23, $0xb8;
	[tilespmem:$0x1E800] =	vst v63  }
0x16f: {  	_ =	swait.ge [sflag:s29], $0x2000  }
0x170: {  	[sflag:s29] =	ssyncset.done $0x0  }
0x171: {  	[sflag:s29] =	ssyncadd.s32 $0xFFFFE000  }
0x172: {  	[spmem:s4] =	stream.indirect.scatter.add.f32 [tilespmem:s30], [sflag:$0x9], $0x40, s15, s23, $0xb8;
	[tilespmem:$0x1E800] =	vst v63  }
0x173: {  	_ =	swait.ge [sflag:s31], $0x2000  }
0x174: {  	[sflag:s31] =	ssyncset.done $0x0  }
0x175: {  	[sflag:s31] =	ssyncadd.s32 $0xFFFFE000  }
0x176: {  	[spmem:s4] =	stream.indirect.scatter.add.f32 [tilespmem:s2], [sflag:$0xA], $0x40, s6, s23, $0xb8;
	[tilespmem:$0x1E800] =	vst v63  }
0x177: {  	_ =	swait.ge [sflag:s7], $0x2000  }
0x178: {  	[sflag:s7] =	ssyncset.done $0x0  }
0x179: {  	[sflag:s7] =	ssyncadd.s32 $0xFFFFE000  }
0x17a: {  	_ =	swait.ge [sflag:s8], $0x2000  }
0x17b: {  	[sflag:s8] =	ssyncset.done $0x0  }
0x17c: {  	[sflag:s8] =	ssyncadd.s32 $0xFFFFE000  }
0x17d: {  	_ =	swait.ge [sflag:s9], $0x2000  }
0x17e: {  	[sflag:s9] =	ssyncset.done $0x0  }
0x17f: {  	[sflag:s9] =	ssyncadd.s32 $0xFFFFE000  }
0x180: {  	_ =	swait.ge [sflag:s10], $0x2000  }
0x181: {  	[sflag:s10] =	ssyncset.done $0x0  }
0x182: {  	[sflag:s10] =	ssyncadd.s32 $0xFFFFE000  }
0x183: {  	_ =	swait.ge [sflag:s11], $0x2000  }
0x184: {  	[sflag:s11] =	ssyncset.done $0x0  }
0x185: {  	[sflag:s11] =	ssyncadd.s32 $0xFFFFE000  }
0x186: {  	[bflag:$0x0] =	sbarrier.arrive $0xFFFF  }
0x187: {  	s13 =	simm.s32 $0x10;
	s6 =	rddreg [dreg:$0xd]  }
0x188: {  	[hbm:s6@s13], [sflag:s20] =	dma.strided [spmem:s18@s9], $0x1400, s0, $0x8   }
0x189: {  	_ =	swait.ge [sflag:s17], $0x1400  }
0x18a: {  	[sflag:s17] =	ssyncset.done $0x0;
	s14 =	rddreg [dreg:$0xe]  }
0x18b: {  	s6 =	rddreg [dreg:$0x11];
	[sflag:s17] =	ssyncadd.s32 $0xFFFFEC00  }
0x18c: {  	[hbm:s14], [sflag:s20] =	dma.local [spmem:s6], $0x500  }
0x18d: {  	_ =	swait.ge [sflag:s17], $0x500  }
0x18e: {  	s16 =	sadd.s32 $0x1, s16;
	s18 =	rddreg [dreg:$0xf]  }
0x18f: {  	p0 =	sne.s32 s16, s18  }
.Ltmp2:
0x190: {  	_ = 	snop;
	(pc) =	sbr.rel @p0 .LBB2_1-.Ltmp2, $3  }
0x191: {  	_ =	sdelay $0x1  }
0x192: {  	[sflag:s17] =	ssyncset.done $0x0  }
0x193: {  	[sflag:s17] =	ssyncadd.s32 $0xFFFFFB00  }
0x194: {  	_ =	sfence.sel $0x180000  }
0x195: {  	[bflag:$0x0] =	sbarrier.arrive $0xFFFF  }
0x196: {  	_ =	strace $0x90000047  }
0x197: {  	s0 =	stileid.u32;
	[bflag:$0x2] =	sbarrier.arrive $0xFFFF  }
0x198: {  	p0 =	sne.s32 s0, $0x0;
	s0 =	rddreg [dreg:$0x5]  }
0x199: {  	s0 =	sadd.s32 @!p0 $0x100000, s0  }
0x19a: {  	[sflag:s0] =	ssyncadd.tile.s32 @!p0 $0x1;
	_ =	shalt  }
.Lfunc_end2:
_tile_overlayer_lowered:
.L_overlay_start_2:
0x19b: {  	(tag) =	ssettag $0x2  }
0x19c: {  	s0 =	rddreg [dreg:$0x0];
	s2 =	stileid.u32  }
0x19d: {  	s1 =	rddreg [dreg:$0x1];
	p0 =	sne.s32 s2, $0x0  }
0x19e: {  	s3 =	rddreg [dreg:$0x2];
	[bflag:$0x3] =	sbarrier.arrive $0xFFFF;
	s2 =	simm.s32 @!p0 $0x1C0B  }
0x19f: {  	[timem:s3], [sflag:s2] =	dma.local @!p0 [hbm:s0], s1  }
0x1a0: {  	s0 =	simm.s32 @!p0 $0xB  }
0x1a1: {  	_ =	swait.ge @!p0 [sflag:s0], s1  }
0x1a2: {  	s1 =	ssub.s32 @!p0 $0x0, s1;
	[sflag:s0] =	ssyncset.done @!p0 $0x0  }
0x1a3: {  	[sflag:s0] =	ssyncadd.s32 @!p0 s1  }
0x1a4: {  	[bflag:$0x3] =	sbarrier.arrive $0xFFFF  }
0x1a5: {  	_ =	shalt  }

</sc_bundles>
